<compile_context>
chip_gen: v7x
topology: tpu7x:2x2x1
jax: 0.10.2.dev20260603
libtpu: 0.0.44.dev20260713+nightly
codegen_flags: <defaults>
</compile_context>

<pallas_src>
import functools

import jax
import jax.numpy as jnp
from jax import lax
from jax.experimental import pallas as pl
from jax.experimental.pallas import tpu as pltpu
from jax.experimental.pallas import tpu_sc as plsc

D = 128
LANG_PAD = 104


def _project_body(char_ref, lang_ref, w_ref, b_ref, cout_ref, lout_ref):
    w = w_ref[...]
    w1 = w[:, :D]
    w2 = w[:, D:]
    cn = (((1,), (1,)), ((), ()))
    cout_ref[...] = (
        lax.dot_general(char_ref[...], w1, cn, preferred_element_type=jnp.float32)
        + b_ref[...]
    )
    lout_ref[...] = lax.dot_general(
        lang_ref[...], w2, cn, preferred_element_type=jnp.float32
    )


def _project(char_table, lang_table_padded, W, b2d):
    n_chars = char_table.shape[0]
    return pl.pallas_call(
        _project_body,
        out_shape=[
            jax.ShapeDtypeStruct((n_chars, D), jnp.float32),
            jax.ShapeDtypeStruct((LANG_PAD, D), jnp.float32),
        ],
    )(char_table, lang_table_padded, W, b2d)


def _make_sc_gather(n_total):
    info = plsc.get_sparse_core_info()
    nw = info.num_cores * info.num_subcores
    per_w = n_total // nw
    ch = 128
    n_ch = per_w // ch
    nbuf = 4
    mesh = plsc.VectorSubcoreMesh(core_axis_name="c", subcore_axis_name="s")

    @functools.partial(
        pl.kernel,
        mesh=mesh,
        out_type=jax.ShapeDtypeStruct((n_total, D), jnp.float32),
        scratch_types=[
            pltpu.VMEM((per_w,), jnp.int32),
            pltpu.VMEM((ch, D), jnp.float32),
            pltpu.VMEM((ch, D), jnp.float32),
            pltpu.VMEM((ch, D), jnp.float32),
            pltpu.VMEM((ch, D), jnp.float32),
            pltpu.SemaphoreType.DMA,
            pltpu.SemaphoreType.DMA,
            pltpu.SemaphoreType.DMA,
            pltpu.SemaphoreType.DMA,
            pltpu.SemaphoreType.DMA,
            pltpu.SemaphoreType.DMA,
            pltpu.SemaphoreType.DMA,
            pltpu.SemaphoreType.DMA,
        ],
    )
    def sc_gather(cproj_hbm, ci_hbm, out_hbm,
                  ci_v, ga0, ga1, ga2, ga3,
                  gs0, gs1, gs2, gs3, ss0, ss1, ss2, ss3):
        wid = lax.axis_index("s") * info.num_cores + lax.axis_index("c")
        base = wid * per_w
        pltpu.sync_copy(ci_hbm.at[pl.ds(base, per_w)], ci_v)
        gbufs = (ga0, ga1, ga2, ga3)
        gsems = (gs0, gs1, gs2, gs3)
        ssems = (ss0, ss1, ss2, ss3)

        def start_gather(g, b):
            pltpu.async_copy(
                cproj_hbm.at[ci_v.at[pl.ds(g * ch, ch)]], gbufs[b], gsems[b]
            )

        def wait_gather(b):
            pltpu.make_async_copy(
                cproj_hbm.at[ci_v.at[pl.ds(0, ch)]], gbufs[b], gsems[b]
            ).wait()

        def start_scatter(g, b):
            pltpu.async_copy(
                gbufs[b], out_hbm.at[pl.ds(base + g * ch, ch)], ssems[b]
            )

        def wait_scatter(b):
            pltpu.make_async_copy(
                gbufs[b], out_hbm.at[pl.ds(base, ch)], ssems[b]
            ).wait()

        for g in range(3):
            start_gather(g, g % nbuf)
        for t in range(n_ch):
            b = t % nbuf
            if t + 3 < n_ch:
                bn = (t + 3) % nbuf
                if t - 1 >= 0:
                    wait_scatter(bn)
                start_gather(t + 3, bn)
            wait_gather(b)
            start_scatter(t, b)
        for b in range(nbuf):
            wait_scatter(b)

    return sc_gather


_BB = 256


def _finish_math(part_ref, li_ref, lproj_ref, out_ref):
    L = li_ref.shape[1]
    li = li_ref[...]
    oh = (
        li[..., None] == lax.broadcasted_iota(jnp.int32, (_BB, L, LANG_PAD), 2)
    ).astype(jnp.float32)
    lproj = lproj_ref[...]
    lproj_hi = lproj.astype(jnp.bfloat16).astype(jnp.float32)
    lproj_lo = lproj - lproj_hi
    cn = (((2,), (0,)), ((), ()))
    lang_rows = lax.dot_general(
        oh, lproj_hi, cn, preferred_element_type=jnp.float32
    ) + lax.dot_general(oh, lproj_lo, cn, preferred_element_type=jnp.float32)
    out_ref[...] = part_ref[...].reshape(_BB, L, D) + lang_rows


def _finish_body0(part_ref, li_ref, lproj_ref, out_ref):
    _finish_math(part_ref, li_ref, lproj_ref, out_ref)


def _finish_body1(part_ref, li_ref, lproj_ref, prev_ref, out_ref):
    del prev_ref
    _finish_math(part_ref, li_ref, lproj_ref, out_ref)


def _finish_half(flat_half, li_half, lproj, B, L, half, prev=None):
    nblk = li_half.shape[0] // _BB
    off = half * nblk
    common = dict(
        grid=(nblk,),
        out_specs=pl.BlockSpec((_BB, L, D), lambda i: (i + off, 0, 0)),
        out_shape=jax.ShapeDtypeStruct((B, L, D), jnp.float32),
    )
    in_specs = [
        pl.BlockSpec((_BB * L, D), lambda i: (i, 0)),
        pl.BlockSpec((_BB, L), lambda i: (i, 0)),
        pl.BlockSpec((LANG_PAD, D), lambda i: (0, 0)),
    ]
    if prev is None:
        return pl.pallas_call(_finish_body0, in_specs=in_specs, **common)(
            flat_half, li_half, lproj
        )
    in_specs.append(pl.BlockSpec(memory_space=pl.ANY))
    return pl.pallas_call(
        _finish_body1,
        in_specs=in_specs,
        input_output_aliases={3: 0},
        **common,
    )(flat_half, li_half, lproj, prev)


def kernel(char_indices, lang_indices, char_table, lang_table, W, b):
    B, L = char_indices.shape
    n_total = B * L
    lang_padded = jnp.pad(lang_table, ((0, LANG_PAD - lang_table.shape[0]), (0, 0)))
    cproj, lproj = _project(char_table, lang_padded, W, b.reshape(1, D))
    ci = char_indices.reshape(-1).astype(jnp.int32)
    li = lang_indices.astype(jnp.int32)
    half_n = n_total // 2
    half_b = B // 2
    sc = _make_sc_gather(half_n)
    part0 = sc(cproj, ci[:half_n])
    part1 = sc(cproj, ci[half_n:])
    out0 = _finish_half(part0, li[:half_b], lproj, B, L, 0)
    out1 = _finish_half(part1, li[half_b:], lproj, B, L, 1, prev=out0)
    return out1

# --- scband reference (transcript-rebuilt; emitter-appended) ---
"""Pipeline reference for scband-embedding-67765993996434 (READ-ONLY COPY).

The authoritative reference and input builder live on the scoring server;
editing this copy changes nothing except your own understanding.
"""

import jax, jax.numpy as jnp
import numpy as np

EMBED_DIM = 128
N_CHARS = 1000
N_LANGS = 100
B = 4096
L = 50


def setup_inputs(seed: int = 0) -> dict:
    key = jax.random.key(seed)
    k1, k2, k3, k4, k5, k6 = jax.random.split(key, 6)
    char_indices = jax.random.randint(k1, (B, L), 0, N_CHARS, dtype=jnp.int64 if jax.config.jax_enable_x64 else jnp.int32)
    lang_indices = jax.random.randint(k2, (B, L), 0, N_LANGS, dtype=jnp.int64 if jax.config.jax_enable_x64 else jnp.int32)
    char_table = jax.random.normal(k3, (N_CHARS, EMBED_DIM), dtype=jnp.float32)
    lang_table = jax.random.normal(k4, (N_LANGS, EMBED_DIM), dtype=jnp.float32)
    # nn.Linear(2*embedding_dim, embedding_dim): weight [out, in], bias [out]
    W = jax.random.normal(k5, (EMBED_DIM, 2 * EMBED_DIM), dtype=jnp.float32) * 0.05
    b = jax.random.normal(k6, (EMBED_DIM,), dtype=jnp.float32) * 0.05
    return {
        "char_indices": char_indices,
        "lang_indices": lang_indices,
        "char_table": char_table,
        "lang_table": lang_table,
        "W": W,
        "b": b,
    }


def reference(char_indices, lang_indices, char_table, lang_table, W, b):
    # chars_embedded = self.char_embeddings(char_indices)
    chars_embedded = jnp.take(char_table, char_indices, axis=0)
    # lang_embedded = self.lang_embeddings(lang_indices)
    lang_embedded = jnp.take(lang_table, lang_indices, axis=0)
    # self.fc(torch.cat((chars_embedded, lang_embedded), dim=-1))
    cat = jnp.concatenate((chars_embedded, lang_embedded), axis=-1)
    return cat @ W.T + b

if __name__ == "__main__":
    import jax
    _d = setup_inputs()
    print(jax.jit(kernel)(*tuple(_d.values())))

</pallas_src>

<mosaic_0001>
#map = affine_map<(d0, d1) -> (0, 0)>
#map1 = affine_map<(d0, d1) -> (0)>
module attributes {stable_mosaic.version = 14 : i64} {
  func.func @sc_gather(%arg0: i32, %arg1: i32, %arg2: memref<1000x128xf32, #tpu.memory_space<hbm>>, %arg3: memref<102400xi32, #tpu.memory_space<hbm>>, %arg4: memref<102400x128xf32, #tpu.memory_space<hbm>>, %arg5: memref<3200xi32, #tpu.memory_space<vmem>>, %arg6: memref<128x128xf32, #tpu.memory_space<vmem>>, %arg7: memref<128x128xf32, #tpu.memory_space<vmem>>, %arg8: memref<128x128xf32, #tpu.memory_space<vmem>>, %arg9: memref<128x128xf32, #tpu.memory_space<vmem>>, %arg10: memref<!tpu.dma_semaphore, #tpu.memory_space<semaphore_mem>>, %arg11: memref<!tpu.dma_semaphore, #tpu.memory_space<semaphore_mem>>, %arg12: memref<!tpu.dma_semaphore, #tpu.memory_space<semaphore_mem>>, %arg13: memref<!tpu.dma_semaphore, #tpu.memory_space<semaphore_mem>>, %arg14: memref<!tpu.dma_semaphore, #tpu.memory_space<semaphore_mem>>, %arg15: memref<!tpu.dma_semaphore, #tpu.memory_space<semaphore_mem>>, %arg16: memref<!tpu.dma_semaphore, #tpu.memory_space<semaphore_mem>>, %arg17: memref<!tpu.dma_semaphore, #tpu.memory_space<semaphore_mem>>) attributes {dimension_semantics = [#tpu.dimension_semantics<core_parallel>, #tpu.dimension_semantics<subcore_parallel>], iteration_bounds = array<i64: 2, 16>, scalar_prefetch = 0 : i64, scratch_operands = 13 : i64, tpu.core_type = #tpu.core_type<sc_vector_subcore>, window_params = [{transform_indices = #map}, {transform_indices = #map1}, {transform_indices = #map}]} {
    %mul3A = arith.constant 2 : i32
    %mul3A_0 = arith.muli %arg1, %mul3A : i32
    %add3A = arith.addi %mul3A_0, %arg0 : i32
    %mul3A_1 = arith.constant 3200 : i32
    %mul3A_2 = arith.muli %add3A, %mul3A_1 : i32
    "tpu.region"() ({
      %run_scoped3A = tpu.sem_alloc : memref<!tpu.dma_semaphore, #tpu.memory_space<semaphore_mem>>
      %dma_start3A_501 = tpu.memref_slice %arg3[%mul3A_2] : memref<102400xi32, #tpu.memory_space<hbm>> -> memref<3200xi32, #tpu.memory_space<hbm>>
      %dma_start3A_502 = tpu.memref_slice %arg3[%mul3A_2] : memref<102400xi32, #tpu.memory_space<hbm>> -> memref<3200xi32, #tpu.memory_space<hbm>>
      tpu.enqueue_dma source(%dma_start3A_502 : memref<3200xi32, #tpu.memory_space<hbm>>) target(%arg5 : memref<3200xi32, #tpu.memory_space<vmem>>) target_semaphore(%run_scoped3A : memref<!tpu.dma_semaphore, #tpu.memory_space<semaphore_mem>>)
      %dma_wait3A_503 = tpu.memref_slice %arg3[%mul3A_2] : memref<102400xi32, #tpu.memory_space<hbm>> -> memref<3200xi32, #tpu.memory_space<hbm>>
      %dma_wait3A_504 = tpu.memref_slice %arg3[%mul3A_2] : memref<102400xi32, #tpu.memory_space<hbm>> -> memref<3200xi32, #tpu.memory_space<hbm>>
      tpu.wait_dma2 semaphore(%run_scoped3A : memref<!tpu.dma_semaphore, #tpu.memory_space<semaphore_mem>>) src(%dma_wait3A_504 : memref<3200xi32, #tpu.memory_space<hbm>>) dst(%arg5 : memref<3200xi32, #tpu.memory_space<vmem>>)
      tpu.yield
    }) : () -> ()
    %dma_start3A = arith.constant 0 : i32
    %dma_start3A_3 = tpu.memref_slice %arg5[%dma_start3A] : memref<3200xi32, #tpu.memory_space<vmem>> -> memref<128xi32, #tpu.memory_space<vmem>>
    %dma_start3A_4 = arith.constant 0 : i32
    %dma_start3A_5 = arith.constant 0 : i32
    %dma_start3A_6 = tpu.memref_slice %arg2[%dma_start3A_4, %dma_start3A_5] : memref<1000x128xf32, #tpu.memory_space<hbm>> -> memref<1000x128xf32, #tpu.memory_space<hbm>>
    tpu.enqueue_indirect_dma source(%dma_start3A_6 : memref<1000x128xf32, #tpu.memory_space<hbm>>) target(%arg6 : memref<128x128xf32, #tpu.memory_space<vmem>>) offsets(%dma_start3A_3 : memref<128xi32, #tpu.memory_space<vmem>>) semaphore(%arg10 : memref<!tpu.dma_semaphore, #tpu.memory_space<semaphore_mem>>)
    %dma_start3A_7 = arith.constant 128 : i32
    %dma_start3A_8 = tpu.memref_slice %arg5[%dma_start3A_7] : memref<3200xi32, #tpu.memory_space<vmem>> -> memref<128xi32, #tpu.memory_space<vmem>>
    %dma_start3A_9 = arith.constant 0 : i32
    %dma_start3A_10 = arith.constant 0 : i32
    %dma_start3A_11 = tpu.memref_slice %arg2[%dma_start3A_9, %dma_start3A_10] : memref<1000x128xf32, #tpu.memory_space<hbm>> -> memref<1000x128xf32, #tpu.memory_space<hbm>>
    tpu.enqueue_indirect_dma source(%dma_start3A_11 : memref<1000x128xf32, #tpu.memory_space<hbm>>) target(%arg7 : memref<128x128xf32, #tpu.memory_space<vmem>>) offsets(%dma_start3A_8 : memref<128xi32, #tpu.memory_space<vmem>>) semaphore(%arg11 : memref<!tpu.dma_semaphore, #tpu.memory_space<semaphore_mem>>)
    %dma_start3A_12 = arith.constant 256 : i32
    %dma_start3A_13 = tpu.memref_slice %arg5[%dma_start3A_12] : memref<3200xi32, #tpu.memory_space<vmem>> -> memref<128xi32, #tpu.memory_space<vmem>>
    %dma_start3A_14 = arith.constant 0 : i32
    %dma_start3A_15 = arith.constant 0 : i32
    %dma_start3A_16 = tpu.memref_slice %arg2[%dma_start3A_14, %dma_start3A_15] : memref<1000x128xf32, #tpu.memory_space<hbm>> -> memref<1000x128xf32, #tpu.memory_space<hbm>>
    tpu.enqueue_indirect_dma source(%dma_start3A_16 : memref<1000x128xf32, #tpu.memory_space<hbm>>) target(%arg8 : memref<128x128xf32, #tpu.memory_space<vmem>>) offsets(%dma_start3A_13 : memref<128xi32, #tpu.memory_space<vmem>>) semaphore(%arg12 : memref<!tpu.dma_semaphore, #tpu.memory_space<semaphore_mem>>)
    %dma_start3A_17 = arith.constant 384 : i32
    %dma_start3A_18 = tpu.memref_slice %arg5[%dma_start3A_17] : memref<3200xi32, #tpu.memory_space<vmem>> -> memref<128xi32, #tpu.memory_space<vmem>>
    %dma_start3A_19 = arith.constant 0 : i32
    %dma_start3A_20 = arith.constant 0 : i32
    %dma_start3A_21 = tpu.memref_slice %arg2[%dma_start3A_19, %dma_start3A_20] : memref<1000x128xf32, #tpu.memory_space<hbm>> -> memref<1000x128xf32, #tpu.memory_space<hbm>>
    tpu.enqueue_indirect_dma source(%dma_start3A_21 : memref<1000x128xf32, #tpu.memory_space<hbm>>) target(%arg9 : memref<128x128xf32, #tpu.memory_space<vmem>>) offsets(%dma_start3A_18 : memref<128xi32, #tpu.memory_space<vmem>>) semaphore(%arg13 : memref<!tpu.dma_semaphore, #tpu.memory_space<semaphore_mem>>)
    %dma_wait3A = arith.constant 0 : i32
    %dma_wait3A_22 = tpu.memref_slice %arg5[%dma_wait3A] : memref<3200xi32, #tpu.memory_space<vmem>> -> memref<128xi32, #tpu.memory_space<vmem>>
    %dma_wait3A_23 = arith.constant 0 : i32
    %dma_wait3A_24 = arith.constant 0 : i32
    %dma_wait3A_25 = tpu.memref_slice %arg2[%dma_wait3A_23, %dma_wait3A_24] : memref<1000x128xf32, #tpu.memory_space<hbm>> -> memref<1000x128xf32, #tpu.memory_space<hbm>>
    tpu.wait_indirect_dma semaphore(%arg10 : memref<!tpu.dma_semaphore, #tpu.memory_space<semaphore_mem>>) src(%dma_wait3A_25 : memref<1000x128xf32, #tpu.memory_space<hbm>>) dst(%arg6 : memref<128x128xf32, #tpu.memory_space<vmem>>)
    %add3A_26 = arith.constant 0 : i32
    %add3A_27 = arith.addi %mul3A_2, %add3A_26 : i32
    %dma_start3A_28 = arith.constant 0 : i32
    %dma_start3A_29 = tpu.memref_slice %arg4[%add3A_27, %dma_start3A_28] : memref<102400x128xf32, #tpu.memory_space<hbm>> -> memref<128x128xf32, #tpu.memory_space<hbm>>
    %dma_start3A_30 = arith.constant 0 : i32
    %dma_start3A_31 = tpu.memref_slice %arg4[%add3A_27, %dma_start3A_30] : memref<102400x128xf32, #tpu.memory_space<hbm>> -> memref<128x128xf32, #tpu.memory_space<hbm>>
    tpu.enqueue_dma source(%arg6 : memref<128x128xf32, #tpu.memory_space<vmem>>) target(%dma_start3A_31 : memref<128x128xf32, #tpu.memory_space<hbm>>) target_semaphore(%arg14 : memref<!tpu.dma_semaphore, #tpu.memory_space<semaphore_mem>>)
    %dma_wait3A_32 = arith.constant 0 : i32
    %dma_wait3A_33 = tpu.memref_slice %arg4[%mul3A_2, %dma_wait3A_32] : memref<102400x128xf32, #tpu.memory_space<hbm>> -> memref<128x128xf32, #tpu.memory_space<hbm>>
    %dma_wait3A_34 = arith.constant 0 : i32
    %dma_wait3A_35 = tpu.memref_slice %arg4[%mul3A_2, %dma_wait3A_34] : memref<102400x128xf32, #tpu.memory_space<hbm>> -> memref<128x128xf32, #tpu.memory_space<hbm>>
    tpu.wait_dma2 semaphore(%arg14 : memref<!tpu.dma_semaphore, #tpu.memory_space<semaphore_mem>>) src(%arg6 : memref<128x128xf32, #tpu.memory_space<vmem>>) dst(%dma_wait3A_35 : memref<128x128xf32, #tpu.memory_space<hbm>>)
    %dma_start3A_36 = arith.constant 512 : i32
    %dma_start3A_37 = tpu.memref_slice %arg5[%dma_start3A_36] : memref<3200xi32, #tpu.memory_space<vmem>> -> memref<128xi32, #tpu.memory_space<vmem>>
    %dma_start3A_38 = arith.constant 0 : i32
    %dma_start3A_39 = arith.constant 0 : i32
    %dma_start3A_40 = tpu.memref_slice %arg2[%dma_start3A_38, %dma_start3A_39] : memref<1000x128xf32, #tpu.memory_space<hbm>> -> memref<1000x128xf32, #tpu.memory_space<hbm>>
    tpu.enqueue_indirect_dma source(%dma_start3A_40 : memref<1000x128xf32, #tpu.memory_space<hbm>>) target(%arg6 : memref<128x128xf32, #tpu.memory_space<vmem>>) offsets(%dma_start3A_37 : memref<128xi32, #tpu.memory_space<vmem>>) semaphore(%arg10 : memref<!tpu.dma_semaphore, #tpu.memory_space<semaphore_mem>>)
    %dma_wait3A_41 = arith.constant 0 : i32
    %dma_wait3A_42 = tpu.memref_slice %arg5[%dma_wait3A_41] : memref<3200xi32, #tpu.memory_space<vmem>> -> memref<128xi32, #tpu.memory_space<vmem>>
    %dma_wait3A_43 = arith.constant 0 : i32
    %dma_wait3A_44 = arith.constant 0 : i32
    %dma_wait3A_45 = tpu.memref_slice %arg2[%dma_wait3A_43, %dma_wait3A_44] : memref<1000x128xf32, #tpu.memory_space<hbm>> -> memref<1000x128xf32, #tpu.memory_space<hbm>>
    tpu.wait_indirect_dma semaphore(%arg11 : memref<!tpu.dma_semaphore, #tpu.memory_space<semaphore_mem>>) src(%dma_wait3A_45 : memref<1000x128xf32, #tpu.memory_space<hbm>>) dst(%arg7 : memref<128x128xf32, #tpu.memory_space<vmem>>)
    %add3A_46 = arith.constant 128 : i32
    %add3A_47 = arith.addi %mul3A_2, %add3A_46 : i32
    %dma_start3A_48 = arith.constant 0 : i32
    %dma_start3A_49 = tpu.memref_slice %arg4[%add3A_47, %dma_start3A_48] : memref<102400x128xf32, #tpu.memory_space<hbm>> -> memref<128x128xf32, #tpu.memory_space<hbm>>
    %dma_start3A_50 = arith.constant 0 : i32
    %dma_start3A_51 = tpu.memref_slice %arg4[%add3A_47, %dma_start3A_50] : memref<102400x128xf32, #tpu.memory_space<hbm>> -> memref<128x128xf32, #tpu.memory_space<hbm>>
    tpu.enqueue_dma source(%arg7 : memref<128x128xf32, #tpu.memory_space<vmem>>) target(%dma_start3A_51 : memref<128x128xf32, #tpu.memory_space<hbm>>) target_semaphore(%arg15 : memref<!tpu.dma_semaphore, #tpu.memory_space<semaphore_mem>>)
    %dma_wait3A_52 = arith.constant 0 : i32
    %dma_wait3A_53 = tpu.memref_slice %arg4[%mul3A_2, %dma_wait3A_52] : memref<102400x128xf32, #tpu.memory_space<hbm>> -> memref<128x128xf32, #tpu.memory_space<hbm>>
    %dma_wait3A_54 = arith.constant 0 : i32
    %dma_wait3A_55 = tpu.memref_slice %arg4[%mul3A_2, %dma_wait3A_54] : memref<102400x128xf32, #tpu.memory_space<hbm>> -> memref<128x128xf32, #tpu.memory_space<hbm>>
    tpu.wait_dma2 semaphore(%arg15 : memref<!tpu.dma_semaphore, #tpu.memory_space<semaphore_mem>>) src(%arg7 : memref<128x128xf32, #tpu.memory_space<vmem>>) dst(%dma_wait3A_55 : memref<128x128xf32, #tpu.memory_space<hbm>>)
    %dma_start3A_56 = arith.constant 640 : i32
    %dma_start3A_57 = tpu.memref_slice %arg5[%dma_start3A_56] : memref<3200xi32, #tpu.memory_space<vmem>> -> memref<128xi32, #tpu.memory_space<vmem>>
    %dma_start3A_58 = arith.constant 0 : i32
    %dma_start3A_59 = arith.constant 0 : i32
    %dma_start3A_60 = tpu.memref_slice %arg2[%dma_start3A_58, %dma_start3A_59] : memref<1000x128xf32, #tpu.memory_space<hbm>> -> memref<1000x128xf32, #tpu.memory_space<hbm>>
    tpu.enqueue_indirect_dma source(%dma_start3A_60 : memref<1000x128xf32, #tpu.memory_space<hbm>>) target(%arg7 : memref<128x128xf32, #tpu.memory_space<vmem>>) offsets(%dma_start3A_57 : memref<128xi32, #tpu.memory_space<vmem>>) semaphore(%arg11 : memref<!tpu.dma_semaphore, #tpu.memory_space<semaphore_mem>>)
    %dma_wait3A_61 = arith.constant 0 : i32
    %dma_wait3A_62 = tpu.memref_slice %arg5[%dma_wait3A_61] : memref<3200xi32, #tpu.memory_space<vmem>> -> memref<128xi32, #tpu.memory_space<vmem>>
    %dma_wait3A_63 = arith.constant 0 : i32
    %dma_wait3A_64 = arith.constant 0 : i32
    %dma_wait3A_65 = tpu.memref_slice %arg2[%dma_wait3A_63, %dma_wait3A_64] : memref<1000x128xf32, #tpu.memory_space<hbm>> -> memref<1000x128xf32, #tpu.memory_space<hbm>>
    tpu.wait_indirect_dma semaphore(%arg12 : memref<!tpu.dma_semaphore, #tpu.memory_space<semaphore_mem>>) src(%dma_wait3A_65 : memref<1000x128xf32, #tpu.memory_space<hbm>>) dst(%arg8 : memref<128x128xf32, #tpu.memory_space<vmem>>)
    %add3A_66 = arith.constant 256 : i32
    %add3A_67 = arith.addi %mul3A_2, %add3A_66 : i32
    %dma_start3A_68 = arith.constant 0 : i32
    %dma_start3A_69 = tpu.memref_slice %arg4[%add3A_67, %dma_start3A_68] : memref<102400x128xf32, #tpu.memory_space<hbm>> -> memref<128x128xf32, #tpu.memory_space<hbm>>
    %dma_start3A_70 = arith.constant 0 : i32
    %dma_start3A_71 = tpu.memref_slice %arg4[%add3A_67, %dma_start3A_70] : memref<102400x128xf32, #tpu.memory_space<hbm>> -> memref<128x128xf32, #tpu.memory_space<hbm>>
    tpu.enqueue_dma source(%arg8 : memref<128x128xf32, #tpu.memory_space<vmem>>) target(%dma_start3A_71 : memref<128x128xf32, #tpu.memory_space<hbm>>) target_semaphore(%arg16 : memref<!tpu.dma_semaphore, #tpu.memory_space<semaphore_mem>>)
    %dma_wait3A_72 = arith.constant 0 : i32
    %dma_wait3A_73 = tpu.memref_slice %arg4[%mul3A_2, %dma_wait3A_72] : memref<102400x128xf32, #tpu.memory_space<hbm>> -> memref<128x128xf32, #tpu.memory_space<hbm>>
    %dma_wait3A_74 = arith.constant 0 : i32
    %dma_wait3A_75 = tpu.memref_slice %arg4[%mul3A_2, %dma_wait3A_74] : memref<102400x128xf32, #tpu.memory_space<hbm>> -> memref<128x128xf32, #tpu.memory_space<hbm>>
    tpu.wait_dma2 semaphore(%arg16 : memref<!tpu.dma_semaphore, #tpu.memory_space<semaphore_mem>>) src(%arg8 : memref<128x128xf32, #tpu.memory_space<vmem>>) dst(%dma_wait3A_75 : memref<128x128xf32, #tpu.memory_space<hbm>>)
    %dma_start3A_76 = arith.constant 768 : i32
    %dma_start3A_77 = tpu.memref_slice %arg5[%dma_start3A_76] : memref<3200xi32, #tpu.memory_space<vmem>> -> memref<128xi32, #tpu.memory_space<vmem>>
    %dma_start3A_78 = arith.constant 0 : i32
    %dma_start3A_79 = arith.constant 0 : i32
    %dma_start3A_80 = tpu.memref_slice %arg2[%dma_start3A_78, %dma_start3A_79] : memref<1000x128xf32, #tpu.memory_space<hbm>> -> memref<1000x128xf32, #tpu.memory_space<hbm>>
    tpu.enqueue_indirect_dma source(%dma_start3A_80 : memref<1000x128xf32, #tpu.memory_space<hbm>>) target(%arg8 : memref<128x128xf32, #tpu.memory_space<vmem>>) offsets(%dma_start3A_77 : memref<128xi32, #tpu.memory_space<vmem>>) semaphore(%arg12 : memref<!tpu.dma_semaphore, #tpu.memory_space<semaphore_mem>>)
    %dma_wait3A_81 = arith.constant 0 : i32
    %dma_wait3A_82 = tpu.memref_slice %arg5[%dma_wait3A_81] : memref<3200xi32, #tpu.memory_space<vmem>> -> memref<128xi32, #tpu.memory_space<vmem>>
    %dma_wait3A_83 = arith.constant 0 : i32
    %dma_wait3A_84 = arith.constant 0 : i32
    %dma_wait3A_85 = tpu.memref_slice %arg2[%dma_wait3A_83, %dma_wait3A_84] : memref<1000x128xf32, #tpu.memory_space<hbm>> -> memref<1000x128xf32, #tpu.memory_space<hbm>>
    tpu.wait_indirect_dma semaphore(%arg13 : memref<!tpu.dma_semaphore, #tpu.memory_space<semaphore_mem>>) src(%dma_wait3A_85 : memref<1000x128xf32, #tpu.memory_space<hbm>>) dst(%arg9 : memref<128x128xf32, #tpu.memory_space<vmem>>)
    %add3A_86 = arith.constant 384 : i32
    %add3A_87 = arith.addi %mul3A_2, %add3A_86 : i32
    %dma_start3A_88 = arith.constant 0 : i32
    %dma_start3A_89 = tpu.memref_slice %arg4[%add3A_87, %dma_start3A_88] : memref<102400x128xf32, #tpu.memory_space<hbm>> -> memref<128x128xf32, #tpu.memory_space<hbm>>
    %dma_start3A_90 = arith.constant 0 : i32
    %dma_start3A_91 = tpu.memref_slice %arg4[%add3A_87, %dma_start3A_90] : memref<102400x128xf32, #tpu.memory_space<hbm>> -> memref<128x128xf32, #tpu.memory_space<hbm>>
    tpu.enqueue_dma source(%arg9 : memref<128x128xf32, #tpu.memory_space<vmem>>) target(%dma_start3A_91 : memref<128x128xf32, #tpu.memory_space<hbm>>) target_semaphore(%arg17 : memref<!tpu.dma_semaphore, #tpu.memory_space<semaphore_mem>>)
    %dma_wait3A_92 = arith.constant 0 : i32
    %dma_wait3A_93 = tpu.memref_slice %arg4[%mul3A_2, %dma_wait3A_92] : memref<102400x128xf32, #tpu.memory_space<hbm>> -> memref<128x128xf32, #tpu.memory_space<hbm>>
    %dma_wait3A_94 = arith.constant 0 : i32
    %dma_wait3A_95 = tpu.memref_slice %arg4[%mul3A_2, %dma_wait3A_94] : memref<102400x128xf32, #tpu.memory_space<hbm>> -> memref<128x128xf32, #tpu.memory_space<hbm>>
    tpu.wait_dma2 semaphore(%arg17 : memref<!tpu.dma_semaphore, #tpu.memory_space<semaphore_mem>>) src(%arg9 : memref<128x128xf32, #tpu.memory_space<vmem>>) dst(%dma_wait3A_95 : memref<128x128xf32, #tpu.memory_space<hbm>>)
    %dma_start3A_96 = arith.constant 896 : i32
    %dma_start3A_97 = tpu.memref_slice %arg5[%dma_start3A_96] : memref<3200xi32, #tpu.memory_space<vmem>> -> memref<128xi32, #tpu.memory_space<vmem>>
    %dma_start3A_98 = arith.constant 0 : i32
    %dma_start3A_99 = arith.constant 0 : i32
    %dma_start3A_100 = tpu.memref_slice %arg2[%dma_start3A_98, %dma_start3A_99] : memref<1000x128xf32, #tpu.memory_space<hbm>> -> memref<1000x128xf32, #tpu.memory_space<hbm>>
    tpu.enqueue_indirect_dma source(%dma_start3A_100 : memref<1000x128xf32, #tpu.memory_space<hbm>>) target(%arg9 : memref<128x128xf32, #tpu.memory_space<vmem>>) offsets(%dma_start3A_97 : memref<128xi32, #tpu.memory_space<vmem>>) semaphore(%arg13 : memref<!tpu.dma_semaphore, #tpu.memory_space<semaphore_mem>>)
    %dma_wait3A_101 = arith.constant 0 : i32
    %dma_wait3A_102 = tpu.memref_slice %arg5[%dma_wait3A_101] : memref<3200xi32, #tpu.memory_space<vmem>> -> memref<128xi32, #tpu.memory_space<vmem>>
    %dma_wait3A_103 = arith.constant 0 : i32
    %dma_wait3A_104 = arith.constant 0 : i32
    %dma_wait3A_105 = tpu.memref_slice %arg2[%dma_wait3A_103, %dma_wait3A_104] : memref<1000x128xf32, #tpu.memory_space<hbm>> -> memref<1000x128xf32, #tpu.memory_space<hbm>>
    tpu.wait_indirect_dma semaphore(%arg10 : memref<!tpu.dma_semaphore, #tpu.memory_space<semaphore_mem>>) src(%dma_wait3A_105 : memref<1000x128xf32, #tpu.memory_space<hbm>>) dst(%arg6 : memref<128x128xf32, #tpu.memory_space<vmem>>)
    %add3A_106 = arith.constant 512 : i32
    %add3A_107 = arith.addi %mul3A_2, %add3A_106 : i32
    %dma_start3A_108 = arith.constant 0 : i32
    %dma_start3A_109 = tpu.memref_slice %arg4[%add3A_107, %dma_start3A_108] : memref<102400x128xf32, #tpu.memory_space<hbm>> -> memref<128x128xf32, #tpu.memory_space<hbm>>
    %dma_start3A_110 = arith.constant 0 : i32
    %dma_start3A_111 = tpu.memref_slice %arg4[%add3A_107, %dma_start3A_110] : memref<102400x128xf32, #tpu.memory_space<hbm>> -> memref<128x128xf32, #tpu.memory_space<hbm>>
    tpu.enqueue_dma source(%arg6 : memref<128x128xf32, #tpu.memory_space<vmem>>) target(%dma_start3A_111 : memref<128x128xf32, #tpu.memory_space<hbm>>) target_semaphore(%arg14 : memref<!tpu.dma_semaphore, #tpu.memory_space<semaphore_mem>>)
    %dma_wait3A_112 = arith.constant 0 : i32
    %dma_wait3A_113 = tpu.memref_slice %arg4[%mul3A_2, %dma_wait3A_112] : memref<102400x128xf32, #tpu.memory_space<hbm>> -> memref<128x128xf32, #tpu.memory_space<hbm>>
    %dma_wait3A_114 = arith.constant 0 : i32
    %dma_wait3A_115 = tpu.memref_slice %arg4[%mul3A_2, %dma_wait3A_114] : memref<102400x128xf32, #tpu.memory_space<hbm>> -> memref<128x128xf32, #tpu.memory_space<hbm>>
    tpu.wait_dma2 semaphore(%arg14 : memref<!tpu.dma_semaphore, #tpu.memory_space<semaphore_mem>>) src(%arg6 : memref<128x128xf32, #tpu.memory_space<vmem>>) dst(%dma_wait3A_115 : memref<128x128xf32, #tpu.memory_space<hbm>>)
    %dma_start3A_116 = arith.constant 1024 : i32
    %dma_start3A_117 = tpu.memref_slice %arg5[%dma_start3A_116] : memref<3200xi32, #tpu.memory_space<vmem>> -> memref<128xi32, #tpu.memory_space<vmem>>
    %dma_start3A_118 = arith.constant 0 : i32
    %dma_start3A_119 = arith.constant 0 : i32
    %dma_start3A_120 = tpu.memref_slice %arg2[%dma_start3A_118, %dma_start3A_119] : memref<1000x128xf32, #tpu.memory_space<hbm>> -> memref<1000x128xf32, #tpu.memory_space<hbm>>
    tpu.enqueue_indirect_dma source(%dma_start3A_120 : memref<1000x128xf32, #tpu.memory_space<hbm>>) target(%arg6 : memref<128x128xf32, #tpu.memory_space<vmem>>) offsets(%dma_start3A_117 : memref<128xi32, #tpu.memory_space<vmem>>) semaphore(%arg10 : memref<!tpu.dma_semaphore, #tpu.memory_space<semaphore_mem>>)
    %dma_wait3A_121 = arith.constant 0 : i32
    %dma_wait3A_122 = tpu.memref_slice %arg5[%dma_wait3A_121] : memref<3200xi32, #tpu.memory_space<vmem>> -> memref<128xi32, #tpu.memory_space<vmem>>
    %dma_wait3A_123 = arith.constant 0 : i32
    %dma_wait3A_124 = arith.constant 0 : i32
    %dma_wait3A_125 = tpu.memref_slice %arg2[%dma_wait3A_123, %dma_wait3A_124] : memref<1000x128xf32, #tpu.memory_space<hbm>> -> memref<1000x128xf32, #tpu.memory_space<hbm>>
    tpu.wait_indirect_dma semaphore(%arg11 : memref<!tpu.dma_semaphore, #tpu.memory_space<semaphore_mem>>) src(%dma_wait3A_125 : memref<1000x128xf32, #tpu.memory_space<hbm>>) dst(%arg7 : memref<128x128xf32, #tpu.memory_space<vmem>>)
    %add3A_126 = arith.constant 640 : i32
    %add3A_127 = arith.addi %mul3A_2, %add3A_126 : i32
    %dma_start3A_128 = arith.constant 0 : i32
    %dma_start3A_129 = tpu.memref_slice %arg4[%add3A_127, %dma_start3A_128] : memref<102400x128xf32, #tpu.memory_space<hbm>> -> memref<128x128xf32, #tpu.memory_space<hbm>>
    %dma_start3A_130 = arith.constant 0 : i32
    %dma_start3A_131 = tpu.memref_slice %arg4[%add3A_127, %dma_start3A_130] : memref<102400x128xf32, #tpu.memory_space<hbm>> -> memref<128x128xf32, #tpu.memory_space<hbm>>
    tpu.enqueue_dma source(%arg7 : memref<128x128xf32, #tpu.memory_space<vmem>>) target(%dma_start3A_131 : memref<128x128xf32, #tpu.memory_space<hbm>>) target_semaphore(%arg15 : memref<!tpu.dma_semaphore, #tpu.memory_space<semaphore_mem>>)
    %dma_wait3A_132 = arith.constant 0 : i32
    %dma_wait3A_133 = tpu.memref_slice %arg4[%mul3A_2, %dma_wait3A_132] : memref<102400x128xf32, #tpu.memory_space<hbm>> -> memref<128x128xf32, #tpu.memory_space<hbm>>
    %dma_wait3A_134 = arith.constant 0 : i32
    %dma_wait3A_135 = tpu.memref_slice %arg4[%mul3A_2, %dma_wait3A_134] : memref<102400x128xf32, #tpu.memory_space<hbm>> -> memref<128x128xf32, #tpu.memory_space<hbm>>
    tpu.wait_dma2 semaphore(%arg15 : memref<!tpu.dma_semaphore, #tpu.memory_space<semaphore_mem>>) src(%arg7 : memref<128x128xf32, #tpu.memory_space<vmem>>) dst(%dma_wait3A_135 : memref<128x128xf32, #tpu.memory_space<hbm>>)
    %dma_start3A_136 = arith.constant 1152 : i32
    %dma_start3A_137 = tpu.memref_slice %arg5[%dma_start3A_136] : memref<3200xi32, #tpu.memory_space<vmem>> -> memref<128xi32, #tpu.memory_space<vmem>>
    %dma_start3A_138 = arith.constant 0 : i32
    %dma_start3A_139 = arith.constant 0 : i32
    %dma_start3A_140 = tpu.memref_slice %arg2[%dma_start3A_138, %dma_start3A_139] : memref<1000x128xf32, #tpu.memory_space<hbm>> -> memref<1000x128xf32, #tpu.memory_space<hbm>>
    tpu.enqueue_indirect_dma source(%dma_start3A_140 : memref<1000x128xf32, #tpu.memory_space<hbm>>) target(%arg7 : memref<128x128xf32, #tpu.memory_space<vmem>>) offsets(%dma_start3A_137 : memref<128xi32, #tpu.memory_space<vmem>>) semaphore(%arg11 : memref<!tpu.dma_semaphore, #tpu.memory_space<semaphore_mem>>)
    %dma_wait3A_141 = arith.constant 0 : i32
    %dma_wait3A_142 = tpu.memref_slice %arg5[%dma_wait3A_141] : memref<3200xi32, #tpu.memory_space<vmem>> -> memref<128xi32, #tpu.memory_space<vmem>>
    %dma_wait3A_143 = arith.constant 0 : i32
    %dma_wait3A_144 = arith.constant 0 : i32
    %dma_wait3A_145 = tpu.memref_slice %arg2[%dma_wait3A_143, %dma_wait3A_144] : memref<1000x128xf32, #tpu.memory_space<hbm>> -> memref<1000x128xf32, #tpu.memory_space<hbm>>
    tpu.wait_indirect_dma semaphore(%arg12 : memref<!tpu.dma_semaphore, #tpu.memory_space<semaphore_mem>>) src(%dma_wait3A_145 : memref<1000x128xf32, #tpu.memory_space<hbm>>) dst(%arg8 : memref<128x128xf32, #tpu.memory_space<vmem>>)
    %add3A_146 = arith.constant 768 : i32
    %add3A_147 = arith.addi %mul3A_2, %add3A_146 : i32
    %dma_start3A_148 = arith.constant 0 : i32
    %dma_start3A_149 = tpu.memref_slice %arg4[%add3A_147, %dma_start3A_148] : memref<102400x128xf32, #tpu.memory_space<hbm>> -> memref<128x128xf32, #tpu.memory_space<hbm>>
    %dma_start3A_150 = arith.constant 0 : i32
    %dma_start3A_151 = tpu.memref_slice %arg4[%add3A_147, %dma_start3A_150] : memref<102400x128xf32, #tpu.memory_space<hbm>> -> memref<128x128xf32, #tpu.memory_space<hbm>>
    tpu.enqueue_dma source(%arg8 : memref<128x128xf32, #tpu.memory_space<vmem>>) target(%dma_start3A_151 : memref<128x128xf32, #tpu.memory_space<hbm>>) target_semaphore(%arg16 : memref<!tpu.dma_semaphore, #tpu.memory_space<semaphore_mem>>)
    %dma_wait3A_152 = arith.constant 0 : i32
    %dma_wait3A_153 = tpu.memref_slice %arg4[%mul3A_2, %dma_wait3A_152] : memref<102400x128xf32, #tpu.memory_space<hbm>> -> memref<128x128xf32, #tpu.memory_space<hbm>>
    %dma_wait3A_154 = arith.constant 0 : i32
    %dma_wait3A_155 = tpu.memref_slice %arg4[%mul3A_2, %dma_wait3A_154] : memref<102400x128xf32, #tpu.memory_space<hbm>> -> memref<128x128xf32, #tpu.memory_space<hbm>>
    tpu.wait_dma2 semaphore(%arg16 : memref<!tpu.dma_semaphore, #tpu.memory_space<semaphore_mem>>) src(%arg8 : memref<128x128xf32, #tpu.memory_space<vmem>>) dst(%dma_wait3A_155 : memref<128x128xf32, #tpu.memory_space<hbm>>)
    %dma_start3A_156 = arith.constant 1280 : i32
    %dma_start3A_157 = tpu.memref_slice %arg5[%dma_start3A_156] : memref<3200xi32, #tpu.memory_space<vmem>> -> memref<128xi32, #tpu.memory_space<vmem>>
    %dma_start3A_158 = arith.constant 0 : i32
    %dma_start3A_159 = arith.constant 0 : i32
    %dma_start3A_160 = tpu.memref_slice %arg2[%dma_start3A_158, %dma_start3A_159] : memref<1000x128xf32, #tpu.memory_space<hbm>> -> memref<1000x128xf32, #tpu.memory_space<hbm>>
    tpu.enqueue_indirect_dma source(%dma_start3A_160 : memref<1000x128xf32, #tpu.memory_space<hbm>>) target(%arg8 : memref<128x128xf32, #tpu.memory_space<vmem>>) offsets(%dma_start3A_157 : memref<128xi32, #tpu.memory_space<vmem>>) semaphore(%arg12 : memref<!tpu.dma_semaphore, #tpu.memory_space<semaphore_mem>>)
    %dma_wait3A_161 = arith.constant 0 : i32
    %dma_wait3A_162 = tpu.memref_slice %arg5[%dma_wait3A_161] : memref<3200xi32, #tpu.memory_space<vmem>> -> memref<128xi32, #tpu.memory_space<vmem>>
    %dma_wait3A_163 = arith.constant 0 : i32
    %dma_wait3A_164 = arith.constant 0 : i32
    %dma_wait3A_165 = tpu.memref_slice %arg2[%dma_wait3A_163, %dma_wait3A_164] : memref<1000x128xf32, #tpu.memory_space<hbm>> -> memref<1000x128xf32, #tpu.memory_space<hbm>>
    tpu.wait_indirect_dma semaphore(%arg13 : memref<!tpu.dma_semaphore, #tpu.memory_space<semaphore_mem>>) src(%dma_wait3A_165 : memref<1000x128xf32, #tpu.memory_space<hbm>>) dst(%arg9 : memref<128x128xf32, #tpu.memory_space<vmem>>)
    %add3A_166 = arith.constant 896 : i32
    %add3A_167 = arith.addi %mul3A_2, %add3A_166 : i32
    %dma_start3A_168 = arith.constant 0 : i32
    %dma_start3A_169 = tpu.memref_slice %arg4[%add3A_167, %dma_start3A_168] : memref<102400x128xf32, #tpu.memory_space<hbm>> -> memref<128x128xf32, #tpu.memory_space<hbm>>
    %dma_start3A_170 = arith.constant 0 : i32
    %dma_start3A_171 = tpu.memref_slice %arg4[%add3A_167, %dma_start3A_170] : memref<102400x128xf32, #tpu.memory_space<hbm>> -> memref<128x128xf32, #tpu.memory_space<hbm>>
    tpu.enqueue_dma source(%arg9 : memref<128x128xf32, #tpu.memory_space<vmem>>) target(%dma_start3A_171 : memref<128x128xf32, #tpu.memory_space<hbm>>) target_semaphore(%arg17 : memref<!tpu.dma_semaphore, #tpu.memory_space<semaphore_mem>>)
    %dma_wait3A_172 = arith.constant 0 : i32
    %dma_wait3A_173 = tpu.memref_slice %arg4[%mul3A_2, %dma_wait3A_172] : memref<102400x128xf32, #tpu.memory_space<hbm>> -> memref<128x128xf32, #tpu.memory_space<hbm>>
    %dma_wait3A_174 = arith.constant 0 : i32
    %dma_wait3A_175 = tpu.memref_slice %arg4[%mul3A_2, %dma_wait3A_174] : memref<102400x128xf32, #tpu.memory_space<hbm>> -> memref<128x128xf32, #tpu.memory_space<hbm>>
    tpu.wait_dma2 semaphore(%arg17 : memref<!tpu.dma_semaphore, #tpu.memory_space<semaphore_mem>>) src(%arg9 : memref<128x128xf32, #tpu.memory_space<vmem>>) dst(%dma_wait3A_175 : memref<128x128xf32, #tpu.memory_space<hbm>>)
    %dma_start3A_176 = arith.constant 1408 : i32
    %dma_start3A_177 = tpu.memref_slice %arg5[%dma_start3A_176] : memref<3200xi32, #tpu.memory_space<vmem>> -> memref<128xi32, #tpu.memory_space<vmem>>
    %dma_start3A_178 = arith.constant 0 : i32
    %dma_start3A_179 = arith.constant 0 : i32
    %dma_start3A_180 = tpu.memref_slice %arg2[%dma_start3A_178, %dma_start3A_179] : memref<1000x128xf32, #tpu.memory_space<hbm>> -> memref<1000x128xf32, #tpu.memory_space<hbm>>
    tpu.enqueue_indirect_dma source(%dma_start3A_180 : memref<1000x128xf32, #tpu.memory_space<hbm>>) target(%arg9 : memref<128x128xf32, #tpu.memory_space<vmem>>) offsets(%dma_start3A_177 : memref<128xi32, #tpu.memory_space<vmem>>) semaphore(%arg13 : memref<!tpu.dma_semaphore, #tpu.memory_space<semaphore_mem>>)
    %dma_wait3A_181 = arith.constant 0 : i32
    %dma_wait3A_182 = tpu.memref_slice %arg5[%dma_wait3A_181] : memref<3200xi32, #tpu.memory_space<vmem>> -> memref<128xi32, #tpu.memory_space<vmem>>
    %dma_wait3A_183 = arith.constant 0 : i32
    %dma_wait3A_184 = arith.constant 0 : i32
    %dma_wait3A_185 = tpu.memref_slice %arg2[%dma_wait3A_183, %dma_wait3A_184] : memref<1000x128xf32, #tpu.memory_space<hbm>> -> memref<1000x128xf32, #tpu.memory_space<hbm>>
    tpu.wait_indirect_dma semaphore(%arg10 : memref<!tpu.dma_semaphore, #tpu.memory_space<semaphore_mem>>) src(%dma_wait3A_185 : memref<1000x128xf32, #tpu.memory_space<hbm>>) dst(%arg6 : memref<128x128xf32, #tpu.memory_space<vmem>>)
    %add3A_186 = arith.constant 1024 : i32
    %add3A_187 = arith.addi %mul3A_2, %add3A_186 : i32
    %dma_start3A_188 = arith.constant 0 : i32
    %dma_start3A_189 = tpu.memref_slice %arg4[%add3A_187, %dma_start3A_188] : memref<102400x128xf32, #tpu.memory_space<hbm>> -> memref<128x128xf32, #tpu.memory_space<hbm>>
    %dma_start3A_190 = arith.constant 0 : i32
    %dma_start3A_191 = tpu.memref_slice %arg4[%add3A_187, %dma_start3A_190] : memref<102400x128xf32, #tpu.memory_space<hbm>> -> memref<128x128xf32, #tpu.memory_space<hbm>>
    tpu.enqueue_dma source(%arg6 : memref<128x128xf32, #tpu.memory_space<vmem>>) target(%dma_start3A_191 : memref<128x128xf32, #tpu.memory_space<hbm>>) target_semaphore(%arg14 : memref<!tpu.dma_semaphore, #tpu.memory_space<semaphore_mem>>)
    %dma_wait3A_192 = arith.constant 0 : i32
    %dma_wait3A_193 = tpu.memref_slice %arg4[%mul3A_2, %dma_wait3A_192] : memref<102400x128xf32, #tpu.memory_space<hbm>> -> memref<128x128xf32, #tpu.memory_space<hbm>>
    %dma_wait3A_194 = arith.constant 0 : i32
    %dma_wait3A_195 = tpu.memref_slice %arg4[%mul3A_2, %dma_wait3A_194] : memref<102400x128xf32, #tpu.memory_space<hbm>> -> memref<128x128xf32, #tpu.memory_space<hbm>>
    tpu.wait_dma2 semaphore(%arg14 : memref<!tpu.dma_semaphore, #tpu.memory_space<semaphore_mem>>) src(%arg6 : memref<128x128xf32, #tpu.memory_space<vmem>>) dst(%dma_wait3A_195 : memref<128x128xf32, #tpu.memory_space<hbm>>)
    %dma_start3A_196 = arith.constant 1536 : i32
    %dma_start3A_197 = tpu.memref_slice %arg5[%dma_start3A_196] : memref<3200xi32, #tpu.memory_space<vmem>> -> memref<128xi32, #tpu.memory_space<vmem>>
    %dma_start3A_198 = arith.constant 0 : i32
    %dma_start3A_199 = arith.constant 0 : i32
    %dma_start3A_200 = tpu.memref_slice %arg2[%dma_start3A_198, %dma_start3A_199] : memref<1000x128xf32, #tpu.memory_space<hbm>> -> memref<1000x128xf32, #tpu.memory_space<hbm>>
    tpu.enqueue_indirect_dma source(%dma_start3A_200 : memref<1000x128xf32, #tpu.memory_space<hbm>>) target(%arg6 : memref<128x128xf32, #tpu.memory_space<vmem>>) offsets(%dma_start3A_197 : memref<128xi32, #tpu.memory_space<vmem>>) semaphore(%arg10 : memref<!tpu.dma_semaphore, #tpu.memory_space<semaphore_mem>>)
    %dma_wait3A_201 = arith.constant 0 : i32
    %dma_wait3A_202 = tpu.memref_slice %arg5[%dma_wait3A_201] : memref<3200xi32, #tpu.memory_space<vmem>> -> memref<128xi32, #tpu.memory_space<vmem>>
    %dma_wait3A_203 = arith.constant 0 : i32
    %dma_wait3A_204 = arith.constant 0 : i32
    %dma_wait3A_205 = tpu.memref_slice %arg2[%dma_wait3A_203, %dma_wait3A_204] : memref<1000x128xf32, #tpu.memory_space<hbm>> -> memref<1000x128xf32, #tpu.memory_space<hbm>>
    tpu.wait_indirect_dma semaphore(%arg11 : memref<!tpu.dma_semaphore, #tpu.memory_space<semaphore_mem>>) src(%dma_wait3A_205 : memref<1000x128xf32, #tpu.memory_space<hbm>>) dst(%arg7 : memref<128x128xf32, #tpu.memory_space<vmem>>)
    %add3A_206 = arith.constant 1152 : i32
    %add3A_207 = arith.addi %mul3A_2, %add3A_206 : i32
    %dma_start3A_208 = arith.constant 0 : i32
    %dma_start3A_209 = tpu.memref_slice %arg4[%add3A_207, %dma_start3A_208] : memref<102400x128xf32, #tpu.memory_space<hbm>> -> memref<128x128xf32, #tpu.memory_space<hbm>>
    %dma_start3A_210 = arith.constant 0 : i32
    %dma_start3A_211 = tpu.memref_slice %arg4[%add3A_207, %dma_start3A_210] : memref<102400x128xf32, #tpu.memory_space<hbm>> -> memref<128x128xf32, #tpu.memory_space<hbm>>
    tpu.enqueue_dma source(%arg7 : memref<128x128xf32, #tpu.memory_space<vmem>>) target(%dma_start3A_211 : memref<128x128xf32, #tpu.memory_space<hbm>>) target_semaphore(%arg15 : memref<!tpu.dma_semaphore, #tpu.memory_space<semaphore_mem>>)
    %dma_wait3A_212 = arith.constant 0 : i32
    %dma_wait3A_213 = tpu.memref_slice %arg4[%mul3A_2, %dma_wait3A_212] : memref<102400x128xf32, #tpu.memory_space<hbm>> -> memref<128x128xf32, #tpu.memory_space<hbm>>
    %dma_wait3A_214 = arith.constant 0 : i32
    %dma_wait3A_215 = tpu.memref_slice %arg4[%mul3A_2, %dma_wait3A_214] : memref<102400x128xf32, #tpu.memory_space<hbm>> -> memref<128x128xf32, #tpu.memory_space<hbm>>
    tpu.wait_dma2 semaphore(%arg15 : memref<!tpu.dma_semaphore, #tpu.memory_space<semaphore_mem>>) src(%arg7 : memref<128x128xf32, #tpu.memory_space<vmem>>) dst(%dma_wait3A_215 : memref<128x128xf32, #tpu.memory_space<hbm>>)
    %dma_start3A_216 = arith.constant 1664 : i32
    %dma_start3A_217 = tpu.memref_slice %arg5[%dma_start3A_216] : memref<3200xi32, #tpu.memory_space<vmem>> -> memref<128xi32, #tpu.memory_space<vmem>>
    %dma_start3A_218 = arith.constant 0 : i32
    %dma_start3A_219 = arith.constant 0 : i32
    %dma_start3A_220 = tpu.memref_slice %arg2[%dma_start3A_218, %dma_start3A_219] : memref<1000x128xf32, #tpu.memory_space<hbm>> -> memref<1000x128xf32, #tpu.memory_space<hbm>>
    tpu.enqueue_indirect_dma source(%dma_start3A_220 : memref<1000x128xf32, #tpu.memory_space<hbm>>) target(%arg7 : memref<128x128xf32, #tpu.memory_space<vmem>>) offsets(%dma_start3A_217 : memref<128xi32, #tpu.memory_space<vmem>>) semaphore(%arg11 : memref<!tpu.dma_semaphore, #tpu.memory_space<semaphore_mem>>)
    %dma_wait3A_221 = arith.constant 0 : i32
    %dma_wait3A_222 = tpu.memref_slice %arg5[%dma_wait3A_221] : memref<3200xi32, #tpu.memory_space<vmem>> -> memref<128xi32, #tpu.memory_space<vmem>>
    %dma_wait3A_223 = arith.constant 0 : i32
    %dma_wait3A_224 = arith.constant 0 : i32
    %dma_wait3A_225 = tpu.memref_slice %arg2[%dma_wait3A_223, %dma_wait3A_224] : memref<1000x128xf32, #tpu.memory_space<hbm>> -> memref<1000x128xf32, #tpu.memory_space<hbm>>
    tpu.wait_indirect_dma semaphore(%arg12 : memref<!tpu.dma_semaphore, #tpu.memory_space<semaphore_mem>>) src(%dma_wait3A_225 : memref<1000x128xf32, #tpu.memory_space<hbm>>) dst(%arg8 : memref<128x128xf32, #tpu.memory_space<vmem>>)
    %add3A_226 = arith.constant 1280 : i32
    %add3A_227 = arith.addi %mul3A_2, %add3A_226 : i32
    %dma_start3A_228 = arith.constant 0 : i32
    %dma_start3A_229 = tpu.memref_slice %arg4[%add3A_227, %dma_start3A_228] : memref<102400x128xf32, #tpu.memory_space<hbm>> -> memref<128x128xf32, #tpu.memory_space<hbm>>
    %dma_start3A_230 = arith.constant 0 : i32
    %dma_start3A_231 = tpu.memref_slice %arg4[%add3A_227, %dma_start3A_230] : memref<102400x128xf32, #tpu.memory_space<hbm>> -> memref<128x128xf32, #tpu.memory_space<hbm>>
    tpu.enqueue_dma source(%arg8 : memref<128x128xf32, #tpu.memory_space<vmem>>) target(%dma_start3A_231 : memref<128x128xf32, #tpu.memory_space<hbm>>) target_semaphore(%arg16 : memref<!tpu.dma_semaphore, #tpu.memory_space<semaphore_mem>>)
    %dma_wait3A_232 = arith.constant 0 : i32
    %dma_wait3A_233 = tpu.memref_slice %arg4[%mul3A_2, %dma_wait3A_232] : memref<102400x128xf32, #tpu.memory_space<hbm>> -> memref<128x128xf32, #tpu.memory_space<hbm>>
    %dma_wait3A_234 = arith.constant 0 : i32
    %dma_wait3A_235 = tpu.memref_slice %arg4[%mul3A_2, %dma_wait3A_234] : memref<102400x128xf32, #tpu.memory_space<hbm>> -> memref<128x128xf32, #tpu.memory_space<hbm>>
    tpu.wait_dma2 semaphore(%arg16 : memref<!tpu.dma_semaphore, #tpu.memory_space<semaphore_mem>>) src(%arg8 : memref<128x128xf32, #tpu.memory_space<vmem>>) dst(%dma_wait3A_235 : memref<128x128xf32, #tpu.memory_space<hbm>>)
    %dma_start3A_236 = arith.constant 1792 : i32
    %dma_start3A_237 = tpu.memref_slice %arg5[%dma_start3A_236] : memref<3200xi32, #tpu.memory_space<vmem>> -> memref<128xi32, #tpu.memory_space<vmem>>
    %dma_start3A_238 = arith.constant 0 : i32
    %dma_start3A_239 = arith.constant 0 : i32
    %dma_start3A_240 = tpu.memref_slice %arg2[%dma_start3A_238, %dma_start3A_239] : memref<1000x128xf32, #tpu.memory_space<hbm>> -> memref<1000x128xf32, #tpu.memory_space<hbm>>
    tpu.enqueue_indirect_dma source(%dma_start3A_240 : memref<1000x128xf32, #tpu.memory_space<hbm>>) target(%arg8 : memref<128x128xf32, #tpu.memory_space<vmem>>) offsets(%dma_start3A_237 : memref<128xi32, #tpu.memory_space<vmem>>) semaphore(%arg12 : memref<!tpu.dma_semaphore, #tpu.memory_space<semaphore_mem>>)
    %dma_wait3A_241 = arith.constant 0 : i32
    %dma_wait3A_242 = tpu.memref_slice %arg5[%dma_wait3A_241] : memref<3200xi32, #tpu.memory_space<vmem>> -> memref<128xi32, #tpu.memory_space<vmem>>
    %dma_wait3A_243 = arith.constant 0 : i32
    %dma_wait3A_244 = arith.constant 0 : i32
    %dma_wait3A_245 = tpu.memref_slice %arg2[%dma_wait3A_243, %dma_wait3A_244] : memref<1000x128xf32, #tpu.memory_space<hbm>> -> memref<1000x128xf32, #tpu.memory_space<hbm>>
    tpu.wait_indirect_dma semaphore(%arg13 : memref<!tpu.dma_semaphore, #tpu.memory_space<semaphore_mem>>) src(%dma_wait3A_245 : memref<1000x128xf32, #tpu.memory_space<hbm>>) dst(%arg9 : memref<128x128xf32, #tpu.memory_space<vmem>>)
    %add3A_246 = arith.constant 1408 : i32
    %add3A_247 = arith.addi %mul3A_2, %add3A_246 : i32
    %dma_start3A_248 = arith.constant 0 : i32
    %dma_start3A_249 = tpu.memref_slice %arg4[%add3A_247, %dma_start3A_248] : memref<102400x128xf32, #tpu.memory_space<hbm>> -> memref<128x128xf32, #tpu.memory_space<hbm>>
    %dma_start3A_250 = arith.constant 0 : i32
    %dma_start3A_251 = tpu.memref_slice %arg4[%add3A_247, %dma_start3A_250] : memref<102400x128xf32, #tpu.memory_space<hbm>> -> memref<128x128xf32, #tpu.memory_space<hbm>>
    tpu.enqueue_dma source(%arg9 : memref<128x128xf32, #tpu.memory_space<vmem>>) target(%dma_start3A_251 : memref<128x128xf32, #tpu.memory_space<hbm>>) target_semaphore(%arg17 : memref<!tpu.dma_semaphore, #tpu.memory_space<semaphore_mem>>)
    %dma_wait3A_252 = arith.constant 0 : i32
    %dma_wait3A_253 = tpu.memref_slice %arg4[%mul3A_2, %dma_wait3A_252] : memref<102400x128xf32, #tpu.memory_space<hbm>> -> memref<128x128xf32, #tpu.memory_space<hbm>>
    %dma_wait3A_254 = arith.constant 0 : i32
    %dma_wait3A_255 = tpu.memref_slice %arg4[%mul3A_2, %dma_wait3A_254] : memref<102400x128xf32, #tpu.memory_space<hbm>> -> memref<128x128xf32, #tpu.memory_space<hbm>>
    tpu.wait_dma2 semaphore(%arg17 : memref<!tpu.dma_semaphore, #tpu.memory_space<semaphore_mem>>) src(%arg9 : memref<128x128xf32, #tpu.memory_space<vmem>>) dst(%dma_wait3A_255 : memref<128x128xf32, #tpu.memory_space<hbm>>)
    %dma_start3A_256 = arith.constant 1920 : i32
    %dma_start3A_257 = tpu.memref_slice %arg5[%dma_start3A_256] : memref<3200xi32, #tpu.memory_space<vmem>> -> memref<128xi32, #tpu.memory_space<vmem>>
    %dma_start3A_258 = arith.constant 0 : i32
    %dma_start3A_259 = arith.constant 0 : i32
    %dma_start3A_260 = tpu.memref_slice %arg2[%dma_start3A_258, %dma_start3A_259] : memref<1000x128xf32, #tpu.memory_space<hbm>> -> memref<1000x128xf32, #tpu.memory_space<hbm>>
    tpu.enqueue_indirect_dma source(%dma_start3A_260 : memref<1000x128xf32, #tpu.memory_space<hbm>>) target(%arg9 : memref<128x128xf32, #tpu.memory_space<vmem>>) offsets(%dma_start3A_257 : memref<128xi32, #tpu.memory_space<vmem>>) semaphore(%arg13 : memref<!tpu.dma_semaphore, #tpu.memory_space<semaphore_mem>>)
    %dma_wait3A_261 = arith.constant 0 : i32
    %dma_wait3A_262 = tpu.memref_slice %arg5[%dma_wait3A_261] : memref<3200xi32, #tpu.memory_space<vmem>> -> memref<128xi32, #tpu.memory_space<vmem>>
    %dma_wait3A_263 = arith.constant 0 : i32
    %dma_wait3A_264 = arith.constant 0 : i32
    %dma_wait3A_265 = tpu.memref_slice %arg2[%dma_wait3A_263, %dma_wait3A_264] : memref<1000x128xf32, #tpu.memory_space<hbm>> -> memref<1000x128xf32, #tpu.memory_space<hbm>>
    tpu.wait_indirect_dma semaphore(%arg10 : memref<!tpu.dma_semaphore, #tpu.memory_space<semaphore_mem>>) src(%dma_wait3A_265 : memref<1000x128xf32, #tpu.memory_space<hbm>>) dst(%arg6 : memref<128x128xf32, #tpu.memory_space<vmem>>)
    %add3A_266 = arith.constant 1536 : i32
    %add3A_267 = arith.addi %mul3A_2, %add3A_266 : i32
    %dma_start3A_268 = arith.constant 0 : i32
    %dma_start3A_269 = tpu.memref_slice %arg4[%add3A_267, %dma_start3A_268] : memref<102400x128xf32, #tpu.memory_space<hbm>> -> memref<128x128xf32, #tpu.memory_space<hbm>>
    %dma_start3A_270 = arith.constant 0 : i32
    %dma_start3A_271 = tpu.memref_slice %arg4[%add3A_267, %dma_start3A_270] : memref<102400x128xf32, #tpu.memory_space<hbm>> -> memref<128x128xf32, #tpu.memory_space<hbm>>
    tpu.enqueue_dma source(%arg6 : memref<128x128xf32, #tpu.memory_space<vmem>>) target(%dma_start3A_271 : memref<128x128xf32, #tpu.memory_space<hbm>>) target_semaphore(%arg14 : memref<!tpu.dma_semaphore, #tpu.memory_space<semaphore_mem>>)
    %dma_wait3A_272 = arith.constant 0 : i32
    %dma_wait3A_273 = tpu.memref_slice %arg4[%mul3A_2, %dma_wait3A_272] : memref<102400x128xf32, #tpu.memory_space<hbm>> -> memref<128x128xf32, #tpu.memory_space<hbm>>
    %dma_wait3A_274 = arith.constant 0 : i32
    %dma_wait3A_275 = tpu.memref_slice %arg4[%mul3A_2, %dma_wait3A_274] : memref<102400x128xf32, #tpu.memory_space<hbm>> -> memref<128x128xf32, #tpu.memory_space<hbm>>
    tpu.wait_dma2 semaphore(%arg14 : memref<!tpu.dma_semaphore, #tpu.memory_space<semaphore_mem>>) src(%arg6 : memref<128x128xf32, #tpu.memory_space<vmem>>) dst(%dma_wait3A_275 : memref<128x128xf32, #tpu.memory_space<hbm>>)
    %dma_start3A_276 = arith.constant 2048 : i32
    %dma_start3A_277 = tpu.memref_slice %arg5[%dma_start3A_276] : memref<3200xi32, #tpu.memory_space<vmem>> -> memref<128xi32, #tpu.memory_space<vmem>>
    %dma_start3A_278 = arith.constant 0 : i32
    %dma_start3A_279 = arith.constant 0 : i32
    %dma_start3A_280 = tpu.memref_slice %arg2[%dma_start3A_278, %dma_start3A_279] : memref<1000x128xf32, #tpu.memory_space<hbm>> -> memref<1000x128xf32, #tpu.memory_space<hbm>>
    tpu.enqueue_indirect_dma source(%dma_start3A_280 : memref<1000x128xf32, #tpu.memory_space<hbm>>) target(%arg6 : memref<128x128xf32, #tpu.memory_space<vmem>>) offsets(%dma_start3A_277 : memref<128xi32, #tpu.memory_space<vmem>>) semaphore(%arg10 : memref<!tpu.dma_semaphore, #tpu.memory_space<semaphore_mem>>)
    %dma_wait3A_281 = arith.constant 0 : i32
    %dma_wait3A_282 = tpu.memref_slice %arg5[%dma_wait3A_281] : memref<3200xi32, #tpu.memory_space<vmem>> -> memref<128xi32, #tpu.memory_space<vmem>>
    %dma_wait3A_283 = arith.constant 0 : i32
    %dma_wait3A_284 = arith.constant 0 : i32
    %dma_wait3A_285 = tpu.memref_slice %arg2[%dma_wait3A_283, %dma_wait3A_284] : memref<1000x128xf32, #tpu.memory_space<hbm>> -> memref<1000x128xf32, #tpu.memory_space<hbm>>
    tpu.wait_indirect_dma semaphore(%arg11 : memref<!tpu.dma_semaphore, #tpu.memory_space<semaphore_mem>>) src(%dma_wait3A_285 : memref<1000x128xf32, #tpu.memory_space<hbm>>) dst(%arg7 : memref<128x128xf32, #tpu.memory_space<vmem>>)
    %add3A_286 = arith.constant 1664 : i32
    %add3A_287 = arith.addi %mul3A_2, %add3A_286 : i32
    %dma_start3A_288 = arith.constant 0 : i32
    %dma_start3A_289 = tpu.memref_slice %arg4[%add3A_287, %dma_start3A_288] : memref<102400x128xf32, #tpu.memory_space<hbm>> -> memref<128x128xf32, #tpu.memory_space<hbm>>
    %dma_start3A_290 = arith.constant 0 : i32
    %dma_start3A_291 = tpu.memref_slice %arg4[%add3A_287, %dma_start3A_290] : memref<102400x128xf32, #tpu.memory_space<hbm>> -> memref<128x128xf32, #tpu.memory_space<hbm>>
    tpu.enqueue_dma source(%arg7 : memref<128x128xf32, #tpu.memory_space<vmem>>) target(%dma_start3A_291 : memref<128x128xf32, #tpu.memory_space<hbm>>) target_semaphore(%arg15 : memref<!tpu.dma_semaphore, #tpu.memory_space<semaphore_mem>>)
    %dma_wait3A_292 = arith.constant 0 : i32
    %dma_wait3A_293 = tpu.memref_slice %arg4[%mul3A_2, %dma_wait3A_292] : memref<102400x128xf32, #tpu.memory_space<hbm>> -> memref<128x128xf32, #tpu.memory_space<hbm>>
    %dma_wait3A_294 = arith.constant 0 : i32
    %dma_wait3A_295 = tpu.memref_slice %arg4[%mul3A_2, %dma_wait3A_294] : memref<102400x128xf32, #tpu.memory_space<hbm>> -> memref<128x128xf32, #tpu.memory_space<hbm>>
    tpu.wait_dma2 semaphore(%arg15 : memref<!tpu.dma_semaphore, #tpu.memory_space<semaphore_mem>>) src(%arg7 : memref<128x128xf32, #tpu.memory_space<vmem>>) dst(%dma_wait3A_295 : memref<128x128xf32, #tpu.memory_space<hbm>>)
    %dma_start3A_296 = arith.constant 2176 : i32
    %dma_start3A_297 = tpu.memref_slice %arg5[%dma_start3A_296] : memref<3200xi32, #tpu.memory_space<vmem>> -> memref<128xi32, #tpu.memory_space<vmem>>
    %dma_start3A_298 = arith.constant 0 : i32
    %dma_start3A_299 = arith.constant 0 : i32
    %dma_start3A_300 = tpu.memref_slice %arg2[%dma_start3A_298, %dma_start3A_299] : memref<1000x128xf32, #tpu.memory_space<hbm>> -> memref<1000x128xf32, #tpu.memory_space<hbm>>
    tpu.enqueue_indirect_dma source(%dma_start3A_300 : memref<1000x128xf32, #tpu.memory_space<hbm>>) target(%arg7 : memref<128x128xf32, #tpu.memory_space<vmem>>) offsets(%dma_start3A_297 : memref<128xi32, #tpu.memory_space<vmem>>) semaphore(%arg11 : memref<!tpu.dma_semaphore, #tpu.memory_space<semaphore_mem>>)
    %dma_wait3A_301 = arith.constant 0 : i32
    %dma_wait3A_302 = tpu.memref_slice %arg5[%dma_wait3A_301] : memref<3200xi32, #tpu.memory_space<vmem>> -> memref<128xi32, #tpu.memory_space<vmem>>
    %dma_wait3A_303 = arith.constant 0 : i32
    %dma_wait3A_304 = arith.constant 0 : i32
    %dma_wait3A_305 = tpu.memref_slice %arg2[%dma_wait3A_303, %dma_wait3A_304] : memref<1000x128xf32, #tpu.memory_space<hbm>> -> memref<1000x128xf32, #tpu.memory_space<hbm>>
    tpu.wait_indirect_dma semaphore(%arg12 : memref<!tpu.dma_semaphore, #tpu.memory_space<semaphore_mem>>) src(%dma_wait3A_305 : memref<1000x128xf32, #tpu.memory_space<hbm>>) dst(%arg8 : memref<128x128xf32, #tpu.memory_space<vmem>>)
    %add3A_306 = arith.constant 1792 : i32
    %add3A_307 = arith.addi %mul3A_2, %add3A_306 : i32
    %dma_start3A_308 = arith.constant 0 : i32
    %dma_start3A_309 = tpu.memref_slice %arg4[%add3A_307, %dma_start3A_308] : memref<102400x128xf32, #tpu.memory_space<hbm>> -> memref<128x128xf32, #tpu.memory_space<hbm>>
    %dma_start3A_310 = arith.constant 0 : i32
    %dma_start3A_311 = tpu.memref_slice %arg4[%add3A_307, %dma_start3A_310] : memref<102400x128xf32, #tpu.memory_space<hbm>> -> memref<128x128xf32, #tpu.memory_space<hbm>>
    tpu.enqueue_dma source(%arg8 : memref<128x128xf32, #tpu.memory_space<vmem>>) target(%dma_start3A_311 : memref<128x128xf32, #tpu.memory_space<hbm>>) target_semaphore(%arg16 : memref<!tpu.dma_semaphore, #tpu.memory_space<semaphore_mem>>)
    %dma_wait3A_312 = arith.constant 0 : i32
    %dma_wait3A_313 = tpu.memref_slice %arg4[%mul3A_2, %dma_wait3A_312] : memref<102400x128xf32, #tpu.memory_space<hbm>> -> memref<128x128xf32, #tpu.memory_space<hbm>>
    %dma_wait3A_314 = arith.constant 0 : i32
    %dma_wait3A_315 = tpu.memref_slice %arg4[%mul3A_2, %dma_wait3A_314] : memref<102400x128xf32, #tpu.memory_space<hbm>> -> memref<128x128xf32, #tpu.memory_space<hbm>>
    tpu.wait_dma2 semaphore(%arg16 : memref<!tpu.dma_semaphore, #tpu.memory_space<semaphore_mem>>) src(%arg8 : memref<128x128xf32, #tpu.memory_space<vmem>>) dst(%dma_wait3A_315 : memref<128x128xf32, #tpu.memory_space<hbm>>)
    %dma_start3A_316 = arith.constant 2304 : i32
    %dma_start3A_317 = tpu.memref_slice %arg5[%dma_start3A_316] : memref<3200xi32, #tpu.memory_space<vmem>> -> memref<128xi32, #tpu.memory_space<vmem>>
    %dma_start3A_318 = arith.constant 0 : i32
    %dma_start3A_319 = arith.constant 0 : i32
    %dma_start3A_320 = tpu.memref_slice %arg2[%dma_start3A_318, %dma_start3A_319] : memref<1000x128xf32, #tpu.memory_space<hbm>> -> memref<1000x128xf32, #tpu.memory_space<hbm>>
    tpu.enqueue_indirect_dma source(%dma_start3A_320 : memref<1000x128xf32, #tpu.memory_space<hbm>>) target(%arg8 : memref<128x128xf32, #tpu.memory_space<vmem>>) offsets(%dma_start3A_317 : memref<128xi32, #tpu.memory_space<vmem>>) semaphore(%arg12 : memref<!tpu.dma_semaphore, #tpu.memory_space<semaphore_mem>>)
    %dma_wait3A_321 = arith.constant 0 : i32
    %dma_wait3A_322 = tpu.memref_slice %arg5[%dma_wait3A_321] : memref<3200xi32, #tpu.memory_space<vmem>> -> memref<128xi32, #tpu.memory_space<vmem>>
    %dma_wait3A_323 = arith.constant 0 : i32
    %dma_wait3A_324 = arith.constant 0 : i32
    %dma_wait3A_325 = tpu.memref_slice %arg2[%dma_wait3A_323, %dma_wait3A_324] : memref<1000x128xf32, #tpu.memory_space<hbm>> -> memref<1000x128xf32, #tpu.memory_space<hbm>>
    tpu.wait_indirect_dma semaphore(%arg13 : memref<!tpu.dma_semaphore, #tpu.memory_space<semaphore_mem>>) src(%dma_wait3A_325 : memref<1000x128xf32, #tpu.memory_space<hbm>>) dst(%arg9 : memref<128x128xf32, #tpu.memory_space<vmem>>)
    %add3A_326 = arith.constant 1920 : i32
    %add3A_327 = arith.addi %mul3A_2, %add3A_326 : i32
    %dma_start3A_328 = arith.constant 0 : i32
    %dma_start3A_329 = tpu.memref_slice %arg4[%add3A_327, %dma_start3A_328] : memref<102400x128xf32, #tpu.memory_space<hbm>> -> memref<128x128xf32, #tpu.memory_space<hbm>>
    %dma_start3A_330 = arith.constant 0 : i32
    %dma_start3A_331 = tpu.memref_slice %arg4[%add3A_327, %dma_start3A_330] : memref<102400x128xf32, #tpu.memory_space<hbm>> -> memref<128x128xf32, #tpu.memory_space<hbm>>
    tpu.enqueue_dma source(%arg9 : memref<128x128xf32, #tpu.memory_space<vmem>>) target(%dma_start3A_331 : memref<128x128xf32, #tpu.memory_space<hbm>>) target_semaphore(%arg17 : memref<!tpu.dma_semaphore, #tpu.memory_space<semaphore_mem>>)
    %dma_wait3A_332 = arith.constant 0 : i32
    %dma_wait3A_333 = tpu.memref_slice %arg4[%mul3A_2, %dma_wait3A_332] : memref<102400x128xf32, #tpu.memory_space<hbm>> -> memref<128x128xf32, #tpu.memory_space<hbm>>
    %dma_wait3A_334 = arith.constant 0 : i32
    %dma_wait3A_335 = tpu.memref_slice %arg4[%mul3A_2, %dma_wait3A_334] : memref<102400x128xf32, #tpu.memory_space<hbm>> -> memref<128x128xf32, #tpu.memory_space<hbm>>
    tpu.wait_dma2 semaphore(%arg17 : memref<!tpu.dma_semaphore, #tpu.memory_space<semaphore_mem>>) src(%arg9 : memref<128x128xf32, #tpu.memory_space<vmem>>) dst(%dma_wait3A_335 : memref<128x128xf32, #tpu.memory_space<hbm>>)
    %dma_start3A_336 = arith.constant 2432 : i32
    %dma_start3A_337 = tpu.memref_slice %arg5[%dma_start3A_336] : memref<3200xi32, #tpu.memory_space<vmem>> -> memref<128xi32, #tpu.memory_space<vmem>>
    %dma_start3A_338 = arith.constant 0 : i32
    %dma_start3A_339 = arith.constant 0 : i32
    %dma_start3A_340 = tpu.memref_slice %arg2[%dma_start3A_338, %dma_start3A_339] : memref<1000x128xf32, #tpu.memory_space<hbm>> -> memref<1000x128xf32, #tpu.memory_space<hbm>>
    tpu.enqueue_indirect_dma source(%dma_start3A_340 : memref<1000x128xf32, #tpu.memory_space<hbm>>) target(%arg9 : memref<128x128xf32, #tpu.memory_space<vmem>>) offsets(%dma_start3A_337 : memref<128xi32, #tpu.memory_space<vmem>>) semaphore(%arg13 : memref<!tpu.dma_semaphore, #tpu.memory_space<semaphore_mem>>)
    %dma_wait3A_341 = arith.constant 0 : i32
    %dma_wait3A_342 = tpu.memref_slice %arg5[%dma_wait3A_341] : memref<3200xi32, #tpu.memory_space<vmem>> -> memref<128xi32, #tpu.memory_space<vmem>>
    %dma_wait3A_343 = arith.constant 0 : i32
    %dma_wait3A_344 = arith.constant 0 : i32
    %dma_wait3A_345 = tpu.memref_slice %arg2[%dma_wait3A_343, %dma_wait3A_344] : memref<1000x128xf32, #tpu.memory_space<hbm>> -> memref<1000x128xf32, #tpu.memory_space<hbm>>
    tpu.wait_indirect_dma semaphore(%arg10 : memref<!tpu.dma_semaphore, #tpu.memory_space<semaphore_mem>>) src(%dma_wait3A_345 : memref<1000x128xf32, #tpu.memory_space<hbm>>) dst(%arg6 : memref<128x128xf32, #tpu.memory_space<vmem>>)
    %add3A_346 = arith.constant 2048 : i32
    %add3A_347 = arith.addi %mul3A_2, %add3A_346 : i32
    %dma_start3A_348 = arith.constant 0 : i32
    %dma_start3A_349 = tpu.memref_slice %arg4[%add3A_347, %dma_start3A_348] : memref<102400x128xf32, #tpu.memory_space<hbm>> -> memref<128x128xf32, #tpu.memory_space<hbm>>
    %dma_start3A_350 = arith.constant 0 : i32
    %dma_start3A_351 = tpu.memref_slice %arg4[%add3A_347, %dma_start3A_350] : memref<102400x128xf32, #tpu.memory_space<hbm>> -> memref<128x128xf32, #tpu.memory_space<hbm>>
    tpu.enqueue_dma source(%arg6 : memref<128x128xf32, #tpu.memory_space<vmem>>) target(%dma_start3A_351 : memref<128x128xf32, #tpu.memory_space<hbm>>) target_semaphore(%arg14 : memref<!tpu.dma_semaphore, #tpu.memory_space<semaphore_mem>>)
    %dma_wait3A_352 = arith.constant 0 : i32
    %dma_wait3A_353 = tpu.memref_slice %arg4[%mul3A_2, %dma_wait3A_352] : memref<102400x128xf32, #tpu.memory_space<hbm>> -> memref<128x128xf32, #tpu.memory_space<hbm>>
    %dma_wait3A_354 = arith.constant 0 : i32
    %dma_wait3A_355 = tpu.memref_slice %arg4[%mul3A_2, %dma_wait3A_354] : memref<102400x128xf32, #tpu.memory_space<hbm>> -> memref<128x128xf32, #tpu.memory_space<hbm>>
    tpu.wait_dma2 semaphore(%arg14 : memref<!tpu.dma_semaphore, #tpu.memory_space<semaphore_mem>>) src(%arg6 : memref<128x128xf32, #tpu.memory_space<vmem>>) dst(%dma_wait3A_355 : memref<128x128xf32, #tpu.memory_space<hbm>>)
    %dma_start3A_356 = arith.constant 2560 : i32
    %dma_start3A_357 = tpu.memref_slice %arg5[%dma_start3A_356] : memref<3200xi32, #tpu.memory_space<vmem>> -> memref<128xi32, #tpu.memory_space<vmem>>
    %dma_start3A_358 = arith.constant 0 : i32
    %dma_start3A_359 = arith.constant 0 : i32
    %dma_start3A_360 = tpu.memref_slice %arg2[%dma_start3A_358, %dma_start3A_359] : memref<1000x128xf32, #tpu.memory_space<hbm>> -> memref<1000x128xf32, #tpu.memory_space<hbm>>
    tpu.enqueue_indirect_dma source(%dma_start3A_360 : memref<1000x128xf32, #tpu.memory_space<hbm>>) target(%arg6 : memref<128x128xf32, #tpu.memory_space<vmem>>) offsets(%dma_start3A_357 : memref<128xi32, #tpu.memory_space<vmem>>) semaphore(%arg10 : memref<!tpu.dma_semaphore, #tpu.memory_space<semaphore_mem>>)
    %dma_wait3A_361 = arith.constant 0 : i32
    %dma_wait3A_362 = tpu.memref_slice %arg5[%dma_wait3A_361] : memref<3200xi32, #tpu.memory_space<vmem>> -> memref<128xi32, #tpu.memory_space<vmem>>
    %dma_wait3A_363 = arith.constant 0 : i32
    %dma_wait3A_364 = arith.constant 0 : i32
    %dma_wait3A_365 = tpu.memref_slice %arg2[%dma_wait3A_363, %dma_wait3A_364] : memref<1000x128xf32, #tpu.memory_space<hbm>> -> memref<1000x128xf32, #tpu.memory_space<hbm>>
    tpu.wait_indirect_dma semaphore(%arg11 : memref<!tpu.dma_semaphore, #tpu.memory_space<semaphore_mem>>) src(%dma_wait3A_365 : memref<1000x128xf32, #tpu.memory_space<hbm>>) dst(%arg7 : memref<128x128xf32, #tpu.memory_space<vmem>>)
    %add3A_366 = arith.constant 2176 : i32
    %add3A_367 = arith.addi %mul3A_2, %add3A_366 : i32
    %dma_start3A_368 = arith.constant 0 : i32
    %dma_start3A_369 = tpu.memref_slice %arg4[%add3A_367, %dma_start3A_368] : memref<102400x128xf32, #tpu.memory_space<hbm>> -> memref<128x128xf32, #tpu.memory_space<hbm>>
    %dma_start3A_370 = arith.constant 0 : i32
    %dma_start3A_371 = tpu.memref_slice %arg4[%add3A_367, %dma_start3A_370] : memref<102400x128xf32, #tpu.memory_space<hbm>> -> memref<128x128xf32, #tpu.memory_space<hbm>>
    tpu.enqueue_dma source(%arg7 : memref<128x128xf32, #tpu.memory_space<vmem>>) target(%dma_start3A_371 : memref<128x128xf32, #tpu.memory_space<hbm>>) target_semaphore(%arg15 : memref<!tpu.dma_semaphore, #tpu.memory_space<semaphore_mem>>)
    %dma_wait3A_372 = arith.constant 0 : i32
    %dma_wait3A_373 = tpu.memref_slice %arg4[%mul3A_2, %dma_wait3A_372] : memref<102400x128xf32, #tpu.memory_space<hbm>> -> memref<128x128xf32, #tpu.memory_space<hbm>>
    %dma_wait3A_374 = arith.constant 0 : i32
    %dma_wait3A_375 = tpu.memref_slice %arg4[%mul3A_2, %dma_wait3A_374] : memref<102400x128xf32, #tpu.memory_space<hbm>> -> memref<128x128xf32, #tpu.memory_space<hbm>>
    tpu.wait_dma2 semaphore(%arg15 : memref<!tpu.dma_semaphore, #tpu.memory_space<semaphore_mem>>) src(%arg7 : memref<128x128xf32, #tpu.memory_space<vmem>>) dst(%dma_wait3A_375 : memref<128x128xf32, #tpu.memory_space<hbm>>)
    %dma_start3A_376 = arith.constant 2688 : i32
    %dma_start3A_377 = tpu.memref_slice %arg5[%dma_start3A_376] : memref<3200xi32, #tpu.memory_space<vmem>> -> memref<128xi32, #tpu.memory_space<vmem>>
    %dma_start3A_378 = arith.constant 0 : i32
    %dma_start3A_379 = arith.constant 0 : i32
    %dma_start3A_380 = tpu.memref_slice %arg2[%dma_start3A_378, %dma_start3A_379] : memref<1000x128xf32, #tpu.memory_space<hbm>> -> memref<1000x128xf32, #tpu.memory_space<hbm>>
    tpu.enqueue_indirect_dma source(%dma_start3A_380 : memref<1000x128xf32, #tpu.memory_space<hbm>>) target(%arg7 : memref<128x128xf32, #tpu.memory_space<vmem>>) offsets(%dma_start3A_377 : memref<128xi32, #tpu.memory_space<vmem>>) semaphore(%arg11 : memref<!tpu.dma_semaphore, #tpu.memory_space<semaphore_mem>>)
    %dma_wait3A_381 = arith.constant 0 : i32
    %dma_wait3A_382 = tpu.memref_slice %arg5[%dma_wait3A_381] : memref<3200xi32, #tpu.memory_space<vmem>> -> memref<128xi32, #tpu.memory_space<vmem>>
    %dma_wait3A_383 = arith.constant 0 : i32
    %dma_wait3A_384 = arith.constant 0 : i32
    %dma_wait3A_385 = tpu.memref_slice %arg2[%dma_wait3A_383, %dma_wait3A_384] : memref<1000x128xf32, #tpu.memory_space<hbm>> -> memref<1000x128xf32, #tpu.memory_space<hbm>>
    tpu.wait_indirect_dma semaphore(%arg12 : memref<!tpu.dma_semaphore, #tpu.memory_space<semaphore_mem>>) src(%dma_wait3A_385 : memref<1000x128xf32, #tpu.memory_space<hbm>>) dst(%arg8 : memref<128x128xf32, #tpu.memory_space<vmem>>)
    %add3A_386 = arith.constant 2304 : i32
    %add3A_387 = arith.addi %mul3A_2, %add3A_386 : i32
    %dma_start3A_388 = arith.constant 0 : i32
    %dma_start3A_389 = tpu.memref_slice %arg4[%add3A_387, %dma_start3A_388] : memref<102400x128xf32, #tpu.memory_space<hbm>> -> memref<128x128xf32, #tpu.memory_space<hbm>>
    %dma_start3A_390 = arith.constant 0 : i32
    %dma_start3A_391 = tpu.memref_slice %arg4[%add3A_387, %dma_start3A_390] : memref<102400x128xf32, #tpu.memory_space<hbm>> -> memref<128x128xf32, #tpu.memory_space<hbm>>
    tpu.enqueue_dma source(%arg8 : memref<128x128xf32, #tpu.memory_space<vmem>>) target(%dma_start3A_391 : memref<128x128xf32, #tpu.memory_space<hbm>>) target_semaphore(%arg16 : memref<!tpu.dma_semaphore, #tpu.memory_space<semaphore_mem>>)
    %dma_wait3A_392 = arith.constant 0 : i32
    %dma_wait3A_393 = tpu.memref_slice %arg4[%mul3A_2, %dma_wait3A_392] : memref<102400x128xf32, #tpu.memory_space<hbm>> -> memref<128x128xf32, #tpu.memory_space<hbm>>
    %dma_wait3A_394 = arith.constant 0 : i32
    %dma_wait3A_395 = tpu.memref_slice %arg4[%mul3A_2, %dma_wait3A_394] : memref<102400x128xf32, #tpu.memory_space<hbm>> -> memref<128x128xf32, #tpu.memory_space<hbm>>
    tpu.wait_dma2 semaphore(%arg16 : memref<!tpu.dma_semaphore, #tpu.memory_space<semaphore_mem>>) src(%arg8 : memref<128x128xf32, #tpu.memory_space<vmem>>) dst(%dma_wait3A_395 : memref<128x128xf32, #tpu.memory_space<hbm>>)
    %dma_start3A_396 = arith.constant 2816 : i32
    %dma_start3A_397 = tpu.memref_slice %arg5[%dma_start3A_396] : memref<3200xi32, #tpu.memory_space<vmem>> -> memref<128xi32, #tpu.memory_space<vmem>>
    %dma_start3A_398 = arith.constant 0 : i32
    %dma_start3A_399 = arith.constant 0 : i32
    %dma_start3A_400 = tpu.memref_slice %arg2[%dma_start3A_398, %dma_start3A_399] : memref<1000x128xf32, #tpu.memory_space<hbm>> -> memref<1000x128xf32, #tpu.memory_space<hbm>>
    tpu.enqueue_indirect_dma source(%dma_start3A_400 : memref<1000x128xf32, #tpu.memory_space<hbm>>) target(%arg8 : memref<128x128xf32, #tpu.memory_space<vmem>>) offsets(%dma_start3A_397 : memref<128xi32, #tpu.memory_space<vmem>>) semaphore(%arg12 : memref<!tpu.dma_semaphore, #tpu.memory_space<semaphore_mem>>)
    %dma_wait3A_401 = arith.constant 0 : i32
    %dma_wait3A_402 = tpu.memref_slice %arg5[%dma_wait3A_401] : memref<3200xi32, #tpu.memory_space<vmem>> -> memref<128xi32, #tpu.memory_space<vmem>>
    %dma_wait3A_403 = arith.constant 0 : i32
    %dma_wait3A_404 = arith.constant 0 : i32
    %dma_wait3A_405 = tpu.memref_slice %arg2[%dma_wait3A_403, %dma_wait3A_404] : memref<1000x128xf32, #tpu.memory_space<hbm>> -> memref<1000x128xf32, #tpu.memory_space<hbm>>
    tpu.wait_indirect_dma semaphore(%arg13 : memref<!tpu.dma_semaphore, #tpu.memory_space<semaphore_mem>>) src(%dma_wait3A_405 : memref<1000x128xf32, #tpu.memory_space<hbm>>) dst(%arg9 : memref<128x128xf32, #tpu.memory_space<vmem>>)
    %add3A_406 = arith.constant 2432 : i32
    %add3A_407 = arith.addi %mul3A_2, %add3A_406 : i32
    %dma_start3A_408 = arith.constant 0 : i32
    %dma_start3A_409 = tpu.memref_slice %arg4[%add3A_407, %dma_start3A_408] : memref<102400x128xf32, #tpu.memory_space<hbm>> -> memref<128x128xf32, #tpu.memory_space<hbm>>
    %dma_start3A_410 = arith.constant 0 : i32
    %dma_start3A_411 = tpu.memref_slice %arg4[%add3A_407, %dma_start3A_410] : memref<102400x128xf32, #tpu.memory_space<hbm>> -> memref<128x128xf32, #tpu.memory_space<hbm>>
    tpu.enqueue_dma source(%arg9 : memref<128x128xf32, #tpu.memory_space<vmem>>) target(%dma_start3A_411 : memref<128x128xf32, #tpu.memory_space<hbm>>) target_semaphore(%arg17 : memref<!tpu.dma_semaphore, #tpu.memory_space<semaphore_mem>>)
    %dma_wait3A_412 = arith.constant 0 : i32
    %dma_wait3A_413 = tpu.memref_slice %arg4[%mul3A_2, %dma_wait3A_412] : memref<102400x128xf32, #tpu.memory_space<hbm>> -> memref<128x128xf32, #tpu.memory_space<hbm>>
    %dma_wait3A_414 = arith.constant 0 : i32
    %dma_wait3A_415 = tpu.memref_slice %arg4[%mul3A_2, %dma_wait3A_414] : memref<102400x128xf32, #tpu.memory_space<hbm>> -> memref<128x128xf32, #tpu.memory_space<hbm>>
    tpu.wait_dma2 semaphore(%arg17 : memref<!tpu.dma_semaphore, #tpu.memory_space<semaphore_mem>>) src(%arg9 : memref<128x128xf32, #tpu.memory_space<vmem>>) dst(%dma_wait3A_415 : memref<128x128xf32, #tpu.memory_space<hbm>>)
    %dma_start3A_416 = arith.constant 2944 : i32
    %dma_start3A_417 = tpu.memref_slice %arg5[%dma_start3A_416] : memref<3200xi32, #tpu.memory_space<vmem>> -> memref<128xi32, #tpu.memory_space<vmem>>
    %dma_start3A_418 = arith.constant 0 : i32
    %dma_start3A_419 = arith.constant 0 : i32
    %dma_start3A_420 = tpu.memref_slice %arg2[%dma_start3A_418, %dma_start3A_419] : memref<1000x128xf32, #tpu.memory_space<hbm>> -> memref<1000x128xf32, #tpu.memory_space<hbm>>
    tpu.enqueue_indirect_dma source(%dma_start3A_420 : memref<1000x128xf32, #tpu.memory_space<hbm>>) target(%arg9 : memref<128x128xf32, #tpu.memory_space<vmem>>) offsets(%dma_start3A_417 : memref<128xi32, #tpu.memory_space<vmem>>) semaphore(%arg13 : memref<!tpu.dma_semaphore, #tpu.memory_space<semaphore_mem>>)
    %dma_wait3A_421 = arith.constant 0 : i32
    %dma_wait3A_422 = tpu.memref_slice %arg5[%dma_wait3A_421] : memref<3200xi32, #tpu.memory_space<vmem>> -> memref<128xi32, #tpu.memory_space<vmem>>
    %dma_wait3A_423 = arith.constant 0 : i32
    %dma_wait3A_424 = arith.constant 0 : i32
    %dma_wait3A_425 = tpu.memref_slice %arg2[%dma_wait3A_423, %dma_wait3A_424] : memref<1000x128xf32, #tpu.memory_space<hbm>> -> memref<1000x128xf32, #tpu.memory_space<hbm>>
    tpu.wait_indirect_dma semaphore(%arg10 : memref<!tpu.dma_semaphore, #tpu.memory_space<semaphore_mem>>) src(%dma_wait3A_425 : memref<1000x128xf32, #tpu.memory_space<hbm>>) dst(%arg6 : memref<128x128xf32, #tpu.memory_space<vmem>>)
    %add3A_426 = arith.constant 2560 : i32
    %add3A_427 = arith.addi %mul3A_2, %add3A_426 : i32
    %dma_start3A_428 = arith.constant 0 : i32
    %dma_start3A_429 = tpu.memref_slice %arg4[%add3A_427, %dma_start3A_428] : memref<102400x128xf32, #tpu.memory_space<hbm>> -> memref<128x128xf32, #tpu.memory_space<hbm>>
    %dma_start3A_430 = arith.constant 0 : i32
    %dma_start3A_431 = tpu.memref_slice %arg4[%add3A_427, %dma_start3A_430] : memref<102400x128xf32, #tpu.memory_space<hbm>> -> memref<128x128xf32, #tpu.memory_space<hbm>>
    tpu.enqueue_dma source(%arg6 : memref<128x128xf32, #tpu.memory_space<vmem>>) target(%dma_start3A_431 : memref<128x128xf32, #tpu.memory_space<hbm>>) target_semaphore(%arg14 : memref<!tpu.dma_semaphore, #tpu.memory_space<semaphore_mem>>)
    %dma_wait3A_432 = arith.constant 0 : i32
    %dma_wait3A_433 = tpu.memref_slice %arg4[%mul3A_2, %dma_wait3A_432] : memref<102400x128xf32, #tpu.memory_space<hbm>> -> memref<128x128xf32, #tpu.memory_space<hbm>>
    %dma_wait3A_434 = arith.constant 0 : i32
    %dma_wait3A_435 = tpu.memref_slice %arg4[%mul3A_2, %dma_wait3A_434] : memref<102400x128xf32, #tpu.memory_space<hbm>> -> memref<128x128xf32, #tpu.memory_space<hbm>>
    tpu.wait_dma2 semaphore(%arg14 : memref<!tpu.dma_semaphore, #tpu.memory_space<semaphore_mem>>) src(%arg6 : memref<128x128xf32, #tpu.memory_space<vmem>>) dst(%dma_wait3A_435 : memref<128x128xf32, #tpu.memory_space<hbm>>)
    %dma_start3A_436 = arith.constant 3072 : i32
    %dma_start3A_437 = tpu.memref_slice %arg5[%dma_start3A_436] : memref<3200xi32, #tpu.memory_space<vmem>> -> memref<128xi32, #tpu.memory_space<vmem>>
    %dma_start3A_438 = arith.constant 0 : i32
    %dma_start3A_439 = arith.constant 0 : i32
    %dma_start3A_440 = tpu.memref_slice %arg2[%dma_start3A_438, %dma_start3A_439] : memref<1000x128xf32, #tpu.memory_space<hbm>> -> memref<1000x128xf32, #tpu.memory_space<hbm>>
    tpu.enqueue_indirect_dma source(%dma_start3A_440 : memref<1000x128xf32, #tpu.memory_space<hbm>>) target(%arg6 : memref<128x128xf32, #tpu.memory_space<vmem>>) offsets(%dma_start3A_437 : memref<128xi32, #tpu.memory_space<vmem>>) semaphore(%arg10 : memref<!tpu.dma_semaphore, #tpu.memory_space<semaphore_mem>>)
    %dma_wait3A_441 = arith.constant 0 : i32
    %dma_wait3A_442 = tpu.memref_slice %arg5[%dma_wait3A_441] : memref<3200xi32, #tpu.memory_space<vmem>> -> memref<128xi32, #tpu.memory_space<vmem>>
    %dma_wait3A_443 = arith.constant 0 : i32
    %dma_wait3A_444 = arith.constant 0 : i32
    %dma_wait3A_445 = tpu.memref_slice %arg2[%dma_wait3A_443, %dma_wait3A_444] : memref<1000x128xf32, #tpu.memory_space<hbm>> -> memref<1000x128xf32, #tpu.memory_space<hbm>>
    tpu.wait_indirect_dma semaphore(%arg11 : memref<!tpu.dma_semaphore, #tpu.memory_space<semaphore_mem>>) src(%dma_wait3A_445 : memref<1000x128xf32, #tpu.memory_space<hbm>>) dst(%arg7 : memref<128x128xf32, #tpu.memory_space<vmem>>)
    %add3A_446 = arith.constant 2688 : i32
    %add3A_447 = arith.addi %mul3A_2, %add3A_446 : i32
    %dma_start3A_448 = arith.constant 0 : i32
    %dma_start3A_449 = tpu.memref_slice %arg4[%add3A_447, %dma_start3A_448] : memref<102400x128xf32, #tpu.memory_space<hbm>> -> memref<128x128xf32, #tpu.memory_space<hbm>>
    %dma_start3A_450 = arith.constant 0 : i32
    %dma_start3A_451 = tpu.memref_slice %arg4[%add3A_447, %dma_start3A_450] : memref<102400x128xf32, #tpu.memory_space<hbm>> -> memref<128x128xf32, #tpu.memory_space<hbm>>
    tpu.enqueue_dma source(%arg7 : memref<128x128xf32, #tpu.memory_space<vmem>>) target(%dma_start3A_451 : memref<128x128xf32, #tpu.memory_space<hbm>>) target_semaphore(%arg15 : memref<!tpu.dma_semaphore, #tpu.memory_space<semaphore_mem>>)
    %dma_wait3A_452 = arith.constant 0 : i32
    %dma_wait3A_453 = tpu.memref_slice %arg5[%dma_wait3A_452] : memref<3200xi32, #tpu.memory_space<vmem>> -> memref<128xi32, #tpu.memory_space<vmem>>
    %dma_wait3A_454 = arith.constant 0 : i32
    %dma_wait3A_455 = arith.constant 0 : i32
    %dma_wait3A_456 = tpu.memref_slice %arg2[%dma_wait3A_454, %dma_wait3A_455] : memref<1000x128xf32, #tpu.memory_space<hbm>> -> memref<1000x128xf32, #tpu.memory_space<hbm>>
    tpu.wait_indirect_dma semaphore(%arg12 : memref<!tpu.dma_semaphore, #tpu.memory_space<semaphore_mem>>) src(%dma_wait3A_456 : memref<1000x128xf32, #tpu.memory_space<hbm>>) dst(%arg8 : memref<128x128xf32, #tpu.memory_space<vmem>>)
    %add3A_457 = arith.constant 2816 : i32
    %add3A_458 = arith.addi %mul3A_2, %add3A_457 : i32
    %dma_start3A_459 = arith.constant 0 : i32
    %dma_start3A_460 = tpu.memref_slice %arg4[%add3A_458, %dma_start3A_459] : memref<102400x128xf32, #tpu.memory_space<hbm>> -> memref<128x128xf32, #tpu.memory_space<hbm>>
    %dma_start3A_461 = arith.constant 0 : i32
    %dma_start3A_462 = tpu.memref_slice %arg4[%add3A_458, %dma_start3A_461] : memref<102400x128xf32, #tpu.memory_space<hbm>> -> memref<128x128xf32, #tpu.memory_space<hbm>>
    tpu.enqueue_dma source(%arg8 : memref<128x128xf32, #tpu.memory_space<vmem>>) target(%dma_start3A_462 : memref<128x128xf32, #tpu.memory_space<hbm>>) target_semaphore(%arg16 : memref<!tpu.dma_semaphore, #tpu.memory_space<semaphore_mem>>)
    %dma_wait3A_463 = arith.constant 0 : i32
    %dma_wait3A_464 = tpu.memref_slice %arg5[%dma_wait3A_463] : memref<3200xi32, #tpu.memory_space<vmem>> -> memref<128xi32, #tpu.memory_space<vmem>>
    %dma_wait3A_465 = arith.constant 0 : i32
    %dma_wait3A_466 = arith.constant 0 : i32
    %dma_wait3A_467 = tpu.memref_slice %arg2[%dma_wait3A_465, %dma_wait3A_466] : memref<1000x128xf32, #tpu.memory_space<hbm>> -> memref<1000x128xf32, #tpu.memory_space<hbm>>
    tpu.wait_indirect_dma semaphore(%arg13 : memref<!tpu.dma_semaphore, #tpu.memory_space<semaphore_mem>>) src(%dma_wait3A_467 : memref<1000x128xf32, #tpu.memory_space<hbm>>) dst(%arg9 : memref<128x128xf32, #tpu.memory_space<vmem>>)
    %add3A_468 = arith.constant 2944 : i32
    %add3A_469 = arith.addi %mul3A_2, %add3A_468 : i32
    %dma_start3A_470 = arith.constant 0 : i32
    %dma_start3A_471 = tpu.memref_slice %arg4[%add3A_469, %dma_start3A_470] : memref<102400x128xf32, #tpu.memory_space<hbm>> -> memref<128x128xf32, #tpu.memory_space<hbm>>
    %dma_start3A_472 = arith.constant 0 : i32
    %dma_start3A_473 = tpu.memref_slice %arg4[%add3A_469, %dma_start3A_472] : memref<102400x128xf32, #tpu.memory_space<hbm>> -> memref<128x128xf32, #tpu.memory_space<hbm>>
    tpu.enqueue_dma source(%arg9 : memref<128x128xf32, #tpu.memory_space<vmem>>) target(%dma_start3A_473 : memref<128x128xf32, #tpu.memory_space<hbm>>) target_semaphore(%arg17 : memref<!tpu.dma_semaphore, #tpu.memory_space<semaphore_mem>>)
    %dma_wait3A_474 = arith.constant 0 : i32
    %dma_wait3A_475 = tpu.memref_slice %arg5[%dma_wait3A_474] : memref<3200xi32, #tpu.memory_space<vmem>> -> memref<128xi32, #tpu.memory_space<vmem>>
    %dma_wait3A_476 = arith.constant 0 : i32
    %dma_wait3A_477 = arith.constant 0 : i32
    %dma_wait3A_478 = tpu.memref_slice %arg2[%dma_wait3A_476, %dma_wait3A_477] : memref<1000x128xf32, #tpu.memory_space<hbm>> -> memref<1000x128xf32, #tpu.memory_space<hbm>>
    tpu.wait_indirect_dma semaphore(%arg10 : memref<!tpu.dma_semaphore, #tpu.memory_space<semaphore_mem>>) src(%dma_wait3A_478 : memref<1000x128xf32, #tpu.memory_space<hbm>>) dst(%arg6 : memref<128x128xf32, #tpu.memory_space<vmem>>)
    %add3A_479 = arith.constant 3072 : i32
    %add3A_480 = arith.addi %mul3A_2, %add3A_479 : i32
    %dma_start3A_481 = arith.constant 0 : i32
    %dma_start3A_482 = tpu.memref_slice %arg4[%add3A_480, %dma_start3A_481] : memref<102400x128xf32, #tpu.memory_space<hbm>> -> memref<128x128xf32, #tpu.memory_space<hbm>>
    %dma_start3A_483 = arith.constant 0 : i32
    %dma_start3A_484 = tpu.memref_slice %arg4[%add3A_480, %dma_start3A_483] : memref<102400x128xf32, #tpu.memory_space<hbm>> -> memref<128x128xf32, #tpu.memory_space<hbm>>
    tpu.enqueue_dma source(%arg6 : memref<128x128xf32, #tpu.memory_space<vmem>>) target(%dma_start3A_484 : memref<128x128xf32, #tpu.memory_space<hbm>>) target_semaphore(%arg14 : memref<!tpu.dma_semaphore, #tpu.memory_space<semaphore_mem>>)
    %dma_wait3A_485 = arith.constant 0 : i32
    %dma_wait3A_486 = tpu.memref_slice %arg4[%mul3A_2, %dma_wait3A_485] : memref<102400x128xf32, #tpu.memory_space<hbm>> -> memref<128x128xf32, #tpu.memory_space<hbm>>
    %dma_wait3A_487 = arith.constant 0 : i32
    %dma_wait3A_488 = tpu.memref_slice %arg4[%mul3A_2, %dma_wait3A_487] : memref<102400x128xf32, #tpu.memory_space<hbm>> -> memref<128x128xf32, #tpu.memory_space<hbm>>
    tpu.wait_dma2 semaphore(%arg14 : memref<!tpu.dma_semaphore, #tpu.memory_space<semaphore_mem>>) src(%arg6 : memref<128x128xf32, #tpu.memory_space<vmem>>) dst(%dma_wait3A_488 : memref<128x128xf32, #tpu.memory_space<hbm>>)
    %dma_wait3A_489 = arith.constant 0 : i32
    %dma_wait3A_490 = tpu.memref_slice %arg4[%mul3A_2, %dma_wait3A_489] : memref<102400x128xf32, #tpu.memory_space<hbm>> -> memref<128x128xf32, #tpu.memory_space<hbm>>
    %dma_wait3A_491 = arith.constant 0 : i32
    %dma_wait3A_492 = tpu.memref_slice %arg4[%mul3A_2, %dma_wait3A_491] : memref<102400x128xf32, #tpu.memory_space<hbm>> -> memref<128x128xf32, #tpu.memory_space<hbm>>
    tpu.wait_dma2 semaphore(%arg15 : memref<!tpu.dma_semaphore, #tpu.memory_space<semaphore_mem>>) src(%arg7 : memref<128x128xf32, #tpu.memory_space<vmem>>) dst(%dma_wait3A_492 : memref<128x128xf32, #tpu.memory_space<hbm>>)
    %dma_wait3A_493 = arith.constant 0 : i32
    %dma_wait3A_494 = tpu.memref_slice %arg4[%mul3A_2, %dma_wait3A_493] : memref<102400x128xf32, #tpu.memory_space<hbm>> -> memref<128x128xf32, #tpu.memory_space<hbm>>
    %dma_wait3A_495 = arith.constant 0 : i32
    %dma_wait3A_496 = tpu.memref_slice %arg4[%mul3A_2, %dma_wait3A_495] : memref<102400x128xf32, #tpu.memory_space<hbm>> -> memref<128x128xf32, #tpu.memory_space<hbm>>
    tpu.wait_dma2 semaphore(%arg16 : memref<!tpu.dma_semaphore, #tpu.memory_space<semaphore_mem>>) src(%arg8 : memref<128x128xf32, #tpu.memory_space<vmem>>) dst(%dma_wait3A_496 : memref<128x128xf32, #tpu.memory_space<hbm>>)
    %dma_wait3A_497 = arith.constant 0 : i32
    %dma_wait3A_498 = tpu.memref_slice %arg4[%mul3A_2, %dma_wait3A_497] : memref<102400x128xf32, #tpu.memory_space<hbm>> -> memref<128x128xf32, #tpu.memory_space<hbm>>
    %dma_wait3A_499 = arith.constant 0 : i32
    %dma_wait3A_500 = tpu.memref_slice %arg4[%mul3A_2, %dma_wait3A_499] : memref<102400x128xf32, #tpu.memory_space<hbm>> -> memref<128x128xf32, #tpu.memory_space<hbm>>
    tpu.wait_dma2 semaphore(%arg17 : memref<!tpu.dma_semaphore, #tpu.memory_space<semaphore_mem>>) src(%arg9 : memref<128x128xf32, #tpu.memory_space<vmem>>) dst(%dma_wait3A_500 : memref<128x128xf32, #tpu.memory_space<hbm>>)
    return
  }
}

#map = affine_map<(d0, d1) -> (0, 0)>
#map1 = affine_map<(d0, d1) -> (0)>
module attributes {stable_mosaic.version = 14 : i64} {
  func.func @sc_gather(%arg0: i32, %arg1: i32, %arg2: memref<1000x128xf32, #tpu.memory_space<hbm>>, %arg3: memref<102400xi32, #tpu.memory_space<hbm>>, %arg4: memref<102400x128xf32, #tpu.memory_space<hbm>>, %arg5: memref<3200xi32, #tpu.memory_space<vmem>>, %arg6: memref<128x128xf32, #tpu.memory_space<vmem>>, %arg7: memref<128x128xf32, #tpu.memory_space<vmem>>, %arg8: memref<128x128xf32, #tpu.memory_space<vmem>>, %arg9: memref<128x128xf32, #tpu.memory_space<vmem>>, %arg10: memref<!tpu.dma_semaphore, #tpu.memory_space<semaphore_mem>>, %arg11: memref<!tpu.dma_semaphore, #tpu.memory_space<semaphore_mem>>, %arg12: memref<!tpu.dma_semaphore, #tpu.memory_space<semaphore_mem>>, %arg13: memref<!tpu.dma_semaphore, #tpu.memory_space<semaphore_mem>>, %arg14: memref<!tpu.dma_semaphore, #tpu.memory_space<semaphore_mem>>, %arg15: memref<!tpu.dma_semaphore, #tpu.memory_space<semaphore_mem>>, %arg16: memref<!tpu.dma_semaphore, #tpu.memory_space<semaphore_mem>>, %arg17: memref<!tpu.dma_semaphore, #tpu.memory_space<semaphore_mem>>) attributes {dimension_semantics = [#tpu.dimension_semantics<core_parallel>, #tpu.dimension_semantics<subcore_parallel>], iteration_bounds = array<i64: 2, 16>, scalar_prefetch = 0 : i64, scratch_operands = 13 : i64, tpu.core_type = #tpu.core_type<sc_vector_subcore>, window_params = [{transform_indices = #map}, {transform_indices = #map1}, {transform_indices = #map}]} {
    %mul3A = arith.constant 2 : i32
    %mul3A_0 = arith.muli %arg1, %mul3A : i32
    %add3A = arith.addi %mul3A_0, %arg0 : i32
    %mul3A_1 = arith.constant 3200 : i32
    %mul3A_2 = arith.muli %add3A, %mul3A_1 : i32
    "tpu.region"() ({
      %run_scoped3A = tpu.sem_alloc : memref<!tpu.dma_semaphore, #tpu.memory_space<semaphore_mem>>
      %dma_start3A_501 = tpu.memref_slice %arg3[%mul3A_2] : memref<102400xi32, #tpu.memory_space<hbm>> -> memref<3200xi32, #tpu.memory_space<hbm>>
      %dma_start3A_502 = tpu.memref_slice %arg3[%mul3A_2] : memref<102400xi32, #tpu.memory_space<hbm>> -> memref<3200xi32, #tpu.memory_space<hbm>>
      tpu.enqueue_dma source(%dma_start3A_502 : memref<3200xi32, #tpu.memory_space<hbm>>) target(%arg5 : memref<3200xi32, #tpu.memory_space<vmem>>) target_semaphore(%run_scoped3A : memref<!tpu.dma_semaphore, #tpu.memory_space<semaphore_mem>>)
      %dma_wait3A_503 = tpu.memref_slice %arg3[%mul3A_2] : memref<102400xi32, #tpu.memory_space<hbm>> -> memref<3200xi32, #tpu.memory_space<hbm>>
      %dma_wait3A_504 = tpu.memref_slice %arg3[%mul3A_2] : memref<102400xi32, #tpu.memory_space<hbm>> -> memref<3200xi32, #tpu.memory_space<hbm>>
      tpu.wait_dma2 semaphore(%run_scoped3A : memref<!tpu.dma_semaphore, #tpu.memory_space<semaphore_mem>>) src(%dma_wait3A_504 : memref<3200xi32, #tpu.memory_space<hbm>>) dst(%arg5 : memref<3200xi32, #tpu.memory_space<vmem>>)
      tpu.yield
    }) : () -> ()
    %dma_start3A = arith.constant 0 : i32
    %dma_start3A_3 = tpu.memref_slice %arg5[%dma_start3A] : memref<3200xi32, #tpu.memory_space<vmem>> -> memref<128xi32, #tpu.memory_space<vmem>>
    %dma_start3A_4 = arith.constant 0 : i32
    %dma_start3A_5 = arith.constant 0 : i32
    %dma_start3A_6 = tpu.memref_slice %arg2[%dma_start3A_4, %dma_start3A_5] : memref<1000x128xf32, #tpu.memory_space<hbm>> -> memref<1000x128xf32, #tpu.memory_space<hbm>>
    tpu.enqueue_indirect_dma source(%dma_start3A_6 : memref<1000x128xf32, #tpu.memory_space<hbm>>) target(%arg6 : memref<128x128xf32, #tpu.memory_space<vmem>>) offsets(%dma_start3A_3 : memref<128xi32, #tpu.memory_space<vmem>>) semaphore(%arg10 : memref<!tpu.dma_semaphore, #tpu.memory_space<semaphore_mem>>)
    %dma_start3A_7 = arith.constant 128 : i32
    %dma_start3A_8 = tpu.memref_slice %arg5[%dma_start3A_7] : memref<3200xi32, #tpu.memory_space<vmem>> -> memref<128xi32, #tpu.memory_space<vmem>>
    %dma_start3A_9 = arith.constant 0 : i32
    %dma_start3A_10 = arith.constant 0 : i32
    %dma_start3A_11 = tpu.memref_slice %arg2[%dma_start3A_9, %dma_start3A_10] : memref<1000x128xf32, #tpu.memory_space<hbm>> -> memref<1000x128xf32, #tpu.memory_space<hbm>>
    tpu.enqueue_indirect_dma source(%dma_start3A_11 : memref<1000x128xf32, #tpu.memory_space<hbm>>) target(%arg7 : memref<128x128xf32, #tpu.memory_space<vmem>>) offsets(%dma_start3A_8 : memref<128xi32, #tpu.memory_space<vmem>>) semaphore(%arg11 : memref<!tpu.dma_semaphore, #tpu.memory_space<semaphore_mem>>)
    %dma_start3A_12 = arith.constant 256 : i32
    %dma_start3A_13 = tpu.memref_slice %arg5[%dma_start3A_12] : memref<3200xi32, #tpu.memory_space<vmem>> -> memref<128xi32, #tpu.memory_space<vmem>>
    %dma_start3A_14 = arith.constant 0 : i32
    %dma_start3A_15 = arith.constant 0 : i32
    %dma_start3A_16 = tpu.memref_slice %arg2[%dma_start3A_14, %dma_start3A_15] : memref<1000x128xf32, #tpu.memory_space<hbm>> -> memref<1000x128xf32, #tpu.memory_space<hbm>>
    tpu.enqueue_indirect_dma source(%dma_start3A_16 : memref<1000x128xf32, #tpu.memory_space<hbm>>) target(%arg8 : memref<128x128xf32, #tpu.memory_space<vmem>>) offsets(%dma_start3A_13 : memref<128xi32, #tpu.memory_space<vmem>>) semaphore(%arg12 : memref<!tpu.dma_semaphore, #tpu.memory_space<semaphore_mem>>)
    %dma_start3A_17 = arith.constant 384 : i32
    %dma_start3A_18 = tpu.memref_slice %arg5[%dma_start3A_17] : memref<3200xi32, #tpu.memory_space<vmem>> -> memref<128xi32, #tpu.memory_space<vmem>>
    %dma_start3A_19 = arith.constant 0 : i32
    %dma_start3A_20 = arith.constant 0 : i32
    %dma_start3A_21 = tpu.memref_slice %arg2[%dma_start3A_19, %dma_start3A_20] : memref<1000x128xf32, #tpu.memory_space<hbm>> -> memref<1000x128xf32, #tpu.memory_space<hbm>>
    tpu.enqueue_indirect_dma source(%dma_start3A_21 : memref<1000x128xf32, #tpu.memory_space<hbm>>) target(%arg9 : memref<128x128xf32, #tpu.memory_space<vmem>>) offsets(%dma_start3A_18 : memref<128xi32, #tpu.memory_space<vmem>>) semaphore(%arg13 : memref<!tpu.dma_semaphore, #tpu.memory_space<semaphore_mem>>)
    %dma_wait3A = arith.constant 0 : i32
    %dma_wait3A_22 = tpu.memref_slice %arg5[%dma_wait3A] : memref<3200xi32, #tpu.memory_space<vmem>> -> memref<128xi32, #tpu.memory_space<vmem>>
    %dma_wait3A_23 = arith.constant 0 : i32
    %dma_wait3A_24 = arith.constant 0 : i32
    %dma_wait3A_25 = tpu.memref_slice %arg2[%dma_wait3A_23, %dma_wait3A_24] : memref<1000x128xf32, #tpu.memory_space<hbm>> -> memref<1000x128xf32, #tpu.memory_space<hbm>>
    tpu.wait_indirect_dma semaphore(%arg10 : memref<!tpu.dma_semaphore, #tpu.memory_space<semaphore_mem>>) src(%dma_wait3A_25 : memref<1000x128xf32, #tpu.memory_space<hbm>>) dst(%arg6 : memref<128x128xf32, #tpu.memory_space<vmem>>)
    %add3A_26 = arith.constant 0 : i32
    %add3A_27 = arith.addi %mul3A_2, %add3A_26 : i32
    %dma_start3A_28 = arith.constant 0 : i32
    %dma_start3A_29 = tpu.memref_slice %arg4[%add3A_27, %dma_start3A_28] : memref<102400x128xf32, #tpu.memory_space<hbm>> -> memref<128x128xf32, #tpu.memory_space<hbm>>
    %dma_start3A_30 = arith.constant 0 : i32
    %dma_start3A_31 = tpu.memref_slice %arg4[%add3A_27, %dma_start3A_30] : memref<102400x128xf32, #tpu.memory_space<hbm>> -> memref<128x128xf32, #tpu.memory_space<hbm>>
    tpu.enqueue_dma source(%arg6 : memref<128x128xf32, #tpu.memory_space<vmem>>) target(%dma_start3A_31 : memref<128x128xf32, #tpu.memory_space<hbm>>) target_semaphore(%arg14 : memref<!tpu.dma_semaphore, #tpu.memory_space<semaphore_mem>>)
    %dma_wait3A_32 = arith.constant 0 : i32
    %dma_wait3A_33 = tpu.memref_slice %arg4[%mul3A_2, %dma_wait3A_32] : memref<102400x128xf32, #tpu.memory_space<hbm>> -> memref<128x128xf32, #tpu.memory_space<hbm>>
    %dma_wait3A_34 = arith.constant 0 : i32
    %dma_wait3A_35 = tpu.memref_slice %arg4[%mul3A_2, %dma_wait3A_34] : memref<102400x128xf32, #tpu.memory_space<hbm>> -> memref<128x128xf32, #tpu.memory_space<hbm>>
    tpu.wait_dma2 semaphore(%arg14 : memref<!tpu.dma_semaphore, #tpu.memory_space<semaphore_mem>>) src(%arg6 : memref<128x128xf32, #tpu.memory_space<vmem>>) dst(%dma_wait3A_35 : memref<128x128xf32, #tpu.memory_space<hbm>>)
    %dma_start3A_36 = arith.constant 512 : i32
    %dma_start3A_37 = tpu.memref_slice %arg5[%dma_start3A_36] : memref<3200xi32, #tpu.memory_space<vmem>> -> memref<128xi32, #tpu.memory_space<vmem>>
    %dma_start3A_38 = arith.constant 0 : i32
    %dma_start3A_39 = arith.constant 0 : i32
    %dma_start3A_40 = tpu.memref_slice %arg2[%dma_start3A_38, %dma_start3A_39] : memref<1000x128xf32, #tpu.memory_space<hbm>> -> memref<1000x128xf32, #tpu.memory_space<hbm>>
    tpu.enqueue_indirect_dma source(%dma_start3A_40 : memref<1000x128xf32, #tpu.memory_space<hbm>>) target(%arg6 : memref<128x128xf32, #tpu.memory_space<vmem>>) offsets(%dma_start3A_37 : memref<128xi32, #tpu.memory_space<vmem>>) semaphore(%arg10 : memref<!tpu.dma_semaphore, #tpu.memory_space<semaphore_mem>>)
    %dma_wait3A_41 = arith.constant 0 : i32
    %dma_wait3A_42 = tpu.memref_slice %arg5[%dma_wait3A_41] : memref<3200xi32, #tpu.memory_space<vmem>> -> memref<128xi32, #tpu.memory_space<vmem>>
    %dma_wait3A_43 = arith.constant 0 : i32
    %dma_wait3A_44 = arith.constant 0 : i32
    %dma_wait3A_45 = tpu.memref_slice %arg2[%dma_wait3A_43, %dma_wait3A_44] : memref<1000x128xf32, #tpu.memory_space<hbm>> -> memref<1000x128xf32, #tpu.memory_space<hbm>>
    tpu.wait_indirect_dma semaphore(%arg11 : memref<!tpu.dma_semaphore, #tpu.memory_space<semaphore_mem>>) src(%dma_wait3A_45 : memref<1000x128xf32, #tpu.memory_space<hbm>>) dst(%arg7 : memref<128x128xf32, #tpu.memory_space<vmem>>)
    %add3A_46 = arith.constant 128 : i32
    %add3A_47 = arith.addi %mul3A_2, %add3A_46 : i32
    %dma_start3A_48 = arith.constant 0 : i32
    %dma_start3A_49 = tpu.memref_slice %arg4[%add3A_47, %dma_start3A_48] : memref<102400x128xf32, #tpu.memory_space<hbm>> -> memref<128x128xf32, #tpu.memory_space<hbm>>
    %dma_start3A_50 = arith.constant 0 : i32
    %dma_start3A_51 = tpu.memref_slice %arg4[%add3A_47, %dma_start3A_50] : memref<102400x128xf32, #tpu.memory_space<hbm>> -> memref<128x128xf32, #tpu.memory_space<hbm>>
    tpu.enqueue_dma source(%arg7 : memref<128x128xf32, #tpu.memory_space<vmem>>) target(%dma_start3A_51 : memref<128x128xf32, #tpu.memory_space<hbm>>) target_semaphore(%arg15 : memref<!tpu.dma_semaphore, #tpu.memory_space<semaphore_mem>>)
    %dma_wait3A_52 = arith.constant 0 : i32
    %dma_wait3A_53 = tpu.memref_slice %arg4[%mul3A_2, %dma_wait3A_52] : memref<102400x128xf32, #tpu.memory_space<hbm>> -> memref<128x128xf32, #tpu.memory_space<hbm>>
    %dma_wait3A_54 = arith.constant 0 : i32
    %dma_wait3A_55 = tpu.memref_slice %arg4[%mul3A_2, %dma_wait3A_54] : memref<102400x128xf32, #tpu.memory_space<hbm>> -> memref<128x128xf32, #tpu.memory_space<hbm>>
    tpu.wait_dma2 semaphore(%arg15 : memref<!tpu.dma_semaphore, #tpu.memory_space<semaphore_mem>>) src(%arg7 : memref<128x128xf32, #tpu.memory_space<vmem>>) dst(%dma_wait3A_55 : memref<128x128xf32, #tpu.memory_space<hbm>>)
    %dma_start3A_56 = arith.constant 640 : i32
    %dma_start3A_57 = tpu.memref_slice %arg5[%dma_start3A_56] : memref<3200xi32, #tpu.memory_space<vmem>> -> memref<128xi32, #tpu.memory_space<vmem>>
    %dma_start3A_58 = arith.constant 0 : i32
    %dma_start3A_59 = arith.constant 0 : i32
    %dma_start3A_60 = tpu.memref_slice %arg2[%dma_start3A_58, %dma_start3A_59] : memref<1000x128xf32, #tpu.memory_space<hbm>> -> memref<1000x128xf32, #tpu.memory_space<hbm>>
    tpu.enqueue_indirect_dma source(%dma_start3A_60 : memref<1000x128xf32, #tpu.memory_space<hbm>>) target(%arg7 : memref<128x128xf32, #tpu.memory_space<vmem>>) offsets(%dma_start3A_57 : memref<128xi32, #tpu.memory_space<vmem>>) semaphore(%arg11 : memref<!tpu.dma_semaphore, #tpu.memory_space<semaphore_mem>>)
    %dma_wait3A_61 = arith.constant 0 : i32
    %dma_wait3A_62 = tpu.memref_slice %arg5[%dma_wait3A_61] : memref<3200xi32, #tpu.memory_space<vmem>> -> memref<128xi32, #tpu.memory_space<vmem>>
    %dma_wait3A_63 = arith.constant 0 : i32
    %dma_wait3A_64 = arith.constant 0 : i32
    %dma_wait3A_65 = tpu.memref_slice %arg2[%dma_wait3A_63, %dma_wait3A_64] : memref<1000x128xf32, #tpu.memory_space<hbm>> -> memref<1000x128xf32, #tpu.memory_space<hbm>>
    tpu.wait_indirect_dma semaphore(%arg12 : memref<!tpu.dma_semaphore, #tpu.memory_space<semaphore_mem>>) src(%dma_wait3A_65 : memref<1000x128xf32, #tpu.memory_space<hbm>>) dst(%arg8 : memref<128x128xf32, #tpu.memory_space<vmem>>)
    %add3A_66 = arith.constant 256 : i32
    %add3A_67 = arith.addi %mul3A_2, %add3A_66 : i32
    %dma_start3A_68 = arith.constant 0 : i32
    %dma_start3A_69 = tpu.memref_slice %arg4[%add3A_67, %dma_start3A_68] : memref<102400x128xf32, #tpu.memory_space<hbm>> -> memref<128x128xf32, #tpu.memory_space<hbm>>
    %dma_start3A_70 = arith.constant 0 : i32
    %dma_start3A_71 = tpu.memref_slice %arg4[%add3A_67, %dma_start3A_70] : memref<102400x128xf32, #tpu.memory_space<hbm>> -> memref<128x128xf32, #tpu.memory_space<hbm>>
    tpu.enqueue_dma source(%arg8 : memref<128x128xf32, #tpu.memory_space<vmem>>) target(%dma_start3A_71 : memref<128x128xf32, #tpu.memory_space<hbm>>) target_semaphore(%arg16 : memref<!tpu.dma_semaphore, #tpu.memory_space<semaphore_mem>>)
    %dma_wait3A_72 = arith.constant 0 : i32
    %dma_wait3A_73 = tpu.memref_slice %arg4[%mul3A_2, %dma_wait3A_72] : memref<102400x128xf32, #tpu.memory_space<hbm>> -> memref<128x128xf32, #tpu.memory_space<hbm>>
    %dma_wait3A_74 = arith.constant 0 : i32
    %dma_wait3A_75 = tpu.memref_slice %arg4[%mul3A_2, %dma_wait3A_74] : memref<102400x128xf32, #tpu.memory_space<hbm>> -> memref<128x128xf32, #tpu.memory_space<hbm>>
    tpu.wait_dma2 semaphore(%arg16 : memref<!tpu.dma_semaphore, #tpu.memory_space<semaphore_mem>>) src(%arg8 : memref<128x128xf32, #tpu.memory_space<vmem>>) dst(%dma_wait3A_75 : memref<128x128xf32, #tpu.memory_space<hbm>>)
    %dma_start3A_76 = arith.constant 768 : i32
    %dma_start3A_77 = tpu.memref_slice %arg5[%dma_start3A_76] : memref<3200xi32, #tpu.memory_space<vmem>> -> memref<128xi32, #tpu.memory_space<vmem>>
    %dma_start3A_78 = arith.constant 0 : i32
    %dma_start3A_79 = arith.constant 0 : i32
    %dma_start3A_80 = tpu.memref_slice %arg2[%dma_start3A_78, %dma_start3A_79] : memref<1000x128xf32, #tpu.memory_space<hbm>> -> memref<1000x128xf32, #tpu.memory_space<hbm>>
    tpu.enqueue_indirect_dma source(%dma_start3A_80 : memref<1000x128xf32, #tpu.memory_space<hbm>>) target(%arg8 : memref<128x128xf32, #tpu.memory_space<vmem>>) offsets(%dma_start3A_77 : memref<128xi32, #tpu.memory_space<vmem>>) semaphore(%arg12 : memref<!tpu.dma_semaphore, #tpu.memory_space<semaphore_mem>>)
    %dma_wait3A_81 = arith.constant 0 : i32
    %dma_wait3A_82 = tpu.memref_slice %arg5[%dma_wait3A_81] : memref<3200xi32, #tpu.memory_space<vmem>> -> memref<128xi32, #tpu.memory_space<vmem>>
    %dma_wait3A_83 = arith.constant 0 : i32
    %dma_wait3A_84 = arith.constant 0 : i32
    %dma_wait3A_85 = tpu.memref_slice %arg2[%dma_wait3A_83, %dma_wait3A_84] : memref<1000x128xf32, #tpu.memory_space<hbm>> -> memref<1000x128xf32, #tpu.memory_space<hbm>>
    tpu.wait_indirect_dma semaphore(%arg13 : memref<!tpu.dma_semaphore, #tpu.memory_space<semaphore_mem>>) src(%dma_wait3A_85 : memref<1000x128xf32, #tpu.memory_space<hbm>>) dst(%arg9 : memref<128x128xf32, #tpu.memory_space<vmem>>)
    %add3A_86 = arith.constant 384 : i32
    %add3A_87 = arith.addi %mul3A_2, %add3A_86 : i32
    %dma_start3A_88 = arith.constant 0 : i32
    %dma_start3A_89 = tpu.memref_slice %arg4[%add3A_87, %dma_start3A_88] : memref<102400x128xf32, #tpu.memory_space<hbm>> -> memref<128x128xf32, #tpu.memory_space<hbm>>
    %dma_start3A_90 = arith.constant 0 : i32
    %dma_start3A_91 = tpu.memref_slice %arg4[%add3A_87, %dma_start3A_90] : memref<102400x128xf32, #tpu.memory_space<hbm>> -> memref<128x128xf32, #tpu.memory_space<hbm>>
    tpu.enqueue_dma source(%arg9 : memref<128x128xf32, #tpu.memory_space<vmem>>) target(%dma_start3A_91 : memref<128x128xf32, #tpu.memory_space<hbm>>) target_semaphore(%arg17 : memref<!tpu.dma_semaphore, #tpu.memory_space<semaphore_mem>>)
    %dma_wait3A_92 = arith.constant 0 : i32
    %dma_wait3A_93 = tpu.memref_slice %arg4[%mul3A_2, %dma_wait3A_92] : memref<102400x128xf32, #tpu.memory_space<hbm>> -> memref<128x128xf32, #tpu.memory_space<hbm>>
    %dma_wait3A_94 = arith.constant 0 : i32
    %dma_wait3A_95 = tpu.memref_slice %arg4[%mul3A_2, %dma_wait3A_94] : memref<102400x128xf32, #tpu.memory_space<hbm>> -> memref<128x128xf32, #tpu.memory_space<hbm>>
    tpu.wait_dma2 semaphore(%arg17 : memref<!tpu.dma_semaphore, #tpu.memory_space<semaphore_mem>>) src(%arg9 : memref<128x128xf32, #tpu.memory_space<vmem>>) dst(%dma_wait3A_95 : memref<128x128xf32, #tpu.memory_space<hbm>>)
    %dma_start3A_96 = arith.constant 896 : i32
    %dma_start3A_97 = tpu.memref_slice %arg5[%dma_start3A_96] : memref<3200xi32, #tpu.memory_space<vmem>> -> memref<128xi32, #tpu.memory_space<vmem>>
    %dma_start3A_98 = arith.constant 0 : i32
    %dma_start3A_99 = arith.constant 0 : i32
    %dma_start3A_100 = tpu.memref_slice %arg2[%dma_start3A_98, %dma_start3A_99] : memref<1000x128xf32, #tpu.memory_space<hbm>> -> memref<1000x128xf32, #tpu.memory_space<hbm>>
    tpu.enqueue_indirect_dma source(%dma_start3A_100 : memref<1000x128xf32, #tpu.memory_space<hbm>>) target(%arg9 : memref<128x128xf32, #tpu.memory_space<vmem>>) offsets(%dma_start3A_97 : memref<128xi32, #tpu.memory_space<vmem>>) semaphore(%arg13 : memref<!tpu.dma_semaphore, #tpu.memory_space<semaphore_mem>>)
    %dma_wait3A_101 = arith.constant 0 : i32
    %dma_wait3A_102 = tpu.memref_slice %arg5[%dma_wait3A_101] : memref<3200xi32, #tpu.memory_space<vmem>> -> memref<128xi32, #tpu.memory_space<vmem>>
    %dma_wait3A_103 = arith.constant 0 : i32
    %dma_wait3A_104 = arith.constant 0 : i32
    %dma_wait3A_105 = tpu.memref_slice %arg2[%dma_wait3A_103, %dma_wait3A_104] : memref<1000x128xf32, #tpu.memory_space<hbm>> -> memref<1000x128xf32, #tpu.memory_space<hbm>>
    tpu.wait_indirect_dma semaphore(%arg10 : memref<!tpu.dma_semaphore, #tpu.memory_space<semaphore_mem>>) src(%dma_wait3A_105 : memref<1000x128xf32, #tpu.memory_space<hbm>>) dst(%arg6 : memref<128x128xf32, #tpu.memory_space<vmem>>)
    %add3A_106 = arith.constant 512 : i32
    %add3A_107 = arith.addi %mul3A_2, %add3A_106 : i32
    %dma_start3A_108 = arith.constant 0 : i32
    %dma_start3A_109 = tpu.memref_slice %arg4[%add3A_107, %dma_start3A_108] : memref<102400x128xf32, #tpu.memory_space<hbm>> -> memref<128x128xf32, #tpu.memory_space<hbm>>
    %dma_start3A_110 = arith.constant 0 : i32
    %dma_start3A_111 = tpu.memref_slice %arg4[%add3A_107, %dma_start3A_110] : memref<102400x128xf32, #tpu.memory_space<hbm>> -> memref<128x128xf32, #tpu.memory_space<hbm>>
    tpu.enqueue_dma source(%arg6 : memref<128x128xf32, #tpu.memory_space<vmem>>) target(%dma_start3A_111 : memref<128x128xf32, #tpu.memory_space<hbm>>) target_semaphore(%arg14 : memref<!tpu.dma_semaphore, #tpu.memory_space<semaphore_mem>>)
    %dma_wait3A_112 = arith.constant 0 : i32
    %dma_wait3A_113 = tpu.memref_slice %arg4[%mul3A_2, %dma_wait3A_112] : memref<102400x128xf32, #tpu.memory_space<hbm>> -> memref<128x128xf32, #tpu.memory_space<hbm>>
    %dma_wait3A_114 = arith.constant 0 : i32
    %dma_wait3A_115 = tpu.memref_slice %arg4[%mul3A_2, %dma_wait3A_114] : memref<102400x128xf32, #tpu.memory_space<hbm>> -> memref<128x128xf32, #tpu.memory_space<hbm>>
    tpu.wait_dma2 semaphore(%arg14 : memref<!tpu.dma_semaphore, #tpu.memory_space<semaphore_mem>>) src(%arg6 : memref<128x128xf32, #tpu.memory_space<vmem>>) dst(%dma_wait3A_115 : memref<128x128xf32, #tpu.memory_space<hbm>>)
    %dma_start3A_116 = arith.constant 1024 : i32
    %dma_start3A_117 = tpu.memref_slice %arg5[%dma_start3A_116] : memref<3200xi32, #tpu.memory_space<vmem>> -> memref<128xi32, #tpu.memory_space<vmem>>
    %dma_start3A_118 = arith.constant 0 : i32
    %dma_start3A_119 = arith.constant 0 : i32
    %dma_start3A_120 = tpu.memref_slice %arg2[%dma_start3A_118, %dma_start3A_119] : memref<1000x128xf32, #tpu.memory_space<hbm>> -> memref<1000x128xf32, #tpu.memory_space<hbm>>
    tpu.enqueue_indirect_dma source(%dma_start3A_120 : memref<1000x128xf32, #tpu.memory_space<hbm>>) target(%arg6 : memref<128x128xf32, #tpu.memory_space<vmem>>) offsets(%dma_start3A_117 : memref<128xi32, #tpu.memory_space<vmem>>) semaphore(%arg10 : memref<!tpu.dma_semaphore, #tpu.memory_space<semaphore_mem>>)
    %dma_wait3A_121 = arith.constant 0 : i32
    %dma_wait3A_122 = tpu.memref_slice %arg5[%dma_wait3A_121] : memref<3200xi32, #tpu.memory_space<vmem>> -> memref<128xi32, #tpu.memory_space<vmem>>
    %dma_wait3A_123 = arith.constant 0 : i32
    %dma_wait3A_124 = arith.constant 0 : i32
    %dma_wait3A_125 = tpu.memref_slice %arg2[%dma_wait3A_123, %dma_wait3A_124] : memref<1000x128xf32, #tpu.memory_space<hbm>> -> memref<1000x128xf32, #tpu.memory_space<hbm>>
    tpu.wait_indirect_dma semaphore(%arg11 : memref<!tpu.dma_semaphore, #tpu.memory_space<semaphore_mem>>) src(%dma_wait3A_125 : memref<1000x128xf32, #tpu.memory_space<hbm>>) dst(%arg7 : memref<128x128xf32, #tpu.memory_space<vmem>>)
    %add3A_126 = arith.constant 640 : i32
    %add3A_127 = arith.addi %mul3A_2, %add3A_126 : i32
    %dma_start3A_128 = arith.constant 0 : i32
    %dma_start3A_129 = tpu.memref_slice %arg4[%add3A_127, %dma_start3A_128] : memref<102400x128xf32, #tpu.memory_space<hbm>> -> memref<128x128xf32, #tpu.memory_space<hbm>>
    %dma_start3A_130 = arith.constant 0 : i32
    %dma_start3A_131 = tpu.memref_slice %arg4[%add3A_127, %dma_start3A_130] : memref<102400x128xf32, #tpu.memory_space<hbm>> -> memref<128x128xf32, #tpu.memory_space<hbm>>
    tpu.enqueue_dma source(%arg7 : memref<128x128xf32, #tpu.memory_space<vmem>>) target(%dma_start3A_131 : memref<128x128xf32, #tpu.memory_space<hbm>>) target_semaphore(%arg15 : memref<!tpu.dma_semaphore, #tpu.memory_space<semaphore_mem>>)
    %dma_wait3A_132 = arith.constant 0 : i32
    %dma_wait3A_133 = tpu.memref_slice %arg4[%mul3A_2, %dma_wait3A_132] : memref<102400x128xf32, #tpu.memory_space<hbm>> -> memref<128x128xf32, #tpu.memory_space<hbm>>
    %dma_wait3A_134 = arith.constant 0 : i32
    %dma_wait3A_135 = tpu.memref_slice %arg4[%mul3A_2, %dma_wait3A_134] : memref<102400x128xf32, #tpu.memory_space<hbm>> -> memref<128x128xf32, #tpu.memory_space<hbm>>
    tpu.wait_dma2 semaphore(%arg15 : memref<!tpu.dma_semaphore, #tpu.memory_space<semaphore_mem>>) src(%arg7 : memref<128x128xf32, #tpu.memory_space<vmem>>) dst(%dma_wait3A_135 : memref<128x128xf32, #tpu.memory_space<hbm>>)
    %dma_start3A_136 = arith.constant 1152 : i32
    %dma_start3A_137 = tpu.memref_slice %arg5[%dma_start3A_136] : memref<3200xi32, #tpu.memory_space<vmem>> -> memref<128xi32, #tpu.memory_space<vmem>>
    %dma_start3A_138 = arith.constant 0 : i32
    %dma_start3A_139 = arith.constant 0 : i32
    %dma_start3A_140 = tpu.memref_slice %arg2[%dma_start3A_138, %dma_start3A_139] : memref<1000x128xf32, #tpu.memory_space<hbm>> -> memref<1000x128xf32, #tpu.memory_space<hbm>>
    tpu.enqueue_indirect_dma source(%dma_start3A_140 : memref<1000x128xf32, #tpu.memory_space<hbm>>) target(%arg7 : memref<128x128xf32, #tpu.memory_space<vmem>>) offsets(%dma_start3A_137 : memref<128xi32, #tpu.memory_space<vmem>>) semaphore(%arg11 : memref<!tpu.dma_semaphore, #tpu.memory_space<semaphore_mem>>)
    %dma_wait3A_141 = arith.constant 0 : i32
    %dma_wait3A_142 = tpu.memref_slice %arg5[%dma_wait3A_141] : memref<3200xi32, #tpu.memory_space<vmem>> -> memref<128xi32, #tpu.memory_space<vmem>>
    %dma_wait3A_143 = arith.constant 0 : i32
    %dma_wait3A_144 = arith.constant 0 : i32
    %dma_wait3A_145 = tpu.memref_slice %arg2[%dma_wait3A_143, %dma_wait3A_144] : memref<1000x128xf32, #tpu.memory_space<hbm>> -> memref<1000x128xf32, #tpu.memory_space<hbm>>
    tpu.wait_indirect_dma semaphore(%arg12 : memref<!tpu.dma_semaphore, #tpu.memory_space<semaphore_mem>>) src(%dma_wait3A_145 : memref<1000x128xf32, #tpu.memory_space<hbm>>) dst(%arg8 : memref<128x128xf32, #tpu.memory_space<vmem>>)
    %add3A_146 = arith.constant 768 : i32
    %add3A_147 = arith.addi %mul3A_2, %add3A_146 : i32
    %dma_start3A_148 = arith.constant 0 : i32
    %dma_start3A_149 = tpu.memref_slice %arg4[%add3A_147, %dma_start3A_148] : memref<102400x128xf32, #tpu.memory_space<hbm>> -> memref<128x128xf32, #tpu.memory_space<hbm>>
    %dma_start3A_150 = arith.constant 0 : i32
    %dma_start3A_151 = tpu.memref_slice %arg4[%add3A_147, %dma_start3A_150] : memref<102400x128xf32, #tpu.memory_space<hbm>> -> memref<128x128xf32, #tpu.memory_space<hbm>>
    tpu.enqueue_dma source(%arg8 : memref<128x128xf32, #tpu.memory_space<vmem>>) target(%dma_start3A_151 : memref<128x128xf32, #tpu.memory_space<hbm>>) target_semaphore(%arg16 : memref<!tpu.dma_semaphore, #tpu.memory_space<semaphore_mem>>)
    %dma_wait3A_152 = arith.constant 0 : i32
    %dma_wait3A_153 = tpu.memref_slice %arg4[%mul3A_2, %dma_wait3A_152] : memref<102400x128xf32, #tpu.memory_space<hbm>> -> memref<128x128xf32, #tpu.memory_space<hbm>>
    %dma_wait3A_154 = arith.constant 0 : i32
    %dma_wait3A_155 = tpu.memref_slice %arg4[%mul3A_2, %dma_wait3A_154] : memref<102400x128xf32, #tpu.memory_space<hbm>> -> memref<128x128xf32, #tpu.memory_space<hbm>>
    tpu.wait_dma2 semaphore(%arg16 : memref<!tpu.dma_semaphore, #tpu.memory_space<semaphore_mem>>) src(%arg8 : memref<128x128xf32, #tpu.memory_space<vmem>>) dst(%dma_wait3A_155 : memref<128x128xf32, #tpu.memory_space<hbm>>)
    %dma_start3A_156 = arith.constant 1280 : i32
    %dma_start3A_157 = tpu.memref_slice %arg5[%dma_start3A_156] : memref<3200xi32, #tpu.memory_space<vmem>> -> memref<128xi32, #tpu.memory_space<vmem>>
    %dma_start3A_158 = arith.constant 0 : i32
    %dma_start3A_159 = arith.constant 0 : i32
    %dma_start3A_160 = tpu.memref_slice %arg2[%dma_start3A_158, %dma_start3A_159] : memref<1000x128xf32, #tpu.memory_space<hbm>> -> memref<1000x128xf32, #tpu.memory_space<hbm>>
    tpu.enqueue_indirect_dma source(%dma_start3A_160 : memref<1000x128xf32, #tpu.memory_space<hbm>>) target(%arg8 : memref<128x128xf32, #tpu.memory_space<vmem>>) offsets(%dma_start3A_157 : memref<128xi32, #tpu.memory_space<vmem>>) semaphore(%arg12 : memref<!tpu.dma_semaphore, #tpu.memory_space<semaphore_mem>>)
    %dma_wait3A_161 = arith.constant 0 : i32
    %dma_wait3A_162 = tpu.memref_slice %arg5[%dma_wait3A_161] : memref<3200xi32, #tpu.memory_space<vmem>> -> memref<128xi32, #tpu.memory_space<vmem>>
    %dma_wait3A_163 = arith.constant 0 : i32
    %dma_wait3A_164 = arith.constant 0 : i32
    %dma_wait3A_165 = tpu.memref_slice %arg2[%dma_wait3A_163, %dma_wait3A_164] : memref<1000x128xf32, #tpu.memory_space<hbm>> -> memref<1000x128xf32, #tpu.memory_space<hbm>>
    tpu.wait_indirect_dma semaphore(%arg13 : memref<!tpu.dma_semaphore, #tpu.memory_space<semaphore_mem>>) src(%dma_wait3A_165 : memref<1000x128xf32, #tpu.memory_space<hbm>>) dst(%arg9 : memref<128x128xf32, #tpu.memory_space<vmem>>)
    %add3A_166 = arith.constant 896 : i32
    %add3A_167 = arith.addi %mul3A_2, %add3A_166 : i32
    %dma_start3A_168 = arith.constant 0 : i32
    %dma_start3A_169 = tpu.memref_slice %arg4[%add3A_167, %dma_start3A_168] : memref<102400x128xf32, #tpu.memory_space<hbm>> -> memref<128x128xf32, #tpu.memory_space<hbm>>
    %dma_start3A_170 = arith.constant 0 : i32
    %dma_start3A_171 = tpu.memref_slice %arg4[%add3A_167, %dma_start3A_170] : memref<102400x128xf32, #tpu.memory_space<hbm>> -> memref<128x128xf32, #tpu.memory_space<hbm>>
    tpu.enqueue_dma source(%arg9 : memref<128x128xf32, #tpu.memory_space<vmem>>) target(%dma_start3A_171 : memref<128x128xf32, #tpu.memory_space<hbm>>) target_semaphore(%arg17 : memref<!tpu.dma_semaphore, #tpu.memory_space<semaphore_mem>>)
    %dma_wait3A_172 = arith.constant 0 : i32
    %dma_wait3A_173 = tpu.memref_slice %arg4[%mul3A_2, %dma_wait3A_172] : memref<102400x128xf32, #tpu.memory_space<hbm>> -> memref<128x128xf32, #tpu.memory_space<hbm>>
    %dma_wait3A_174 = arith.constant 0 : i32
    %dma_wait3A_175 = tpu.memref_slice %arg4[%mul3A_2, %dma_wait3A_174] : memref<102400x128xf32, #tpu.memory_space<hbm>> -> memref<128x128xf32, #tpu.memory_space<hbm>>
    tpu.wait_dma2 semaphore(%arg17 : memref<!tpu.dma_semaphore, #tpu.memory_space<semaphore_mem>>) src(%arg9 : memref<128x128xf32, #tpu.memory_space<vmem>>) dst(%dma_wait3A_175 : memref<128x128xf32, #tpu.memory_space<hbm>>)
    %dma_start3A_176 = arith.constant 1408 : i32
    %dma_start3A_177 = tpu.memref_slice %arg5[%dma_start3A_176] : memref<3200xi32, #tpu.memory_space<vmem>> -> memref<128xi32, #tpu.memory_space<vmem>>
    %dma_start3A_178 = arith.constant 0 : i32
    %dma_start3A_179 = arith.constant 0 : i32
    %dma_start3A_180 = tpu.memref_slice %arg2[%dma_start3A_178, %dma_start3A_179] : memref<1000x128xf32, #tpu.memory_space<hbm>> -> memref<1000x128xf32, #tpu.memory_space<hbm>>
    tpu.enqueue_indirect_dma source(%dma_start3A_180 : memref<1000x128xf32, #tpu.memory_space<hbm>>) target(%arg9 : memref<128x128xf32, #tpu.memory_space<vmem>>) offsets(%dma_start3A_177 : memref<128xi32, #tpu.memory_space<vmem>>) semaphore(%arg13 : memref<!tpu.dma_semaphore, #tpu.memory_space<semaphore_mem>>)
    %dma_wait3A_181 = arith.constant 0 : i32
    %dma_wait3A_182 = tpu.memref_slice %arg5[%dma_wait3A_181] : memref<3200xi32, #tpu.memory_space<vmem>> -> memref<128xi32, #tpu.memory_space<vmem>>
    %dma_wait3A_183 = arith.constant 0 : i32
    %dma_wait3A_184 = arith.constant 0 : i32
    %dma_wait3A_185 = tpu.memref_slice %arg2[%dma_wait3A_183, %dma_wait3A_184] : memref<1000x128xf32, #tpu.memory_space<hbm>> -> memref<1000x128xf32, #tpu.memory_space<hbm>>
    tpu.wait_indirect_dma semaphore(%arg10 : memref<!tpu.dma_semaphore, #tpu.memory_space<semaphore_mem>>) src(%dma_wait3A_185 : memref<1000x128xf32, #tpu.memory_space<hbm>>) dst(%arg6 : memref<128x128xf32, #tpu.memory_space<vmem>>)
    %add3A_186 = arith.constant 1024 : i32
    %add3A_187 = arith.addi %mul3A_2, %add3A_186 : i32
    %dma_start3A_188 = arith.constant 0 : i32
    %dma_start3A_189 = tpu.memref_slice %arg4[%add3A_187, %dma_start3A_188] : memref<102400x128xf32, #tpu.memory_space<hbm>> -> memref<128x128xf32, #tpu.memory_space<hbm>>
    %dma_start3A_190 = arith.constant 0 : i32
    %dma_start3A_191 = tpu.memref_slice %arg4[%add3A_187, %dma_start3A_190] : memref<102400x128xf32, #tpu.memory_space<hbm>> -> memref<128x128xf32, #tpu.memory_space<hbm>>
    tpu.enqueue_dma source(%arg6 : memref<128x128xf32, #tpu.memory_space<vmem>>) target(%dma_start3A_191 : memref<128x128xf32, #tpu.memory_space<hbm>>) target_semaphore(%arg14 : memref<!tpu.dma_semaphore, #tpu.memory_space<semaphore_mem>>)
    %dma_wait3A_192 = arith.constant 0 : i32
    %dma_wait3A_193 = tpu.memref_slice %arg4[%mul3A_2, %dma_wait3A_192] : memref<102400x128xf32, #tpu.memory_space<hbm>> -> memref<128x128xf32, #tpu.memory_space<hbm>>
    %dma_wait3A_194 = arith.constant 0 : i32
    %dma_wait3A_195 = tpu.memref_slice %arg4[%mul3A_2, %dma_wait3A_194] : memref<102400x128xf32, #tpu.memory_space<hbm>> -> memref<128x128xf32, #tpu.memory_space<hbm>>
    tpu.wait_dma2 semaphore(%arg14 : memref<!tpu.dma_semaphore, #tpu.memory_space<semaphore_mem>>) src(%arg6 : memref<128x128xf32, #tpu.memory_space<vmem>>) dst(%dma_wait3A_195 : memref<128x128xf32, #tpu.memory_space<hbm>>)
    %dma_start3A_196 = arith.constant 1536 : i32
    %dma_start3A_197 = tpu.memref_slice %arg5[%dma_start3A_196] : memref<3200xi32, #tpu.memory_space<vmem>> -> memref<128xi32, #tpu.memory_space<vmem>>
    %dma_start3A_198 = arith.constant 0 : i32
    %dma_start3A_199 = arith.constant 0 : i32
    %dma_start3A_200 = tpu.memref_slice %arg2[%dma_start3A_198, %dma_start3A_199] : memref<1000x128xf32, #tpu.memory_space<hbm>> -> memref<1000x128xf32, #tpu.memory_space<hbm>>
    tpu.enqueue_indirect_dma source(%dma_start3A_200 : memref<1000x128xf32, #tpu.memory_space<hbm>>) target(%arg6 : memref<128x128xf32, #tpu.memory_space<vmem>>) offsets(%dma_start3A_197 : memref<128xi32, #tpu.memory_space<vmem>>) semaphore(%arg10 : memref<!tpu.dma_semaphore, #tpu.memory_space<semaphore_mem>>)
    %dma_wait3A_201 = arith.constant 0 : i32
    %dma_wait3A_202 = tpu.memref_slice %arg5[%dma_wait3A_201] : memref<3200xi32, #tpu.memory_space<vmem>> -> memref<128xi32, #tpu.memory_space<vmem>>
    %dma_wait3A_203 = arith.constant 0 : i32
    %dma_wait3A_204 = arith.constant 0 : i32
    %dma_wait3A_205 = tpu.memref_slice %arg2[%dma_wait3A_203, %dma_wait3A_204] : memref<1000x128xf32, #tpu.memory_space<hbm>> -> memref<1000x128xf32, #tpu.memory_space<hbm>>
    tpu.wait_indirect_dma semaphore(%arg11 : memref<!tpu.dma_semaphore, #tpu.memory_space<semaphore_mem>>) src(%dma_wait3A_205 : memref<1000x128xf32, #tpu.memory_space<hbm>>) dst(%arg7 : memref<128x128xf32, #tpu.memory_space<vmem>>)
    %add3A_206 = arith.constant 1152 : i32
    %add3A_207 = arith.addi %mul3A_2, %add3A_206 : i32
    %dma_start3A_208 = arith.constant 0 : i32
    %dma_start3A_209 = tpu.memref_slice %arg4[%add3A_207, %dma_start3A_208] : memref<102400x128xf32, #tpu.memory_space<hbm>> -> memref<128x128xf32, #tpu.memory_space<hbm>>
    %dma_start3A_210 = arith.constant 0 : i32
    %dma_start3A_211 = tpu.memref_slice %arg4[%add3A_207, %dma_start3A_210] : memref<102400x128xf32, #tpu.memory_space<hbm>> -> memref<128x128xf32, #tpu.memory_space<hbm>>
    tpu.enqueue_dma source(%arg7 : memref<128x128xf32, #tpu.memory_space<vmem>>) target(%dma_start3A_211 : memref<128x128xf32, #tpu.memory_space<hbm>>) target_semaphore(%arg15 : memref<!tpu.dma_semaphore, #tpu.memory_space<semaphore_mem>>)
    %dma_wait3A_212 = arith.constant 0 : i32
    %dma_wait3A_213 = tpu.memref_slice %arg4[%mul3A_2, %dma_wait3A_212] : memref<102400x128xf32, #tpu.memory_space<hbm>> -> memref<128x128xf32, #tpu.memory_space<hbm>>
    %dma_wait3A_214 = arith.constant 0 : i32
    %dma_wait3A_215 = tpu.memref_slice %arg4[%mul3A_2, %dma_wait3A_214] : memref<102400x128xf32, #tpu.memory_space<hbm>> -> memref<128x128xf32, #tpu.memory_space<hbm>>
    tpu.wait_dma2 semaphore(%arg15 : memref<!tpu.dma_semaphore, #tpu.memory_space<semaphore_mem>>) src(%arg7 : memref<128x128xf32, #tpu.memory_space<vmem>>) dst(%dma_wait3A_215 : memref<128x128xf32, #tpu.memory_space<hbm>>)
    %dma_start3A_216 = arith.constant 1664 : i32
    %dma_start3A_217 = tpu.memref_slice %arg5[%dma_start3A_216] : memref<3200xi32, #tpu.memory_space<vmem>> -> memref<128xi32, #tpu.memory_space<vmem>>
    %dma_start3A_218 = arith.constant 0 : i32
    %dma_start3A_219 = arith.constant 0 : i32
    %dma_start3A_220 = tpu.memref_slice %arg2[%dma_start3A_218, %dma_start3A_219] : memref<1000x128xf32, #tpu.memory_space<hbm>> -> memref<1000x128xf32, #tpu.memory_space<hbm>>
    tpu.enqueue_indirect_dma source(%dma_start3A_220 : memref<1000x128xf32, #tpu.memory_space<hbm>>) target(%arg7 : memref<128x128xf32, #tpu.memory_space<vmem>>) offsets(%dma_start3A_217 : memref<128xi32, #tpu.memory_space<vmem>>) semaphore(%arg11 : memref<!tpu.dma_semaphore, #tpu.memory_space<semaphore_mem>>)
    %dma_wait3A_221 = arith.constant 0 : i32
    %dma_wait3A_222 = tpu.memref_slice %arg5[%dma_wait3A_221] : memref<3200xi32, #tpu.memory_space<vmem>> -> memref<128xi32, #tpu.memory_space<vmem>>
    %dma_wait3A_223 = arith.constant 0 : i32
    %dma_wait3A_224 = arith.constant 0 : i32
    %dma_wait3A_225 = tpu.memref_slice %arg2[%dma_wait3A_223, %dma_wait3A_224] : memref<1000x128xf32, #tpu.memory_space<hbm>> -> memref<1000x128xf32, #tpu.memory_space<hbm>>
    tpu.wait_indirect_dma semaphore(%arg12 : memref<!tpu.dma_semaphore, #tpu.memory_space<semaphore_mem>>) src(%dma_wait3A_225 : memref<1000x128xf32, #tpu.memory_space<hbm>>) dst(%arg8 : memref<128x128xf32, #tpu.memory_space<vmem>>)
    %add3A_226 = arith.constant 1280 : i32
    %add3A_227 = arith.addi %mul3A_2, %add3A_226 : i32
    %dma_start3A_228 = arith.constant 0 : i32
    %dma_start3A_229 = tpu.memref_slice %arg4[%add3A_227, %dma_start3A_228] : memref<102400x128xf32, #tpu.memory_space<hbm>> -> memref<128x128xf32, #tpu.memory_space<hbm>>
    %dma_start3A_230 = arith.constant 0 : i32
    %dma_start3A_231 = tpu.memref_slice %arg4[%add3A_227, %dma_start3A_230] : memref<102400x128xf32, #tpu.memory_space<hbm>> -> memref<128x128xf32, #tpu.memory_space<hbm>>
    tpu.enqueue_dma source(%arg8 : memref<128x128xf32, #tpu.memory_space<vmem>>) target(%dma_start3A_231 : memref<128x128xf32, #tpu.memory_space<hbm>>) target_semaphore(%arg16 : memref<!tpu.dma_semaphore, #tpu.memory_space<semaphore_mem>>)
    %dma_wait3A_232 = arith.constant 0 : i32
    %dma_wait3A_233 = tpu.memref_slice %arg4[%mul3A_2, %dma_wait3A_232] : memref<102400x128xf32, #tpu.memory_space<hbm>> -> memref<128x128xf32, #tpu.memory_space<hbm>>
    %dma_wait3A_234 = arith.constant 0 : i32
    %dma_wait3A_235 = tpu.memref_slice %arg4[%mul3A_2, %dma_wait3A_234] : memref<102400x128xf32, #tpu.memory_space<hbm>> -> memref<128x128xf32, #tpu.memory_space<hbm>>
    tpu.wait_dma2 semaphore(%arg16 : memref<!tpu.dma_semaphore, #tpu.memory_space<semaphore_mem>>) src(%arg8 : memref<128x128xf32, #tpu.memory_space<vmem>>) dst(%dma_wait3A_235 : memref<128x128xf32, #tpu.memory_space<hbm>>)
    %dma_start3A_236 = arith.constant 1792 : i32
    %dma_start3A_237 = tpu.memref_slice %arg5[%dma_start3A_236] : memref<3200xi32, #tpu.memory_space<vmem>> -> memref<128xi32, #tpu.memory_space<vmem>>
    %dma_start3A_238 = arith.constant 0 : i32
    %dma_start3A_239 = arith.constant 0 : i32
    %dma_start3A_240 = tpu.memref_slice %arg2[%dma_start3A_238, %dma_start3A_239] : memref<1000x128xf32, #tpu.memory_space<hbm>> -> memref<1000x128xf32, #tpu.memory_space<hbm>>
    tpu.enqueue_indirect_dma source(%dma_start3A_240 : memref<1000x128xf32, #tpu.memory_space<hbm>>) target(%arg8 : memref<128x128xf32, #tpu.memory_space<vmem>>) offsets(%dma_start3A_237 : memref<128xi32, #tpu.memory_space<vmem>>) semaphore(%arg12 : memref<!tpu.dma_semaphore, #tpu.memory_space<semaphore_mem>>)
    %dma_wait3A_241 = arith.constant 0 : i32
    %dma_wait3A_242 = tpu.memref_slice %arg5[%dma_wait3A_241] : memref<3200xi32, #tpu.memory_space<vmem>> -> memref<128xi32, #tpu.memory_space<vmem>>
    %dma_wait3A_243 = arith.constant 0 : i32
    %dma_wait3A_244 = arith.constant 0 : i32
    %dma_wait3A_245 = tpu.memref_slice %arg2[%dma_wait3A_243, %dma_wait3A_244] : memref<1000x128xf32, #tpu.memory_space<hbm>> -> memref<1000x128xf32, #tpu.memory_space<hbm>>
    tpu.wait_indirect_dma semaphore(%arg13 : memref<!tpu.dma_semaphore, #tpu.memory_space<semaphore_mem>>) src(%dma_wait3A_245 : memref<1000x128xf32, #tpu.memory_space<hbm>>) dst(%arg9 : memref<128x128xf32, #tpu.memory_space<vmem>>)
    %add3A_246 = arith.constant 1408 : i32
    %add3A_247 = arith.addi %mul3A_2, %add3A_246 : i32
    %dma_start3A_248 = arith.constant 0 : i32
    %dma_start3A_249 = tpu.memref_slice %arg4[%add3A_247, %dma_start3A_248] : memref<102400x128xf32, #tpu.memory_space<hbm>> -> memref<128x128xf32, #tpu.memory_space<hbm>>
    %dma_start3A_250 = arith.constant 0 : i32
    %dma_start3A_251 = tpu.memref_slice %arg4[%add3A_247, %dma_start3A_250] : memref<102400x128xf32, #tpu.memory_space<hbm>> -> memref<128x128xf32, #tpu.memory_space<hbm>>
    tpu.enqueue_dma source(%arg9 : memref<128x128xf32, #tpu.memory_space<vmem>>) target(%dma_start3A_251 : memref<128x128xf32, #tpu.memory_space<hbm>>) target_semaphore(%arg17 : memref<!tpu.dma_semaphore, #tpu.memory_space<semaphore_mem>>)
    %dma_wait3A_252 = arith.constant 0 : i32
    %dma_wait3A_253 = tpu.memref_slice %arg4[%mul3A_2, %dma_wait3A_252] : memref<102400x128xf32, #tpu.memory_space<hbm>> -> memref<128x128xf32, #tpu.memory_space<hbm>>
    %dma_wait3A_254 = arith.constant 0 : i32
    %dma_wait3A_255 = tpu.memref_slice %arg4[%mul3A_2, %dma_wait3A_254] : memref<102400x128xf32, #tpu.memory_space<hbm>> -> memref<128x128xf32, #tpu.memory_space<hbm>>
    tpu.wait_dma2 semaphore(%arg17 : memref<!tpu.dma_semaphore, #tpu.memory_space<semaphore_mem>>) src(%arg9 : memref<128x128xf32, #tpu.memory_space<vmem>>) dst(%dma_wait3A_255 : memref<128x128xf32, #tpu.memory_space<hbm>>)
    %dma_start3A_256 = arith.constant 1920 : i32
    %dma_start3A_257 = tpu.memref_slice %arg5[%dma_start3A_256] : memref<3200xi32, #tpu.memory_space<vmem>> -> memref<128xi32, #tpu.memory_space<vmem>>
    %dma_start3A_258 = arith.constant 0 : i32
    %dma_start3A_259 = arith.constant 0 : i32
    %dma_start3A_260 = tpu.memref_slice %arg2[%dma_start3A_258, %dma_start3A_259] : memref<1000x128xf32, #tpu.memory_space<hbm>> -> memref<1000x128xf32, #tpu.memory_space<hbm>>
    tpu.enqueue_indirect_dma source(%dma_start3A_260 : memref<1000x128xf32, #tpu.memory_space<hbm>>) target(%arg9 : memref<128x128xf32, #tpu.memory_space<vmem>>) offsets(%dma_start3A_257 : memref<128xi32, #tpu.memory_space<vmem>>) semaphore(%arg13 : memref<!tpu.dma_semaphore, #tpu.memory_space<semaphore_mem>>)
    %dma_wait3A_261 = arith.constant 0 : i32
    %dma_wait3A_262 = tpu.memref_slice %arg5[%dma_wait3A_261] : memref<3200xi32, #tpu.memory_space<vmem>> -> memref<128xi32, #tpu.memory_space<vmem>>
    %dma_wait3A_263 = arith.constant 0 : i32
    %dma_wait3A_264 = arith.constant 0 : i32
    %dma_wait3A_265 = tpu.memref_slice %arg2[%dma_wait3A_263, %dma_wait3A_264] : memref<1000x128xf32, #tpu.memory_space<hbm>> -> memref<1000x128xf32, #tpu.memory_space<hbm>>
    tpu.wait_indirect_dma semaphore(%arg10 : memref<!tpu.dma_semaphore, #tpu.memory_space<semaphore_mem>>) src(%dma_wait3A_265 : memref<1000x128xf32, #tpu.memory_space<hbm>>) dst(%arg6 : memref<128x128xf32, #tpu.memory_space<vmem>>)
    %add3A_266 = arith.constant 1536 : i32
    %add3A_267 = arith.addi %mul3A_2, %add3A_266 : i32
    %dma_start3A_268 = arith.constant 0 : i32
    %dma_start3A_269 = tpu.memref_slice %arg4[%add3A_267, %dma_start3A_268] : memref<102400x128xf32, #tpu.memory_space<hbm>> -> memref<128x128xf32, #tpu.memory_space<hbm>>
    %dma_start3A_270 = arith.constant 0 : i32
    %dma_start3A_271 = tpu.memref_slice %arg4[%add3A_267, %dma_start3A_270] : memref<102400x128xf32, #tpu.memory_space<hbm>> -> memref<128x128xf32, #tpu.memory_space<hbm>>
    tpu.enqueue_dma source(%arg6 : memref<128x128xf32, #tpu.memory_space<vmem>>) target(%dma_start3A_271 : memref<128x128xf32, #tpu.memory_space<hbm>>) target_semaphore(%arg14 : memref<!tpu.dma_semaphore, #tpu.memory_space<semaphore_mem>>)
    %dma_wait3A_272 = arith.constant 0 : i32
    %dma_wait3A_273 = tpu.memref_slice %arg4[%mul3A_2, %dma_wait3A_272] : memref<102400x128xf32, #tpu.memory_space<hbm>> -> memref<128x128xf32, #tpu.memory_space<hbm>>
    %dma_wait3A_274 = arith.constant 0 : i32
    %dma_wait3A_275 = tpu.memref_slice %arg4[%mul3A_2, %dma_wait3A_274] : memref<102400x128xf32, #tpu.memory_space<hbm>> -> memref<128x128xf32, #tpu.memory_space<hbm>>
    tpu.wait_dma2 semaphore(%arg14 : memref<!tpu.dma_semaphore, #tpu.memory_space<semaphore_mem>>) src(%arg6 : memref<128x128xf32, #tpu.memory_space<vmem>>) dst(%dma_wait3A_275 : memref<128x128xf32, #tpu.memory_space<hbm>>)
    %dma_start3A_276 = arith.constant 2048 : i32
    %dma_start3A_277 = tpu.memref_slice %arg5[%dma_start3A_276] : memref<3200xi32, #tpu.memory_space<vmem>> -> memref<128xi32, #tpu.memory_space<vmem>>
    %dma_start3A_278 = arith.constant 0 : i32
    %dma_start3A_279 = arith.constant 0 : i32
    %dma_start3A_280 = tpu.memref_slice %arg2[%dma_start3A_278, %dma_start3A_279] : memref<1000x128xf32, #tpu.memory_space<hbm>> -> memref<1000x128xf32, #tpu.memory_space<hbm>>
    tpu.enqueue_indirect_dma source(%dma_start3A_280 : memref<1000x128xf32, #tpu.memory_space<hbm>>) target(%arg6 : memref<128x128xf32, #tpu.memory_space<vmem>>) offsets(%dma_start3A_277 : memref<128xi32, #tpu.memory_space<vmem>>) semaphore(%arg10 : memref<!tpu.dma_semaphore, #tpu.memory_space<semaphore_mem>>)
    %dma_wait3A_281 = arith.constant 0 : i32
    %dma_wait3A_282 = tpu.memref_slice %arg5[%dma_wait3A_281] : memref<3200xi32, #tpu.memory_space<vmem>> -> memref<128xi32, #tpu.memory_space<vmem>>
    %dma_wait3A_283 = arith.constant 0 : i32
    %dma_wait3A_284 = arith.constant 0 : i32
    %dma_wait3A_285 = tpu.memref_slice %arg2[%dma_wait3A_283, %dma_wait3A_284] : memref<1000x128xf32, #tpu.memory_space<hbm>> -> memref<1000x128xf32, #tpu.memory_space<hbm>>
    tpu.wait_indirect_dma semaphore(%arg11 : memref<!tpu.dma_semaphore, #tpu.memory_space<semaphore_mem>>) src(%dma_wait3A_285 : memref<1000x128xf32, #tpu.memory_space<hbm>>) dst(%arg7 : memref<128x128xf32, #tpu.memory_space<vmem>>)
    %add3A_286 = arith.constant 1664 : i32
    %add3A_287 = arith.addi %mul3A_2, %add3A_286 : i32
    %dma_start3A_288 = arith.constant 0 : i32
    %dma_start3A_289 = tpu.memref_slice %arg4[%add3A_287, %dma_start3A_288] : memref<102400x128xf32, #tpu.memory_space<hbm>> -> memref<128x128xf32, #tpu.memory_space<hbm>>
    %dma_start3A_290 = arith.constant 0 : i32
    %dma_start3A_291 = tpu.memref_slice %arg4[%add3A_287, %dma_start3A_290] : memref<102400x128xf32, #tpu.memory_space<hbm>> -> memref<128x128xf32, #tpu.memory_space<hbm>>
    tpu.enqueue_dma source(%arg7 : memref<128x128xf32, #tpu.memory_space<vmem>>) target(%dma_start3A_291 : memref<128x128xf32, #tpu.memory_space<hbm>>) target_semaphore(%arg15 : memref<!tpu.dma_semaphore, #tpu.memory_space<semaphore_mem>>)
    %dma_wait3A_292 = arith.constant 0 : i32
    %dma_wait3A_293 = tpu.memref_slice %arg4[%mul3A_2, %dma_wait3A_292] : memref<102400x128xf32, #tpu.memory_space<hbm>> -> memref<128x128xf32, #tpu.memory_space<hbm>>
    %dma_wait3A_294 = arith.constant 0 : i32
    %dma_wait3A_295 = tpu.memref_slice %arg4[%mul3A_2, %dma_wait3A_294] : memref<102400x128xf32, #tpu.memory_space<hbm>> -> memref<128x128xf32, #tpu.memory_space<hbm>>
    tpu.wait_dma2 semaphore(%arg15 : memref<!tpu.dma_semaphore, #tpu.memory_space<semaphore_mem>>) src(%arg7 : memref<128x128xf32, #tpu.memory_space<vmem>>) dst(%dma_wait3A_295 : memref<128x128xf32, #tpu.memory_space<hbm>>)
    %dma_start3A_296 = arith.constant 2176 : i32
    %dma_start3A_297 = tpu.memref_slice %arg5[%dma_start3A_296] : memref<3200xi32, #tpu.memory_space<vmem>> -> memref<128xi32, #tpu.memory_space<vmem>>
    %dma_start3A_298 = arith.constant 0 : i32
    %dma_start3A_299 = arith.constant 0 : i32
    %dma_start3A_300 = tpu.memref_slice %arg2[%dma_start3A_298, %dma_start3A_299] : memref<1000x128xf32, #tpu.memory_space<hbm>> -> memref<1000x128xf32, #tpu.memory_space<hbm>>
    tpu.enqueue_indirect_dma source(%dma_start3A_300 : memref<1000x128xf32, #tpu.memory_space<hbm>>) target(%arg7 : memref<128x128xf32, #tpu.memory_space<vmem>>) offsets(%dma_start3A_297 : memref<128xi32, #tpu.memory_space<vmem>>) semaphore(%arg11 : memref<!tpu.dma_semaphore, #tpu.memory_space<semaphore_mem>>)
    %dma_wait3A_301 = arith.constant 0 : i32
    %dma_wait3A_302 = tpu.memref_slice %arg5[%dma_wait3A_301] : memref<3200xi32, #tpu.memory_space<vmem>> -> memref<128xi32, #tpu.memory_space<vmem>>
    %dma_wait3A_303 = arith.constant 0 : i32
    %dma_wait3A_304 = arith.constant 0 : i32
    %dma_wait3A_305 = tpu.memref_slice %arg2[%dma_wait3A_303, %dma_wait3A_304] : memref<1000x128xf32, #tpu.memory_space<hbm>> -> memref<1000x128xf32, #tpu.memory_space<hbm>>
    tpu.wait_indirect_dma semaphore(%arg12 : memref<!tpu.dma_semaphore, #tpu.memory_space<semaphore_mem>>) src(%dma_wait3A_305 : memref<1000x128xf32, #tpu.memory_space<hbm>>) dst(%arg8 : memref<128x128xf32, #tpu.memory_space<vmem>>)
    %add3A_306 = arith.constant 1792 : i32
    %add3A_307 = arith.addi %mul3A_2, %add3A_306 : i32
    %dma_start3A_308 = arith.constant 0 : i32
    %dma_start3A_309 = tpu.memref_slice %arg4[%add3A_307, %dma_start3A_308] : memref<102400x128xf32, #tpu.memory_space<hbm>> -> memref<128x128xf32, #tpu.memory_space<hbm>>
    %dma_start3A_310 = arith.constant 0 : i32
    %dma_start3A_311 = tpu.memref_slice %arg4[%add3A_307, %dma_start3A_310] : memref<102400x128xf32, #tpu.memory_space<hbm>> -> memref<128x128xf32, #tpu.memory_space<hbm>>
    tpu.enqueue_dma source(%arg8 : memref<128x128xf32, #tpu.memory_space<vmem>>) target(%dma_start3A_311 : memref<128x128xf32, #tpu.memory_space<hbm>>) target_semaphore(%arg16 : memref<!tpu.dma_semaphore, #tpu.memory_space<semaphore_mem>>)
    %dma_wait3A_312 = arith.constant 0 : i32
    %dma_wait3A_313 = tpu.memref_slice %arg4[%mul3A_2, %dma_wait3A_312] : memref<102400x128xf32, #tpu.memory_space<hbm>> -> memref<128x128xf32, #tpu.memory_space<hbm>>
    %dma_wait3A_314 = arith.constant 0 : i32
    %dma_wait3A_315 = tpu.memref_slice %arg4[%mul3A_2, %dma_wait3A_314] : memref<102400x128xf32, #tpu.memory_space<hbm>> -> memref<128x128xf32, #tpu.memory_space<hbm>>
    tpu.wait_dma2 semaphore(%arg16 : memref<!tpu.dma_semaphore, #tpu.memory_space<semaphore_mem>>) src(%arg8 : memref<128x128xf32, #tpu.memory_space<vmem>>) dst(%dma_wait3A_315 : memref<128x128xf32, #tpu.memory_space<hbm>>)
    %dma_start3A_316 = arith.constant 2304 : i32
    %dma_start3A_317 = tpu.memref_slice %arg5[%dma_start3A_316] : memref<3200xi32, #tpu.memory_space<vmem>> -> memref<128xi32, #tpu.memory_space<vmem>>
    %dma_start3A_318 = arith.constant 0 : i32
    %dma_start3A_319 = arith.constant 0 : i32
    %dma_start3A_320 = tpu.memref_slice %arg2[%dma_start3A_318, %dma_start3A_319] : memref<1000x128xf32, #tpu.memory_space<hbm>> -> memref<1000x128xf32, #tpu.memory_space<hbm>>
    tpu.enqueue_indirect_dma source(%dma_start3A_320 : memref<1000x128xf32, #tpu.memory_space<hbm>>) target(%arg8 : memref<128x128xf32, #tpu.memory_space<vmem>>) offsets(%dma_start3A_317 : memref<128xi32, #tpu.memory_space<vmem>>) semaphore(%arg12 : memref<!tpu.dma_semaphore, #tpu.memory_space<semaphore_mem>>)
    %dma_wait3A_321 = arith.constant 0 : i32
    %dma_wait3A_322 = tpu.memref_slice %arg5[%dma_wait3A_321] : memref<3200xi32, #tpu.memory_space<vmem>> -> memref<128xi32, #tpu.memory_space<vmem>>
    %dma_wait3A_323 = arith.constant 0 : i32
    %dma_wait3A_324 = arith.constant 0 : i32
    %dma_wait3A_325 = tpu.memref_slice %arg2[%dma_wait3A_323, %dma_wait3A_324] : memref<1000x128xf32, #tpu.memory_space<hbm>> -> memref<1000x128xf32, #tpu.memory_space<hbm>>
    tpu.wait_indirect_dma semaphore(%arg13 : memref<!tpu.dma_semaphore, #tpu.memory_space<semaphore_mem>>) src(%dma_wait3A_325 : memref<1000x128xf32, #tpu.memory_space<hbm>>) dst(%arg9 : memref<128x128xf32, #tpu.memory_space<vmem>>)
    %add3A_326 = arith.constant 1920 : i32
    %add3A_327 = arith.addi %mul3A_2, %add3A_326 : i32
    %dma_start3A_328 = arith.constant 0 : i32
    %dma_start3A_329 = tpu.memref_slice %arg4[%add3A_327, %dma_start3A_328] : memref<102400x128xf32, #tpu.memory_space<hbm>> -> memref<128x128xf32, #tpu.memory_space<hbm>>
    %dma_start3A_330 = arith.constant 0 : i32
    %dma_start3A_331 = tpu.memref_slice %arg4[%add3A_327, %dma_start3A_330] : memref<102400x128xf32, #tpu.memory_space<hbm>> -> memref<128x128xf32, #tpu.memory_space<hbm>>
    tpu.enqueue_dma source(%arg9 : memref<128x128xf32, #tpu.memory_space<vmem>>) target(%dma_start3A_331 : memref<128x128xf32, #tpu.memory_space<hbm>>) target_semaphore(%arg17 : memref<!tpu.dma_semaphore, #tpu.memory_space<semaphore_mem>>)
    %dma_wait3A_332 = arith.constant 0 : i32
    %dma_wait3A_333 = tpu.memref_slice %arg4[%mul3A_2, %dma_wait3A_332] : memref<102400x128xf32, #tpu.memory_space<hbm>> -> memref<128x128xf32, #tpu.memory_space<hbm>>
    %dma_wait3A_334 = arith.constant 0 : i32
    %dma_wait3A_335 = tpu.memref_slice %arg4[%mul3A_2, %dma_wait3A_334] : memref<102400x128xf32, #tpu.memory_space<hbm>> -> memref<128x128xf32, #tpu.memory_space<hbm>>
    tpu.wait_dma2 semaphore(%arg17 : memref<!tpu.dma_semaphore, #tpu.memory_space<semaphore_mem>>) src(%arg9 : memref<128x128xf32, #tpu.memory_space<vmem>>) dst(%dma_wait3A_335 : memref<128x128xf32, #tpu.memory_space<hbm>>)
    %dma_start3A_336 = arith.constant 2432 : i32
    %dma_start3A_337 = tpu.memref_slice %arg5[%dma_start3A_336] : memref<3200xi32, #tpu.memory_space<vmem>> -> memref<128xi32, #tpu.memory_space<vmem>>
    %dma_start3A_338 = arith.constant 0 : i32
    %dma_start3A_339 = arith.constant 0 : i32
    %dma_start3A_340 = tpu.memref_slice %arg2[%dma_start3A_338, %dma_start3A_339] : memref<1000x128xf32, #tpu.memory_space<hbm>> -> memref<1000x128xf32, #tpu.memory_space<hbm>>
    tpu.enqueue_indirect_dma source(%dma_start3A_340 : memref<1000x128xf32, #tpu.memory_space<hbm>>) target(%arg9 : memref<128x128xf32, #tpu.memory_space<vmem>>) offsets(%dma_start3A_337 : memref<128xi32, #tpu.memory_space<vmem>>) semaphore(%arg13 : memref<!tpu.dma_semaphore, #tpu.memory_space<semaphore_mem>>)
    %dma_wait3A_341 = arith.constant 0 : i32
    %dma_wait3A_342 = tpu.memref_slice %arg5[%dma_wait3A_341] : memref<3200xi32, #tpu.memory_space<vmem>> -> memref<128xi32, #tpu.memory_space<vmem>>
    %dma_wait3A_343 = arith.constant 0 : i32
    %dma_wait3A_344 = arith.constant 0 : i32
    %dma_wait3A_345 = tpu.memref_slice %arg2[%dma_wait3A_343, %dma_wait3A_344] : memref<1000x128xf32, #tpu.memory_space<hbm>> -> memref<1000x128xf32, #tpu.memory_space<hbm>>
    tpu.wait_indirect_dma semaphore(%arg10 : memref<!tpu.dma_semaphore, #tpu.memory_space<semaphore_mem>>) src(%dma_wait3A_345 : memref<1000x128xf32, #tpu.memory_space<hbm>>) dst(%arg6 : memref<128x128xf32, #tpu.memory_space<vmem>>)
    %add3A_346 = arith.constant 2048 : i32
    %add3A_347 = arith.addi %mul3A_2, %add3A_346 : i32
    %dma_start3A_348 = arith.constant 0 : i32
    %dma_start3A_349 = tpu.memref_slice %arg4[%add3A_347, %dma_start3A_348] : memref<102400x128xf32, #tpu.memory_space<hbm>> -> memref<128x128xf32, #tpu.memory_space<hbm>>
    %dma_start3A_350 = arith.constant 0 : i32
    %dma_start3A_351 = tpu.memref_slice %arg4[%add3A_347, %dma_start3A_350] : memref<102400x128xf32, #tpu.memory_space<hbm>> -> memref<128x128xf32, #tpu.memory_space<hbm>>
    tpu.enqueue_dma source(%arg6 : memref<128x128xf32, #tpu.memory_space<vmem>>) target(%dma_start3A_351 : memref<128x128xf32, #tpu.memory_space<hbm>>) target_semaphore(%arg14 : memref<!tpu.dma_semaphore, #tpu.memory_space<semaphore_mem>>)
    %dma_wait3A_352 = arith.constant 0 : i32
    %dma_wait3A_353 = tpu.memref_slice %arg4[%mul3A_2, %dma_wait3A_352] : memref<102400x128xf32, #tpu.memory_space<hbm>> -> memref<128x128xf32, #tpu.memory_space<hbm>>
    %dma_wait3A_354 = arith.constant 0 : i32
    %dma_wait3A_355 = tpu.memref_slice %arg4[%mul3A_2, %dma_wait3A_354] : memref<102400x128xf32, #tpu.memory_space<hbm>> -> memref<128x128xf32, #tpu.memory_space<hbm>>
    tpu.wait_dma2 semaphore(%arg14 : memref<!tpu.dma_semaphore, #tpu.memory_space<semaphore_mem>>) src(%arg6 : memref<128x128xf32, #tpu.memory_space<vmem>>) dst(%dma_wait3A_355 : memref<128x128xf32, #tpu.memory_space<hbm>>)
    %dma_start3A_356 = arith.constant 2560 : i32
    %dma_start3A_357 = tpu.memref_slice %arg5[%dma_start3A_356] : memref<3200xi32, #tpu.memory_space<vmem>> -> memref<128xi32, #tpu.memory_space<vmem>>
    %dma_start3A_358 = arith.constant 0 : i32
    %dma_start3A_359 = arith.constant 0 : i32
    %dma_start3A_360 = tpu.memref_slice %arg2[%dma_start3A_358, %dma_start3A_359] : memref<1000x128xf32, #tpu.memory_space<hbm>> -> memref<1000x128xf32, #tpu.memory_space<hbm>>
    tpu.enqueue_indirect_dma source(%dma_start3A_360 : memref<1000x128xf32, #tpu.memory_space<hbm>>) target(%arg6 : memref<128x128xf32, #tpu.memory_space<vmem>>) offsets(%dma_start3A_357 : memref<128xi32, #tpu.memory_space<vmem>>) semaphore(%arg10 : memref<!tpu.dma_semaphore, #tpu.memory_space<semaphore_mem>>)
    %dma_wait3A_361 = arith.constant 0 : i32
    %dma_wait3A_362 = tpu.memref_slice %arg5[%dma_wait3A_361] : memref<3200xi32, #tpu.memory_space<vmem>> -> memref<128xi32, #tpu.memory_space<vmem>>
    %dma_wait3A_363 = arith.constant 0 : i32
    %dma_wait3A_364 = arith.constant 0 : i32
    %dma_wait3A_365 = tpu.memref_slice %arg2[%dma_wait3A_363, %dma_wait3A_364] : memref<1000x128xf32, #tpu.memory_space<hbm>> -> memref<1000x128xf32, #tpu.memory_space<hbm>>
    tpu.wait_indirect_dma semaphore(%arg11 : memref<!tpu.dma_semaphore, #tpu.memory_space<semaphore_mem>>) src(%dma_wait3A_365 : memref<1000x128xf32, #tpu.memory_space<hbm>>) dst(%arg7 : memref<128x128xf32, #tpu.memory_space<vmem>>)
    %add3A_366 = arith.constant 2176 : i32
    %add3A_367 = arith.addi %mul3A_2, %add3A_366 : i32
    %dma_start3A_368 = arith.constant 0 : i32
    %dma_start3A_369 = tpu.memref_slice %arg4[%add3A_367, %dma_start3A_368] : memref<102400x128xf32, #tpu.memory_space<hbm>> -> memref<128x128xf32, #tpu.memory_space<hbm>>
    %dma_start3A_370 = arith.constant 0 : i32
    %dma_start3A_371 = tpu.memref_slice %arg4[%add3A_367, %dma_start3A_370] : memref<102400x128xf32, #tpu.memory_space<hbm>> -> memref<128x128xf32, #tpu.memory_space<hbm>>
    tpu.enqueue_dma source(%arg7 : memref<128x128xf32, #tpu.memory_space<vmem>>) target(%dma_start3A_371 : memref<128x128xf32, #tpu.memory_space<hbm>>) target_semaphore(%arg15 : memref<!tpu.dma_semaphore, #tpu.memory_space<semaphore_mem>>)
    %dma_wait3A_372 = arith.constant 0 : i32
    %dma_wait3A_373 = tpu.memref_slice %arg4[%mul3A_2, %dma_wait3A_372] : memref<102400x128xf32, #tpu.memory_space<hbm>> -> memref<128x128xf32, #tpu.memory_space<hbm>>
    %dma_wait3A_374 = arith.constant 0 : i32
    %dma_wait3A_375 = tpu.memref_slice %arg4[%mul3A_2, %dma_wait3A_374] : memref<102400x128xf32, #tpu.memory_space<hbm>> -> memref<128x128xf32, #tpu.memory_space<hbm>>
    tpu.wait_dma2 semaphore(%arg15 : memref<!tpu.dma_semaphore, #tpu.memory_space<semaphore_mem>>) src(%arg7 : memref<128x128xf32, #tpu.memory_space<vmem>>) dst(%dma_wait3A_375 : memref<128x128xf32, #tpu.memory_space<hbm>>)
    %dma_start3A_376 = arith.constant 2688 : i32
    %dma_start3A_377 = tpu.memref_slice %arg5[%dma_start3A_376] : memref<3200xi32, #tpu.memory_space<vmem>> -> memref<128xi32, #tpu.memory_space<vmem>>
    %dma_start3A_378 = arith.constant 0 : i32
    %dma_start3A_379 = arith.constant 0 : i32
    %dma_start3A_380 = tpu.memref_slice %arg2[%dma_start3A_378, %dma_start3A_379] : memref<1000x128xf32, #tpu.memory_space<hbm>> -> memref<1000x128xf32, #tpu.memory_space<hbm>>
    tpu.enqueue_indirect_dma source(%dma_start3A_380 : memref<1000x128xf32, #tpu.memory_space<hbm>>) target(%arg7 : memref<128x128xf32, #tpu.memory_space<vmem>>) offsets(%dma_start3A_377 : memref<128xi32, #tpu.memory_space<vmem>>) semaphore(%arg11 : memref<!tpu.dma_semaphore, #tpu.memory_space<semaphore_mem>>)
    %dma_wait3A_381 = arith.constant 0 : i32
    %dma_wait3A_382 = tpu.memref_slice %arg5[%dma_wait3A_381] : memref<3200xi32, #tpu.memory_space<vmem>> -> memref<128xi32, #tpu.memory_space<vmem>>
    %dma_wait3A_383 = arith.constant 0 : i32
    %dma_wait3A_384 = arith.constant 0 : i32
    %dma_wait3A_385 = tpu.memref_slice %arg2[%dma_wait3A_383, %dma_wait3A_384] : memref<1000x128xf32, #tpu.memory_space<hbm>> -> memref<1000x128xf32, #tpu.memory_space<hbm>>
    tpu.wait_indirect_dma semaphore(%arg12 : memref<!tpu.dma_semaphore, #tpu.memory_space<semaphore_mem>>) src(%dma_wait3A_385 : memref<1000x128xf32, #tpu.memory_space<hbm>>) dst(%arg8 : memref<128x128xf32, #tpu.memory_space<vmem>>)
    %add3A_386 = arith.constant 2304 : i32
    %add3A_387 = arith.addi %mul3A_2, %add3A_386 : i32
    %dma_start3A_388 = arith.constant 0 : i32
    %dma_start3A_389 = tpu.memref_slice %arg4[%add3A_387, %dma_start3A_388] : memref<102400x128xf32, #tpu.memory_space<hbm>> -> memref<128x128xf32, #tpu.memory_space<hbm>>
    %dma_start3A_390 = arith.constant 0 : i32
    %dma_start3A_391 = tpu.memref_slice %arg4[%add3A_387, %dma_start3A_390] : memref<102400x128xf32, #tpu.memory_space<hbm>> -> memref<128x128xf32, #tpu.memory_space<hbm>>
    tpu.enqueue_dma source(%arg8 : memref<128x128xf32, #tpu.memory_space<vmem>>) target(%dma_start3A_391 : memref<128x128xf32, #tpu.memory_space<hbm>>) target_semaphore(%arg16 : memref<!tpu.dma_semaphore, #tpu.memory_space<semaphore_mem>>)
    %dma_wait3A_392 = arith.constant 0 : i32
    %dma_wait3A_393 = tpu.memref_slice %arg4[%mul3A_2, %dma_wait3A_392] : memref<102400x128xf32, #tpu.memory_space<hbm>> -> memref<128x128xf32, #tpu.memory_space<hbm>>
    %dma_wait3A_394 = arith.constant 0 : i32
    %dma_wait3A_395 = tpu.memref_slice %arg4[%mul3A_2, %dma_wait3A_394] : memref<102400x128xf32, #tpu.memory_space<hbm>> -> memref<128x128xf32, #tpu.memory_space<hbm>>
    tpu.wait_dma2 semaphore(%arg16 : memref<!tpu.dma_semaphore, #tpu.memory_space<semaphore_mem>>) src(%arg8 : memref<128x128xf32, #tpu.memory_space<vmem>>) dst(%dma_wait3A_395 : memref<128x128xf32, #tpu.memory_space<hbm>>)
    %dma_start3A_396 = arith.constant 2816 : i32
    %dma_start3A_397 = tpu.memref_slice %arg5[%dma_start3A_396] : memref<3200xi32, #tpu.memory_space<vmem>> -> memref<128xi32, #tpu.memory_space<vmem>>
    %dma_start3A_398 = arith.constant 0 : i32
    %dma_start3A_399 = arith.constant 0 : i32
    %dma_start3A_400 = tpu.memref_slice %arg2[%dma_start3A_398, %dma_start3A_399] : memref<1000x128xf32, #tpu.memory_space<hbm>> -> memref<1000x128xf32, #tpu.memory_space<hbm>>
    tpu.enqueue_indirect_dma source(%dma_start3A_400 : memref<1000x128xf32, #tpu.memory_space<hbm>>) target(%arg8 : memref<128x128xf32, #tpu.memory_space<vmem>>) offsets(%dma_start3A_397 : memref<128xi32, #tpu.memory_space<vmem>>) semaphore(%arg12 : memref<!tpu.dma_semaphore, #tpu.memory_space<semaphore_mem>>)
    %dma_wait3A_401 = arith.constant 0 : i32
    %dma_wait3A_402 = tpu.memref_slice %arg5[%dma_wait3A_401] : memref<3200xi32, #tpu.memory_space<vmem>> -> memref<128xi32, #tpu.memory_space<vmem>>
    %dma_wait3A_403 = arith.constant 0 : i32
    %dma_wait3A_404 = arith.constant 0 : i32
    %dma_wait3A_405 = tpu.memref_slice %arg2[%dma_wait3A_403, %dma_wait3A_404] : memref<1000x128xf32, #tpu.memory_space<hbm>> -> memref<1000x128xf32, #tpu.memory_space<hbm>>
    tpu.wait_indirect_dma semaphore(%arg13 : memref<!tpu.dma_semaphore, #tpu.memory_space<semaphore_mem>>) src(%dma_wait3A_405 : memref<1000x128xf32, #tpu.memory_space<hbm>>) dst(%arg9 : memref<128x128xf32, #tpu.memory_space<vmem>>)
    %add3A_406 = arith.constant 2432 : i32
    %add3A_407 = arith.addi %mul3A_2, %add3A_406 : i32
    %dma_start3A_408 = arith.constant 0 : i32
    %dma_start3A_409 = tpu.memref_slice %arg4[%add3A_407, %dma_start3A_408] : memref<102400x128xf32, #tpu.memory_space<hbm>> -> memref<128x128xf32, #tpu.memory_space<hbm>>
    %dma_start3A_410 = arith.constant 0 : i32
    %dma_start3A_411 = tpu.memref_slice %arg4[%add3A_407, %dma_start3A_410] : memref<102400x128xf32, #tpu.memory_space<hbm>> -> memref<128x128xf32, #tpu.memory_space<hbm>>
    tpu.enqueue_dma source(%arg9 : memref<128x128xf32, #tpu.memory_space<vmem>>) target(%dma_start3A_411 : memref<128x128xf32, #tpu.memory_space<hbm>>) target_semaphore(%arg17 : memref<!tpu.dma_semaphore, #tpu.memory_space<semaphore_mem>>)
    %dma_wait3A_412 = arith.constant 0 : i32
    %dma_wait3A_413 = tpu.memref_slice %arg4[%mul3A_2, %dma_wait3A_412] : memref<102400x128xf32, #tpu.memory_space<hbm>> -> memref<128x128xf32, #tpu.memory_space<hbm>>
    %dma_wait3A_414 = arith.constant 0 : i32
    %dma_wait3A_415 = tpu.memref_slice %arg4[%mul3A_2, %dma_wait3A_414] : memref<102400x128xf32, #tpu.memory_space<hbm>> -> memref<128x128xf32, #tpu.memory_space<hbm>>
    tpu.wait_dma2 semaphore(%arg17 : memref<!tpu.dma_semaphore, #tpu.memory_space<semaphore_mem>>) src(%arg9 : memref<128x128xf32, #tpu.memory_space<vmem>>) dst(%dma_wait3A_415 : memref<128x128xf32, #tpu.memory_space<hbm>>)
    %dma_start3A_416 = arith.constant 2944 : i32
    %dma_start3A_417 = tpu.memref_slice %arg5[%dma_start3A_416] : memref<3200xi32, #tpu.memory_space<vmem>> -> memref<128xi32, #tpu.memory_space<vmem>>
    %dma_start3A_418 = arith.constant 0 : i32
    %dma_start3A_419 = arith.constant 0 : i32
    %dma_start3A_420 = tpu.memref_slice %arg2[%dma_start3A_418, %dma_start3A_419] : memref<1000x128xf32, #tpu.memory_space<hbm>> -> memref<1000x128xf32, #tpu.memory_space<hbm>>
    tpu.enqueue_indirect_dma source(%dma_start3A_420 : memref<1000x128xf32, #tpu.memory_space<hbm>>) target(%arg9 : memref<128x128xf32, #tpu.memory_space<vmem>>) offsets(%dma_start3A_417 : memref<128xi32, #tpu.memory_space<vmem>>) semaphore(%arg13 : memref<!tpu.dma_semaphore, #tpu.memory_space<semaphore_mem>>)
    %dma_wait3A_421 = arith.constant 0 : i32
    %dma_wait3A_422 = tpu.memref_slice %arg5[%dma_wait3A_421] : memref<3200xi32, #tpu.memory_space<vmem>> -> memref<128xi32, #tpu.memory_space<vmem>>
    %dma_wait3A_423 = arith.constant 0 : i32
    %dma_wait3A_424 = arith.constant 0 : i32
    %dma_wait3A_425 = tpu.memref_slice %arg2[%dma_wait3A_423, %dma_wait3A_424] : memref<1000x128xf32, #tpu.memory_space<hbm>> -> memref<1000x128xf32, #tpu.memory_space<hbm>>
    tpu.wait_indirect_dma semaphore(%arg10 : memref<!tpu.dma_semaphore, #tpu.memory_space<semaphore_mem>>) src(%dma_wait3A_425 : memref<1000x128xf32, #tpu.memory_space<hbm>>) dst(%arg6 : memref<128x128xf32, #tpu.memory_space<vmem>>)
    %add3A_426 = arith.constant 2560 : i32
    %add3A_427 = arith.addi %mul3A_2, %add3A_426 : i32
    %dma_start3A_428 = arith.constant 0 : i32
    %dma_start3A_429 = tpu.memref_slice %arg4[%add3A_427, %dma_start3A_428] : memref<102400x128xf32, #tpu.memory_space<hbm>> -> memref<128x128xf32, #tpu.memory_space<hbm>>
    %dma_start3A_430 = arith.constant 0 : i32
    %dma_start3A_431 = tpu.memref_slice %arg4[%add3A_427, %dma_start3A_430] : memref<102400x128xf32, #tpu.memory_space<hbm>> -> memref<128x128xf32, #tpu.memory_space<hbm>>
    tpu.enqueue_dma source(%arg6 : memref<128x128xf32, #tpu.memory_space<vmem>>) target(%dma_start3A_431 : memref<128x128xf32, #tpu.memory_space<hbm>>) target_semaphore(%arg14 : memref<!tpu.dma_semaphore, #tpu.memory_space<semaphore_mem>>)
    %dma_wait3A_432 = arith.constant 0 : i32
    %dma_wait3A_433 = tpu.memref_slice %arg4[%mul3A_2, %dma_wait3A_432] : memref<102400x128xf32, #tpu.memory_space<hbm>> -> memref<128x128xf32, #tpu.memory_space<hbm>>
    %dma_wait3A_434 = arith.constant 0 : i32
    %dma_wait3A_435 = tpu.memref_slice %arg4[%mul3A_2, %dma_wait3A_434] : memref<102400x128xf32, #tpu.memory_space<hbm>> -> memref<128x128xf32, #tpu.memory_space<hbm>>
    tpu.wait_dma2 semaphore(%arg14 : memref<!tpu.dma_semaphore, #tpu.memory_space<semaphore_mem>>) src(%arg6 : memref<128x128xf32, #tpu.memory_space<vmem>>) dst(%dma_wait3A_435 : memref<128x128xf32, #tpu.memory_space<hbm>>)
    %dma_start3A_436 = arith.constant 3072 : i32
    %dma_start3A_437 = tpu.memref_slice %arg5[%dma_start3A_436] : memref<3200xi32, #tpu.memory_space<vmem>> -> memref<128xi32, #tpu.memory_space<vmem>>
    %dma_start3A_438 = arith.constant 0 : i32
    %dma_start3A_439 = arith.constant 0 : i32
    %dma_start3A_440 = tpu.memref_slice %arg2[%dma_start3A_438, %dma_start3A_439] : memref<1000x128xf32, #tpu.memory_space<hbm>> -> memref<1000x128xf32, #tpu.memory_space<hbm>>
    tpu.enqueue_indirect_dma source(%dma_start3A_440 : memref<1000x128xf32, #tpu.memory_space<hbm>>) target(%arg6 : memref<128x128xf32, #tpu.memory_space<vmem>>) offsets(%dma_start3A_437 : memref<128xi32, #tpu.memory_space<vmem>>) semaphore(%arg10 : memref<!tpu.dma_semaphore, #tpu.memory_space<semaphore_mem>>)
    %dma_wait3A_441 = arith.constant 0 : i32
    %dma_wait3A_442 = tpu.memref_slice %arg5[%dma_wait3A_441] : memref<3200xi32, #tpu.memory_space<vmem>> -> memref<128xi32, #tpu.memory_space<vmem>>
    %dma_wait3A_443 = arith.constant 0 : i32
    %dma_wait3A_444 = arith.constant 0 : i32
    %dma_wait3A_445 = tpu.memref_slice %arg2[%dma_wait3A_443, %dma_wait3A_444] : memref<1000x128xf32, #tpu.memory_space<hbm>> -> memref<1000x128xf32, #tpu.memory_space<hbm>>
    tpu.wait_indirect_dma semaphore(%arg11 : memref<!tpu.dma_semaphore, #tpu.memory_space<semaphore_mem>>) src(%dma_wait3A_445 : memref<1000x128xf32, #tpu.memory_space<hbm>>) dst(%arg7 : memref<128x128xf32, #tpu.memory_space<vmem>>)
    %add3A_446 = arith.constant 2688 : i32
    %add3A_447 = arith.addi %mul3A_2, %add3A_446 : i32
    %dma_start3A_448 = arith.constant 0 : i32
    %dma_start3A_449 = tpu.memref_slice %arg4[%add3A_447, %dma_start3A_448] : memref<102400x128xf32, #tpu.memory_space<hbm>> -> memref<128x128xf32, #tpu.memory_space<hbm>>
    %dma_start3A_450 = arith.constant 0 : i32
    %dma_start3A_451 = tpu.memref_slice %arg4[%add3A_447, %dma_start3A_450] : memref<102400x128xf32, #tpu.memory_space<hbm>> -> memref<128x128xf32, #tpu.memory_space<hbm>>
    tpu.enqueue_dma source(%arg7 : memref<128x128xf32, #tpu.memory_space<vmem>>) target(%dma_start3A_451 : memref<128x128xf32, #tpu.memory_space<hbm>>) target_semaphore(%arg15 : memref<!tpu.dma_semaphore, #tpu.memory_space<semaphore_mem>>)
    %dma_wait3A_452 = arith.constant 0 : i32
    %dma_wait3A_453 = tpu.memref_slice %arg5[%dma_wait3A_452] : memref<3200xi32, #tpu.memory_space<vmem>> -> memref<128xi32, #tpu.memory_space<vmem>>
    %dma_wait3A_454 = arith.constant 0 : i32
    %dma_wait3A_455 = arith.constant 0 : i32
    %dma_wait3A_456 = tpu.memref_slice %arg2[%dma_wait3A_454, %dma_wait3A_455] : memref<1000x128xf32, #tpu.memory_space<hbm>> -> memref<1000x128xf32, #tpu.memory_space<hbm>>
    tpu.wait_indirect_dma semaphore(%arg12 : memref<!tpu.dma_semaphore, #tpu.memory_space<semaphore_mem>>) src(%dma_wait3A_456 : memref<1000x128xf32, #tpu.memory_space<hbm>>) dst(%arg8 : memref<128x128xf32, #tpu.memory_space<vmem>>)
    %add3A_457 = arith.constant 2816 : i32
    %add3A_458 = arith.addi %mul3A_2, %add3A_457 : i32
    %dma_start3A_459 = arith.constant 0 : i32
    %dma_start3A_460 = tpu.memref_slice %arg4[%add3A_458, %dma_start3A_459] : memref<102400x128xf32, #tpu.memory_space<hbm>> -> memref<128x128xf32, #tpu.memory_space<hbm>>
    %dma_start3A_461 = arith.constant 0 : i32
    %dma_start3A_462 = tpu.memref_slice %arg4[%add3A_458, %dma_start3A_461] : memref<102400x128xf32, #tpu.memory_space<hbm>> -> memref<128x128xf32, #tpu.memory_space<hbm>>
    tpu.enqueue_dma source(%arg8 : memref<128x128xf32, #tpu.memory_space<vmem>>) target(%dma_start3A_462 : memref<128x128xf32, #tpu.memory_space<hbm>>) target_semaphore(%arg16 : memref<!tpu.dma_semaphore, #tpu.memory_space<semaphore_mem>>)
    %dma_wait3A_463 = arith.constant 0 : i32
    %dma_wait3A_464 = tpu.memref_slice %arg5[%dma_wait3A_463] : memref<3200xi32, #tpu.memory_space<vmem>> -> memref<128xi32, #tpu.memory_space<vmem>>
    %dma_wait3A_465 = arith.constant 0 : i32
    %dma_wait3A_466 = arith.constant 0 : i32
    %dma_wait3A_467 = tpu.memref_slice %arg2[%dma_wait3A_465, %dma_wait3A_466] : memref<1000x128xf32, #tpu.memory_space<hbm>> -> memref<1000x128xf32, #tpu.memory_space<hbm>>
    tpu.wait_indirect_dma semaphore(%arg13 : memref<!tpu.dma_semaphore, #tpu.memory_space<semaphore_mem>>) src(%dma_wait3A_467 : memref<1000x128xf32, #tpu.memory_space<hbm>>) dst(%arg9 : memref<128x128xf32, #tpu.memory_space<vmem>>)
    %add3A_468 = arith.constant 2944 : i32
    %add3A_469 = arith.addi %mul3A_2, %add3A_468 : i32
    %dma_start3A_470 = arith.constant 0 : i32
    %dma_start3A_471 = tpu.memref_slice %arg4[%add3A_469, %dma_start3A_470] : memref<102400x128xf32, #tpu.memory_space<hbm>> -> memref<128x128xf32, #tpu.memory_space<hbm>>
    %dma_start3A_472 = arith.constant 0 : i32
    %dma_start3A_473 = tpu.memref_slice %arg4[%add3A_469, %dma_start3A_472] : memref<102400x128xf32, #tpu.memory_space<hbm>> -> memref<128x128xf32, #tpu.memory_space<hbm>>
    tpu.enqueue_dma source(%arg9 : memref<128x128xf32, #tpu.memory_space<vmem>>) target(%dma_start3A_473 : memref<128x128xf32, #tpu.memory_space<hbm>>) target_semaphore(%arg17 : memref<!tpu.dma_semaphore, #tpu.memory_space<semaphore_mem>>)
    %dma_wait3A_474 = arith.constant 0 : i32
    %dma_wait3A_475 = tpu.memref_slice %arg5[%dma_wait3A_474] : memref<3200xi32, #tpu.memory_space<vmem>> -> memref<128xi32, #tpu.memory_space<vmem>>
    %dma_wait3A_476 = arith.constant 0 : i32
    %dma_wait3A_477 = arith.constant 0 : i32
    %dma_wait3A_478 = tpu.memref_slice %arg2[%dma_wait3A_476, %dma_wait3A_477] : memref<1000x128xf32, #tpu.memory_space<hbm>> -> memref<1000x128xf32, #tpu.memory_space<hbm>>
    tpu.wait_indirect_dma semaphore(%arg10 : memref<!tpu.dma_semaphore, #tpu.memory_space<semaphore_mem>>) src(%dma_wait3A_478 : memref<1000x128xf32, #tpu.memory_space<hbm>>) dst(%arg6 : memref<128x128xf32, #tpu.memory_space<vmem>>)
    %add3A_479 = arith.constant 3072 : i32
    %add3A_480 = arith.addi %mul3A_2, %add3A_479 : i32
    %dma_start3A_481 = arith.constant 0 : i32
    %dma_start3A_482 = tpu.memref_slice %arg4[%add3A_480, %dma_start3A_481] : memref<102400x128xf32, #tpu.memory_space<hbm>> -> memref<128x128xf32, #tpu.memory_space<hbm>>
    %dma_start3A_483 = arith.constant 0 : i32
    %dma_start3A_484 = tpu.memref_slice %arg4[%add3A_480, %dma_start3A_483] : memref<102400x128xf32, #tpu.memory_space<hbm>> -> memref<128x128xf32, #tpu.memory_space<hbm>>
    tpu.enqueue_dma source(%arg6 : memref<128x128xf32, #tpu.memory_space<vmem>>) target(%dma_start3A_484 : memref<128x128xf32, #tpu.memory_space<hbm>>) target_semaphore(%arg14 : memref<!tpu.dma_semaphore, #tpu.memory_space<semaphore_mem>>)
    %dma_wait3A_485 = arith.constant 0 : i32
    %dma_wait3A_486 = tpu.memref_slice %arg4[%mul3A_2, %dma_wait3A_485] : memref<102400x128xf32, #tpu.memory_space<hbm>> -> memref<128x128xf32, #tpu.memory_space<hbm>>
    %dma_wait3A_487 = arith.constant 0 : i32
    %dma_wait3A_488 = tpu.memref_slice %arg4[%mul3A_2, %dma_wait3A_487] : memref<102400x128xf32, #tpu.memory_space<hbm>> -> memref<128x128xf32, #tpu.memory_space<hbm>>
    tpu.wait_dma2 semaphore(%arg14 : memref<!tpu.dma_semaphore, #tpu.memory_space<semaphore_mem>>) src(%arg6 : memref<128x128xf32, #tpu.memory_space<vmem>>) dst(%dma_wait3A_488 : memref<128x128xf32, #tpu.memory_space<hbm>>)
    %dma_wait3A_489 = arith.constant 0 : i32
    %dma_wait3A_490 = tpu.memref_slice %arg4[%mul3A_2, %dma_wait3A_489] : memref<102400x128xf32, #tpu.memory_space<hbm>> -> memref<128x128xf32, #tpu.memory_space<hbm>>
    %dma_wait3A_491 = arith.constant 0 : i32
    %dma_wait3A_492 = tpu.memref_slice %arg4[%mul3A_2, %dma_wait3A_491] : memref<102400x128xf32, #tpu.memory_space<hbm>> -> memref<128x128xf32, #tpu.memory_space<hbm>>
    tpu.wait_dma2 semaphore(%arg15 : memref<!tpu.dma_semaphore, #tpu.memory_space<semaphore_mem>>) src(%arg7 : memref<128x128xf32, #tpu.memory_space<vmem>>) dst(%dma_wait3A_492 : memref<128x128xf32, #tpu.memory_space<hbm>>)
    %dma_wait3A_493 = arith.constant 0 : i32
    %dma_wait3A_494 = tpu.memref_slice %arg4[%mul3A_2, %dma_wait3A_493] : memref<102400x128xf32, #tpu.memory_space<hbm>> -> memref<128x128xf32, #tpu.memory_space<hbm>>
    %dma_wait3A_495 = arith.constant 0 : i32
    %dma_wait3A_496 = tpu.memref_slice %arg4[%mul3A_2, %dma_wait3A_495] : memref<102400x128xf32, #tpu.memory_space<hbm>> -> memref<128x128xf32, #tpu.memory_space<hbm>>
    tpu.wait_dma2 semaphore(%arg16 : memref<!tpu.dma_semaphore, #tpu.memory_space<semaphore_mem>>) src(%arg8 : memref<128x128xf32, #tpu.memory_space<vmem>>) dst(%dma_wait3A_496 : memref<128x128xf32, #tpu.memory_space<hbm>>)
    %dma_wait3A_497 = arith.constant 0 : i32
    %dma_wait3A_498 = tpu.memref_slice %arg4[%mul3A_2, %dma_wait3A_497] : memref<102400x128xf32, #tpu.memory_space<hbm>> -> memref<128x128xf32, #tpu.memory_space<hbm>>
    %dma_wait3A_499 = arith.constant 0 : i32
    %dma_wait3A_500 = tpu.memref_slice %arg4[%mul3A_2, %dma_wait3A_499] : memref<102400x128xf32, #tpu.memory_space<hbm>> -> memref<128x128xf32, #tpu.memory_space<hbm>>
    tpu.wait_dma2 semaphore(%arg17 : memref<!tpu.dma_semaphore, #tpu.memory_space<semaphore_mem>>) src(%arg9 : memref<128x128xf32, #tpu.memory_space<vmem>>) dst(%dma_wait3A_500 : memref<128x128xf32, #tpu.memory_space<hbm>>)
    return
  }
}

module attributes {stable_mosaic.version = 14 : i64} {
  func.func @_project_body(%arg0: memref<1000x128xf32, #tpu.memory_space<vmem>>, %arg1: memref<104x128xf32, #tpu.memory_space<vmem>>, %arg2: memref<128x256xf32, #tpu.memory_space<vmem>>, %arg3: memref<1x128xf32, #tpu.memory_space<vmem>>, %arg4: memref<1000x128xf32, #tpu.memory_space<vmem>>, %arg5: memref<104x128xf32, #tpu.memory_space<vmem>>) attributes {dimension_semantics = [], scalar_prefetch = 0 : i64, scratch_operands = 0 : i64, tpu.core_type = #tpu.core_type<tc>} {
    %get3A = arith.constant 0 : index
    %get3A_0 = arith.constant 0 : index
    %get3A_1 = vector.load %arg2[%get3A, %get3A_0] : memref<128x256xf32, #tpu.memory_space<vmem>>, vector<128x256xf32>
    %slice3A = vector.extract_strided_slice %get3A_1 {offsets = [0, 0], sizes = [128, 128], strides = [1, 1]} : vector<128x256xf32> to vector<128x128xf32>
    %slice3A_2 = vector.extract_strided_slice %get3A_1 {offsets = [0, 128], sizes = [128, 128], strides = [1, 1]} : vector<128x256xf32> to vector<128x128xf32>
    %get3A_3 = arith.constant 0 : index
    %get3A_4 = arith.constant 0 : index
    %get3A_5 = vector.load %arg0[%get3A_3, %get3A_4] : memref<1000x128xf32, #tpu.memory_space<vmem>>, vector<1000x128xf32>
    %dot_general3A = arith.constant dense<0.000000e+00> : vector<1000x128xf32>
    %dot_general3A_6 = tpu.matmul %get3A_5, %slice3A, %dot_general3A {dimension_numbers = #tpu.dot_dimension_numbers<[1], [1], [0], [0], [0, 0, 1, 0], [], []>, transpose_lhs_hint = false} : vector<1000x128xf32>, vector<128x128xf32>, vector<1000x128xf32> -> vector<1000x128xf32>
    %get3A_7 = arith.constant 0 : index
    %get3A_8 = arith.constant 0 : index
    %get3A_9 = vector.load %arg3[%get3A_7, %get3A_8] : memref<1x128xf32, #tpu.memory_space<vmem>>, vector<1x128xf32>
    %add3A = vector.broadcast %get3A_9 : vector<1x128xf32> to vector<1000x128xf32>
    %add3A_10 = arith.addf %dot_general3A_6, %add3A : vector<1000x128xf32>
    %swap3A = arith.constant 0 : index
    %swap3A_11 = arith.constant 0 : index
    %swap3A_12 = vector.load %arg4[%swap3A, %swap3A_11] : memref<1000x128xf32, #tpu.memory_space<vmem>>, vector<1000x128xf32>
    tpu.vector_store %arg4[%swap3A, %swap3A_11], %add3A_10 {strides = array<i32>} : memref<1000x128xf32, #tpu.memory_space<vmem>>, vector<1000x128xf32>,
    %get3A_13 = arith.constant 0 : index
    %get3A_14 = arith.constant 0 : index
    %get3A_15 = vector.load %arg1[%get3A_13, %get3A_14] : memref<104x128xf32, #tpu.memory_space<vmem>>, vector<104x128xf32>
    %dot_general3A_16 = arith.constant dense<0.000000e+00> : vector<104x128xf32>
    %dot_general3A_17 = tpu.matmul %get3A_15, %slice3A_2, %dot_general3A_16 {dimension_numbers = #tpu.dot_dimension_numbers<[1], [1], [0], [0], [0, 0, 1, 0], [], []>, transpose_lhs_hint = false} : vector<104x128xf32>, vector<128x128xf32>, vector<104x128xf32> -> vector<104x128xf32>
    %swap3A_18 = arith.constant 0 : index
    %swap3A_19 = arith.constant 0 : index
    %swap3A_20 = vector.load %arg5[%swap3A_18, %swap3A_19] : memref<104x128xf32, #tpu.memory_space<vmem>>, vector<104x128xf32>
    tpu.vector_store %arg5[%swap3A_18, %swap3A_19], %dot_general3A_17 {strides = array<i32>} : memref<104x128xf32, #tpu.memory_space<vmem>>, vector<104x128xf32>,
    return
  }
}

module attributes {stable_mosaic.version = 14 : i64} {
  func.func @_finish_body0(%arg0: i32, %arg1: memref<12800x128xf32, #tpu.memory_space<vmem>>, %arg2: memref<256x50xi32, #tpu.memory_space<vmem>>, %arg3: memref<104x128xf32, #tpu.memory_space<vmem>>, %arg4: memref<256x50x128xf32, #tpu.memory_space<vmem>>) attributes {dimension_semantics = [#tpu.dimension_semantics<arbitrary>], iteration_bounds = array<i64: 8>, scalar_prefetch = 0 : i64, scratch_operands = 0 : i64, tpu.core_type = #tpu.core_type<tc>, window_params = [{transform_indices = @transform_0, window_bounds = array<i64: 12800, 128>}, {transform_indices = @transform_1, window_bounds = array<i64: 256, 50>}, {pipeline_mode = #tpu.pipeline_mode<synchronous>, transform_indices = @transform_2, window_bounds = array<i64: 104, 128>}, {transform_indices = @transform_3, window_bounds = array<i64: 256, 50, 128>}]} {
    %get3A = arith.constant 0 : index
    %get3A_0 = arith.constant 0 : index
    %get3A_1 = vector.load %arg2[%get3A, %get3A_0] : memref<256x50xi32, #tpu.memory_space<vmem>>, vector<256x50xi32>
    %broadcast_in_dim3A = vector.shape_cast %get3A_1 : vector<256x50xi32> to vector<256x50x1xi32>
    %iota3A = tpu.iota {dimensions = array<i32: 2>} : vector<256x50x104xi32>
    %eq3A = vector.broadcast %broadcast_in_dim3A : vector<256x50x1xi32> to vector<256x50x104xi32>
    %eq3A_2 = arith.cmpi eq, %eq3A, %iota3A : vector<256x50x104xi32>
    %convert_element_type3A = arith.extui %eq3A_2 : vector<256x50x104xi1> to vector<256x50x104xi32>
    %convert_element_type3A_3 = arith.sitofp %convert_element_type3A : vector<256x50x104xi32> to vector<256x50x104xf32>
    %get3A_4 = arith.constant 0 : index
    %get3A_5 = arith.constant 0 : index
    %get3A_6 = vector.load %arg3[%get3A_4, %get3A_5] : memref<104x128xf32, #tpu.memory_space<vmem>>, vector<104x128xf32>
    %convert_element_type3A_7 = arith.truncf %get3A_6 : vector<104x128xf32> to vector<104x128xbf16>
    %convert_element_type3A_8 = arith.extf %convert_element_type3A_7 : vector<104x128xbf16> to vector<104x128xf32>
    %sub3A = arith.subf %get3A_6, %convert_element_type3A_8 : vector<104x128xf32>
    %dot_general3A = arith.constant dense<0.000000e+00> : vector<256x50x128xf32>
    %dot_general3A_9 = tpu.matmul %convert_element_type3A_3, %convert_element_type3A_8, %dot_general3A {dimension_numbers = #tpu.dot_dimension_numbers<[2], [0], [0, 1], [1], [0, 0, 0, 1, 1, 1], [], []>, transpose_lhs_hint = false} : vector<256x50x104xf32>, vector<104x128xf32>, vector<256x50x128xf32> -> vector<256x50x128xf32>
    %dot_general3A_10 = arith.constant dense<0.000000e+00> : vector<256x50x128xf32>
    %dot_general3A_11 = tpu.matmul %convert_element_type3A_3, %sub3A, %dot_general3A_10 {dimension_numbers = #tpu.dot_dimension_numbers<[2], [0], [0, 1], [1], [0, 0, 0, 1, 1, 1], [], []>, transpose_lhs_hint = false} : vector<256x50x104xf32>, vector<104x128xf32>, vector<256x50x128xf32> -> vector<256x50x128xf32>
    %add3A = arith.addf %dot_general3A_9, %dot_general3A_11 : vector<256x50x128xf32>
    %get3A_12 = arith.constant 0 : index
    %get3A_13 = arith.constant 0 : index
    %get3A_14 = vector.load %arg1[%get3A_12, %get3A_13] : memref<12800x128xf32, #tpu.memory_space<vmem>>, vector<12800x128xf32>
    %reshape3A = vector.shape_cast %get3A_14 : vector<12800x128xf32> to vector<256x50x128xf32>
    %add3A_15 = arith.addf %reshape3A, %add3A : vector<256x50x128xf32>
    %swap3A = arith.constant 0 : index
    %swap3A_16 = arith.constant 0 : index
    %swap3A_17 = arith.constant 0 : index
    %swap3A_18 = vector.load %arg4[%swap3A, %swap3A_16, %swap3A_17] : memref<256x50x128xf32, #tpu.memory_space<vmem>>, vector<256x50x128xf32>
    tpu.vector_store %arg4[%swap3A, %swap3A_16, %swap3A_17], %add3A_15 {strides = array<i32>} : memref<256x50x128xf32, #tpu.memory_space<vmem>>, vector<256x50x128xf32>,
    return
  }
  func.func @transform_0(%arg0: i32) -> (i32, i32) {
    %c0_i32 = arith.constant 0 : i32
    %c0_i32_0 = arith.constant 0 : i32
    return %arg0, %c0_i32 : i32, i32
  }
  func.func @transform_1(%arg0: i32) -> (i32, i32) {
    %c0_i32 = arith.constant 0 : i32
    %c0_i32_0 = arith.constant 0 : i32
    return %arg0, %c0_i32 : i32, i32
  }
  func.func @transform_2(%arg0: i32) -> (i32, i32) {
    %c0_i32 = arith.constant 0 : i32
    %c0_i32_0 = arith.constant 0 : i32
    %c0_i32_1 = arith.constant 0 : i32
    return %c0_i32, %c0_i32_0 : i32, i32
  }
  func.func @transform_3(%arg0: i32) -> (i32, i32, i32) {
    %add3A = arith.constant 0 : i32
    %add3A_0 = arith.addi %arg0, %add3A : i32
    %c0_i32 = arith.constant 0 : i32
    %c0_i32_1 = arith.constant 0 : i32
    %c0_i32_2 = arith.constant 0 : i32
    return %add3A_0, %c0_i32, %c0_i32_1 : i32, i32, i32
  }
}

module attributes {stable_mosaic.version = 14 : i64} {
  func.func @_finish_body1(%arg0: i32, %arg1: memref<12800x128xf32, #tpu.memory_space<vmem>>, %arg2: memref<256x50xi32, #tpu.memory_space<vmem>>, %arg3: memref<104x128xf32, #tpu.memory_space<vmem>>, %arg4: memref<4096x50x128xf32, #tpu.memory_space<any>>, %arg5: memref<256x50x128xf32, #tpu.memory_space<vmem>>) attributes {dimension_semantics = [#tpu.dimension_semantics<arbitrary>], iteration_bounds = array<i64: 8>, scalar_prefetch = 0 : i64, scratch_operands = 0 : i64, tpu.core_type = #tpu.core_type<tc>, window_params = [{transform_indices = @transform_0, window_bounds = array<i64: 12800, 128>}, {transform_indices = @transform_1, window_bounds = array<i64: 256, 50>}, {pipeline_mode = #tpu.pipeline_mode<synchronous>, transform_indices = @transform_2, window_bounds = array<i64: 104, 128>}, {}, {transform_indices = @transform_4, window_bounds = array<i64: 256, 50, 128>}]} {
    %get3A = arith.constant 0 : index
    %get3A_0 = arith.constant 0 : index
    %get3A_1 = vector.load %arg2[%get3A, %get3A_0] : memref<256x50xi32, #tpu.memory_space<vmem>>, vector<256x50xi32>
    %broadcast_in_dim3A = vector.shape_cast %get3A_1 : vector<256x50xi32> to vector<256x50x1xi32>
    %iota3A = tpu.iota {dimensions = array<i32: 2>} : vector<256x50x104xi32>
    %eq3A = vector.broadcast %broadcast_in_dim3A : vector<256x50x1xi32> to vector<256x50x104xi32>
    %eq3A_2 = arith.cmpi eq, %eq3A, %iota3A : vector<256x50x104xi32>
    %convert_element_type3A = arith.extui %eq3A_2 : vector<256x50x104xi1> to vector<256x50x104xi32>
    %convert_element_type3A_3 = arith.sitofp %convert_element_type3A : vector<256x50x104xi32> to vector<256x50x104xf32>
    %get3A_4 = arith.constant 0 : index
    %get3A_5 = arith.constant 0 : index
    %get3A_6 = vector.load %arg3[%get3A_4, %get3A_5] : memref<104x128xf32, #tpu.memory_space<vmem>>, vector<104x128xf32>
    %convert_element_type3A_7 = arith.truncf %get3A_6 : vector<104x128xf32> to vector<104x128xbf16>
    %convert_element_type3A_8 = arith.extf %convert_element_type3A_7 : vector<104x128xbf16> to vector<104x128xf32>
    %sub3A = arith.subf %get3A_6, %convert_element_type3A_8 : vector<104x128xf32>
    %dot_general3A = arith.constant dense<0.000000e+00> : vector<256x50x128xf32>
    %dot_general3A_9 = tpu.matmul %convert_element_type3A_3, %convert_element_type3A_8, %dot_general3A {dimension_numbers = #tpu.dot_dimension_numbers<[2], [0], [0, 1], [1], [0, 0, 0, 1, 1, 1], [], []>, transpose_lhs_hint = false} : vector<256x50x104xf32>, vector<104x128xf32>, vector<256x50x128xf32> -> vector<256x50x128xf32>
    %dot_general3A_10 = arith.constant dense<0.000000e+00> : vector<256x50x128xf32>
    %dot_general3A_11 = tpu.matmul %convert_element_type3A_3, %sub3A, %dot_general3A_10 {dimension_numbers = #tpu.dot_dimension_numbers<[2], [0], [0, 1], [1], [0, 0, 0, 1, 1, 1], [], []>, transpose_lhs_hint = false} : vector<256x50x104xf32>, vector<104x128xf32>, vector<256x50x128xf32> -> vector<256x50x128xf32>
    %add3A = arith.addf %dot_general3A_9, %dot_general3A_11 : vector<256x50x128xf32>
    %get3A_12 = arith.constant 0 : index
    %get3A_13 = arith.constant 0 : index
    %get3A_14 = vector.load %arg1[%get3A_12, %get3A_13] : memref<12800x128xf32, #tpu.memory_space<vmem>>, vector<12800x128xf32>
    %reshape3A = vector.shape_cast %get3A_14 : vector<12800x128xf32> to vector<256x50x128xf32>
    %add3A_15 = arith.addf %reshape3A, %add3A : vector<256x50x128xf32>
    %swap3A = arith.constant 0 : index
    %swap3A_16 = arith.constant 0 : index
    %swap3A_17 = arith.constant 0 : index
    %swap3A_18 = vector.load %arg5[%swap3A, %swap3A_16, %swap3A_17] : memref<256x50x128xf32, #tpu.memory_space<vmem>>, vector<256x50x128xf32>
    tpu.vector_store %arg5[%swap3A, %swap3A_16, %swap3A_17], %add3A_15 {strides = array<i32>} : memref<256x50x128xf32, #tpu.memory_space<vmem>>, vector<256x50x128xf32>,
    return
  }
  func.func @transform_0(%arg0: i32) -> (i32, i32) {
    %c0_i32 = arith.constant 0 : i32
    %c0_i32_0 = arith.constant 0 : i32
    return %arg0, %c0_i32 : i32, i32
  }
  func.func @transform_1(%arg0: i32) -> (i32, i32) {
    %c0_i32 = arith.constant 0 : i32
    %c0_i32_0 = arith.constant 0 : i32
    return %arg0, %c0_i32 : i32, i32
  }
  func.func @transform_2(%arg0: i32) -> (i32, i32) {
    %c0_i32 = arith.constant 0 : i32
    %c0_i32_0 = arith.constant 0 : i32
    %c0_i32_1 = arith.constant 0 : i32
    return %c0_i32, %c0_i32_0 : i32, i32
  }
  func.func @transform_4(%arg0: i32) -> (i32, i32, i32) {
    %add3A = arith.constant 8 : i32
    %add3A_0 = arith.addi %arg0, %add3A : i32
    %c0_i32 = arith.constant 0 : i32
    %c0_i32_1 = arith.constant 0 : i32
    %c0_i32_2 = arith.constant 0 : i32
    return %add3A_0, %c0_i32, %c0_i32_1 : i32, i32, i32
  }
}

</mosaic_0001>

<sc_bundles>
// kernel: kernel.10.cloned.1.call-start
scs
__scs_entry_jumppad:
0x0: {  	(pc) =	sbr.rel $0x88, $3  }
0x1: {  	(tag) =	ssettag $0x0;
	lr =	simm.s32 $0x1  }
0x2: {  	[smem:$0x3F9B] =	sst lr;
	_ =	strace $0xD0000000  }
0x3: {  	_ = 	snop  }
0x4: {  	_ = 	snop  }
0x5: {  	_ = 	snop  }
0x6: {  	_ = 	snop  }
0x7: {  	_ = 	snop  }
__scs_overlays_trampoline_lowered:
0x8: {  	[smem:$0x3FAA] =	sst s0  }
0x9: {  	[smem:$0x3FAB] =	sst s1  }
0xa: {  	[smem:$0x3FAC] =	sst s2  }
0xb: {  	[smem:$0x3FAD] =	sst s3  }
0xc: {  	[smem:$0x3FAE] =	sst s4  }
0xd: {  	[smem:$0x3FAF] =	sst s5  }
0xe: {  	[smem:$0x3FB0] =	sst s6  }
0xf: {  	[smem:$0x3FB1] =	sst s7  }
0x10: {  	[smem:$0x3FB2] =	sst s8  }
0x11: {  	[smem:$0x3FB3] =	sst s9;
	s0 =	simm.s32 @!p0 $0x0  }
0x12: {  	s1 =	sld [smem:$0x3F99];
	s0 =	simm.s32 @p0 $0x1  }
0x13: {  	[smem:$0x3FB4] =	sst s0;
	s0 =	simm.s32 @!p1 $0x0  }
0x14: {  	s2 =	sld [smem:$0x3F98];
	s0 =	simm.s32 @p1 $0x1  }
0x15: {  	[smem:$0x3FB5] =	sst s0;
	s0 =	simm.s32 @!p2 $0x0  }
0x16: {  	s3 =	sld [smem:$0x3FDB];
	s0 =	simm.s32 @p2 $0x1  }
0x17: {  	s4 =	simm.s32 $0x1BF5;
	[smem:$0x3FB7] =	sst s0  }
0x18: {  	s0 =	sld [smem:$0x3F9A];
	_ =	swait.ge [sflag:s4], $0x0  }
0x19: {  	s7 =	sld [smem:$0x3F9B]  }
0x1a: {  	s8 =	sadd.s32 $0xFFFFE003, lr  }
0x1b: {  	s9 =	sadd.s32 $0xFFFFFEF7, lr;
	s5 =	simm.s32 $0xFFFFFFFF;
	p2 =	slt.u32 s8, $0xFFFFF086  }
0x1c: {  	p1 =	slt.u32 s9, $0xF7A;
	s5 =	simm.s32 @!p2 $0x0  }
0x1d: {  	s5 =	simm.s32 @p1 $0x1;
	p0 =	seq.s32 s7, s2  }
0x1e: {  	s7 =	smul.u32 @!p0 $0xF7A, s2;
	p2 =	seq.s32 @!p0 s5, $0x0  }
0x1f: {  	s9 =	smul.u32 $0xF7A, s1;
	s8 =	simm.s32 @!p0 $0x1BF5;
	p2 =	por !p2, p0  }
0x20: {  	[sflag:s8] =	ssyncset.s32 @!p0 $0xFFFFF086;
	s6 =	sadd.s32 @!p0 s3, s7;
	s7 =	simm.s32 @!p0 $0x108  }
0x21: {  	s3 =	sadd.s32 s3, s9;
	s6 =	sadd.s32 @!p0 $0x88, s6;
	s7 =	simm.s32 @p2 $0x1082  }
0x22: {  	[simem:s7], [sflag:s8] =	dma.local @!p0 [hbm:s6], $0xF7A  }
0x23: {  	s9 =	sor.u32 $0xD0000000, s2;
	s6 =	simm.s32 $0x108;
	_ =	swait.ge @!p0 [sflag:s8], $0x0  }
0x24: {  	s3 =	sadd.s32 $0x88, s3;
	s6 =	simm.s32 @!p1 $0x1082;
	[sflag:s4] =	ssyncset.s32 $0xFFFFF086  }
0x25: {  	[simem:s6], [sflag:s4] =	dma.local [hbm:s3], $0xF7A  }
0x26: {  	[smem:$0x3F9B] =	sst s1;
	(tag) =	ssettag s2;
	_ =	strace s9  }
0x27: {  	s1 =	sld [smem:$0x3FAB]  }
0x28: {  	s2 =	sld [smem:$0x3FAC]  }
0x29: {  	s4 =	sld [smem:$0x3FAE]  }
0x2a: {  	p0 =	seq.s32 s5, $0x0;
	s5 =	sld [smem:$0x3FAF]  }
0x2b: {  	s6 =	sld [smem:$0x3FB0]  }
0x2c: {  	s7 =	sld [smem:$0x3FB1]  }
0x2d: {  	s3 =	simm.s32 $0x108;
	s8 =	sld [smem:$0x3FB2]  }
0x2e: {  	s3 =	simm.s32 @!p0 $0x1082;
	s9 =	sld [smem:$0x3FB3]  }
0x2f: {  	lr =	sadd.s32 s0, s3;
	s0 =	sld [smem:$0x3FAA]  }
0x30: {  	s3 =	sld [smem:$0x3FAD]  }
0x31: {  	[smem:$0x3FB6] =	sst s10  }
0x32: {  	s10 =	sld [smem:$0x3FB4];
	_ =	sdelay $0x3  }
0x33: {  	p0 =	seq.s32 s10, $0x1;
	s10 =	sld [smem:$0x3FB6];
	_ =	sdelay $0x3  }
0x34: {  	[smem:$0x3FB6] =	sst s10  }
0x35: {  	s10 =	sld [smem:$0x3FB5];
	_ =	sdelay $0x3  }
0x36: {  	p1 =	seq.s32 s10, $0x1;
	s10 =	sld [smem:$0x3FB6];
	_ =	sdelay $0x3  }
0x37: {  	[smem:$0x3FB6] =	sst s10  }
0x38: {  	s10 =	sld [smem:$0x3FB7]  }
0x39: {  	_ = 	snop;
	(pc) =	sbr.ind lr, $3  }
0x3a: {  	_ = 	snop  }
0x3b: {  	_ = 	snop  }
0x3c: {  	p2 =	seq.s32 s10, $0x1;
	s10 =	sld [smem:$0x3FB6]  }
0x3d: {  	_ =	shalt  }
0x3e: {  	_ =	shalt  }
0x3f: {  	_ =	shalt  }
0x40: {  	_ =	shalt  }
0x41: {  	_ =	shalt  }
0x42: {  	_ =	shalt  }
0x43: {  	_ =	shalt  }
0x44: {  	_ =	shalt  }
0x45: {  	_ =	shalt  }
0x46: {  	_ =	shalt  }
0x47: {  	_ =	shalt  }
0x48: {  	_ =	shalt  }
0x49: {  	_ =	shalt  }
0x4a: {  	_ =	shalt  }
0x4b: {  	_ =	shalt  }
0x4c: {  	_ =	shalt  }
0x4d: {  	_ =	shalt  }
0x4e: {  	_ =	shalt  }
0x4f: {  	_ =	shalt  }
0x50: {  	_ =	shalt  }
0x51: {  	_ =	shalt  }
0x52: {  	_ =	shalt  }
0x53: {  	_ =	shalt  }
0x54: {  	_ =	shalt  }
0x55: {  	_ =	shalt  }
0x56: {  	_ =	shalt  }
0x57: {  	_ =	shalt  }
0x58: {  	_ =	shalt  }
0x59: {  	_ =	shalt  }
0x5a: {  	_ =	shalt  }
0x5b: {  	_ =	shalt  }
0x5c: {  	_ =	shalt  }
0x5d: {  	_ =	shalt  }
0x5e: {  	_ =	shalt  }
0x5f: {  	_ =	shalt  }
0x60: {  	_ =	shalt  }
0x61: {  	_ =	shalt  }
0x62: {  	_ =	shalt  }
0x63: {  	_ =	shalt  }
0x64: {  	_ =	shalt  }
0x65: {  	_ =	shalt  }
0x66: {  	_ =	shalt  }
0x67: {  	_ =	shalt  }
0x68: {  	_ =	shalt  }
0x69: {  	_ =	shalt  }
0x6a: {  	_ =	shalt  }
0x6b: {  	_ =	shalt  }
0x6c: {  	_ =	shalt  }
0x6d: {  	_ =	shalt  }
0x6e: {  	_ =	shalt  }
0x6f: {  	_ =	shalt  }
0x70: {  	_ =	shalt  }
0x71: {  	_ =	shalt  }
0x72: {  	_ =	shalt  }
0x73: {  	_ =	shalt  }
0x74: {  	_ =	shalt  }
0x75: {  	_ =	shalt  }
0x76: {  	_ =	shalt  }
0x77: {  	_ =	shalt  }
0x78: {  	_ =	shalt  }
0x79: {  	_ =	shalt  }
0x7a: {  	_ =	shalt  }
0x7b: {  	_ =	shalt  }
0x7c: {  	_ =	shalt  }
0x7d: {  	_ =	shalt  }
0x7e: {  	_ =	shalt  }
0x7f: {  	_ =	shalt  }
0x80: {  	_ =	shalt  }
0x81: {  	_ =	shalt  }
0x82: {  	_ =	shalt  }
0x83: {  	_ =	shalt  }
0x84: {  	_ =	shalt  }
0x85: {  	_ =	shalt  }
0x86: {  	_ =	shalt  }
0x87: {  	_ =	shalt  }
.Lfunc_end0:
.L_simem_size_0:
called_computation.1_lowered:
.L_overlay_start_0:
0x88: {  	s2 =	sld [smem:$0x3FD9]  }
0x89: {  	s3 =	sld [smem:$0x3FFE];
	_ =	sdelay $0x1  }
0x8a: {  	s1 =	srdreg.scid  }
0x8b: {  	s0 =	sand.u32 $0x1, s1  }
0x8c: {  	s17 =	sshll.u32 s0, $0xA;
	s2 =	sadd.s32 s3, s2  }
0x8d: {  	s2 =	sadd.s32 s2, s17  }
0x8e: {  	[smem:$0x3FC2] =	sst s2  }
0x8f: {  	_ = 	snop  }
0x90: {  	s18 =	sld [smem:$0x3FD0];
	(tm) =	ssettm $0x1  }
0x91: {  	s19 =	sld [smem:$0x3FFB];
	_ =	sdelay $0x3  }
0x92: {  	_ =	strace s19  }
0x93: {  	s2 =	sld [smem:$0x3FFC];
	_ =	sdelay $0x3  }
0x94: {  	_ =	strace s2  }
0x95: {  	s2 =	sld [smem:$0x3FFD];
	_ =	sdelay $0x3  }
0x96: {  	_ =	strace s2  }
0x97: {  	_ =	strace $0x8FFFFFFF  }
0x98: {  	s20 =	sld [smem:$0x3FDB];
	_ =	sdelay $0x1  }
0x99: {  	s4 =	simm.s32 $_scs_section_size  }
0x9a: {  	s5 =	simm.s32 $_size__tile_overlayer_lowered;
	s6 =	simm.s32 $_tile_overlayer_lowered  }
0x9b: {  	s7 =	simm.s32 $0x1BFF;
	s21 =	sshll.u32 s6, $0x1;
	s4 =	sadd.s32 s4, s20  }
0x9c: {  	s22 =	simm.s32 $0x0;
	s5 =	sshll.u32 s5, $0x1;
	s6 =	sadd.s32 s21, s4  }
0x9d: {  	[timem:s22], [sflag:s7] =	dma.local [hbm:s6], s5  }
0x9e: {  	_ =	swait.ge [sflag:s7], s5  }
0x9f: {  	s5 =	ssub.s32 $0x0, s5;
	[sflag:s7] =	ssyncset.done $0x0  }
0xa0: {  	[sflag:s7] =	ssyncadd.s32 s5;
	_ =	sdelay $0x1  }
0xa1: {  	s23 =	simm.s32 $0x1B8B  }
0xa2: {  	_ =	swait.ge [sflag:s23], $0x1  }
0xa3: {  	[sflag:s23] =	ssyncset.done $0x0  }
0xa4: {  	[sflag:s23] =	ssyncadd.s32 $0xFFFFFFFF  }
0xa5: {  	s5 =	sld [smem:$0x0]  }
0xa6: {  	s6 =	sand.u32 $0xFFFFFFFE, s1  }
0xa7: {  	p0 =	sne.s32 s1, s6  }
0xa8: {  	s6 =	sshll.u32 @p0 s6, $0xE  }
0xa9: {  	s6 =	sadd.s32 @p0 $0x11B8D, s6;
	s7 =	sshll.u32 @p0 s5, $0x11  }
0xaa: {  	s6 =	sor.u32 @p0 s7, s6  }
0xab: {  	[sflag:s6] =	ssyncadd.remote.s32 @p0 $0x1;
	_ =	sdelay $0x1  }
0xac: {  	s6 =	simm.s32 @p0 $0x1B8D  }
0xad: {  	_ =	swait.eq @p0 [sflag:s6], $0x1  }
0xae: {  	[sflag:s6] =	ssyncadd.s32 @p0 $0xFFFFFFFF  }
0xaf: {  	s7 =	sshll.u32 @!p0 s1, $0xE  }
0xb0: {  	s7 =	sor.u32 @!p0 $0x4000, s7;
	s6 =	simm.s32 @!p0 $0x1B8D  }
0xb1: {  	s5 =	sshll.u32 @!p0 s5, $0x11;
	s7 =	sadd.s32 @!p0 $0x11B8D, s7;
	_ =	swait.eq @!p0 [sflag:s6], $0x1  }
0xb2: {  	s5 =	sor.u32 @!p0 s5, s7;
	[sflag:s6] =	ssyncadd.s32 @!p0 $0xFFFFFFFF  }
0xb3: {  	s25 =	simm.s32 $0x1B8E;
	s24 =	sld [smem:$0x3FFE];
	[sflag:s5] =	ssyncadd.remote.s32 @!p0 $0x1  }
0xb4: {  	s26 =	simm.s32 $execute0_lowered;
	[smem:$0x3FD2] =	sst s25  }
0xb5: {  	s6 =	sshll.u32 s26, $0x1;
	_ =	strace $0x80000049;
	[dreg:$0x1] =	wrdreg $0xFFFFFFFF  }
0xb6: {  	s28 =	simm.s32 $_size_execute0_lowered;
	s4 =	sadd.s32 s4, s6;
	[dreg:$0x0] =	wrdreg $0x0  }
0xb7: {  	s6 =	sshll.u32 s28, $0x1;
	[dreg:$0x2] =	wrdreg s4  }
0xb8: {  	[dreg:$0x3] =	wrdreg s6  }
0xb9: {  	[dreg:$0x4] =	wrdreg $0xC0  }
0xba: {  	_ =	task [dreg:s22], $0x5FFFF  }
0xbb: {  	[dreg:$0x1] =	wrdreg $0xFFFFFFFF  }
0xbc: {  	[dreg:$0x0] =	wrdreg $0x60  }
0xbd: {  	[dreg:$0x2] =	wrdreg s24  }
0xbe: {  	[dreg:$0x3] =	wrdreg s18  }
0xbf: {  	[dreg:$0x4] =	wrdreg $0xA  }
0xc0: {  	_ =	task.clear_ibuf [dreg:s22], $0x5FFFF;
	_ =	strace $0x90000049  }
0xc1: {  	s29 =	simm.s32 $0xA;
	_ =	strace $0x8000004B  }
0xc2: {  	_ =	swait.ge [sflag:s29], $0x1  }
0xc3: {  	[sflag:s29] =	ssyncadd.s32 $0xFFFFFFFF  }
0xc4: {  	_ =	strace $0x9000004B  }
0xc5: {  	_ =	sfence  }
0xc6: {  	s30 =	sld [smem:$0x0];
	_ =	sdelay $0x2  }
0xc7: {  	s31 =	sshll.u32 s1, $0xD;
	s1 =	sshrl.u32 s1, $0x2  }
0xc8: {  	s4 =	sand.u32 $0x4000, s31;
	s1 =	sadd.s32 s1, s30  }
0xc9: {  	s0 =	sor.u32 s4, s0;
	s1 =	sshll.u32 s1, $0x11  }
0xca: {  	s0 =	sor.u32 s1, s0  }
0xcb: {  	s0 =	sadd.s32 $0x8F2B, s0  }
0xcc: {  	[sflag:s0] =	ssyncadd.remote.s32 $0x1  }
0xcd: {  	_ =	sfence.sel $0xFFFF  }
0xce: {  	[dreg:$0x0] =	wrdreg $0xFFFFFFFF;
	(pc) =	sbr.abs _section_cstart, $3  }
0xcf: {  	[dreg:$0x1] =	wrdreg $0xFFFFFFFF  }
0xd0: {  	_ =	task.clear_ibuf [dreg:s22], $0x2FFFF;
	_ =	strace $0x9FFFFFFF  }
0xd1: {  	(tm) =	ssettm $0x7FFFFFFF  }
tec
execute0_lowered:
.L_overlay_start_1:
0x0: {  	(tag) =	ssettag $0x1  }
0x1: {  	s0 =	srdreg.scid;
	s17 =	stileid.u32  }
0x2: {  	s0 =	sand.u32 $0x1, s0;
	s2 =	sshll.u32 s17, $0x1  }
0x3: {  	s3 =	sor.u32 s0, s2  }
0x4: {  	s5 =	smul.u32 $0x190, s3  }
0x5: {  	s1 =	rddreg [dreg:$0x0];
	s2 =	simm.s32 $0x0;
	s6 =	smul.u32 $0x64000, s3  }
0x6: {  	[smem:$0x7FF] =	sst s2;
	s3 =	smul.u32 $0xC800, s3  }
0x7: {  	s4 =	rddreg [dreg:$0x1];
	_ =	strace $0x8000004A  }
0x8: {  	s5 =	sadd.s32 s5, s1;
	s6 =	sshrl.u32 s6, $0x3;
	s3 =	sadd.s32 s4, s3  }
0x9: {  	s5 =	sadd.s32 $0x198A00, s5;
	s4 =	sadd.s32 s4, s6;
	[dreg:$0x4] =	wrdreg s3  }
0xa: {  	[dreg:$0x3] =	wrdreg s5;
	s12 =	sadd.s32 $0x800, s4  }
0xb: {  	s13 =	sadd.s32 $0x1000, s4;
	[dreg:$0x5] =	wrdreg s12  }
0xc: {  	s14 =	sadd.s32 $0x1800, s4;
	[dreg:$0x6] =	wrdreg s13  }
0xd: {  	s15 =	sadd.s32 $0x2000, s4;
	[dreg:$0x7] =	wrdreg s14  }
0xe: {  	s16 =	sadd.s32 $0x2800, s4;
	[dreg:$0x8] =	wrdreg s15  }
0xf: {  	s18 =	sadd.s32 $0x3000, s4;
	[dreg:$0x9] =	wrdreg s16  }
0x10: {  	s19 =	sadd.s32 $0x3800, s4;
	[dreg:$0xa] =	wrdreg s18  }
0x11: {  	s20 =	sadd.s32 $0x4000, s4;
	[dreg:$0xb] =	wrdreg s19  }
0x12: {  	s21 =	sadd.s32 $0x4800, s4;
	[dreg:$0xc] =	wrdreg s20  }
0x13: {  	s22 =	sadd.s32 $0x5000, s4;
	[dreg:$0xd] =	wrdreg s21  }
0x14: {  	s23 =	sadd.s32 $0x5800, s4;
	[dreg:$0xe] =	wrdreg s22  }
0x15: {  	s24 =	sadd.s32 $0x6000, s4;
	[dreg:$0xf] =	wrdreg s23  }
0x16: {  	s25 =	sadd.s32 $0x6800, s4;
	[dreg:$0x10] =	wrdreg s24  }
0x17: {  	s26 =	sadd.s32 $0x7000, s4;
	[dreg:$0x11] =	wrdreg s25  }
0x18: {  	s5 =	sadd.s32 $0x7800, s4;
	[dreg:$0x12] =	wrdreg s26  }
0x19: {  	s31 =	simm.s32 $0x9;
	s6 =	sadd.s32 $0x8000, s4;
	[dreg:$0x13] =	wrdreg s5  }
0x1a: {  	s30 =	simm.s32 $0x680;
	s7 =	sadd.s32 $0x8800, s4;
	[dreg:$0x14] =	wrdreg s6  }
0x1b: {  	s29 =	simm.s32 $0x700;
	s8 =	sadd.s32 $0x9000, s4;
	[dreg:$0x15] =	wrdreg s7  }
0x1c: {  	s28 =	simm.s32 $0x780;
	s9 =	sadd.s32 $0x9800, s4;
	[dreg:$0x16] =	wrdreg s8  }
0x1d: {  	p0 =	por $0x0, $0x0;
	s10 =	sadd.s32 $0xA000, s4;
	[dreg:$0x17] =	wrdreg s9  }
0x1e: {  	s0 =	ssub.s32 $0x2, s0;
	s11 =	sadd.s32 $0xA800, s4;
	[dreg:$0x18] =	wrdreg s10  }
0x1f: {  	s3 =	simm.s32 $0xC80;
	[dreg:$0x19] =	wrdreg s11;
	s12 =	sadd.s32 $0xB000, s4  }
0x20: {  	s13 =	sshrl.u32 s0, $0x1;
	s14 =	sadd.s32 $0xB800, s4;
	s15 =	sadd.s32 $0xC000, s4  }
0x21: {  	s9 =	sadd.s32 $0x4A00, s1;
	s16 =	simm.s32 $0x100;
	s18 =	simm.s32 $0x180  }
0x22: {  	s10 =	simm.s32 $0x8C80;
	s7 =	simm.s32 $0xCC80;
	[dreg:$0x1a] =	wrdreg s12  }
0x23: {  	s5 =	simm.s32 $0x1;
	s19 =	simm.s32 $0x200;
	[dreg:$0x1b] =	wrdreg s14  }
0x24: {  	s4 =	simm.s32 $0x5;
	s20 =	simm.s32 $0x280;
	[dreg:$0x1c] =	wrdreg s15  }
0x25: {  	s21 =	simm.s32 $0x300;
	s6 =	simm.s32 $0x6;
	[dreg:$0x1d] =	wrdreg s16  }
0x26: {  	s22 =	simm.s32 $0x380;
	s23 =	simm.s32 $0x400;
	[dreg:$0x1e] =	wrdreg s18  }
0x27: {  	s8 =	simm.s32 $0x7;
	s24 =	simm.s32 $0x480;
	[dreg:$0x1f] =	wrdreg s19  }
0x28: {  	s25 =	simm.s32 $0x500;
	s11 =	simm.s32 $0x8;
	[smem:$0x7F7] =	sst s20  }
0x29: {  	s26 =	simm.s32 $0x580;
	s0 =	ssub.s32 s0, s13;
	[smem:$0x7F8] =	sst s21  }
0x2a: {  	s12 =	simm.s32 $0x80;
	s13 =	simm.s32 $0x4C80;
	[smem:$0x7F9] =	sst s22  }
0x2b: {  	s14 =	simm.s32 $0x2;
	[smem:$0x7FA] =	sst s23;
	s0 =	smax.u32 s0, $0x1  }
0x2c: {  	s15 =	simm.s32 $0x3;
	[smem:$0x7FB] =	sst s24;
	p1 =	sne.s32 s0, $0x1  }
.Ltmp0:
0x2d: {  	s16 =	simm.s32 $0x4;
	[smem:$0x7FC] =	sst s25;
	(pc) =	sbr.rel @!p1 .LBB2_1-.Ltmp0, $4  }
0x2e: {  	[smem:$0x7FD] =	sst s26;
	s26 =	simm.s32 $0x800;
	s25 =	simm.s32 $0x880  }
0x2f: {  	s24 =	simm.s32 $0x900;
	s23 =	simm.s32 $0x980;
	s22 =	simm.s32 $0xA00  }
0x30: {  	s21 =	simm.s32 $0xA80;
	s20 =	simm.s32 $0xB00;
	s19 =	simm.s32 $0xB80  }
0x31: {  	s18 =	simm.s32 $0xC00;
	s1 =	sadd.s32 $0xFFFFFFFF, s0;
	s0 =	rddreg [dreg:$0x3]  }
0x32: {  	[tilespmem:s2], [sflag:$0x9] =	stream.linear.gather [hbm4b:s0+s2], $0xC80, $0x38;
	[tilespmem:$0x10C80] =	vst v63  }
0x33: {  	_ =	swait.ge [sflag:s31], $0xC80  }
0x34: {  	[sflag:s31] =	ssyncset.done $0x0  }
0x35: {  	[sflag:s31] =	ssyncadd.s32 $0xFFFFF380  }
0x36: {  	[tilespmem:s3], [sflag:$0x1] =	stream.indirect.gather [hbm4b:s9+s12], $0x80, s2, s12, $0xb8;
	[tilespmem:$0x10C80] =	vst v63  }
0x37: {  	_ = 	snop  }
0x38: {  	[tilespmem:s13], [sflag:$0x2] =	stream.indirect.gather [hbm4b:s9+s12], $0x80, s12, s12, $0xb8;
	[tilespmem:$0x10C80] =	vst v63  }
0x39: {  	s0 =	rddreg [dreg:$0x1d]  }
0x3a: {  	[tilespmem:s10], [sflag:$0x3] =	stream.indirect.gather [hbm4b:s9+s12], $0x80, s0, s12, $0xb8;
	[tilespmem:$0x10C80] =	vst v63  }
0x3b: {  	s17 =	smov.u32 s1;
	s1 =	rddreg [dreg:$0x1e]  }
0x3c: {  	[tilespmem:s7], [sflag:$0x4] =	stream.indirect.gather [hbm4b:s9+s12], $0x80, s1, s12, $0xb8;
	[tilespmem:$0x10C80] =	vst v63  }
0x3d: {  	_ =	swait.ge [sflag:s5], $0x4000  }
0x3e: {  	[sflag:s5] =	ssyncset.done $0x0  }
0x3f: {  	s1 =	rddreg [dreg:$0x4];
	[sflag:s5] =	ssyncadd.s32 $0xFFFFC000  }
0x40: {  	[hbm4b:s1+s2] =	stream.linear.scatter [tilespmem:s3], [sflag:$0x5], $0x4000, $0x38;
	[tilespmem:$0x10C80] =	vst v63  }
0x41: {  	_ =	swait.ge [sflag:s4], $0x4000  }
0x42: {  	[sflag:s4] =	ssyncset.done $0x0  }
0x43: {  	s1 =	rddreg [dreg:$0x1f];
	[sflag:s4] =	ssyncadd.s32 $0xFFFFC000  }
0x44: {  	[tilespmem:s3], [sflag:$0x1] =	stream.indirect.gather [hbm4b:s9+s12], $0x80, s1, s12, $0xb8;
	[tilespmem:$0x10C80] =	vst v63  }
0x45: {  	_ =	swait.ge [sflag:s14], $0x4000  }
0x46: {  	[sflag:s14] =	ssyncset.done $0x0  }
0x47: {  	s1 =	rddreg [dreg:$0x5];
	[sflag:s14] =	ssyncadd.s32 $0xFFFFC000  }
0x48: {  	[hbm4b:s1+s2] =	stream.linear.scatter [tilespmem:s13], [sflag:$0x6], $0x4000, $0x38;
	[tilespmem:$0x10C80] =	vst v63  }
0x49: {  	_ =	swait.ge [sflag:s6], $0x4000  }
0x4a: {  	s1 =	sld [smem:$0x7F7]  }
0x4b: {  	[sflag:s6] =	ssyncset.done $0x0  }
0x4c: {  	[sflag:s6] =	ssyncadd.s32 $0xFFFFC000  }
0x4d: {  	[tilespmem:s13], [sflag:$0x2] =	stream.indirect.gather [hbm4b:s9+s12], $0x80, s1, s12, $0xb8;
	[tilespmem:$0x10C80] =	vst v63  }
0x4e: {  	_ =	swait.ge [sflag:s15], $0x4000  }
0x4f: {  	[sflag:s15] =	ssyncset.done $0x0  }
0x50: {  	s1 =	rddreg [dreg:$0x6];
	[sflag:s15] =	ssyncadd.s32 $0xFFFFC000  }
0x51: {  	[hbm4b:s1+s2] =	stream.linear.scatter [tilespmem:s10], [sflag:$0x7], $0x4000, $0x38;
	[tilespmem:$0x10C80] =	vst v63  }
0x52: {  	_ =	swait.ge [sflag:s8], $0x4000  }
0x53: {  	s1 =	sld [smem:$0x7F8]  }
0x54: {  	[sflag:s8] =	ssyncset.done $0x0  }
0x55: {  	[sflag:s8] =	ssyncadd.s32 $0xFFFFC000  }
0x56: {  	[tilespmem:s10], [sflag:$0x3] =	stream.indirect.gather [hbm4b:s9+s12], $0x80, s1, s12, $0xb8;
	[tilespmem:$0x10C80] =	vst v63  }
0x57: {  	_ =	swait.ge [sflag:s16], $0x4000  }
0x58: {  	[sflag:s16] =	ssyncset.done $0x0  }
0x59: {  	s1 =	rddreg [dreg:$0x7];
	[sflag:s16] =	ssyncadd.s32 $0xFFFFC000  }
0x5a: {  	[hbm4b:s1+s2] =	stream.linear.scatter [tilespmem:s7], [sflag:$0x8], $0x4000, $0x38;
	[tilespmem:$0x10C80] =	vst v63  }
0x5b: {  	_ =	swait.ge [sflag:s11], $0x4000  }
0x5c: {  	s1 =	sld [smem:$0x7F9]  }
0x5d: {  	[sflag:s11] =	ssyncset.done $0x0  }
0x5e: {  	[sflag:s11] =	ssyncadd.s32 $0xFFFFC000  }
0x5f: {  	[tilespmem:s7], [sflag:$0x4] =	stream.indirect.gather [hbm4b:s9+s12], $0x80, s1, s12, $0xb8;
	[tilespmem:$0x10C80] =	vst v63  }
0x60: {  	_ =	swait.ge [sflag:s5], $0x4000  }
0x61: {  	[sflag:s5] =	ssyncset.done $0x0  }
0x62: {  	s1 =	rddreg [dreg:$0x8];
	[sflag:s5] =	ssyncadd.s32 $0xFFFFC000  }
0x63: {  	[hbm4b:s1+s2] =	stream.linear.scatter [tilespmem:s3], [sflag:$0x5], $0x4000, $0x38;
	[tilespmem:$0x10C80] =	vst v63  }
0x64: {  	_ =	swait.ge [sflag:s4], $0x4000  }
0x65: {  	s1 =	sld [smem:$0x7FA]  }
0x66: {  	[sflag:s4] =	ssyncset.done $0x0  }
0x67: {  	[sflag:s4] =	ssyncadd.s32 $0xFFFFC000  }
0x68: {  	[tilespmem:s3], [sflag:$0x1] =	stream.indirect.gather [hbm4b:s9+s12], $0x80, s1, s12, $0xb8;
	[tilespmem:$0x10C80] =	vst v63  }
0x69: {  	_ =	swait.ge [sflag:s14], $0x4000  }
0x6a: {  	[sflag:s14] =	ssyncset.done $0x0  }
0x6b: {  	s1 =	rddreg [dreg:$0x9];
	[sflag:s14] =	ssyncadd.s32 $0xFFFFC000  }
0x6c: {  	[hbm4b:s1+s2] =	stream.linear.scatter [tilespmem:s13], [sflag:$0x6], $0x4000, $0x38;
	[tilespmem:$0x10C80] =	vst v63  }
0x6d: {  	_ =	swait.ge [sflag:s6], $0x4000  }
0x6e: {  	s1 =	sld [smem:$0x7FB]  }
0x6f: {  	[sflag:s6] =	ssyncset.done $0x0  }
0x70: {  	[sflag:s6] =	ssyncadd.s32 $0xFFFFC000  }
0x71: {  	[tilespmem:s13], [sflag:$0x2] =	stream.indirect.gather [hbm4b:s9+s12], $0x80, s1, s12, $0xb8;
	[tilespmem:$0x10C80] =	vst v63  }
0x72: {  	_ =	swait.ge [sflag:s15], $0x4000  }
0x73: {  	[sflag:s15] =	ssyncset.done $0x0  }
0x74: {  	s1 =	rddreg [dreg:$0xa];
	[sflag:s15] =	ssyncadd.s32 $0xFFFFC000  }
0x75: {  	[hbm4b:s1+s2] =	stream.linear.scatter [tilespmem:s10], [sflag:$0x7], $0x4000, $0x38;
	[tilespmem:$0x10C80] =	vst v63  }
0x76: {  	_ =	swait.ge [sflag:s8], $0x4000  }
0x77: {  	s1 =	sld [smem:$0x7FC]  }
0x78: {  	[sflag:s8] =	ssyncset.done $0x0  }
0x79: {  	[sflag:s8] =	ssyncadd.s32 $0xFFFFC000  }
0x7a: {  	[tilespmem:s10], [sflag:$0x3] =	stream.indirect.gather [hbm4b:s9+s12], $0x80, s1, s12, $0xb8;
	[tilespmem:$0x10C80] =	vst v63  }
0x7b: {  	_ =	swait.ge [sflag:s16], $0x4000  }
0x7c: {  	[sflag:s16] =	ssyncset.done $0x0  }
0x7d: {  	s1 =	rddreg [dreg:$0xb];
	[sflag:s16] =	ssyncadd.s32 $0xFFFFC000  }
0x7e: {  	[hbm4b:s1+s2] =	stream.linear.scatter [tilespmem:s7], [sflag:$0x8], $0x4000, $0x38;
	[tilespmem:$0x10C80] =	vst v63  }
0x7f: {  	_ =	swait.ge [sflag:s11], $0x4000  }
0x80: {  	s1 =	sld [smem:$0x7FD]  }
0x81: {  	[sflag:s11] =	ssyncset.done $0x0  }
0x82: {  	[sflag:s11] =	ssyncadd.s32 $0xFFFFC000  }
0x83: {  	[tilespmem:s7], [sflag:$0x4] =	stream.indirect.gather [hbm4b:s9+s12], $0x80, s1, s12, $0xb8;
	[tilespmem:$0x10C80] =	vst v63  }
0x84: {  	_ =	swait.ge [sflag:s5], $0x4000  }
0x85: {  	[sflag:s5] =	ssyncset.done $0x0  }
0x86: {  	s1 =	rddreg [dreg:$0xc];
	[sflag:s5] =	ssyncadd.s32 $0xFFFFC000  }
0x87: {  	[hbm4b:s1+s2] =	stream.linear.scatter [tilespmem:s3], [sflag:$0x5], $0x4000, $0x38;
	[tilespmem:$0x10C80] =	vst v63  }
0x88: {  	_ =	swait.ge [sflag:s4], $0x4000  }
0x89: {  	[sflag:s4] =	ssyncset.done $0x0  }
0x8a: {  	s1 =	simm.s32 $0x600;
	[sflag:s4] =	ssyncadd.s32 $0xFFFFC000  }
0x8b: {  	[tilespmem:s3], [sflag:$0x1] =	stream.indirect.gather [hbm4b:s9+s12], $0x80, s1, s12, $0xb8;
	[tilespmem:$0x10C80] =	vst v63  }
0x8c: {  	_ =	swait.ge [sflag:s14], $0x4000  }
0x8d: {  	[sflag:s14] =	ssyncset.done $0x0  }
0x8e: {  	s1 =	rddreg [dreg:$0xd];
	[sflag:s14] =	ssyncadd.s32 $0xFFFFC000  }
0x8f: {  	[hbm4b:s1+s2] =	stream.linear.scatter [tilespmem:s13], [sflag:$0x6], $0x4000, $0x38;
	[tilespmem:$0x10C80] =	vst v63  }
0x90: {  	_ =	swait.ge [sflag:s6], $0x4000  }
0x91: {  	[sflag:s6] =	ssyncset.done $0x0  }
0x92: {  	[sflag:s6] =	ssyncadd.s32 $0xFFFFC000  }
0x93: {  	[tilespmem:s13], [sflag:$0x2] =	stream.indirect.gather [hbm4b:s9+s12], $0x80, s30, s12, $0xb8;
	[tilespmem:$0x10C80] =	vst v63  }
0x94: {  	_ =	swait.ge [sflag:s15], $0x4000  }
0x95: {  	[sflag:s15] =	ssyncset.done $0x0  }
0x96: {  	s1 =	rddreg [dreg:$0xe];
	[sflag:s15] =	ssyncadd.s32 $0xFFFFC000  }
0x97: {  	[hbm4b:s1+s2] =	stream.linear.scatter [tilespmem:s10], [sflag:$0x7], $0x4000, $0x38;
	[tilespmem:$0x10C80] =	vst v63  }
0x98: {  	_ =	swait.ge [sflag:s8], $0x4000  }
0x99: {  	[sflag:s8] =	ssyncset.done $0x0  }
0x9a: {  	[sflag:s8] =	ssyncadd.s32 $0xFFFFC000  }
0x9b: {  	[tilespmem:s10], [sflag:$0x3] =	stream.indirect.gather [hbm4b:s9+s12], $0x80, s29, s12, $0xb8;
	[tilespmem:$0x10C80] =	vst v63  }
0x9c: {  	_ =	swait.ge [sflag:s16], $0x4000  }
0x9d: {  	[sflag:s16] =	ssyncset.done $0x0  }
0x9e: {  	s1 =	rddreg [dreg:$0xf];
	[sflag:s16] =	ssyncadd.s32 $0xFFFFC000  }
0x9f: {  	[hbm4b:s1+s2] =	stream.linear.scatter [tilespmem:s7], [sflag:$0x8], $0x4000, $0x38;
	[tilespmem:$0x10C80] =	vst v63  }
0xa0: {  	_ =	swait.ge [sflag:s11], $0x4000  }
0xa1: {  	[sflag:s11] =	ssyncset.done $0x0  }
0xa2: {  	[sflag:s11] =	ssyncadd.s32 $0xFFFFC000  }
0xa3: {  	[tilespmem:s7], [sflag:$0x4] =	stream.indirect.gather [hbm4b:s9+s12], $0x80, s28, s12, $0xb8;
	[tilespmem:$0x10C80] =	vst v63  }
0xa4: {  	_ =	swait.ge [sflag:s5], $0x4000  }
0xa5: {  	[sflag:s5] =	ssyncset.done $0x0  }
0xa6: {  	s1 =	rddreg [dreg:$0x10];
	[sflag:s5] =	ssyncadd.s32 $0xFFFFC000  }
0xa7: {  	[hbm4b:s1+s2] =	stream.linear.scatter [tilespmem:s3], [sflag:$0x5], $0x4000, $0x38;
	[tilespmem:$0x10C80] =	vst v63  }
0xa8: {  	_ =	swait.ge [sflag:s4], $0x4000  }
0xa9: {  	[sflag:s4] =	ssyncset.done $0x0  }
0xaa: {  	[sflag:s4] =	ssyncadd.s32 $0xFFFFC000  }
0xab: {  	[tilespmem:s3], [sflag:$0x1] =	stream.indirect.gather [hbm4b:s9+s12], $0x80, s26, s12, $0xb8;
	[tilespmem:$0x10C80] =	vst v63  }
0xac: {  	_ =	swait.ge [sflag:s14], $0x4000  }
0xad: {  	[sflag:s14] =	ssyncset.done $0x0  }
0xae: {  	s1 =	rddreg [dreg:$0x11];
	[sflag:s14] =	ssyncadd.s32 $0xFFFFC000  }
0xaf: {  	[hbm4b:s1+s2] =	stream.linear.scatter [tilespmem:s13], [sflag:$0x6], $0x4000, $0x38;
	[tilespmem:$0x10C80] =	vst v63  }
0xb0: {  	_ =	swait.ge [sflag:s6], $0x4000  }
0xb1: {  	[sflag:s6] =	ssyncset.done $0x0  }
0xb2: {  	[sflag:s6] =	ssyncadd.s32 $0xFFFFC000  }
0xb3: {  	[tilespmem:s13], [sflag:$0x2] =	stream.indirect.gather [hbm4b:s9+s12], $0x80, s25, s12, $0xb8;
	[tilespmem:$0x10C80] =	vst v63  }
0xb4: {  	_ =	swait.ge [sflag:s15], $0x4000  }
0xb5: {  	[sflag:s15] =	ssyncset.done $0x0  }
0xb6: {  	s1 =	rddreg [dreg:$0x12];
	[sflag:s15] =	ssyncadd.s32 $0xFFFFC000  }
0xb7: {  	[hbm4b:s1+s2] =	stream.linear.scatter [tilespmem:s10], [sflag:$0x7], $0x4000, $0x38;
	[tilespmem:$0x10C80] =	vst v63  }
0xb8: {  	_ =	swait.ge [sflag:s8], $0x4000  }
0xb9: {  	[sflag:s8] =	ssyncset.done $0x0  }
0xba: {  	[sflag:s8] =	ssyncadd.s32 $0xFFFFC000  }
0xbb: {  	[tilespmem:s10], [sflag:$0x3] =	stream.indirect.gather [hbm4b:s9+s12], $0x80, s24, s12, $0xb8;
	[tilespmem:$0x10C80] =	vst v63  }
0xbc: {  	_ =	swait.ge [sflag:s16], $0x4000  }
0xbd: {  	[sflag:s16] =	ssyncset.done $0x0  }
0xbe: {  	s1 =	rddreg [dreg:$0x13];
	[sflag:s16] =	ssyncadd.s32 $0xFFFFC000  }
0xbf: {  	[hbm4b:s1+s2] =	stream.linear.scatter [tilespmem:s7], [sflag:$0x8], $0x4000, $0x38;
	[tilespmem:$0x10C80] =	vst v63  }
0xc0: {  	_ =	swait.ge [sflag:s11], $0x4000  }
0xc1: {  	[sflag:s11] =	ssyncset.done $0x0  }
0xc2: {  	[sflag:s11] =	ssyncadd.s32 $0xFFFFC000  }
0xc3: {  	[tilespmem:s7], [sflag:$0x4] =	stream.indirect.gather [hbm4b:s9+s12], $0x80, s23, s12, $0xb8;
	[tilespmem:$0x10C80] =	vst v63  }
0xc4: {  	_ =	swait.ge [sflag:s5], $0x4000  }
0xc5: {  	[sflag:s5] =	ssyncset.done $0x0  }
0xc6: {  	s1 =	rddreg [dreg:$0x14];
	[sflag:s5] =	ssyncadd.s32 $0xFFFFC000  }
0xc7: {  	[hbm4b:s1+s2] =	stream.linear.scatter [tilespmem:s3], [sflag:$0x5], $0x4000, $0x38;
	[tilespmem:$0x10C80] =	vst v63  }
0xc8: {  	_ =	swait.ge [sflag:s4], $0x4000  }
0xc9: {  	[sflag:s4] =	ssyncset.done $0x0  }
0xca: {  	[sflag:s4] =	ssyncadd.s32 $0xFFFFC000  }
0xcb: {  	[tilespmem:s3], [sflag:$0x1] =	stream.indirect.gather [hbm4b:s9+s12], $0x80, s22, s12, $0xb8;
	[tilespmem:$0x10C80] =	vst v63  }
0xcc: {  	_ =	swait.ge [sflag:s14], $0x4000  }
0xcd: {  	[sflag:s14] =	ssyncset.done $0x0  }
0xce: {  	s1 =	rddreg [dreg:$0x15];
	[sflag:s14] =	ssyncadd.s32 $0xFFFFC000  }
0xcf: {  	[hbm4b:s1+s2] =	stream.linear.scatter [tilespmem:s13], [sflag:$0x6], $0x4000, $0x38;
	[tilespmem:$0x10C80] =	vst v63  }
0xd0: {  	_ =	swait.ge [sflag:s6], $0x4000  }
0xd1: {  	[sflag:s6] =	ssyncset.done $0x0  }
0xd2: {  	[sflag:s6] =	ssyncadd.s32 $0xFFFFC000  }
0xd3: {  	[tilespmem:s13], [sflag:$0x2] =	stream.indirect.gather [hbm4b:s9+s12], $0x80, s21, s12, $0xb8;
	[tilespmem:$0x10C80] =	vst v63  }
0xd4: {  	_ =	swait.ge [sflag:s15], $0x4000  }
0xd5: {  	[sflag:s15] =	ssyncset.done $0x0  }
0xd6: {  	s1 =	rddreg [dreg:$0x16];
	[sflag:s15] =	ssyncadd.s32 $0xFFFFC000  }
0xd7: {  	[hbm4b:s1+s2] =	stream.linear.scatter [tilespmem:s10], [sflag:$0x7], $0x4000, $0x38;
	[tilespmem:$0x10C80] =	vst v63  }
0xd8: {  	_ =	swait.ge [sflag:s8], $0x4000  }
0xd9: {  	[sflag:s8] =	ssyncset.done $0x0  }
0xda: {  	[sflag:s8] =	ssyncadd.s32 $0xFFFFC000  }
0xdb: {  	[tilespmem:s10], [sflag:$0x3] =	stream.indirect.gather [hbm4b:s9+s12], $0x80, s20, s12, $0xb8;
	[tilespmem:$0x10C80] =	vst v63  }
0xdc: {  	_ =	swait.ge [sflag:s16], $0x4000  }
0xdd: {  	[sflag:s16] =	ssyncset.done $0x0  }
0xde: {  	s1 =	rddreg [dreg:$0x17];
	[sflag:s16] =	ssyncadd.s32 $0xFFFFC000  }
0xdf: {  	[hbm4b:s1+s2] =	stream.linear.scatter [tilespmem:s7], [sflag:$0x8], $0x4000, $0x38;
	[tilespmem:$0x10C80] =	vst v63  }
0xe0: {  	_ =	swait.ge [sflag:s11], $0x4000  }
0xe1: {  	[sflag:s11] =	ssyncset.done $0x0  }
0xe2: {  	[sflag:s11] =	ssyncadd.s32 $0xFFFFC000  }
0xe3: {  	[tilespmem:s7], [sflag:$0x4] =	stream.indirect.gather [hbm4b:s9+s12], $0x80, s19, s12, $0xb8;
	[tilespmem:$0x10C80] =	vst v63  }
0xe4: {  	_ =	swait.ge [sflag:s5], $0x4000  }
0xe5: {  	[sflag:s5] =	ssyncset.done $0x0  }
0xe6: {  	s1 =	rddreg [dreg:$0x18];
	[sflag:s5] =	ssyncadd.s32 $0xFFFFC000  }
0xe7: {  	[hbm4b:s1+s2] =	stream.linear.scatter [tilespmem:s3], [sflag:$0x5], $0x4000, $0x38;
	[tilespmem:$0x10C80] =	vst v63  }
0xe8: {  	_ =	swait.ge [sflag:s4], $0x4000  }
0xe9: {  	[sflag:s4] =	ssyncset.done $0x0  }
0xea: {  	[sflag:s4] =	ssyncadd.s32 $0xFFFFC000  }
0xeb: {  	[tilespmem:s3], [sflag:$0x1] =	stream.indirect.gather [hbm4b:s9+s12], $0x80, s18, s12, $0xb8;
	[tilespmem:$0x10C80] =	vst v63  }
0xec: {  	_ =	swait.ge [sflag:s14], $0x4000  }
0xed: {  	[sflag:s14] =	ssyncset.done $0x0  }
0xee: {  	s1 =	rddreg [dreg:$0x19];
	[sflag:s14] =	ssyncadd.s32 $0xFFFFC000  }
0xef: {  	[hbm4b:s1+s2] =	stream.linear.scatter [tilespmem:s13], [sflag:$0x6], $0x4000, $0x38;
	[tilespmem:$0x10C80] =	vst v63  }
0xf0: {  	_ =	swait.ge [sflag:s15], $0x4000  }
0xf1: {  	[sflag:s15] =	ssyncset.done $0x0  }
0xf2: {  	s1 =	rddreg [dreg:$0x1a];
	[sflag:s15] =	ssyncadd.s32 $0xFFFFC000  }
0xf3: {  	[hbm4b:s1+s2] =	stream.linear.scatter [tilespmem:s10], [sflag:$0x7], $0x4000, $0x38;
	[tilespmem:$0x10C80] =	vst v63  }
0xf4: {  	_ =	swait.ge [sflag:s16], $0x4000  }
0xf5: {  	[sflag:s16] =	ssyncset.done $0x0  }
0xf6: {  	s1 =	rddreg [dreg:$0x1b];
	[sflag:s16] =	ssyncadd.s32 $0xFFFFC000  }
0xf7: {  	[hbm4b:s1+s2] =	stream.linear.scatter [tilespmem:s7], [sflag:$0x8], $0x4000, $0x38;
	[tilespmem:$0x10C80] =	vst v63  }
0xf8: {  	_ =	swait.ge [sflag:s5], $0x4000  }
0xf9: {  	[sflag:s5] =	ssyncset.done $0x0  }
0xfa: {  	s1 =	rddreg [dreg:$0x1c];
	[sflag:s5] =	ssyncadd.s32 $0xFFFFC000  }
0xfb: {  	[hbm4b:s1+s2] =	stream.linear.scatter [tilespmem:s3], [sflag:$0x5], $0x4000, $0x38;
	[tilespmem:$0x10C80] =	vst v63  }
0xfc: {  	_ =	swait.ge [sflag:s4], $0x4000  }
0xfd: {  	[sflag:s4] =	ssyncset.done $0x0  }
0xfe: {  	[sflag:s4] =	ssyncadd.s32 $0xFFFFC000  }
0xff: {  	_ =	swait.ge [sflag:s6], $0x4000  }
0x100: {  	[sflag:s6] =	ssyncset.done $0x0  }
0x101: {  	p1 =	sne.s32 s17, $0x1;
	[sflag:s6] =	ssyncadd.s32 $0xFFFFC000  }
.Ltmp1:
0x102: {  	_ =	swait.ge [sflag:s8], $0x4000;
	(pc) =	sbr.rel @!p1 .LBB2_3-.Ltmp1, $4  }
0x103: {  	[sflag:s8] =	ssyncset.done $0x0  }
0x104: {  	[sflag:s8] =	ssyncadd.s32 $0xFFFFC000  }
0x105: {  	p0 =	por $0x1, $0x1;
	_ =	swait.ge [sflag:s11], $0x4000  }
0x106: {  	s1 =	sadd.s32 $0xFFFFFFFF, s17;
	s0 =	rddreg [dreg:$0x3];
	[sflag:s11] =	ssyncset.done $0x0  }
.LBB2_4:
0x107: {  	[sflag:s11] =	ssyncadd.s32 $0xFFFFC000  }
0x108: {  	[tilespmem:s2], [sflag:$0x9] =	stream.linear.gather [hbm4b:s0+s2], $0xC80, $0x38;
	[tilespmem:$0x10C80] =	vst v63  }
0x109: {  	_ =	swait.ge [sflag:s31], $0xC80  }
0x10a: {  	[sflag:s31] =	ssyncset.done $0x0  }
0x10b: {  	[sflag:s31] =	ssyncadd.s32 $0xFFFFF380  }
0x10c: {  	[tilespmem:s3], [sflag:$0x1] =	stream.indirect.gather [hbm4b:s9+s12], $0x80, s2, s12, $0xb8;
	[tilespmem:$0x10C80] =	vst v63  }
0x10d: {  	_ = 	snop  }
0x10e: {  	[tilespmem:s13], [sflag:$0x2] =	stream.indirect.gather [hbm4b:s9+s12], $0x80, s12, s12, $0xb8;
	[tilespmem:$0x10C80] =	vst v63  }
0x10f: {  	s0 =	rddreg [dreg:$0x1d]  }
0x110: {  	[tilespmem:s10], [sflag:$0x3] =	stream.indirect.gather [hbm4b:s9+s12], $0x80, s0, s12, $0xb8;
	[tilespmem:$0x10C80] =	vst v63  }
0x111: {  	s17 =	rddreg [dreg:$0x1e]  }
0x112: {  	[tilespmem:s7], [sflag:$0x4] =	stream.indirect.gather [hbm4b:s9+s12], $0x80, s17, s12, $0xb8;
	[tilespmem:$0x10C80] =	vst v63  }
0x113: {  	_ =	swait.ge [sflag:s5], $0x4000  }
0x114: {  	[sflag:s5] =	ssyncset.done $0x0  }
0x115: {  	s17 =	rddreg [dreg:$0x4];
	[sflag:s5] =	ssyncadd.s32 $0xFFFFC000  }
0x116: {  	[hbm4b:s17+s2] =	stream.linear.scatter [tilespmem:s3], [sflag:$0x5], $0x4000, $0x38;
	[tilespmem:$0x10C80] =	vst v63  }
0x117: {  	_ =	swait.ge [sflag:s4], $0x4000  }
0x118: {  	[sflag:s4] =	ssyncset.done $0x0  }
0x119: {  	s17 =	rddreg [dreg:$0x1f];
	[sflag:s4] =	ssyncadd.s32 $0xFFFFC000  }
0x11a: {  	[tilespmem:s3], [sflag:$0x1] =	stream.indirect.gather [hbm4b:s9+s12], $0x80, s17, s12, $0xb8;
	[tilespmem:$0x10C80] =	vst v63  }
0x11b: {  	_ =	swait.ge [sflag:s14], $0x4000  }
0x11c: {  	[sflag:s14] =	ssyncset.done $0x0  }
0x11d: {  	s17 =	rddreg [dreg:$0x5];
	[sflag:s14] =	ssyncadd.s32 $0xFFFFC000  }
0x11e: {  	[hbm4b:s17+s2] =	stream.linear.scatter [tilespmem:s13], [sflag:$0x6], $0x4000, $0x38;
	[tilespmem:$0x10C80] =	vst v63  }
0x11f: {  	_ =	swait.ge [sflag:s6], $0x4000  }
0x120: {  	s17 =	sld [smem:$0x7F7]  }
0x121: {  	[sflag:s6] =	ssyncset.done $0x0  }
0x122: {  	[sflag:s6] =	ssyncadd.s32 $0xFFFFC000  }
0x123: {  	[tilespmem:s13], [sflag:$0x2] =	stream.indirect.gather [hbm4b:s9+s12], $0x80, s17, s12, $0xb8;
	[tilespmem:$0x10C80] =	vst v63  }
0x124: {  	_ =	swait.ge [sflag:s15], $0x4000  }
0x125: {  	[sflag:s15] =	ssyncset.done $0x0  }
0x126: {  	s17 =	rddreg [dreg:$0x6];
	[sflag:s15] =	ssyncadd.s32 $0xFFFFC000  }
0x127: {  	[hbm4b:s17+s2] =	stream.linear.scatter [tilespmem:s10], [sflag:$0x7], $0x4000, $0x38;
	[tilespmem:$0x10C80] =	vst v63  }
0x128: {  	_ =	swait.ge [sflag:s8], $0x4000  }
0x129: {  	s17 =	sld [smem:$0x7F8]  }
0x12a: {  	[sflag:s8] =	ssyncset.done $0x0  }
0x12b: {  	[sflag:s8] =	ssyncadd.s32 $0xFFFFC000  }
0x12c: {  	[tilespmem:s10], [sflag:$0x3] =	stream.indirect.gather [hbm4b:s9+s12], $0x80, s17, s12, $0xb8;
	[tilespmem:$0x10C80] =	vst v63  }
0x12d: {  	_ =	swait.ge [sflag:s16], $0x4000  }
0x12e: {  	[sflag:s16] =	ssyncset.done $0x0  }
0x12f: {  	s17 =	rddreg [dreg:$0x7];
	[sflag:s16] =	ssyncadd.s32 $0xFFFFC000  }
0x130: {  	[hbm4b:s17+s2] =	stream.linear.scatter [tilespmem:s7], [sflag:$0x8], $0x4000, $0x38;
	[tilespmem:$0x10C80] =	vst v63  }
0x131: {  	_ =	swait.ge [sflag:s11], $0x4000  }
0x132: {  	s17 =	sld [smem:$0x7F9]  }
0x133: {  	[sflag:s11] =	ssyncset.done $0x0  }
0x134: {  	[sflag:s11] =	ssyncadd.s32 $0xFFFFC000  }
0x135: {  	[tilespmem:s7], [sflag:$0x4] =	stream.indirect.gather [hbm4b:s9+s12], $0x80, s17, s12, $0xb8;
	[tilespmem:$0x10C80] =	vst v63  }
0x136: {  	_ =	swait.ge [sflag:s5], $0x4000  }
0x137: {  	[sflag:s5] =	ssyncset.done $0x0  }
0x138: {  	s17 =	rddreg [dreg:$0x8];
	[sflag:s5] =	ssyncadd.s32 $0xFFFFC000  }
0x139: {  	[hbm4b:s17+s2] =	stream.linear.scatter [tilespmem:s3], [sflag:$0x5], $0x4000, $0x38;
	[tilespmem:$0x10C80] =	vst v63  }
0x13a: {  	_ =	swait.ge [sflag:s4], $0x4000  }
0x13b: {  	s17 =	sld [smem:$0x7FA]  }
0x13c: {  	[sflag:s4] =	ssyncset.done $0x0  }
0x13d: {  	[sflag:s4] =	ssyncadd.s32 $0xFFFFC000  }
0x13e: {  	[tilespmem:s3], [sflag:$0x1] =	stream.indirect.gather [hbm4b:s9+s12], $0x80, s17, s12, $0xb8;
	[tilespmem:$0x10C80] =	vst v63  }
0x13f: {  	_ =	swait.ge [sflag:s14], $0x4000  }
0x140: {  	[sflag:s14] =	ssyncset.done $0x0  }
0x141: {  	s17 =	rddreg [dreg:$0x9];
	[sflag:s14] =	ssyncadd.s32 $0xFFFFC000  }
0x142: {  	[hbm4b:s17+s2] =	stream.linear.scatter [tilespmem:s13], [sflag:$0x6], $0x4000, $0x38;
	[tilespmem:$0x10C80] =	vst v63  }
0x143: {  	_ =	swait.ge [sflag:s6], $0x4000  }
0x144: {  	s17 =	sld [smem:$0x7FB]  }
0x145: {  	[sflag:s6] =	ssyncset.done $0x0  }
0x146: {  	[sflag:s6] =	ssyncadd.s32 $0xFFFFC000  }
0x147: {  	[tilespmem:s13], [sflag:$0x2] =	stream.indirect.gather [hbm4b:s9+s12], $0x80, s17, s12, $0xb8;
	[tilespmem:$0x10C80] =	vst v63  }
0x148: {  	_ =	swait.ge [sflag:s15], $0x4000  }
0x149: {  	[sflag:s15] =	ssyncset.done $0x0  }
0x14a: {  	s17 =	rddreg [dreg:$0xa];
	[sflag:s15] =	ssyncadd.s32 $0xFFFFC000  }
0x14b: {  	[hbm4b:s17+s2] =	stream.linear.scatter [tilespmem:s10], [sflag:$0x7], $0x4000, $0x38;
	[tilespmem:$0x10C80] =	vst v63  }
0x14c: {  	_ =	swait.ge [sflag:s8], $0x4000  }
0x14d: {  	s17 =	sld [smem:$0x7FC]  }
0x14e: {  	[sflag:s8] =	ssyncset.done $0x0  }
0x14f: {  	[sflag:s8] =	ssyncadd.s32 $0xFFFFC000  }
0x150: {  	[tilespmem:s10], [sflag:$0x3] =	stream.indirect.gather [hbm4b:s9+s12], $0x80, s17, s12, $0xb8;
	[tilespmem:$0x10C80] =	vst v63  }
0x151: {  	_ =	swait.ge [sflag:s16], $0x4000  }
0x152: {  	[sflag:s16] =	ssyncset.done $0x0  }
0x153: {  	s17 =	rddreg [dreg:$0xb];
	[sflag:s16] =	ssyncadd.s32 $0xFFFFC000  }
0x154: {  	[hbm4b:s17+s2] =	stream.linear.scatter [tilespmem:s7], [sflag:$0x8], $0x4000, $0x38;
	[tilespmem:$0x10C80] =	vst v63  }
0x155: {  	_ =	swait.ge [sflag:s11], $0x4000  }
0x156: {  	s17 =	sld [smem:$0x7FD]  }
0x157: {  	[sflag:s11] =	ssyncset.done $0x0  }
0x158: {  	[sflag:s11] =	ssyncadd.s32 $0xFFFFC000  }
0x159: {  	[tilespmem:s7], [sflag:$0x4] =	stream.indirect.gather [hbm4b:s9+s12], $0x80, s17, s12, $0xb8;
	[tilespmem:$0x10C80] =	vst v63  }
0x15a: {  	_ =	swait.ge [sflag:s5], $0x4000  }
0x15b: {  	[sflag:s5] =	ssyncset.done $0x0  }
0x15c: {  	s17 =	rddreg [dreg:$0xc];
	[sflag:s5] =	ssyncadd.s32 $0xFFFFC000  }
0x15d: {  	[hbm4b:s17+s2] =	stream.linear.scatter [tilespmem:s3], [sflag:$0x5], $0x4000, $0x38;
	[tilespmem:$0x10C80] =	vst v63  }
0x15e: {  	_ =	swait.ge [sflag:s4], $0x4000  }
0x15f: {  	[sflag:s4] =	ssyncset.done $0x0  }
0x160: {  	s17 =	simm.s32 $0x600;
	[sflag:s4] =	ssyncadd.s32 $0xFFFFC000  }
0x161: {  	[tilespmem:s3], [sflag:$0x1] =	stream.indirect.gather [hbm4b:s9+s12], $0x80, s17, s12, $0xb8;
	[tilespmem:$0x10C80] =	vst v63  }
0x162: {  	_ =	swait.ge [sflag:s14], $0x4000  }
0x163: {  	[sflag:s14] =	ssyncset.done $0x0  }
0x164: {  	s17 =	rddreg [dreg:$0xd];
	[sflag:s14] =	ssyncadd.s32 $0xFFFFC000  }
0x165: {  	[hbm4b:s17+s2] =	stream.linear.scatter [tilespmem:s13], [sflag:$0x6], $0x4000, $0x38;
	[tilespmem:$0x10C80] =	vst v63  }
0x166: {  	_ =	swait.ge [sflag:s6], $0x4000  }
0x167: {  	[sflag:s6] =	ssyncset.done $0x0  }
0x168: {  	[sflag:s6] =	ssyncadd.s32 $0xFFFFC000  }
0x169: {  	[tilespmem:s13], [sflag:$0x2] =	stream.indirect.gather [hbm4b:s9+s12], $0x80, s30, s12, $0xb8;
	[tilespmem:$0x10C80] =	vst v63  }
0x16a: {  	_ =	swait.ge [sflag:s15], $0x4000  }
0x16b: {  	[sflag:s15] =	ssyncset.done $0x0  }
0x16c: {  	s17 =	rddreg [dreg:$0xe];
	[sflag:s15] =	ssyncadd.s32 $0xFFFFC000  }
0x16d: {  	[hbm4b:s17+s2] =	stream.linear.scatter [tilespmem:s10], [sflag:$0x7], $0x4000, $0x38;
	[tilespmem:$0x10C80] =	vst v63  }
0x16e: {  	_ =	swait.ge [sflag:s8], $0x4000  }
0x16f: {  	[sflag:s8] =	ssyncset.done $0x0  }
0x170: {  	[sflag:s8] =	ssyncadd.s32 $0xFFFFC000  }
0x171: {  	[tilespmem:s10], [sflag:$0x3] =	stream.indirect.gather [hbm4b:s9+s12], $0x80, s29, s12, $0xb8;
	[tilespmem:$0x10C80] =	vst v63  }
0x172: {  	_ =	swait.ge [sflag:s16], $0x4000  }
0x173: {  	[sflag:s16] =	ssyncset.done $0x0  }
0x174: {  	s17 =	rddreg [dreg:$0xf];
	[sflag:s16] =	ssyncadd.s32 $0xFFFFC000  }
0x175: {  	[hbm4b:s17+s2] =	stream.linear.scatter [tilespmem:s7], [sflag:$0x8], $0x4000, $0x38;
	[tilespmem:$0x10C80] =	vst v63  }
0x176: {  	_ =	swait.ge [sflag:s11], $0x4000  }
0x177: {  	[sflag:s11] =	ssyncset.done $0x0  }
0x178: {  	[sflag:s11] =	ssyncadd.s32 $0xFFFFC000  }
0x179: {  	[tilespmem:s7], [sflag:$0x4] =	stream.indirect.gather [hbm4b:s9+s12], $0x80, s28, s12, $0xb8;
	[tilespmem:$0x10C80] =	vst v63  }
0x17a: {  	_ =	swait.ge [sflag:s5], $0x4000  }
0x17b: {  	[sflag:s5] =	ssyncset.done $0x0  }
0x17c: {  	s17 =	rddreg [dreg:$0x10];
	[sflag:s5] =	ssyncadd.s32 $0xFFFFC000  }
0x17d: {  	[hbm4b:s17+s2] =	stream.linear.scatter [tilespmem:s3], [sflag:$0x5], $0x4000, $0x38;
	[tilespmem:$0x10C80] =	vst v63  }
0x17e: {  	_ =	swait.ge [sflag:s4], $0x4000  }
0x17f: {  	[sflag:s4] =	ssyncset.done $0x0  }
0x180: {  	[sflag:s4] =	ssyncadd.s32 $0xFFFFC000  }
0x181: {  	[tilespmem:s3], [sflag:$0x1] =	stream.indirect.gather [hbm4b:s9+s12], $0x80, s26, s12, $0xb8;
	[tilespmem:$0x10C80] =	vst v63  }
0x182: {  	_ =	swait.ge [sflag:s14], $0x4000  }
0x183: {  	[sflag:s14] =	ssyncset.done $0x0  }
0x184: {  	s17 =	rddreg [dreg:$0x11];
	[sflag:s14] =	ssyncadd.s32 $0xFFFFC000  }
0x185: {  	[hbm4b:s17+s2] =	stream.linear.scatter [tilespmem:s13], [sflag:$0x6], $0x4000, $0x38;
	[tilespmem:$0x10C80] =	vst v63  }
0x186: {  	_ =	swait.ge [sflag:s6], $0x4000  }
0x187: {  	[sflag:s6] =	ssyncset.done $0x0  }
0x188: {  	[sflag:s6] =	ssyncadd.s32 $0xFFFFC000  }
0x189: {  	[tilespmem:s13], [sflag:$0x2] =	stream.indirect.gather [hbm4b:s9+s12], $0x80, s25, s12, $0xb8;
	[tilespmem:$0x10C80] =	vst v63  }
0x18a: {  	_ =	swait.ge [sflag:s15], $0x4000  }
0x18b: {  	[sflag:s15] =	ssyncset.done $0x0  }
0x18c: {  	s17 =	rddreg [dreg:$0x12];
	[sflag:s15] =	ssyncadd.s32 $0xFFFFC000  }
0x18d: {  	[hbm4b:s17+s2] =	stream.linear.scatter [tilespmem:s10], [sflag:$0x7], $0x4000, $0x38;
	[tilespmem:$0x10C80] =	vst v63  }
0x18e: {  	_ =	swait.ge [sflag:s8], $0x4000  }
0x18f: {  	[sflag:s8] =	ssyncset.done $0x0  }
0x190: {  	[sflag:s8] =	ssyncadd.s32 $0xFFFFC000  }
0x191: {  	[tilespmem:s10], [sflag:$0x3] =	stream.indirect.gather [hbm4b:s9+s12], $0x80, s24, s12, $0xb8;
	[tilespmem:$0x10C80] =	vst v63  }
0x192: {  	_ =	swait.ge [sflag:s16], $0x4000  }
0x193: {  	[sflag:s16] =	ssyncset.done $0x0  }
0x194: {  	s17 =	rddreg [dreg:$0x13];
	[sflag:s16] =	ssyncadd.s32 $0xFFFFC000  }
0x195: {  	[hbm4b:s17+s2] =	stream.linear.scatter [tilespmem:s7], [sflag:$0x8], $0x4000, $0x38;
	[tilespmem:$0x10C80] =	vst v63  }
0x196: {  	_ =	swait.ge [sflag:s11], $0x4000  }
0x197: {  	[sflag:s11] =	ssyncset.done $0x0  }
0x198: {  	[sflag:s11] =	ssyncadd.s32 $0xFFFFC000  }
0x199: {  	[tilespmem:s7], [sflag:$0x4] =	stream.indirect.gather [hbm4b:s9+s12], $0x80, s23, s12, $0xb8;
	[tilespmem:$0x10C80] =	vst v63  }
0x19a: {  	_ =	swait.ge [sflag:s5], $0x4000  }
0x19b: {  	[sflag:s5] =	ssyncset.done $0x0  }
0x19c: {  	s17 =	rddreg [dreg:$0x14];
	[sflag:s5] =	ssyncadd.s32 $0xFFFFC000  }
0x19d: {  	[hbm4b:s17+s2] =	stream.linear.scatter [tilespmem:s3], [sflag:$0x5], $0x4000, $0x38;
	[tilespmem:$0x10C80] =	vst v63  }
0x19e: {  	_ =	swait.ge [sflag:s4], $0x4000  }
0x19f: {  	[sflag:s4] =	ssyncset.done $0x0  }
0x1a0: {  	[sflag:s4] =	ssyncadd.s32 $0xFFFFC000  }
0x1a1: {  	[tilespmem:s3], [sflag:$0x1] =	stream.indirect.gather [hbm4b:s9+s12], $0x80, s22, s12, $0xb8;
	[tilespmem:$0x10C80] =	vst v63  }
0x1a2: {  	_ =	swait.ge [sflag:s14], $0x4000  }
0x1a3: {  	[sflag:s14] =	ssyncset.done $0x0  }
0x1a4: {  	s17 =	rddreg [dreg:$0x15];
	[sflag:s14] =	ssyncadd.s32 $0xFFFFC000  }
0x1a5: {  	[hbm4b:s17+s2] =	stream.linear.scatter [tilespmem:s13], [sflag:$0x6], $0x4000, $0x38;
	[tilespmem:$0x10C80] =	vst v63  }
0x1a6: {  	_ =	swait.ge [sflag:s6], $0x4000  }
0x1a7: {  	[sflag:s6] =	ssyncset.done $0x0  }
0x1a8: {  	[sflag:s6] =	ssyncadd.s32 $0xFFFFC000  }
0x1a9: {  	[tilespmem:s13], [sflag:$0x2] =	stream.indirect.gather [hbm4b:s9+s12], $0x80, s21, s12, $0xb8;
	[tilespmem:$0x10C80] =	vst v63  }
0x1aa: {  	_ =	swait.ge [sflag:s15], $0x4000  }
0x1ab: {  	[sflag:s15] =	ssyncset.done $0x0  }
0x1ac: {  	s17 =	rddreg [dreg:$0x16];
	[sflag:s15] =	ssyncadd.s32 $0xFFFFC000  }
0x1ad: {  	[hbm4b:s17+s2] =	stream.linear.scatter [tilespmem:s10], [sflag:$0x7], $0x4000, $0x38;
	[tilespmem:$0x10C80] =	vst v63  }
0x1ae: {  	_ =	swait.ge [sflag:s8], $0x4000  }
0x1af: {  	[sflag:s8] =	ssyncset.done $0x0  }
0x1b0: {  	[sflag:s8] =	ssyncadd.s32 $0xFFFFC000  }
0x1b1: {  	[tilespmem:s10], [sflag:$0x3] =	stream.indirect.gather [hbm4b:s9+s12], $0x80, s20, s12, $0xb8;
	[tilespmem:$0x10C80] =	vst v63  }
0x1b2: {  	_ =	swait.ge [sflag:s16], $0x4000  }
0x1b3: {  	[sflag:s16] =	ssyncset.done $0x0  }
0x1b4: {  	s17 =	rddreg [dreg:$0x17];
	[sflag:s16] =	ssyncadd.s32 $0xFFFFC000  }
0x1b5: {  	[hbm4b:s17+s2] =	stream.linear.scatter [tilespmem:s7], [sflag:$0x8], $0x4000, $0x38;
	[tilespmem:$0x10C80] =	vst v63  }
0x1b6: {  	_ =	swait.ge [sflag:s11], $0x4000  }
0x1b7: {  	[sflag:s11] =	ssyncset.done $0x0  }
0x1b8: {  	[sflag:s11] =	ssyncadd.s32 $0xFFFFC000  }
0x1b9: {  	[tilespmem:s7], [sflag:$0x4] =	stream.indirect.gather [hbm4b:s9+s12], $0x80, s19, s12, $0xb8;
	[tilespmem:$0x10C80] =	vst v63  }
0x1ba: {  	_ =	swait.ge [sflag:s5], $0x4000  }
0x1bb: {  	[sflag:s5] =	ssyncset.done $0x0  }
0x1bc: {  	s17 =	rddreg [dreg:$0x18];
	[sflag:s5] =	ssyncadd.s32 $0xFFFFC000  }
0x1bd: {  	[hbm4b:s17+s2] =	stream.linear.scatter [tilespmem:s3], [sflag:$0x5], $0x4000, $0x38;
	[tilespmem:$0x10C80] =	vst v63  }
0x1be: {  	_ =	swait.ge [sflag:s4], $0x4000  }
0x1bf: {  	[sflag:s4] =	ssyncset.done $0x0  }
0x1c0: {  	[sflag:s4] =	ssyncadd.s32 $0xFFFFC000  }
0x1c1: {  	[tilespmem:s3], [sflag:$0x1] =	stream.indirect.gather [hbm4b:s9+s12], $0x80, s18, s12, $0xb8;
	[tilespmem:$0x10C80] =	vst v63  }
0x1c2: {  	_ =	swait.ge [sflag:s14], $0x4000  }
0x1c3: {  	[sflag:s14] =	ssyncset.done $0x0  }
0x1c4: {  	s17 =	rddreg [dreg:$0x19];
	[sflag:s14] =	ssyncadd.s32 $0xFFFFC000  }
0x1c5: {  	[hbm4b:s17+s2] =	stream.linear.scatter [tilespmem:s13], [sflag:$0x6], $0x4000, $0x38;
	[tilespmem:$0x10C80] =	vst v63  }
0x1c6: {  	_ =	swait.ge [sflag:s15], $0x4000  }
0x1c7: {  	[sflag:s15] =	ssyncset.done $0x0  }
0x1c8: {  	s17 =	rddreg [dreg:$0x1a];
	[sflag:s15] =	ssyncadd.s32 $0xFFFFC000  }
0x1c9: {  	[hbm4b:s17+s2] =	stream.linear.scatter [tilespmem:s10], [sflag:$0x7], $0x4000, $0x38;
	[tilespmem:$0x10C80] =	vst v63  }
0x1ca: {  	_ =	swait.ge [sflag:s16], $0x4000  }
0x1cb: {  	[sflag:s16] =	ssyncset.done $0x0  }
0x1cc: {  	s17 =	rddreg [dreg:$0x1b];
	[sflag:s16] =	ssyncadd.s32 $0xFFFFC000  }
0x1cd: {  	[hbm4b:s17+s2] =	stream.linear.scatter [tilespmem:s7], [sflag:$0x8], $0x4000, $0x38;
	[tilespmem:$0x10C80] =	vst v63  }
0x1ce: {  	_ =	swait.ge [sflag:s5], $0x4000  }
0x1cf: {  	[sflag:s5] =	ssyncset.done $0x0  }
0x1d0: {  	s17 =	rddreg [dreg:$0x1c];
	[sflag:s5] =	ssyncadd.s32 $0xFFFFC000  }
0x1d1: {  	[hbm4b:s17+s2] =	stream.linear.scatter [tilespmem:s3], [sflag:$0x5], $0x4000, $0x38;
	[tilespmem:$0x10C80] =	vst v63  }
0x1d2: {  	_ =	swait.ge [sflag:s4], $0x4000  }
0x1d3: {  	[sflag:s4] =	ssyncset.done $0x0  }
0x1d4: {  	[sflag:s4] =	ssyncadd.s32 $0xFFFFC000  }
0x1d5: {  	_ =	swait.ge [sflag:s6], $0x4000  }
0x1d6: {  	[sflag:s6] =	ssyncset.done $0x0  }
0x1d7: {  	p1 =	sne.s32 s1, $0x1;
	[sflag:s6] =	ssyncadd.s32 $0xFFFFC000  }
.Ltmp2:
0x1d8: {  	_ =	swait.ge [sflag:s8], $0x4000;
	(pc) =	sbr.rel @p1 .LBB2_4-.Ltmp2, $4  }
0x1d9: {  	[sflag:s8] =	ssyncset.done $0x0  }
0x1da: {  	[sflag:s8] =	ssyncadd.s32 $0xFFFFC000  }
0x1db: {  	_ =	swait.ge [sflag:s11], $0x4000  }
0x1dc: {  	s1 =	sadd.s32 $0xFFFFFFFF, s1;
	s0 =	rddreg [dreg:$0x3];
	[sflag:s11] =	ssyncset.done $0x0  }
0x1dd: {  	s18 =	simm.s32 $0x600  }
0x1de: {  	s30 =	simm.s32 $0x680;
	s29 =	simm.s32 $0x700;
	s28 =	simm.s32 $0x780  }
0x1df: {  	s26 =	simm.s32 $0x800;
	s25 =	simm.s32 $0x880;
	s24 =	simm.s32 $0x900  }
0x1e0: {  	s23 =	simm.s32 $0x980;
	s22 =	simm.s32 $0xA00;
	s21 =	simm.s32 $0xA80  }
0x1e1: {  	s20 =	simm.s32 $0xB00;
	s19 =	simm.s32 $0xB80;
	s17 =	stileid.u32  }
.LBB2_6:
0x1e2: {  	[sflag:s11] =	ssyncadd.s32 @p0 $0xFFFFC000  }
0x1e3: {  	[tilespmem:s2], [sflag:$0x9] =	stream.linear.gather [hbm4b:s0+s2], $0xC80, $0x38;
	[tilespmem:$0x10C80] =	vst v63  }
0x1e4: {  	_ =	swait.ge [sflag:s31], $0xC80  }
0x1e5: {  	[sflag:s31] =	ssyncset.done $0x0  }
0x1e6: {  	[sflag:s31] =	ssyncadd.s32 $0xFFFFF380  }
0x1e7: {  	[tilespmem:s3], [sflag:$0x1] =	stream.indirect.gather [hbm4b:s9+s12], $0x80, s2, s12, $0xb8;
	[tilespmem:$0x10C80] =	vst v63  }
0x1e8: {  	_ = 	snop  }
0x1e9: {  	[tilespmem:s13], [sflag:$0x2] =	stream.indirect.gather [hbm4b:s9+s12], $0x80, s12, s12, $0xb8;
	[tilespmem:$0x10C80] =	vst v63  }
0x1ea: {  	s31 =	rddreg [dreg:$0x1d]  }
0x1eb: {  	[tilespmem:s10], [sflag:$0x3] =	stream.indirect.gather [hbm4b:s9+s12], $0x80, s31, s12, $0xb8;
	[tilespmem:$0x10C80] =	vst v63  }
0x1ec: {  	s1 =	rddreg [dreg:$0x1e]  }
0x1ed: {  	[tilespmem:s7], [sflag:$0x4] =	stream.indirect.gather [hbm4b:s9+s12], $0x80, s1, s12, $0xb8;
	[tilespmem:$0x10C80] =	vst v63  }
0x1ee: {  	_ =	swait.ge [sflag:s5], $0x4000  }
0x1ef: {  	[sflag:s5] =	ssyncset.done $0x0  }
0x1f0: {  	s1 =	rddreg [dreg:$0x4];
	[sflag:s5] =	ssyncadd.s32 $0xFFFFC000  }
0x1f1: {  	[hbm4b:s1+s2] =	stream.linear.scatter [tilespmem:s3], [sflag:$0x5], $0x4000, $0x38;
	[tilespmem:$0x10C80] =	vst v63  }
0x1f2: {  	_ =	swait.ge [sflag:s4], $0x4000  }
0x1f3: {  	[sflag:s4] =	ssyncset.done $0x0  }
0x1f4: {  	s31 =	rddreg [dreg:$0x1f];
	[sflag:s4] =	ssyncadd.s32 $0xFFFFC000  }
0x1f5: {  	[tilespmem:s3], [sflag:$0x1] =	stream.indirect.gather [hbm4b:s9+s12], $0x80, s31, s12, $0xb8;
	[tilespmem:$0x10C80] =	vst v63  }
0x1f6: {  	_ =	swait.ge [sflag:s14], $0x4000  }
0x1f7: {  	[sflag:s14] =	ssyncset.done $0x0  }
0x1f8: {  	s1 =	rddreg [dreg:$0x5];
	[sflag:s14] =	ssyncadd.s32 $0xFFFFC000  }
0x1f9: {  	[hbm4b:s1+s2] =	stream.linear.scatter [tilespmem:s13], [sflag:$0x6], $0x4000, $0x38;
	[tilespmem:$0x10C80] =	vst v63  }
0x1fa: {  	_ =	swait.ge [sflag:s6], $0x4000  }
0x1fb: {  	s31 =	sld [smem:$0x7F7]  }
0x1fc: {  	[sflag:s6] =	ssyncset.done $0x0  }
0x1fd: {  	[sflag:s6] =	ssyncadd.s32 $0xFFFFC000  }
0x1fe: {  	[tilespmem:s13], [sflag:$0x2] =	stream.indirect.gather [hbm4b:s9+s12], $0x80, s31, s12, $0xb8;
	[tilespmem:$0x10C80] =	vst v63  }
0x1ff: {  	_ =	swait.ge [sflag:s15], $0x4000  }
0x200: {  	[sflag:s15] =	ssyncset.done $0x0  }
0x201: {  	s1 =	rddreg [dreg:$0x6];
	[sflag:s15] =	ssyncadd.s32 $0xFFFFC000  }
0x202: {  	[hbm4b:s1+s2] =	stream.linear.scatter [tilespmem:s10], [sflag:$0x7], $0x4000, $0x38;
	[tilespmem:$0x10C80] =	vst v63  }
0x203: {  	_ =	swait.ge [sflag:s8], $0x4000  }
0x204: {  	s31 =	sld [smem:$0x7F8]  }
0x205: {  	[sflag:s8] =	ssyncset.done $0x0  }
0x206: {  	[sflag:s8] =	ssyncadd.s32 $0xFFFFC000  }
0x207: {  	[tilespmem:s10], [sflag:$0x3] =	stream.indirect.gather [hbm4b:s9+s12], $0x80, s31, s12, $0xb8;
	[tilespmem:$0x10C80] =	vst v63  }
0x208: {  	_ =	swait.ge [sflag:s16], $0x4000  }
0x209: {  	[sflag:s16] =	ssyncset.done $0x0  }
0x20a: {  	s1 =	rddreg [dreg:$0x7];
	[sflag:s16] =	ssyncadd.s32 $0xFFFFC000  }
0x20b: {  	[hbm4b:s1+s2] =	stream.linear.scatter [tilespmem:s7], [sflag:$0x8], $0x4000, $0x38;
	[tilespmem:$0x10C80] =	vst v63  }
0x20c: {  	_ =	swait.ge [sflag:s11], $0x4000  }
0x20d: {  	s31 =	sld [smem:$0x7F9]  }
0x20e: {  	[sflag:s11] =	ssyncset.done $0x0  }
0x20f: {  	[sflag:s11] =	ssyncadd.s32 $0xFFFFC000  }
0x210: {  	[tilespmem:s7], [sflag:$0x4] =	stream.indirect.gather [hbm4b:s9+s12], $0x80, s31, s12, $0xb8;
	[tilespmem:$0x10C80] =	vst v63  }
0x211: {  	_ =	swait.ge [sflag:s5], $0x4000  }
0x212: {  	[sflag:s5] =	ssyncset.done $0x0  }
0x213: {  	s1 =	rddreg [dreg:$0x8];
	[sflag:s5] =	ssyncadd.s32 $0xFFFFC000  }
0x214: {  	[hbm4b:s1+s2] =	stream.linear.scatter [tilespmem:s3], [sflag:$0x5], $0x4000, $0x38;
	[tilespmem:$0x10C80] =	vst v63  }
0x215: {  	_ =	swait.ge [sflag:s4], $0x4000  }
0x216: {  	s31 =	sld [smem:$0x7FA]  }
0x217: {  	[sflag:s4] =	ssyncset.done $0x0  }
0x218: {  	[sflag:s4] =	ssyncadd.s32 $0xFFFFC000  }
0x219: {  	[tilespmem:s3], [sflag:$0x1] =	stream.indirect.gather [hbm4b:s9+s12], $0x80, s31, s12, $0xb8;
	[tilespmem:$0x10C80] =	vst v63  }
0x21a: {  	_ =	swait.ge [sflag:s14], $0x4000  }
0x21b: {  	[sflag:s14] =	ssyncset.done $0x0  }
0x21c: {  	s1 =	rddreg [dreg:$0x9];
	[sflag:s14] =	ssyncadd.s32 $0xFFFFC000  }
0x21d: {  	[hbm4b:s1+s2] =	stream.linear.scatter [tilespmem:s13], [sflag:$0x6], $0x4000, $0x38;
	[tilespmem:$0x10C80] =	vst v63  }
0x21e: {  	_ =	swait.ge [sflag:s6], $0x4000  }
0x21f: {  	s31 =	sld [smem:$0x7FB]  }
0x220: {  	[sflag:s6] =	ssyncset.done $0x0  }
0x221: {  	[sflag:s6] =	ssyncadd.s32 $0xFFFFC000  }
0x222: {  	[tilespmem:s13], [sflag:$0x2] =	stream.indirect.gather [hbm4b:s9+s12], $0x80, s31, s12, $0xb8;
	[tilespmem:$0x10C80] =	vst v63  }
0x223: {  	_ =	swait.ge [sflag:s15], $0x4000  }
0x224: {  	[sflag:s15] =	ssyncset.done $0x0  }
0x225: {  	s1 =	rddreg [dreg:$0xa];
	[sflag:s15] =	ssyncadd.s32 $0xFFFFC000  }
0x226: {  	[hbm4b:s1+s2] =	stream.linear.scatter [tilespmem:s10], [sflag:$0x7], $0x4000, $0x38;
	[tilespmem:$0x10C80] =	vst v63  }
0x227: {  	_ =	swait.ge [sflag:s8], $0x4000  }
0x228: {  	s31 =	sld [smem:$0x7FC]  }
0x229: {  	[sflag:s8] =	ssyncset.done $0x0  }
0x22a: {  	[sflag:s8] =	ssyncadd.s32 $0xFFFFC000  }
0x22b: {  	[tilespmem:s10], [sflag:$0x3] =	stream.indirect.gather [hbm4b:s9+s12], $0x80, s31, s12, $0xb8;
	[tilespmem:$0x10C80] =	vst v63  }
0x22c: {  	_ =	swait.ge [sflag:s16], $0x4000  }
0x22d: {  	[sflag:s16] =	ssyncset.done $0x0  }
0x22e: {  	s1 =	rddreg [dreg:$0xb];
	[sflag:s16] =	ssyncadd.s32 $0xFFFFC000  }
0x22f: {  	[hbm4b:s1+s2] =	stream.linear.scatter [tilespmem:s7], [sflag:$0x8], $0x4000, $0x38;
	[tilespmem:$0x10C80] =	vst v63  }
0x230: {  	_ =	swait.ge [sflag:s11], $0x4000  }
0x231: {  	s31 =	sld [smem:$0x7FD]  }
0x232: {  	[sflag:s11] =	ssyncset.done $0x0  }
0x233: {  	[sflag:s11] =	ssyncadd.s32 $0xFFFFC000  }
0x234: {  	[tilespmem:s7], [sflag:$0x4] =	stream.indirect.gather [hbm4b:s9+s12], $0x80, s31, s12, $0xb8;
	[tilespmem:$0x10C80] =	vst v63  }
0x235: {  	_ =	swait.ge [sflag:s5], $0x4000  }
0x236: {  	[sflag:s5] =	ssyncset.done $0x0  }
0x237: {  	s1 =	rddreg [dreg:$0xc];
	[sflag:s5] =	ssyncadd.s32 $0xFFFFC000  }
0x238: {  	[hbm4b:s1+s2] =	stream.linear.scatter [tilespmem:s3], [sflag:$0x5], $0x4000, $0x38;
	[tilespmem:$0x10C80] =	vst v63  }
0x239: {  	_ =	swait.ge [sflag:s4], $0x4000  }
0x23a: {  	[sflag:s4] =	ssyncset.done $0x0  }
0x23b: {  	[sflag:s4] =	ssyncadd.s32 $0xFFFFC000  }
0x23c: {  	[tilespmem:s3], [sflag:$0x1] =	stream.indirect.gather [hbm4b:s9+s12], $0x80, s18, s12, $0xb8;
	[tilespmem:$0x10C80] =	vst v63  }
0x23d: {  	_ =	swait.ge [sflag:s14], $0x4000  }
0x23e: {  	[sflag:s14] =	ssyncset.done $0x0  }
0x23f: {  	s31 =	rddreg [dreg:$0xd];
	[sflag:s14] =	ssyncadd.s32 $0xFFFFC000  }
0x240: {  	[hbm4b:s31+s2] =	stream.linear.scatter [tilespmem:s13], [sflag:$0x6], $0x4000, $0x38;
	[tilespmem:$0x10C80] =	vst v63  }
0x241: {  	_ =	swait.ge [sflag:s6], $0x4000  }
0x242: {  	[sflag:s6] =	ssyncset.done $0x0  }
0x243: {  	[sflag:s6] =	ssyncadd.s32 $0xFFFFC000  }
0x244: {  	[tilespmem:s13], [sflag:$0x2] =	stream.indirect.gather [hbm4b:s9+s12], $0x80, s30, s12, $0xb8;
	[tilespmem:$0x10C80] =	vst v63  }
0x245: {  	_ =	swait.ge [sflag:s15], $0x4000  }
0x246: {  	[sflag:s15] =	ssyncset.done $0x0  }
0x247: {  	s1 =	rddreg [dreg:$0xe];
	[sflag:s15] =	ssyncadd.s32 $0xFFFFC000  }
0x248: {  	[hbm4b:s1+s2] =	stream.linear.scatter [tilespmem:s10], [sflag:$0x7], $0x4000, $0x38;
	[tilespmem:$0x10C80] =	vst v63  }
0x249: {  	_ =	swait.ge [sflag:s8], $0x4000  }
0x24a: {  	[sflag:s8] =	ssyncset.done $0x0  }
0x24b: {  	[sflag:s8] =	ssyncadd.s32 $0xFFFFC000  }
0x24c: {  	[tilespmem:s10], [sflag:$0x3] =	stream.indirect.gather [hbm4b:s9+s12], $0x80, s29, s12, $0xb8;
	[tilespmem:$0x10C80] =	vst v63  }
0x24d: {  	_ =	swait.ge [sflag:s16], $0x4000  }
0x24e: {  	[sflag:s16] =	ssyncset.done $0x0  }
0x24f: {  	s18 =	rddreg [dreg:$0xf];
	[sflag:s16] =	ssyncadd.s32 $0xFFFFC000  }
0x250: {  	[hbm4b:s18+s2] =	stream.linear.scatter [tilespmem:s7], [sflag:$0x8], $0x4000, $0x38;
	[tilespmem:$0x10C80] =	vst v63  }
0x251: {  	_ =	swait.ge [sflag:s11], $0x4000  }
0x252: {  	[sflag:s11] =	ssyncset.done $0x0  }
0x253: {  	[sflag:s11] =	ssyncadd.s32 $0xFFFFC000  }
0x254: {  	[tilespmem:s7], [sflag:$0x4] =	stream.indirect.gather [hbm4b:s9+s12], $0x80, s28, s12, $0xb8;
	[tilespmem:$0x10C80] =	vst v63  }
0x255: {  	_ =	swait.ge [sflag:s5], $0x4000  }
0x256: {  	[sflag:s5] =	ssyncset.done $0x0  }
0x257: {  	s29 =	rddreg [dreg:$0x10];
	[sflag:s5] =	ssyncadd.s32 $0xFFFFC000  }
0x258: {  	[hbm4b:s29+s2] =	stream.linear.scatter [tilespmem:s3], [sflag:$0x5], $0x4000, $0x38;
	[tilespmem:$0x10C80] =	vst v63  }
0x259: {  	_ =	swait.ge [sflag:s4], $0x4000  }
0x25a: {  	[sflag:s4] =	ssyncset.done $0x0  }
0x25b: {  	[sflag:s4] =	ssyncadd.s32 $0xFFFFC000  }
0x25c: {  	[tilespmem:s3], [sflag:$0x1] =	stream.indirect.gather [hbm4b:s9+s12], $0x80, s26, s12, $0xb8;
	[tilespmem:$0x10C80] =	vst v63  }
0x25d: {  	_ =	swait.ge [sflag:s14], $0x4000  }
0x25e: {  	[sflag:s14] =	ssyncset.done $0x0  }
0x25f: {  	s30 =	rddreg [dreg:$0x11];
	[sflag:s14] =	ssyncadd.s32 $0xFFFFC000  }
0x260: {  	[hbm4b:s30+s2] =	stream.linear.scatter [tilespmem:s13], [sflag:$0x6], $0x4000, $0x38;
	[tilespmem:$0x10C80] =	vst v63  }
0x261: {  	_ =	swait.ge [sflag:s6], $0x4000  }
0x262: {  	[sflag:s6] =	ssyncset.done $0x0  }
0x263: {  	[sflag:s6] =	ssyncadd.s32 $0xFFFFC000  }
0x264: {  	[tilespmem:s13], [sflag:$0x2] =	stream.indirect.gather [hbm4b:s9+s12], $0x80, s25, s12, $0xb8;
	[tilespmem:$0x10C80] =	vst v63  }
0x265: {  	_ =	swait.ge [sflag:s15], $0x4000  }
0x266: {  	[sflag:s15] =	ssyncset.done $0x0  }
0x267: {  	s31 =	rddreg [dreg:$0x12];
	[sflag:s15] =	ssyncadd.s32 $0xFFFFC000  }
0x268: {  	[hbm4b:s31+s2] =	stream.linear.scatter [tilespmem:s10], [sflag:$0x7], $0x4000, $0x38;
	[tilespmem:$0x10C80] =	vst v63  }
0x269: {  	_ =	swait.ge [sflag:s8], $0x4000  }
0x26a: {  	[sflag:s8] =	ssyncset.done $0x0  }
0x26b: {  	[sflag:s8] =	ssyncadd.s32 $0xFFFFC000  }
0x26c: {  	[tilespmem:s10], [sflag:$0x3] =	stream.indirect.gather [hbm4b:s9+s12], $0x80, s24, s12, $0xb8;
	[tilespmem:$0x10C80] =	vst v63  }
0x26d: {  	_ =	swait.ge [sflag:s16], $0x4000  }
0x26e: {  	[sflag:s16] =	ssyncset.done $0x0  }
0x26f: {  	s1 =	rddreg [dreg:$0x13];
	[sflag:s16] =	ssyncadd.s32 $0xFFFFC000  }
0x270: {  	[hbm4b:s1+s2] =	stream.linear.scatter [tilespmem:s7], [sflag:$0x8], $0x4000, $0x38;
	[tilespmem:$0x10C80] =	vst v63  }
0x271: {  	_ =	swait.ge [sflag:s11], $0x4000  }
0x272: {  	[sflag:s11] =	ssyncset.done $0x0  }
0x273: {  	[sflag:s11] =	ssyncadd.s32 $0xFFFFC000  }
0x274: {  	[tilespmem:s7], [sflag:$0x4] =	stream.indirect.gather [hbm4b:s9+s12], $0x80, s23, s12, $0xb8;
	[tilespmem:$0x10C80] =	vst v63  }
0x275: {  	_ =	swait.ge [sflag:s5], $0x4000  }
0x276: {  	[sflag:s5] =	ssyncset.done $0x0  }
0x277: {  	s18 =	rddreg [dreg:$0x14];
	[sflag:s5] =	ssyncadd.s32 $0xFFFFC000  }
0x278: {  	[hbm4b:s18+s2] =	stream.linear.scatter [tilespmem:s3], [sflag:$0x5], $0x4000, $0x38;
	[tilespmem:$0x10C80] =	vst v63  }
0x279: {  	_ =	swait.ge [sflag:s4], $0x4000  }
0x27a: {  	[sflag:s4] =	ssyncset.done $0x0  }
0x27b: {  	[sflag:s4] =	ssyncadd.s32 $0xFFFFC000  }
0x27c: {  	[tilespmem:s3], [sflag:$0x1] =	stream.indirect.gather [hbm4b:s9+s12], $0x80, s22, s12, $0xb8;
	[tilespmem:$0x10C80] =	vst v63  }
0x27d: {  	_ =	swait.ge [sflag:s14], $0x4000  }
0x27e: {  	[sflag:s14] =	ssyncset.done $0x0  }
0x27f: {  	s22 =	rddreg [dreg:$0x15];
	[sflag:s14] =	ssyncadd.s32 $0xFFFFC000  }
0x280: {  	[hbm4b:s22+s2] =	stream.linear.scatter [tilespmem:s13], [sflag:$0x6], $0x4000, $0x38;
	[tilespmem:$0x10C80] =	vst v63  }
0x281: {  	_ =	swait.ge [sflag:s6], $0x4000  }
0x282: {  	[sflag:s6] =	ssyncset.done $0x0  }
0x283: {  	[sflag:s6] =	ssyncadd.s32 $0xFFFFC000  }
0x284: {  	[tilespmem:s13], [sflag:$0x2] =	stream.indirect.gather [hbm4b:s9+s12], $0x80, s21, s12, $0xb8;
	[tilespmem:$0x10C80] =	vst v63  }
0x285: {  	_ =	swait.ge [sflag:s15], $0x4000  }
0x286: {  	[sflag:s15] =	ssyncset.done $0x0  }
0x287: {  	s23 =	rddreg [dreg:$0x16];
	[sflag:s15] =	ssyncadd.s32 $0xFFFFC000  }
0x288: {  	[hbm4b:s23+s2] =	stream.linear.scatter [tilespmem:s10], [sflag:$0x7], $0x4000, $0x38;
	[tilespmem:$0x10C80] =	vst v63  }
0x289: {  	_ =	swait.ge [sflag:s8], $0x4000  }
0x28a: {  	[sflag:s8] =	ssyncset.done $0x0  }
0x28b: {  	[sflag:s8] =	ssyncadd.s32 $0xFFFFC000  }
0x28c: {  	[tilespmem:s10], [sflag:$0x3] =	stream.indirect.gather [hbm4b:s9+s12], $0x80, s20, s12, $0xb8;
	[tilespmem:$0x10C80] =	vst v63  }
0x28d: {  	_ =	swait.ge [sflag:s16], $0x4000  }
0x28e: {  	[sflag:s16] =	ssyncset.done $0x0  }
0x28f: {  	s24 =	rddreg [dreg:$0x17];
	[sflag:s16] =	ssyncadd.s32 $0xFFFFC000  }
0x290: {  	[hbm4b:s24+s2] =	stream.linear.scatter [tilespmem:s7], [sflag:$0x8], $0x4000, $0x38;
	[tilespmem:$0x10C80] =	vst v63  }
0x291: {  	_ =	swait.ge [sflag:s11], $0x4000  }
0x292: {  	[sflag:s11] =	ssyncset.done $0x0  }
0x293: {  	[sflag:s11] =	ssyncadd.s32 $0xFFFFC000  }
0x294: {  	[tilespmem:s7], [sflag:$0x4] =	stream.indirect.gather [hbm4b:s9+s12], $0x80, s19, s12, $0xb8;
	[tilespmem:$0x10C80] =	vst v63  }
0x295: {  	_ =	swait.ge [sflag:s5], $0x4000  }
0x296: {  	[sflag:s5] =	ssyncset.done $0x0  }
0x297: {  	s25 =	rddreg [dreg:$0x18];
	[sflag:s5] =	ssyncadd.s32 $0xFFFFC000  }
0x298: {  	[hbm4b:s25+s2] =	stream.linear.scatter [tilespmem:s3], [sflag:$0x5], $0x4000, $0x38;
	[tilespmem:$0x10C80] =	vst v63  }
0x299: {  	_ =	swait.ge [sflag:s4], $0x4000  }
0x29a: {  	[sflag:s4] =	ssyncset.done $0x0  }
0x29b: {  	s26 =	simm.s32 $0xC00;
	[sflag:s4] =	ssyncadd.s32 $0xFFFFC000  }
0x29c: {  	[tilespmem:s3], [sflag:$0x1] =	stream.indirect.gather [hbm4b:s9+s12], $0x80, s26, s12, $0xb8;
	[tilespmem:$0x10C80] =	vst v63  }
0x29d: {  	_ =	swait.ge [sflag:s14], $0x4000  }
0x29e: {  	[sflag:s14] =	ssyncset.done $0x0  }
0x29f: {  	s28 =	rddreg [dreg:$0x19];
	[sflag:s14] =	ssyncadd.s32 $0xFFFFC000  }
0x2a0: {  	[hbm4b:s28+s2] =	stream.linear.scatter [tilespmem:s13], [sflag:$0x6], $0x4000, $0x38;
	[tilespmem:$0x10C80] =	vst v63  }
0x2a1: {  	_ =	swait.ge [sflag:s15], $0x4000  }
0x2a2: {  	[sflag:s15] =	ssyncset.done $0x0  }
0x2a3: {  	s29 =	rddreg [dreg:$0x1a];
	[sflag:s15] =	ssyncadd.s32 $0xFFFFC000  }
0x2a4: {  	[hbm4b:s29+s2] =	stream.linear.scatter [tilespmem:s10], [sflag:$0x7], $0x4000, $0x38;
	[tilespmem:$0x10C80] =	vst v63  }
0x2a5: {  	_ =	swait.ge [sflag:s16], $0x4000  }
0x2a6: {  	[sflag:s16] =	ssyncset.done $0x0  }
0x2a7: {  	s30 =	rddreg [dreg:$0x1b];
	[sflag:s16] =	ssyncadd.s32 $0xFFFFC000  }
0x2a8: {  	[hbm4b:s30+s2] =	stream.linear.scatter [tilespmem:s7], [sflag:$0x8], $0x4000, $0x38;
	[tilespmem:$0x10C80] =	vst v63  }
0x2a9: {  	_ =	swait.ge [sflag:s5], $0x4000  }
0x2aa: {  	[sflag:s5] =	ssyncset.done $0x0  }
0x2ab: {  	s31 =	rddreg [dreg:$0x1c];
	[sflag:s5] =	ssyncadd.s32 $0xFFFFC000  }
0x2ac: {  	[hbm4b:s31+s2] =	stream.linear.scatter [tilespmem:s3], [sflag:$0x5], $0x4000, $0x38;
	[tilespmem:$0x10C80] =	vst v63  }
0x2ad: {  	_ =	swait.ge [sflag:s4], $0x4000  }
0x2ae: {  	[sflag:s4] =	ssyncset.done $0x0  }
0x2af: {  	[sflag:s4] =	ssyncadd.s32 $0xFFFFC000  }
0x2b0: {  	_ =	swait.ge [sflag:s6], $0x4000  }
0x2b1: {  	[sflag:s6] =	ssyncset.done $0x0  }
0x2b2: {  	[sflag:s6] =	ssyncadd.s32 $0xFFFFC000  }
0x2b3: {  	_ =	swait.ge [sflag:s8], $0x4000  }
0x2b4: {  	[sflag:s8] =	ssyncset.done $0x0  }
0x2b5: {  	[sflag:s8] =	ssyncadd.s32 $0xFFFFC000  }
0x2b6: {  	_ =	swait.ge [sflag:s11], $0x4000  }
0x2b7: {  	[sflag:s11] =	ssyncset.done $0x0  }
0x2b8: {  	[sflag:s11] =	ssyncadd.s32 $0xFFFFC000  }
0x2b9: {  	_ =	sfence.sel $0x180000  }
0x2ba: {  	[bflag:$0x0] =	sbarrier.arrive $0xFFFF  }
0x2bb: {  	_ =	strace $0x9000004A  }
0x2bc: {  	[bflag:$0x2] =	sbarrier.arrive $0xFFFF  }
0x2bd: {  	p0 =	sne.s32 s17, $0x0;
	s0 =	rddreg [dreg:$0x2]  }
0x2be: {  	s0 =	sadd.s32 @!p0 $0x100000, s0  }
0x2bf: {  	[sflag:s0] =	ssyncadd.tile.s32 @!p0 $0x1;
	_ =	shalt  }
.LBB2_1:
.Ltmp3:
0x2c0: {  	(pc) =	sbr.rel .LBB2_6-.Ltmp3, $4  }
0x2c1: {  	s18 =	simm.s32 $0x600;
	s30 =	simm.s32 $0x680;
	s29 =	simm.s32 $0x700  }
0x2c2: {  	s28 =	simm.s32 $0x780;
	s26 =	simm.s32 $0x800;
	s25 =	simm.s32 $0x880  }
0x2c3: {  	s24 =	simm.s32 $0x900;
	s23 =	simm.s32 $0x980;
	s22 =	simm.s32 $0xA00  }
0x2c4: {  	s21 =	simm.s32 $0xA80;
	s20 =	simm.s32 $0xB00;
	s19 =	simm.s32 $0xB80  }
.LBB2_3:
.Ltmp4:
0x2c5: {  	s18 =	simm.s32 $0x600;
	(pc) =	sbr.rel .LBB2_6-.Ltmp4, $4  }
0x2c6: {  	s30 =	simm.s32 $0x680;
	s29 =	simm.s32 $0x700;
	s28 =	simm.s32 $0x780  }
0x2c7: {  	s26 =	simm.s32 $0x800;
	s25 =	simm.s32 $0x880;
	s24 =	simm.s32 $0x900  }
0x2c8: {  	s23 =	simm.s32 $0x980;
	s22 =	simm.s32 $0xA00;
	s21 =	simm.s32 $0xA80  }
0x2c9: {  	s20 =	simm.s32 $0xB00;
	s19 =	simm.s32 $0xB80;
	s17 =	stileid.u32  }
.Lfunc_end2:
_tile_overlayer_lowered:
.L_overlay_start_2:
0x2ca: {  	(tag) =	ssettag $0x2  }
0x2cb: {  	s0 =	rddreg [dreg:$0x0];
	s2 =	stileid.u32  }
0x2cc: {  	s1 =	rddreg [dreg:$0x1];
	p0 =	sne.s32 s2, $0x0  }
0x2cd: {  	s3 =	rddreg [dreg:$0x2];
	[bflag:$0x3] =	sbarrier.arrive $0xFFFF;
	s2 =	simm.s32 @!p0 $0x1C09  }
0x2ce: {  	[timem:s3], [sflag:s2] =	dma.local @!p0 [hbm:s0], s1  }
0x2cf: {  	s0 =	simm.s32 @!p0 $0x9  }
0x2d0: {  	_ =	swait.ge @!p0 [sflag:s0], s1  }
0x2d1: {  	s1 =	ssub.s32 @!p0 $0x0, s1;
	[sflag:s0] =	ssyncset.done @!p0 $0x0  }
0x2d2: {  	[sflag:s0] =	ssyncadd.s32 @!p0 s1  }
0x2d3: {  	[bflag:$0x3] =	sbarrier.arrive $0xFFFF  }
0x2d4: {  	_ =	shalt  }

// kernel: kernel.7.cloned.1.call-start
scs
__scs_entry_jumppad:
0x0: {  	(pc) =	sbr.rel $0x88, $3  }
0x1: {  	(tag) =	ssettag $0x0;
	lr =	simm.s32 $0x1  }
0x2: {  	[smem:$0x3F9B] =	sst lr;
	_ =	strace $0xD0000000  }
0x3: {  	_ = 	snop  }
0x4: {  	_ = 	snop  }
0x5: {  	_ = 	snop  }
0x6: {  	_ = 	snop  }
0x7: {  	_ = 	snop  }
__scs_overlays_trampoline_lowered:
0x8: {  	[smem:$0x3FAA] =	sst s0  }
0x9: {  	[smem:$0x3FAB] =	sst s1  }
0xa: {  	[smem:$0x3FAC] =	sst s2  }
0xb: {  	[smem:$0x3FAD] =	sst s3  }
0xc: {  	[smem:$0x3FAE] =	sst s4  }
0xd: {  	[smem:$0x3FAF] =	sst s5  }
0xe: {  	[smem:$0x3FB0] =	sst s6  }
0xf: {  	[smem:$0x3FB1] =	sst s7  }
0x10: {  	[smem:$0x3FB2] =	sst s8  }
0x11: {  	[smem:$0x3FB3] =	sst s9;
	s0 =	simm.s32 @!p0 $0x0  }
0x12: {  	s1 =	sld [smem:$0x3F99];
	s0 =	simm.s32 @p0 $0x1  }
0x13: {  	[smem:$0x3FB4] =	sst s0;
	s0 =	simm.s32 @!p1 $0x0  }
0x14: {  	s2 =	sld [smem:$0x3F98];
	s0 =	simm.s32 @p1 $0x1  }
0x15: {  	[smem:$0x3FB5] =	sst s0;
	s0 =	simm.s32 @!p2 $0x0  }
0x16: {  	s3 =	sld [smem:$0x3FDB];
	s0 =	simm.s32 @p2 $0x1  }
0x17: {  	s4 =	simm.s32 $0x1BF5;
	[smem:$0x3FB7] =	sst s0  }
0x18: {  	s0 =	sld [smem:$0x3F9A];
	_ =	swait.ge [sflag:s4], $0x0  }
0x19: {  	s7 =	sld [smem:$0x3F9B]  }
0x1a: {  	s8 =	sadd.s32 $0xFFFFE003, lr  }
0x1b: {  	s9 =	sadd.s32 $0xFFFFFEF7, lr;
	s5 =	simm.s32 $0xFFFFFFFF;
	p2 =	slt.u32 s8, $0xFFFFF086  }
0x1c: {  	p1 =	slt.u32 s9, $0xF7A;
	s5 =	simm.s32 @!p2 $0x0  }
0x1d: {  	s5 =	simm.s32 @p1 $0x1;
	p0 =	seq.s32 s7, s2  }
0x1e: {  	s7 =	smul.u32 @!p0 $0xF7A, s2;
	p2 =	seq.s32 @!p0 s5, $0x0  }
0x1f: {  	s9 =	smul.u32 $0xF7A, s1;
	s8 =	simm.s32 @!p0 $0x1BF5;
	p2 =	por !p2, p0  }
0x20: {  	[sflag:s8] =	ssyncset.s32 @!p0 $0xFFFFF086;
	s6 =	sadd.s32 @!p0 s3, s7;
	s7 =	simm.s32 @!p0 $0x108  }
0x21: {  	s3 =	sadd.s32 s3, s9;
	s6 =	sadd.s32 @!p0 $0x88, s6;
	s7 =	simm.s32 @p2 $0x1082  }
0x22: {  	[simem:s7], [sflag:s8] =	dma.local @!p0 [hbm:s6], $0xF7A  }
0x23: {  	s9 =	sor.u32 $0xD0000000, s2;
	s6 =	simm.s32 $0x108;
	_ =	swait.ge @!p0 [sflag:s8], $0x0  }
0x24: {  	s3 =	sadd.s32 $0x88, s3;
	s6 =	simm.s32 @!p1 $0x1082;
	[sflag:s4] =	ssyncset.s32 $0xFFFFF086  }
0x25: {  	[simem:s6], [sflag:s4] =	dma.local [hbm:s3], $0xF7A  }
0x26: {  	[smem:$0x3F9B] =	sst s1;
	(tag) =	ssettag s2;
	_ =	strace s9  }
0x27: {  	s1 =	sld [smem:$0x3FAB]  }
0x28: {  	s2 =	sld [smem:$0x3FAC]  }
0x29: {  	s4 =	sld [smem:$0x3FAE]  }
0x2a: {  	p0 =	seq.s32 s5, $0x0;
	s5 =	sld [smem:$0x3FAF]  }
0x2b: {  	s6 =	sld [smem:$0x3FB0]  }
0x2c: {  	s7 =	sld [smem:$0x3FB1]  }
0x2d: {  	s3 =	simm.s32 $0x108;
	s8 =	sld [smem:$0x3FB2]  }
0x2e: {  	s3 =	simm.s32 @!p0 $0x1082;
	s9 =	sld [smem:$0x3FB3]  }
0x2f: {  	lr =	sadd.s32 s0, s3;
	s0 =	sld [smem:$0x3FAA]  }
0x30: {  	s3 =	sld [smem:$0x3FAD]  }
0x31: {  	[smem:$0x3FB6] =	sst s10  }
0x32: {  	s10 =	sld [smem:$0x3FB4];
	_ =	sdelay $0x3  }
0x33: {  	p0 =	seq.s32 s10, $0x1;
	s10 =	sld [smem:$0x3FB6];
	_ =	sdelay $0x3  }
0x34: {  	[smem:$0x3FB6] =	sst s10  }
0x35: {  	s10 =	sld [smem:$0x3FB5];
	_ =	sdelay $0x3  }
0x36: {  	p1 =	seq.s32 s10, $0x1;
	s10 =	sld [smem:$0x3FB6];
	_ =	sdelay $0x3  }
0x37: {  	[smem:$0x3FB6] =	sst s10  }
0x38: {  	s10 =	sld [smem:$0x3FB7]  }
0x39: {  	_ = 	snop;
	(pc) =	sbr.ind lr, $3  }
0x3a: {  	_ = 	snop  }
0x3b: {  	_ = 	snop  }
0x3c: {  	p2 =	seq.s32 s10, $0x1;
	s10 =	sld [smem:$0x3FB6]  }
0x3d: {  	_ =	shalt  }
0x3e: {  	_ =	shalt  }
0x3f: {  	_ =	shalt  }
0x40: {  	_ =	shalt  }
0x41: {  	_ =	shalt  }
0x42: {  	_ =	shalt  }
0x43: {  	_ =	shalt  }
0x44: {  	_ =	shalt  }
0x45: {  	_ =	shalt  }
0x46: {  	_ =	shalt  }
0x47: {  	_ =	shalt  }
0x48: {  	_ =	shalt  }
0x49: {  	_ =	shalt  }
0x4a: {  	_ =	shalt  }
0x4b: {  	_ =	shalt  }
0x4c: {  	_ =	shalt  }
0x4d: {  	_ =	shalt  }
0x4e: {  	_ =	shalt  }
0x4f: {  	_ =	shalt  }
0x50: {  	_ =	shalt  }
0x51: {  	_ =	shalt  }
0x52: {  	_ =	shalt  }
0x53: {  	_ =	shalt  }
0x54: {  	_ =	shalt  }
0x55: {  	_ =	shalt  }
0x56: {  	_ =	shalt  }
0x57: {  	_ =	shalt  }
0x58: {  	_ =	shalt  }
0x59: {  	_ =	shalt  }
0x5a: {  	_ =	shalt  }
0x5b: {  	_ =	shalt  }
0x5c: {  	_ =	shalt  }
0x5d: {  	_ =	shalt  }
0x5e: {  	_ =	shalt  }
0x5f: {  	_ =	shalt  }
0x60: {  	_ =	shalt  }
0x61: {  	_ =	shalt  }
0x62: {  	_ =	shalt  }
0x63: {  	_ =	shalt  }
0x64: {  	_ =	shalt  }
0x65: {  	_ =	shalt  }
0x66: {  	_ =	shalt  }
0x67: {  	_ =	shalt  }
0x68: {  	_ =	shalt  }
0x69: {  	_ =	shalt  }
0x6a: {  	_ =	shalt  }
0x6b: {  	_ =	shalt  }
0x6c: {  	_ =	shalt  }
0x6d: {  	_ =	shalt  }
0x6e: {  	_ =	shalt  }
0x6f: {  	_ =	shalt  }
0x70: {  	_ =	shalt  }
0x71: {  	_ =	shalt  }
0x72: {  	_ =	shalt  }
0x73: {  	_ =	shalt  }
0x74: {  	_ =	shalt  }
0x75: {  	_ =	shalt  }
0x76: {  	_ =	shalt  }
0x77: {  	_ =	shalt  }
0x78: {  	_ =	shalt  }
0x79: {  	_ =	shalt  }
0x7a: {  	_ =	shalt  }
0x7b: {  	_ =	shalt  }
0x7c: {  	_ =	shalt  }
0x7d: {  	_ =	shalt  }
0x7e: {  	_ =	shalt  }
0x7f: {  	_ =	shalt  }
0x80: {  	_ =	shalt  }
0x81: {  	_ =	shalt  }
0x82: {  	_ =	shalt  }
0x83: {  	_ =	shalt  }
0x84: {  	_ =	shalt  }
0x85: {  	_ =	shalt  }
0x86: {  	_ =	shalt  }
0x87: {  	_ =	shalt  }
.Lfunc_end0:
.L_simem_size_0:
called_computation_lowered:
.L_overlay_start_0:
0x88: {  	s2 =	sld [smem:$0x3FD9]  }
0x89: {  	s3 =	sld [smem:$0x3FFE];
	_ =	sdelay $0x1  }
0x8a: {  	s1 =	srdreg.scid  }
0x8b: {  	s0 =	sand.u32 $0x1, s1  }
0x8c: {  	s16 =	sshll.u32 s0, $0xA;
	s2 =	sadd.s32 s3, s2  }
0x8d: {  	s2 =	sadd.s32 s2, s16  }
0x8e: {  	[smem:$0x3FC2] =	sst s2  }
0x8f: {  	_ = 	snop  }
0x90: {  	(tm) =	ssettm $0x1  }
0x91: {  	s17 =	sld [smem:$0x3FFB];
	_ =	sdelay $0x3  }
0x92: {  	_ =	strace s17  }
0x93: {  	s2 =	sld [smem:$0x3FFC];
	_ =	sdelay $0x3  }
0x94: {  	_ =	strace s2  }
0x95: {  	s2 =	sld [smem:$0x3FFD];
	_ =	sdelay $0x3  }
0x96: {  	_ =	strace s2  }
0x97: {  	_ =	strace $0x8FFFFFFF  }
0x98: {  	s18 =	sld [smem:$0x3FDB];
	_ =	sdelay $0x1  }
0x99: {  	s19 =	simm.s32 $_scs_section_size  }
0x9a: {  	s4 =	simm.s32 $_size__tile_overlayer_lowered;
	s5 =	simm.s32 $_tile_overlayer_lowered  }
0x9b: {  	s22 =	simm.s32 $0x1BFF;
	s21 =	sshll.u32 s5, $0x1;
	s2 =	sadd.s32 s19, s18  }
0x9c: {  	s6 =	simm.s32 $0x0;
	s20 =	sshll.u32 s4, $0x1;
	s4 =	sadd.s32 s21, s2  }
0x9d: {  	[timem:s6], [sflag:s22] =	dma.local [hbm:s4], s20  }
0x9e: {  	_ =	swait.ge [sflag:s22], s20  }
0x9f: {  	s3 =	ssub.s32 $0x0, s20;
	[sflag:s22] =	ssyncset.done $0x0  }
0xa0: {  	[sflag:s22] =	ssyncadd.s32 s3;
	_ =	sdelay $0x1  }
0xa1: {  	s23 =	simm.s32 $0x1B8B  }
0xa2: {  	_ =	swait.ge [sflag:s23], $0x1  }
0xa3: {  	[sflag:s23] =	ssyncset.done $0x0  }
0xa4: {  	s25 =	simm.s32 $0x1B8E;
	s24 =	sld [smem:$0x3FFE];
	[sflag:s23] =	ssyncadd.s32 $0xFFFFFFFF  }
0xa5: {  	s26 =	simm.s32 $execute0_lowered;
	[smem:$0x3FD2] =	sst s25  }
0xa6: {  	s4 =	sshll.u32 s26, $0x1;
	_ =	strace $0x80000046;
	[dreg:$0x1] =	wrdreg $0xFFFFFFFF  }
0xa7: {  	s28 =	simm.s32 $_size_execute0_lowered;
	s2 =	sadd.s32 s2, s4;
	[dreg:$0x0] =	wrdreg $0x0  }
0xa8: {  	s4 =	sshll.u32 s28, $0x1;
	[dreg:$0x2] =	wrdreg s2  }
0xa9: {  	[dreg:$0x3] =	wrdreg s4  }
0xaa: {  	[dreg:$0x4] =	wrdreg $0xC0  }
0xab: {  	_ =	task [dreg:s6], $0x5FFFF  }
0xac: {  	[dreg:$0x1] =	wrdreg $0xFFFFFFFF  }
0xad: {  	[dreg:$0x0] =	wrdreg $0x60  }
0xae: {  	[dreg:$0x2] =	wrdreg s24  }
0xaf: {  	[dreg:$0x3] =	wrdreg $0x9  }
0xb0: {  	_ =	task.clear_ibuf [dreg:s6], $0x4FFFF;
	_ =	strace $0x90000046  }
0xb1: {  	s29 =	simm.s32 $0x9;
	_ =	strace $0x80000048  }
0xb2: {  	_ =	swait.ge [sflag:s29], $0x1  }
0xb3: {  	[sflag:s29] =	ssyncadd.s32 $0xFFFFFFFF  }
0xb4: {  	_ =	strace $0x90000048  }
0xb5: {  	_ =	sfence  }
0xb6: {  	s30 =	sld [smem:$0x0];
	_ =	sdelay $0x2  }
0xb7: {  	s31 =	sshll.u32 s1, $0xD;
	s1 =	sshrl.u32 s1, $0x2  }
0xb8: {  	s3 =	sand.u32 $0x4000, s31;
	s1 =	sadd.s32 s1, s30  }
0xb9: {  	s0 =	sor.u32 s3, s0;
	s1 =	sshll.u32 s1, $0x11  }
0xba: {  	s0 =	sor.u32 s1, s0  }
0xbb: {  	s0 =	sadd.s32 $0x8F2B, s0  }
0xbc: {  	[sflag:s0] =	ssyncadd.remote.s32 $0x1  }
0xbd: {  	_ =	sfence.sel $0xFFFF  }
0xbe: {  	[dreg:$0x0] =	wrdreg $0xFFFFFFFF;
	(pc) =	sbr.abs _section_cstart, $3  }
0xbf: {  	[dreg:$0x1] =	wrdreg $0xFFFFFFFF  }
0xc0: {  	_ =	task.clear_ibuf [dreg:s6], $0x2FFFF;
	_ =	strace $0x9FFFFFFF  }
0xc1: {  	(tm) =	ssettm $0x7FFFFFFF  }
tec
execute0_lowered:
.L_overlay_start_1:
0x0: {  	(tag) =	ssettag $0x1  }
0x1: {  	s0 =	srdreg.scid;
	s17 =	stileid.u32  }
0x2: {  	s0 =	sand.u32 $0x1, s0;
	s2 =	sshll.u32 s17, $0x1  }
0x3: {  	s3 =	sor.u32 s0, s2  }
0x4: {  	s1 =	rddreg [dreg:$0x0];
	s4 =	smul.u32 $0x190, s3  }
0x5: {  	s6 =	sadd.s32 $0x8A00, s1;
	s2 =	simm.s32 $0x0;
	s5 =	smul.u32 $0x64000, s3  }
0x6: {  	[smem:$0x7FF] =	sst s2;
	s3 =	smul.u32 $0xC800, s3;
	s4 =	sadd.s32 s4, s1  }
0x7: {  	_ =	strace $0x80000047;
	s5 =	sshrl.u32 s5, $0x3;
	s4 =	sadd.s32 $0x1800, s4  }
0x8: {  	s3 =	sadd.s32 s6, s3;
	[dreg:$0x2] =	wrdreg s4;
	s4 =	sadd.s32 s6, s5  }
0x9: {  	[dreg:$0x3] =	wrdreg s3;
	s12 =	sadd.s32 $0x800, s4  }
0xa: {  	s13 =	sadd.s32 $0x1000, s4;
	[dreg:$0x4] =	wrdreg s12  }
0xb: {  	s14 =	sadd.s32 $0x1800, s4;
	[dreg:$0x5] =	wrdreg s13  }
0xc: {  	s15 =	sadd.s32 $0x2000, s4;
	[dreg:$0x6] =	wrdreg s14  }
0xd: {  	s16 =	sadd.s32 $0x2800, s4;
	[dreg:$0x7] =	wrdreg s15  }
0xe: {  	s18 =	sadd.s32 $0x3000, s4;
	[dreg:$0x8] =	wrdreg s16  }
0xf: {  	s19 =	sadd.s32 $0x3800, s4;
	[dreg:$0x9] =	wrdreg s18  }
0x10: {  	s20 =	sadd.s32 $0x4000, s4;
	[dreg:$0xa] =	wrdreg s19  }
0x11: {  	s21 =	sadd.s32 $0x4800, s4;
	[dreg:$0xb] =	wrdreg s20  }
0x12: {  	s22 =	sadd.s32 $0x5000, s4;
	[dreg:$0xc] =	wrdreg s21  }
0x13: {  	s23 =	sadd.s32 $0x5800, s4;
	[dreg:$0xd] =	wrdreg s22  }
0x14: {  	s24 =	sadd.s32 $0x6000, s4;
	[dreg:$0xe] =	wrdreg s23  }
0x15: {  	s25 =	sadd.s32 $0x6800, s4;
	[dreg:$0xf] =	wrdreg s24  }
0x16: {  	s26 =	sadd.s32 $0x7000, s4;
	[dreg:$0x10] =	wrdreg s25  }
0x17: {  	s5 =	sadd.s32 $0x7800, s4;
	[dreg:$0x11] =	wrdreg s26  }
0x18: {  	s31 =	simm.s32 $0x9;
	s6 =	sadd.s32 $0x8000, s4;
	[dreg:$0x12] =	wrdreg s5  }
0x19: {  	s30 =	simm.s32 $0x680;
	s7 =	sadd.s32 $0x8800, s4;
	[dreg:$0x13] =	wrdreg s6  }
0x1a: {  	s29 =	simm.s32 $0x700;
	s8 =	sadd.s32 $0x9000, s4;
	[dreg:$0x14] =	wrdreg s7  }
0x1b: {  	s28 =	simm.s32 $0x780;
	s9 =	sadd.s32 $0x9800, s4;
	[dreg:$0x15] =	wrdreg s8  }
0x1c: {  	p0 =	por $0x0, $0x0;
	s10 =	sadd.s32 $0xA000, s4;
	[dreg:$0x16] =	wrdreg s9  }
0x1d: {  	s0 =	ssub.s32 $0x2, s0;
	s11 =	sadd.s32 $0xA800, s4;
	[dreg:$0x17] =	wrdreg s10  }
0x1e: {  	s3 =	simm.s32 $0xC80;
	[dreg:$0x18] =	wrdreg s11;
	s12 =	sadd.s32 $0xB000, s4  }
0x1f: {  	s13 =	sshrl.u32 s0, $0x1;
	s14 =	sadd.s32 $0xB800, s4;
	s15 =	sadd.s32 $0xC000, s4  }
0x20: {  	s9 =	sadd.s32 $0x4A00, s1;
	s16 =	simm.s32 $0x100;
	s18 =	simm.s32 $0x180  }
0x21: {  	s10 =	simm.s32 $0x8C80;
	s7 =	simm.s32 $0xCC80;
	[dreg:$0x19] =	wrdreg s12  }
0x22: {  	s5 =	simm.s32 $0x1;
	s19 =	simm.s32 $0x200;
	[dreg:$0x1a] =	wrdreg s14  }
0x23: {  	s4 =	simm.s32 $0x5;
	s20 =	simm.s32 $0x280;
	[dreg:$0x1b] =	wrdreg s15  }
0x24: {  	s21 =	simm.s32 $0x300;
	s6 =	simm.s32 $0x6;
	[dreg:$0x1c] =	wrdreg s16  }
0x25: {  	s22 =	simm.s32 $0x380;
	s23 =	simm.s32 $0x400;
	[dreg:$0x1d] =	wrdreg s18  }
0x26: {  	s8 =	simm.s32 $0x7;
	s24 =	simm.s32 $0x480;
	[dreg:$0x1e] =	wrdreg s19  }
0x27: {  	s25 =	simm.s32 $0x500;
	s11 =	simm.s32 $0x8;
	[dreg:$0x1f] =	wrdreg s20  }
0x28: {  	s26 =	simm.s32 $0x580;
	s0 =	ssub.s32 s0, s13;
	[smem:$0x7F8] =	sst s21  }
0x29: {  	s12 =	simm.s32 $0x80;
	s13 =	simm.s32 $0x4C80;
	[smem:$0x7F9] =	sst s22  }
0x2a: {  	s14 =	simm.s32 $0x2;
	[smem:$0x7FA] =	sst s23;
	s0 =	smax.u32 s0, $0x1  }
0x2b: {  	s15 =	simm.s32 $0x3;
	[smem:$0x7FB] =	sst s24;
	p1 =	sne.s32 s0, $0x1  }
.Ltmp0:
0x2c: {  	s16 =	simm.s32 $0x4;
	[smem:$0x7FC] =	sst s25;
	(pc) =	sbr.rel @!p1 .LBB2_1-.Ltmp0, $4  }
0x2d: {  	[smem:$0x7FD] =	sst s26;
	s26 =	simm.s32 $0x800;
	s25 =	simm.s32 $0x880  }
0x2e: {  	s24 =	simm.s32 $0x900;
	s23 =	simm.s32 $0x980;
	s22 =	simm.s32 $0xA00  }
0x2f: {  	s21 =	simm.s32 $0xA80;
	s20 =	simm.s32 $0xB00;
	s19 =	simm.s32 $0xB80  }
0x30: {  	s18 =	simm.s32 $0xC00;
	s1 =	sadd.s32 $0xFFFFFFFF, s0;
	s0 =	rddreg [dreg:$0x2]  }
0x31: {  	[tilespmem:s2], [sflag:$0x9] =	stream.linear.gather [hbm4b:s0+s2], $0xC80, $0x38;
	[tilespmem:$0x10C80] =	vst v63  }
0x32: {  	_ =	swait.ge [sflag:s31], $0xC80  }
0x33: {  	[sflag:s31] =	ssyncset.done $0x0  }
0x34: {  	[sflag:s31] =	ssyncadd.s32 $0xFFFFF380  }
0x35: {  	[tilespmem:s3], [sflag:$0x1] =	stream.indirect.gather [hbm4b:s9+s12], $0x80, s2, s12, $0xb8;
	[tilespmem:$0x10C80] =	vst v63  }
0x36: {  	_ = 	snop  }
0x37: {  	[tilespmem:s13], [sflag:$0x2] =	stream.indirect.gather [hbm4b:s9+s12], $0x80, s12, s12, $0xb8;
	[tilespmem:$0x10C80] =	vst v63  }
0x38: {  	s0 =	rddreg [dreg:$0x1c]  }
0x39: {  	[tilespmem:s10], [sflag:$0x3] =	stream.indirect.gather [hbm4b:s9+s12], $0x80, s0, s12, $0xb8;
	[tilespmem:$0x10C80] =	vst v63  }
0x3a: {  	s17 =	smov.u32 s1;
	s1 =	rddreg [dreg:$0x1d]  }
0x3b: {  	[tilespmem:s7], [sflag:$0x4] =	stream.indirect.gather [hbm4b:s9+s12], $0x80, s1, s12, $0xb8;
	[tilespmem:$0x10C80] =	vst v63  }
0x3c: {  	_ =	swait.ge [sflag:s5], $0x4000  }
0x3d: {  	[sflag:s5] =	ssyncset.done $0x0  }
0x3e: {  	s1 =	rddreg [dreg:$0x3];
	[sflag:s5] =	ssyncadd.s32 $0xFFFFC000  }
0x3f: {  	[hbm4b:s1+s2] =	stream.linear.scatter [tilespmem:s3], [sflag:$0x5], $0x4000, $0x38;
	[tilespmem:$0x10C80] =	vst v63  }
0x40: {  	_ =	swait.ge [sflag:s4], $0x4000  }
0x41: {  	[sflag:s4] =	ssyncset.done $0x0  }
0x42: {  	s1 =	rddreg [dreg:$0x1e];
	[sflag:s4] =	ssyncadd.s32 $0xFFFFC000  }
0x43: {  	[tilespmem:s3], [sflag:$0x1] =	stream.indirect.gather [hbm4b:s9+s12], $0x80, s1, s12, $0xb8;
	[tilespmem:$0x10C80] =	vst v63  }
0x44: {  	_ =	swait.ge [sflag:s14], $0x4000  }
0x45: {  	[sflag:s14] =	ssyncset.done $0x0  }
0x46: {  	s1 =	rddreg [dreg:$0x4];
	[sflag:s14] =	ssyncadd.s32 $0xFFFFC000  }
0x47: {  	[hbm4b:s1+s2] =	stream.linear.scatter [tilespmem:s13], [sflag:$0x6], $0x4000, $0x38;
	[tilespmem:$0x10C80] =	vst v63  }
0x48: {  	_ =	swait.ge [sflag:s6], $0x4000  }
0x49: {  	[sflag:s6] =	ssyncset.done $0x0  }
0x4a: {  	s1 =	rddreg [dreg:$0x1f];
	[sflag:s6] =	ssyncadd.s32 $0xFFFFC000  }
0x4b: {  	[tilespmem:s13], [sflag:$0x2] =	stream.indirect.gather [hbm4b:s9+s12], $0x80, s1, s12, $0xb8;
	[tilespmem:$0x10C80] =	vst v63  }
0x4c: {  	_ =	swait.ge [sflag:s15], $0x4000  }
0x4d: {  	[sflag:s15] =	ssyncset.done $0x0  }
0x4e: {  	s1 =	rddreg [dreg:$0x5];
	[sflag:s15] =	ssyncadd.s32 $0xFFFFC000  }
0x4f: {  	[hbm4b:s1+s2] =	stream.linear.scatter [tilespmem:s10], [sflag:$0x7], $0x4000, $0x38;
	[tilespmem:$0x10C80] =	vst v63  }
0x50: {  	_ =	swait.ge [sflag:s8], $0x4000  }
0x51: {  	s1 =	sld [smem:$0x7F8]  }
0x52: {  	[sflag:s8] =	ssyncset.done $0x0  }
0x53: {  	[sflag:s8] =	ssyncadd.s32 $0xFFFFC000  }
0x54: {  	[tilespmem:s10], [sflag:$0x3] =	stream.indirect.gather [hbm4b:s9+s12], $0x80, s1, s12, $0xb8;
	[tilespmem:$0x10C80] =	vst v63  }
0x55: {  	_ =	swait.ge [sflag:s16], $0x4000  }
0x56: {  	[sflag:s16] =	ssyncset.done $0x0  }
0x57: {  	s1 =	rddreg [dreg:$0x6];
	[sflag:s16] =	ssyncadd.s32 $0xFFFFC000  }
0x58: {  	[hbm4b:s1+s2] =	stream.linear.scatter [tilespmem:s7], [sflag:$0x8], $0x4000, $0x38;
	[tilespmem:$0x10C80] =	vst v63  }
0x59: {  	_ =	swait.ge [sflag:s11], $0x4000  }
0x5a: {  	s1 =	sld [smem:$0x7F9]  }
0x5b: {  	[sflag:s11] =	ssyncset.done $0x0  }
0x5c: {  	[sflag:s11] =	ssyncadd.s32 $0xFFFFC000  }
0x5d: {  	[tilespmem:s7], [sflag:$0x4] =	stream.indirect.gather [hbm4b:s9+s12], $0x80, s1, s12, $0xb8;
	[tilespmem:$0x10C80] =	vst v63  }
0x5e: {  	_ =	swait.ge [sflag:s5], $0x4000  }
0x5f: {  	[sflag:s5] =	ssyncset.done $0x0  }
0x60: {  	s1 =	rddreg [dreg:$0x7];
	[sflag:s5] =	ssyncadd.s32 $0xFFFFC000  }
0x61: {  	[hbm4b:s1+s2] =	stream.linear.scatter [tilespmem:s3], [sflag:$0x5], $0x4000, $0x38;
	[tilespmem:$0x10C80] =	vst v63  }
0x62: {  	_ =	swait.ge [sflag:s4], $0x4000  }
0x63: {  	s1 =	sld [smem:$0x7FA]  }
0x64: {  	[sflag:s4] =	ssyncset.done $0x0  }
0x65: {  	[sflag:s4] =	ssyncadd.s32 $0xFFFFC000  }
0x66: {  	[tilespmem:s3], [sflag:$0x1] =	stream.indirect.gather [hbm4b:s9+s12], $0x80, s1, s12, $0xb8;
	[tilespmem:$0x10C80] =	vst v63  }
0x67: {  	_ =	swait.ge [sflag:s14], $0x4000  }
0x68: {  	[sflag:s14] =	ssyncset.done $0x0  }
0x69: {  	s1 =	rddreg [dreg:$0x8];
	[sflag:s14] =	ssyncadd.s32 $0xFFFFC000  }
0x6a: {  	[hbm4b:s1+s2] =	stream.linear.scatter [tilespmem:s13], [sflag:$0x6], $0x4000, $0x38;
	[tilespmem:$0x10C80] =	vst v63  }
0x6b: {  	_ =	swait.ge [sflag:s6], $0x4000  }
0x6c: {  	s1 =	sld [smem:$0x7FB]  }
0x6d: {  	[sflag:s6] =	ssyncset.done $0x0  }
0x6e: {  	[sflag:s6] =	ssyncadd.s32 $0xFFFFC000  }
0x6f: {  	[tilespmem:s13], [sflag:$0x2] =	stream.indirect.gather [hbm4b:s9+s12], $0x80, s1, s12, $0xb8;
	[tilespmem:$0x10C80] =	vst v63  }
0x70: {  	_ =	swait.ge [sflag:s15], $0x4000  }
0x71: {  	[sflag:s15] =	ssyncset.done $0x0  }
0x72: {  	s1 =	rddreg [dreg:$0x9];
	[sflag:s15] =	ssyncadd.s32 $0xFFFFC000  }
0x73: {  	[hbm4b:s1+s2] =	stream.linear.scatter [tilespmem:s10], [sflag:$0x7], $0x4000, $0x38;
	[tilespmem:$0x10C80] =	vst v63  }
0x74: {  	_ =	swait.ge [sflag:s8], $0x4000  }
0x75: {  	s1 =	sld [smem:$0x7FC]  }
0x76: {  	[sflag:s8] =	ssyncset.done $0x0  }
0x77: {  	[sflag:s8] =	ssyncadd.s32 $0xFFFFC000  }
0x78: {  	[tilespmem:s10], [sflag:$0x3] =	stream.indirect.gather [hbm4b:s9+s12], $0x80, s1, s12, $0xb8;
	[tilespmem:$0x10C80] =	vst v63  }
0x79: {  	_ =	swait.ge [sflag:s16], $0x4000  }
0x7a: {  	[sflag:s16] =	ssyncset.done $0x0  }
0x7b: {  	s1 =	rddreg [dreg:$0xa];
	[sflag:s16] =	ssyncadd.s32 $0xFFFFC000  }
0x7c: {  	[hbm4b:s1+s2] =	stream.linear.scatter [tilespmem:s7], [sflag:$0x8], $0x4000, $0x38;
	[tilespmem:$0x10C80] =	vst v63  }
0x7d: {  	_ =	swait.ge [sflag:s11], $0x4000  }
0x7e: {  	s1 =	sld [smem:$0x7FD]  }
0x7f: {  	[sflag:s11] =	ssyncset.done $0x0  }
0x80: {  	[sflag:s11] =	ssyncadd.s32 $0xFFFFC000  }
0x81: {  	[tilespmem:s7], [sflag:$0x4] =	stream.indirect.gather [hbm4b:s9+s12], $0x80, s1, s12, $0xb8;
	[tilespmem:$0x10C80] =	vst v63  }
0x82: {  	_ =	swait.ge [sflag:s5], $0x4000  }
0x83: {  	[sflag:s5] =	ssyncset.done $0x0  }
0x84: {  	s1 =	rddreg [dreg:$0xb];
	[sflag:s5] =	ssyncadd.s32 $0xFFFFC000  }
0x85: {  	[hbm4b:s1+s2] =	stream.linear.scatter [tilespmem:s3], [sflag:$0x5], $0x4000, $0x38;
	[tilespmem:$0x10C80] =	vst v63  }
0x86: {  	_ =	swait.ge [sflag:s4], $0x4000  }
0x87: {  	[sflag:s4] =	ssyncset.done $0x0  }
0x88: {  	s1 =	simm.s32 $0x600;
	[sflag:s4] =	ssyncadd.s32 $0xFFFFC000  }
0x89: {  	[tilespmem:s3], [sflag:$0x1] =	stream.indirect.gather [hbm4b:s9+s12], $0x80, s1, s12, $0xb8;
	[tilespmem:$0x10C80] =	vst v63  }
0x8a: {  	_ =	swait.ge [sflag:s14], $0x4000  }
0x8b: {  	[sflag:s14] =	ssyncset.done $0x0  }
0x8c: {  	s1 =	rddreg [dreg:$0xc];
	[sflag:s14] =	ssyncadd.s32 $0xFFFFC000  }
0x8d: {  	[hbm4b:s1+s2] =	stream.linear.scatter [tilespmem:s13], [sflag:$0x6], $0x4000, $0x38;
	[tilespmem:$0x10C80] =	vst v63  }
0x8e: {  	_ =	swait.ge [sflag:s6], $0x4000  }
0x8f: {  	[sflag:s6] =	ssyncset.done $0x0  }
0x90: {  	[sflag:s6] =	ssyncadd.s32 $0xFFFFC000  }
0x91: {  	[tilespmem:s13], [sflag:$0x2] =	stream.indirect.gather [hbm4b:s9+s12], $0x80, s30, s12, $0xb8;
	[tilespmem:$0x10C80] =	vst v63  }
0x92: {  	_ =	swait.ge [sflag:s15], $0x4000  }
0x93: {  	[sflag:s15] =	ssyncset.done $0x0  }
0x94: {  	s1 =	rddreg [dreg:$0xd];
	[sflag:s15] =	ssyncadd.s32 $0xFFFFC000  }
0x95: {  	[hbm4b:s1+s2] =	stream.linear.scatter [tilespmem:s10], [sflag:$0x7], $0x4000, $0x38;
	[tilespmem:$0x10C80] =	vst v63  }
0x96: {  	_ =	swait.ge [sflag:s8], $0x4000  }
0x97: {  	[sflag:s8] =	ssyncset.done $0x0  }
0x98: {  	[sflag:s8] =	ssyncadd.s32 $0xFFFFC000  }
0x99: {  	[tilespmem:s10], [sflag:$0x3] =	stream.indirect.gather [hbm4b:s9+s12], $0x80, s29, s12, $0xb8;
	[tilespmem:$0x10C80] =	vst v63  }
0x9a: {  	_ =	swait.ge [sflag:s16], $0x4000  }
0x9b: {  	[sflag:s16] =	ssyncset.done $0x0  }
0x9c: {  	s1 =	rddreg [dreg:$0xe];
	[sflag:s16] =	ssyncadd.s32 $0xFFFFC000  }
0x9d: {  	[hbm4b:s1+s2] =	stream.linear.scatter [tilespmem:s7], [sflag:$0x8], $0x4000, $0x38;
	[tilespmem:$0x10C80] =	vst v63  }
0x9e: {  	_ =	swait.ge [sflag:s11], $0x4000  }
0x9f: {  	[sflag:s11] =	ssyncset.done $0x0  }
0xa0: {  	[sflag:s11] =	ssyncadd.s32 $0xFFFFC000  }
0xa1: {  	[tilespmem:s7], [sflag:$0x4] =	stream.indirect.gather [hbm4b:s9+s12], $0x80, s28, s12, $0xb8;
	[tilespmem:$0x10C80] =	vst v63  }
0xa2: {  	_ =	swait.ge [sflag:s5], $0x4000  }
0xa3: {  	[sflag:s5] =	ssyncset.done $0x0  }
0xa4: {  	s1 =	rddreg [dreg:$0xf];
	[sflag:s5] =	ssyncadd.s32 $0xFFFFC000  }
0xa5: {  	[hbm4b:s1+s2] =	stream.linear.scatter [tilespmem:s3], [sflag:$0x5], $0x4000, $0x38;
	[tilespmem:$0x10C80] =	vst v63  }
0xa6: {  	_ =	swait.ge [sflag:s4], $0x4000  }
0xa7: {  	[sflag:s4] =	ssyncset.done $0x0  }
0xa8: {  	[sflag:s4] =	ssyncadd.s32 $0xFFFFC000  }
0xa9: {  	[tilespmem:s3], [sflag:$0x1] =	stream.indirect.gather [hbm4b:s9+s12], $0x80, s26, s12, $0xb8;
	[tilespmem:$0x10C80] =	vst v63  }
0xaa: {  	_ =	swait.ge [sflag:s14], $0x4000  }
0xab: {  	[sflag:s14] =	ssyncset.done $0x0  }
0xac: {  	s1 =	rddreg [dreg:$0x10];
	[sflag:s14] =	ssyncadd.s32 $0xFFFFC000  }
0xad: {  	[hbm4b:s1+s2] =	stream.linear.scatter [tilespmem:s13], [sflag:$0x6], $0x4000, $0x38;
	[tilespmem:$0x10C80] =	vst v63  }
0xae: {  	_ =	swait.ge [sflag:s6], $0x4000  }
0xaf: {  	[sflag:s6] =	ssyncset.done $0x0  }
0xb0: {  	[sflag:s6] =	ssyncadd.s32 $0xFFFFC000  }
0xb1: {  	[tilespmem:s13], [sflag:$0x2] =	stream.indirect.gather [hbm4b:s9+s12], $0x80, s25, s12, $0xb8;
	[tilespmem:$0x10C80] =	vst v63  }
0xb2: {  	_ =	swait.ge [sflag:s15], $0x4000  }
0xb3: {  	[sflag:s15] =	ssyncset.done $0x0  }
0xb4: {  	s1 =	rddreg [dreg:$0x11];
	[sflag:s15] =	ssyncadd.s32 $0xFFFFC000  }
0xb5: {  	[hbm4b:s1+s2] =	stream.linear.scatter [tilespmem:s10], [sflag:$0x7], $0x4000, $0x38;
	[tilespmem:$0x10C80] =	vst v63  }
0xb6: {  	_ =	swait.ge [sflag:s8], $0x4000  }
0xb7: {  	[sflag:s8] =	ssyncset.done $0x0  }
0xb8: {  	[sflag:s8] =	ssyncadd.s32 $0xFFFFC000  }
0xb9: {  	[tilespmem:s10], [sflag:$0x3] =	stream.indirect.gather [hbm4b:s9+s12], $0x80, s24, s12, $0xb8;
	[tilespmem:$0x10C80] =	vst v63  }
0xba: {  	_ =	swait.ge [sflag:s16], $0x4000  }
0xbb: {  	[sflag:s16] =	ssyncset.done $0x0  }
0xbc: {  	s1 =	rddreg [dreg:$0x12];
	[sflag:s16] =	ssyncadd.s32 $0xFFFFC000  }
0xbd: {  	[hbm4b:s1+s2] =	stream.linear.scatter [tilespmem:s7], [sflag:$0x8], $0x4000, $0x38;
	[tilespmem:$0x10C80] =	vst v63  }
0xbe: {  	_ =	swait.ge [sflag:s11], $0x4000  }
0xbf: {  	[sflag:s11] =	ssyncset.done $0x0  }
0xc0: {  	[sflag:s11] =	ssyncadd.s32 $0xFFFFC000  }
0xc1: {  	[tilespmem:s7], [sflag:$0x4] =	stream.indirect.gather [hbm4b:s9+s12], $0x80, s23, s12, $0xb8;
	[tilespmem:$0x10C80] =	vst v63  }
0xc2: {  	_ =	swait.ge [sflag:s5], $0x4000  }
0xc3: {  	[sflag:s5] =	ssyncset.done $0x0  }
0xc4: {  	s1 =	rddreg [dreg:$0x13];
	[sflag:s5] =	ssyncadd.s32 $0xFFFFC000  }
0xc5: {  	[hbm4b:s1+s2] =	stream.linear.scatter [tilespmem:s3], [sflag:$0x5], $0x4000, $0x38;
	[tilespmem:$0x10C80] =	vst v63  }
0xc6: {  	_ =	swait.ge [sflag:s4], $0x4000  }
0xc7: {  	[sflag:s4] =	ssyncset.done $0x0  }
0xc8: {  	[sflag:s4] =	ssyncadd.s32 $0xFFFFC000  }
0xc9: {  	[tilespmem:s3], [sflag:$0x1] =	stream.indirect.gather [hbm4b:s9+s12], $0x80, s22, s12, $0xb8;
	[tilespmem:$0x10C80] =	vst v63  }
0xca: {  	_ =	swait.ge [sflag:s14], $0x4000  }
0xcb: {  	[sflag:s14] =	ssyncset.done $0x0  }
0xcc: {  	s1 =	rddreg [dreg:$0x14];
	[sflag:s14] =	ssyncadd.s32 $0xFFFFC000  }
0xcd: {  	[hbm4b:s1+s2] =	stream.linear.scatter [tilespmem:s13], [sflag:$0x6], $0x4000, $0x38;
	[tilespmem:$0x10C80] =	vst v63  }
0xce: {  	_ =	swait.ge [sflag:s6], $0x4000  }
0xcf: {  	[sflag:s6] =	ssyncset.done $0x0  }
0xd0: {  	[sflag:s6] =	ssyncadd.s32 $0xFFFFC000  }
0xd1: {  	[tilespmem:s13], [sflag:$0x2] =	stream.indirect.gather [hbm4b:s9+s12], $0x80, s21, s12, $0xb8;
	[tilespmem:$0x10C80] =	vst v63  }
0xd2: {  	_ =	swait.ge [sflag:s15], $0x4000  }
0xd3: {  	[sflag:s15] =	ssyncset.done $0x0  }
0xd4: {  	s1 =	rddreg [dreg:$0x15];
	[sflag:s15] =	ssyncadd.s32 $0xFFFFC000  }
0xd5: {  	[hbm4b:s1+s2] =	stream.linear.scatter [tilespmem:s10], [sflag:$0x7], $0x4000, $0x38;
	[tilespmem:$0x10C80] =	vst v63  }
0xd6: {  	_ =	swait.ge [sflag:s8], $0x4000  }
0xd7: {  	[sflag:s8] =	ssyncset.done $0x0  }
0xd8: {  	[sflag:s8] =	ssyncadd.s32 $0xFFFFC000  }
0xd9: {  	[tilespmem:s10], [sflag:$0x3] =	stream.indirect.gather [hbm4b:s9+s12], $0x80, s20, s12, $0xb8;
	[tilespmem:$0x10C80] =	vst v63  }
0xda: {  	_ =	swait.ge [sflag:s16], $0x4000  }
0xdb: {  	[sflag:s16] =	ssyncset.done $0x0  }
0xdc: {  	s1 =	rddreg [dreg:$0x16];
	[sflag:s16] =	ssyncadd.s32 $0xFFFFC000  }
0xdd: {  	[hbm4b:s1+s2] =	stream.linear.scatter [tilespmem:s7], [sflag:$0x8], $0x4000, $0x38;
	[tilespmem:$0x10C80] =	vst v63  }
0xde: {  	_ =	swait.ge [sflag:s11], $0x4000  }
0xdf: {  	[sflag:s11] =	ssyncset.done $0x0  }
0xe0: {  	[sflag:s11] =	ssyncadd.s32 $0xFFFFC000  }
0xe1: {  	[tilespmem:s7], [sflag:$0x4] =	stream.indirect.gather [hbm4b:s9+s12], $0x80, s19, s12, $0xb8;
	[tilespmem:$0x10C80] =	vst v63  }
0xe2: {  	_ =	swait.ge [sflag:s5], $0x4000  }
0xe3: {  	[sflag:s5] =	ssyncset.done $0x0  }
0xe4: {  	s1 =	rddreg [dreg:$0x17];
	[sflag:s5] =	ssyncadd.s32 $0xFFFFC000  }
0xe5: {  	[hbm4b:s1+s2] =	stream.linear.scatter [tilespmem:s3], [sflag:$0x5], $0x4000, $0x38;
	[tilespmem:$0x10C80] =	vst v63  }
0xe6: {  	_ =	swait.ge [sflag:s4], $0x4000  }
0xe7: {  	[sflag:s4] =	ssyncset.done $0x0  }
0xe8: {  	[sflag:s4] =	ssyncadd.s32 $0xFFFFC000  }
0xe9: {  	[tilespmem:s3], [sflag:$0x1] =	stream.indirect.gather [hbm4b:s9+s12], $0x80, s18, s12, $0xb8;
	[tilespmem:$0x10C80] =	vst v63  }
0xea: {  	_ =	swait.ge [sflag:s14], $0x4000  }
0xeb: {  	[sflag:s14] =	ssyncset.done $0x0  }
0xec: {  	s1 =	rddreg [dreg:$0x18];
	[sflag:s14] =	ssyncadd.s32 $0xFFFFC000  }
0xed: {  	[hbm4b:s1+s2] =	stream.linear.scatter [tilespmem:s13], [sflag:$0x6], $0x4000, $0x38;
	[tilespmem:$0x10C80] =	vst v63  }
0xee: {  	_ =	swait.ge [sflag:s15], $0x4000  }
0xef: {  	[sflag:s15] =	ssyncset.done $0x0  }
0xf0: {  	s1 =	rddreg [dreg:$0x19];
	[sflag:s15] =	ssyncadd.s32 $0xFFFFC000  }
0xf1: {  	[hbm4b:s1+s2] =	stream.linear.scatter [tilespmem:s10], [sflag:$0x7], $0x4000, $0x38;
	[tilespmem:$0x10C80] =	vst v63  }
0xf2: {  	_ =	swait.ge [sflag:s16], $0x4000  }
0xf3: {  	[sflag:s16] =	ssyncset.done $0x0  }
0xf4: {  	s1 =	rddreg [dreg:$0x1a];
	[sflag:s16] =	ssyncadd.s32 $0xFFFFC000  }
0xf5: {  	[hbm4b:s1+s2] =	stream.linear.scatter [tilespmem:s7], [sflag:$0x8], $0x4000, $0x38;
	[tilespmem:$0x10C80] =	vst v63  }
0xf6: {  	_ =	swait.ge [sflag:s5], $0x4000  }
0xf7: {  	[sflag:s5] =	ssyncset.done $0x0  }
0xf8: {  	s1 =	rddreg [dreg:$0x1b];
	[sflag:s5] =	ssyncadd.s32 $0xFFFFC000  }
0xf9: {  	[hbm4b:s1+s2] =	stream.linear.scatter [tilespmem:s3], [sflag:$0x5], $0x4000, $0x38;
	[tilespmem:$0x10C80] =	vst v63  }
0xfa: {  	_ =	swait.ge [sflag:s4], $0x4000  }
0xfb: {  	[sflag:s4] =	ssyncset.done $0x0  }
0xfc: {  	[sflag:s4] =	ssyncadd.s32 $0xFFFFC000  }
0xfd: {  	_ =	swait.ge [sflag:s6], $0x4000  }
0xfe: {  	[sflag:s6] =	ssyncset.done $0x0  }
0xff: {  	p1 =	sne.s32 s17, $0x1;
	[sflag:s6] =	ssyncadd.s32 $0xFFFFC000  }
.Ltmp1:
0x100: {  	_ =	swait.ge [sflag:s8], $0x4000;
	(pc) =	sbr.rel @!p1 .LBB2_3-.Ltmp1, $4  }
0x101: {  	[sflag:s8] =	ssyncset.done $0x0  }
0x102: {  	[sflag:s8] =	ssyncadd.s32 $0xFFFFC000  }
0x103: {  	p0 =	por $0x1, $0x1;
	_ =	swait.ge [sflag:s11], $0x4000  }
0x104: {  	s1 =	sadd.s32 $0xFFFFFFFF, s17;
	s0 =	rddreg [dreg:$0x2];
	[sflag:s11] =	ssyncset.done $0x0  }
.LBB2_4:
0x105: {  	[sflag:s11] =	ssyncadd.s32 $0xFFFFC000  }
0x106: {  	[tilespmem:s2], [sflag:$0x9] =	stream.linear.gather [hbm4b:s0+s2], $0xC80, $0x38;
	[tilespmem:$0x10C80] =	vst v63  }
0x107: {  	_ =	swait.ge [sflag:s31], $0xC80  }
0x108: {  	[sflag:s31] =	ssyncset.done $0x0  }
0x109: {  	[sflag:s31] =	ssyncadd.s32 $0xFFFFF380  }
0x10a: {  	[tilespmem:s3], [sflag:$0x1] =	stream.indirect.gather [hbm4b:s9+s12], $0x80, s2, s12, $0xb8;
	[tilespmem:$0x10C80] =	vst v63  }
0x10b: {  	_ = 	snop  }
0x10c: {  	[tilespmem:s13], [sflag:$0x2] =	stream.indirect.gather [hbm4b:s9+s12], $0x80, s12, s12, $0xb8;
	[tilespmem:$0x10C80] =	vst v63  }
0x10d: {  	s0 =	rddreg [dreg:$0x1c]  }
0x10e: {  	[tilespmem:s10], [sflag:$0x3] =	stream.indirect.gather [hbm4b:s9+s12], $0x80, s0, s12, $0xb8;
	[tilespmem:$0x10C80] =	vst v63  }
0x10f: {  	s17 =	rddreg [dreg:$0x1d]  }
0x110: {  	[tilespmem:s7], [sflag:$0x4] =	stream.indirect.gather [hbm4b:s9+s12], $0x80, s17, s12, $0xb8;
	[tilespmem:$0x10C80] =	vst v63  }
0x111: {  	_ =	swait.ge [sflag:s5], $0x4000  }
0x112: {  	[sflag:s5] =	ssyncset.done $0x0  }
0x113: {  	s17 =	rddreg [dreg:$0x3];
	[sflag:s5] =	ssyncadd.s32 $0xFFFFC000  }
0x114: {  	[hbm4b:s17+s2] =	stream.linear.scatter [tilespmem:s3], [sflag:$0x5], $0x4000, $0x38;
	[tilespmem:$0x10C80] =	vst v63  }
0x115: {  	_ =	swait.ge [sflag:s4], $0x4000  }
0x116: {  	[sflag:s4] =	ssyncset.done $0x0  }
0x117: {  	s17 =	rddreg [dreg:$0x1e];
	[sflag:s4] =	ssyncadd.s32 $0xFFFFC000  }
0x118: {  	[tilespmem:s3], [sflag:$0x1] =	stream.indirect.gather [hbm4b:s9+s12], $0x80, s17, s12, $0xb8;
	[tilespmem:$0x10C80] =	vst v63  }
0x119: {  	_ =	swait.ge [sflag:s14], $0x4000  }
0x11a: {  	[sflag:s14] =	ssyncset.done $0x0  }
0x11b: {  	s17 =	rddreg [dreg:$0x4];
	[sflag:s14] =	ssyncadd.s32 $0xFFFFC000  }
0x11c: {  	[hbm4b:s17+s2] =	stream.linear.scatter [tilespmem:s13], [sflag:$0x6], $0x4000, $0x38;
	[tilespmem:$0x10C80] =	vst v63  }
0x11d: {  	_ =	swait.ge [sflag:s6], $0x4000  }
0x11e: {  	[sflag:s6] =	ssyncset.done $0x0  }
0x11f: {  	s17 =	rddreg [dreg:$0x1f];
	[sflag:s6] =	ssyncadd.s32 $0xFFFFC000  }
0x120: {  	[tilespmem:s13], [sflag:$0x2] =	stream.indirect.gather [hbm4b:s9+s12], $0x80, s17, s12, $0xb8;
	[tilespmem:$0x10C80] =	vst v63  }
0x121: {  	_ =	swait.ge [sflag:s15], $0x4000  }
0x122: {  	[sflag:s15] =	ssyncset.done $0x0  }
0x123: {  	s17 =	rddreg [dreg:$0x5];
	[sflag:s15] =	ssyncadd.s32 $0xFFFFC000  }
0x124: {  	[hbm4b:s17+s2] =	stream.linear.scatter [tilespmem:s10], [sflag:$0x7], $0x4000, $0x38;
	[tilespmem:$0x10C80] =	vst v63  }
0x125: {  	_ =	swait.ge [sflag:s8], $0x4000  }
0x126: {  	s17 =	sld [smem:$0x7F8]  }
0x127: {  	[sflag:s8] =	ssyncset.done $0x0  }
0x128: {  	[sflag:s8] =	ssyncadd.s32 $0xFFFFC000  }
0x129: {  	[tilespmem:s10], [sflag:$0x3] =	stream.indirect.gather [hbm4b:s9+s12], $0x80, s17, s12, $0xb8;
	[tilespmem:$0x10C80] =	vst v63  }
0x12a: {  	_ =	swait.ge [sflag:s16], $0x4000  }
0x12b: {  	[sflag:s16] =	ssyncset.done $0x0  }
0x12c: {  	s17 =	rddreg [dreg:$0x6];
	[sflag:s16] =	ssyncadd.s32 $0xFFFFC000  }
0x12d: {  	[hbm4b:s17+s2] =	stream.linear.scatter [tilespmem:s7], [sflag:$0x8], $0x4000, $0x38;
	[tilespmem:$0x10C80] =	vst v63  }
0x12e: {  	_ =	swait.ge [sflag:s11], $0x4000  }
0x12f: {  	s17 =	sld [smem:$0x7F9]  }
0x130: {  	[sflag:s11] =	ssyncset.done $0x0  }
0x131: {  	[sflag:s11] =	ssyncadd.s32 $0xFFFFC000  }
0x132: {  	[tilespmem:s7], [sflag:$0x4] =	stream.indirect.gather [hbm4b:s9+s12], $0x80, s17, s12, $0xb8;
	[tilespmem:$0x10C80] =	vst v63  }
0x133: {  	_ =	swait.ge [sflag:s5], $0x4000  }
0x134: {  	[sflag:s5] =	ssyncset.done $0x0  }
0x135: {  	s17 =	rddreg [dreg:$0x7];
	[sflag:s5] =	ssyncadd.s32 $0xFFFFC000  }
0x136: {  	[hbm4b:s17+s2] =	stream.linear.scatter [tilespmem:s3], [sflag:$0x5], $0x4000, $0x38;
	[tilespmem:$0x10C80] =	vst v63  }
0x137: {  	_ =	swait.ge [sflag:s4], $0x4000  }
0x138: {  	s17 =	sld [smem:$0x7FA]  }
0x139: {  	[sflag:s4] =	ssyncset.done $0x0  }
0x13a: {  	[sflag:s4] =	ssyncadd.s32 $0xFFFFC000  }
0x13b: {  	[tilespmem:s3], [sflag:$0x1] =	stream.indirect.gather [hbm4b:s9+s12], $0x80, s17, s12, $0xb8;
	[tilespmem:$0x10C80] =	vst v63  }
0x13c: {  	_ =	swait.ge [sflag:s14], $0x4000  }
0x13d: {  	[sflag:s14] =	ssyncset.done $0x0  }
0x13e: {  	s17 =	rddreg [dreg:$0x8];
	[sflag:s14] =	ssyncadd.s32 $0xFFFFC000  }
0x13f: {  	[hbm4b:s17+s2] =	stream.linear.scatter [tilespmem:s13], [sflag:$0x6], $0x4000, $0x38;
	[tilespmem:$0x10C80] =	vst v63  }
0x140: {  	_ =	swait.ge [sflag:s6], $0x4000  }
0x141: {  	s17 =	sld [smem:$0x7FB]  }
0x142: {  	[sflag:s6] =	ssyncset.done $0x0  }
0x143: {  	[sflag:s6] =	ssyncadd.s32 $0xFFFFC000  }
0x144: {  	[tilespmem:s13], [sflag:$0x2] =	stream.indirect.gather [hbm4b:s9+s12], $0x80, s17, s12, $0xb8;
	[tilespmem:$0x10C80] =	vst v63  }
0x145: {  	_ =	swait.ge [sflag:s15], $0x4000  }
0x146: {  	[sflag:s15] =	ssyncset.done $0x0  }
0x147: {  	s17 =	rddreg [dreg:$0x9];
	[sflag:s15] =	ssyncadd.s32 $0xFFFFC000  }
0x148: {  	[hbm4b:s17+s2] =	stream.linear.scatter [tilespmem:s10], [sflag:$0x7], $0x4000, $0x38;
	[tilespmem:$0x10C80] =	vst v63  }
0x149: {  	_ =	swait.ge [sflag:s8], $0x4000  }
0x14a: {  	s17 =	sld [smem:$0x7FC]  }
0x14b: {  	[sflag:s8] =	ssyncset.done $0x0  }
0x14c: {  	[sflag:s8] =	ssyncadd.s32 $0xFFFFC000  }
0x14d: {  	[tilespmem:s10], [sflag:$0x3] =	stream.indirect.gather [hbm4b:s9+s12], $0x80, s17, s12, $0xb8;
	[tilespmem:$0x10C80] =	vst v63  }
0x14e: {  	_ =	swait.ge [sflag:s16], $0x4000  }
0x14f: {  	[sflag:s16] =	ssyncset.done $0x0  }
0x150: {  	s17 =	rddreg [dreg:$0xa];
	[sflag:s16] =	ssyncadd.s32 $0xFFFFC000  }
0x151: {  	[hbm4b:s17+s2] =	stream.linear.scatter [tilespmem:s7], [sflag:$0x8], $0x4000, $0x38;
	[tilespmem:$0x10C80] =	vst v63  }
0x152: {  	_ =	swait.ge [sflag:s11], $0x4000  }
0x153: {  	s17 =	sld [smem:$0x7FD]  }
0x154: {  	[sflag:s11] =	ssyncset.done $0x0  }
0x155: {  	[sflag:s11] =	ssyncadd.s32 $0xFFFFC000  }
0x156: {  	[tilespmem:s7], [sflag:$0x4] =	stream.indirect.gather [hbm4b:s9+s12], $0x80, s17, s12, $0xb8;
	[tilespmem:$0x10C80] =	vst v63  }
0x157: {  	_ =	swait.ge [sflag:s5], $0x4000  }
0x158: {  	[sflag:s5] =	ssyncset.done $0x0  }
0x159: {  	s17 =	rddreg [dreg:$0xb];
	[sflag:s5] =	ssyncadd.s32 $0xFFFFC000  }
0x15a: {  	[hbm4b:s17+s2] =	stream.linear.scatter [tilespmem:s3], [sflag:$0x5], $0x4000, $0x38;
	[tilespmem:$0x10C80] =	vst v63  }
0x15b: {  	_ =	swait.ge [sflag:s4], $0x4000  }
0x15c: {  	[sflag:s4] =	ssyncset.done $0x0  }
0x15d: {  	s17 =	simm.s32 $0x600;
	[sflag:s4] =	ssyncadd.s32 $0xFFFFC000  }
0x15e: {  	[tilespmem:s3], [sflag:$0x1] =	stream.indirect.gather [hbm4b:s9+s12], $0x80, s17, s12, $0xb8;
	[tilespmem:$0x10C80] =	vst v63  }
0x15f: {  	_ =	swait.ge [sflag:s14], $0x4000  }
0x160: {  	[sflag:s14] =	ssyncset.done $0x0  }
0x161: {  	s17 =	rddreg [dreg:$0xc];
	[sflag:s14] =	ssyncadd.s32 $0xFFFFC000  }
0x162: {  	[hbm4b:s17+s2] =	stream.linear.scatter [tilespmem:s13], [sflag:$0x6], $0x4000, $0x38;
	[tilespmem:$0x10C80] =	vst v63  }
0x163: {  	_ =	swait.ge [sflag:s6], $0x4000  }
0x164: {  	[sflag:s6] =	ssyncset.done $0x0  }
0x165: {  	[sflag:s6] =	ssyncadd.s32 $0xFFFFC000  }
0x166: {  	[tilespmem:s13], [sflag:$0x2] =	stream.indirect.gather [hbm4b:s9+s12], $0x80, s30, s12, $0xb8;
	[tilespmem:$0x10C80] =	vst v63  }
0x167: {  	_ =	swait.ge [sflag:s15], $0x4000  }
0x168: {  	[sflag:s15] =	ssyncset.done $0x0  }
0x169: {  	s17 =	rddreg [dreg:$0xd];
	[sflag:s15] =	ssyncadd.s32 $0xFFFFC000  }
0x16a: {  	[hbm4b:s17+s2] =	stream.linear.scatter [tilespmem:s10], [sflag:$0x7], $0x4000, $0x38;
	[tilespmem:$0x10C80] =	vst v63  }
0x16b: {  	_ =	swait.ge [sflag:s8], $0x4000  }
0x16c: {  	[sflag:s8] =	ssyncset.done $0x0  }
0x16d: {  	[sflag:s8] =	ssyncadd.s32 $0xFFFFC000  }
0x16e: {  	[tilespmem:s10], [sflag:$0x3] =	stream.indirect.gather [hbm4b:s9+s12], $0x80, s29, s12, $0xb8;
	[tilespmem:$0x10C80] =	vst v63  }
0x16f: {  	_ =	swait.ge [sflag:s16], $0x4000  }
0x170: {  	[sflag:s16] =	ssyncset.done $0x0  }
0x171: {  	s17 =	rddreg [dreg:$0xe];
	[sflag:s16] =	ssyncadd.s32 $0xFFFFC000  }
0x172: {  	[hbm4b:s17+s2] =	stream.linear.scatter [tilespmem:s7], [sflag:$0x8], $0x4000, $0x38;
	[tilespmem:$0x10C80] =	vst v63  }
0x173: {  	_ =	swait.ge [sflag:s11], $0x4000  }
0x174: {  	[sflag:s11] =	ssyncset.done $0x0  }
0x175: {  	[sflag:s11] =	ssyncadd.s32 $0xFFFFC000  }
0x176: {  	[tilespmem:s7], [sflag:$0x4] =	stream.indirect.gather [hbm4b:s9+s12], $0x80, s28, s12, $0xb8;
	[tilespmem:$0x10C80] =	vst v63  }
0x177: {  	_ =	swait.ge [sflag:s5], $0x4000  }
0x178: {  	[sflag:s5] =	ssyncset.done $0x0  }
0x179: {  	s17 =	rddreg [dreg:$0xf];
	[sflag:s5] =	ssyncadd.s32 $0xFFFFC000  }
0x17a: {  	[hbm4b:s17+s2] =	stream.linear.scatter [tilespmem:s3], [sflag:$0x5], $0x4000, $0x38;
	[tilespmem:$0x10C80] =	vst v63  }
0x17b: {  	_ =	swait.ge [sflag:s4], $0x4000  }
0x17c: {  	[sflag:s4] =	ssyncset.done $0x0  }
0x17d: {  	[sflag:s4] =	ssyncadd.s32 $0xFFFFC000  }
0x17e: {  	[tilespmem:s3], [sflag:$0x1] =	stream.indirect.gather [hbm4b:s9+s12], $0x80, s26, s12, $0xb8;
	[tilespmem:$0x10C80] =	vst v63  }
0x17f: {  	_ =	swait.ge [sflag:s14], $0x4000  }
0x180: {  	[sflag:s14] =	ssyncset.done $0x0  }
0x181: {  	s17 =	rddreg [dreg:$0x10];
	[sflag:s14] =	ssyncadd.s32 $0xFFFFC000  }
0x182: {  	[hbm4b:s17+s2] =	stream.linear.scatter [tilespmem:s13], [sflag:$0x6], $0x4000, $0x38;
	[tilespmem:$0x10C80] =	vst v63  }
0x183: {  	_ =	swait.ge [sflag:s6], $0x4000  }
0x184: {  	[sflag:s6] =	ssyncset.done $0x0  }
0x185: {  	[sflag:s6] =	ssyncadd.s32 $0xFFFFC000  }
0x186: {  	[tilespmem:s13], [sflag:$0x2] =	stream.indirect.gather [hbm4b:s9+s12], $0x80, s25, s12, $0xb8;
	[tilespmem:$0x10C80] =	vst v63  }
0x187: {  	_ =	swait.ge [sflag:s15], $0x4000  }
0x188: {  	[sflag:s15] =	ssyncset.done $0x0  }
0x189: {  	s17 =	rddreg [dreg:$0x11];
	[sflag:s15] =	ssyncadd.s32 $0xFFFFC000  }
0x18a: {  	[hbm4b:s17+s2] =	stream.linear.scatter [tilespmem:s10], [sflag:$0x7], $0x4000, $0x38;
	[tilespmem:$0x10C80] =	vst v63  }
0x18b: {  	_ =	swait.ge [sflag:s8], $0x4000  }
0x18c: {  	[sflag:s8] =	ssyncset.done $0x0  }
0x18d: {  	[sflag:s8] =	ssyncadd.s32 $0xFFFFC000  }
0x18e: {  	[tilespmem:s10], [sflag:$0x3] =	stream.indirect.gather [hbm4b:s9+s12], $0x80, s24, s12, $0xb8;
	[tilespmem:$0x10C80] =	vst v63  }
0x18f: {  	_ =	swait.ge [sflag:s16], $0x4000  }
0x190: {  	[sflag:s16] =	ssyncset.done $0x0  }
0x191: {  	s17 =	rddreg [dreg:$0x12];
	[sflag:s16] =	ssyncadd.s32 $0xFFFFC000  }
0x192: {  	[hbm4b:s17+s2] =	stream.linear.scatter [tilespmem:s7], [sflag:$0x8], $0x4000, $0x38;
	[tilespmem:$0x10C80] =	vst v63  }
0x193: {  	_ =	swait.ge [sflag:s11], $0x4000  }
0x194: {  	[sflag:s11] =	ssyncset.done $0x0  }
0x195: {  	[sflag:s11] =	ssyncadd.s32 $0xFFFFC000  }
0x196: {  	[tilespmem:s7], [sflag:$0x4] =	stream.indirect.gather [hbm4b:s9+s12], $0x80, s23, s12, $0xb8;
	[tilespmem:$0x10C80] =	vst v63  }
0x197: {  	_ =	swait.ge [sflag:s5], $0x4000  }
0x198: {  	[sflag:s5] =	ssyncset.done $0x0  }
0x199: {  	s17 =	rddreg [dreg:$0x13];
	[sflag:s5] =	ssyncadd.s32 $0xFFFFC000  }
0x19a: {  	[hbm4b:s17+s2] =	stream.linear.scatter [tilespmem:s3], [sflag:$0x5], $0x4000, $0x38;
	[tilespmem:$0x10C80] =	vst v63  }
0x19b: {  	_ =	swait.ge [sflag:s4], $0x4000  }
0x19c: {  	[sflag:s4] =	ssyncset.done $0x0  }
0x19d: {  	[sflag:s4] =	ssyncadd.s32 $0xFFFFC000  }
0x19e: {  	[tilespmem:s3], [sflag:$0x1] =	stream.indirect.gather [hbm4b:s9+s12], $0x80, s22, s12, $0xb8;
	[tilespmem:$0x10C80] =	vst v63  }
0x19f: {  	_ =	swait.ge [sflag:s14], $0x4000  }
0x1a0: {  	[sflag:s14] =	ssyncset.done $0x0  }
0x1a1: {  	s17 =	rddreg [dreg:$0x14];
	[sflag:s14] =	ssyncadd.s32 $0xFFFFC000  }
0x1a2: {  	[hbm4b:s17+s2] =	stream.linear.scatter [tilespmem:s13], [sflag:$0x6], $0x4000, $0x38;
	[tilespmem:$0x10C80] =	vst v63  }
0x1a3: {  	_ =	swait.ge [sflag:s6], $0x4000  }
0x1a4: {  	[sflag:s6] =	ssyncset.done $0x0  }
0x1a5: {  	[sflag:s6] =	ssyncadd.s32 $0xFFFFC000  }
0x1a6: {  	[tilespmem:s13], [sflag:$0x2] =	stream.indirect.gather [hbm4b:s9+s12], $0x80, s21, s12, $0xb8;
	[tilespmem:$0x10C80] =	vst v63  }
0x1a7: {  	_ =	swait.ge [sflag:s15], $0x4000  }
0x1a8: {  	[sflag:s15] =	ssyncset.done $0x0  }
0x1a9: {  	s17 =	rddreg [dreg:$0x15];
	[sflag:s15] =	ssyncadd.s32 $0xFFFFC000  }
0x1aa: {  	[hbm4b:s17+s2] =	stream.linear.scatter [tilespmem:s10], [sflag:$0x7], $0x4000, $0x38;
	[tilespmem:$0x10C80] =	vst v63  }
0x1ab: {  	_ =	swait.ge [sflag:s8], $0x4000  }
0x1ac: {  	[sflag:s8] =	ssyncset.done $0x0  }
0x1ad: {  	[sflag:s8] =	ssyncadd.s32 $0xFFFFC000  }
0x1ae: {  	[tilespmem:s10], [sflag:$0x3] =	stream.indirect.gather [hbm4b:s9+s12], $0x80, s20, s12, $0xb8;
	[tilespmem:$0x10C80] =	vst v63  }
0x1af: {  	_ =	swait.ge [sflag:s16], $0x4000  }
0x1b0: {  	[sflag:s16] =	ssyncset.done $0x0  }
0x1b1: {  	s17 =	rddreg [dreg:$0x16];
	[sflag:s16] =	ssyncadd.s32 $0xFFFFC000  }
0x1b2: {  	[hbm4b:s17+s2] =	stream.linear.scatter [tilespmem:s7], [sflag:$0x8], $0x4000, $0x38;
	[tilespmem:$0x10C80] =	vst v63  }
0x1b3: {  	_ =	swait.ge [sflag:s11], $0x4000  }
0x1b4: {  	[sflag:s11] =	ssyncset.done $0x0  }
0x1b5: {  	[sflag:s11] =	ssyncadd.s32 $0xFFFFC000  }
0x1b6: {  	[tilespmem:s7], [sflag:$0x4] =	stream.indirect.gather [hbm4b:s9+s12], $0x80, s19, s12, $0xb8;
	[tilespmem:$0x10C80] =	vst v63  }
0x1b7: {  	_ =	swait.ge [sflag:s5], $0x4000  }
0x1b8: {  	[sflag:s5] =	ssyncset.done $0x0  }
0x1b9: {  	s17 =	rddreg [dreg:$0x17];
	[sflag:s5] =	ssyncadd.s32 $0xFFFFC000  }
0x1ba: {  	[hbm4b:s17+s2] =	stream.linear.scatter [tilespmem:s3], [sflag:$0x5], $0x4000, $0x38;
	[tilespmem:$0x10C80] =	vst v63  }
0x1bb: {  	_ =	swait.ge [sflag:s4], $0x4000  }
0x1bc: {  	[sflag:s4] =	ssyncset.done $0x0  }
0x1bd: {  	[sflag:s4] =	ssyncadd.s32 $0xFFFFC000  }
0x1be: {  	[tilespmem:s3], [sflag:$0x1] =	stream.indirect.gather [hbm4b:s9+s12], $0x80, s18, s12, $0xb8;
	[tilespmem:$0x10C80] =	vst v63  }
0x1bf: {  	_ =	swait.ge [sflag:s14], $0x4000  }
0x1c0: {  	[sflag:s14] =	ssyncset.done $0x0  }
0x1c1: {  	s17 =	rddreg [dreg:$0x18];
	[sflag:s14] =	ssyncadd.s32 $0xFFFFC000  }
0x1c2: {  	[hbm4b:s17+s2] =	stream.linear.scatter [tilespmem:s13], [sflag:$0x6], $0x4000, $0x38;
	[tilespmem:$0x10C80] =	vst v63  }
0x1c3: {  	_ =	swait.ge [sflag:s15], $0x4000  }
0x1c4: {  	[sflag:s15] =	ssyncset.done $0x0  }
0x1c5: {  	s17 =	rddreg [dreg:$0x19];
	[sflag:s15] =	ssyncadd.s32 $0xFFFFC000  }
0x1c6: {  	[hbm4b:s17+s2] =	stream.linear.scatter [tilespmem:s10], [sflag:$0x7], $0x4000, $0x38;
	[tilespmem:$0x10C80] =	vst v63  }
0x1c7: {  	_ =	swait.ge [sflag:s16], $0x4000  }
0x1c8: {  	[sflag:s16] =	ssyncset.done $0x0  }
0x1c9: {  	s17 =	rddreg [dreg:$0x1a];
	[sflag:s16] =	ssyncadd.s32 $0xFFFFC000  }
0x1ca: {  	[hbm4b:s17+s2] =	stream.linear.scatter [tilespmem:s7], [sflag:$0x8], $0x4000, $0x38;
	[tilespmem:$0x10C80] =	vst v63  }
0x1cb: {  	_ =	swait.ge [sflag:s5], $0x4000  }
0x1cc: {  	[sflag:s5] =	ssyncset.done $0x0  }
0x1cd: {  	s17 =	rddreg [dreg:$0x1b];
	[sflag:s5] =	ssyncadd.s32 $0xFFFFC000  }
0x1ce: {  	[hbm4b:s17+s2] =	stream.linear.scatter [tilespmem:s3], [sflag:$0x5], $0x4000, $0x38;
	[tilespmem:$0x10C80] =	vst v63  }
0x1cf: {  	_ =	swait.ge [sflag:s4], $0x4000  }
0x1d0: {  	[sflag:s4] =	ssyncset.done $0x0  }
0x1d1: {  	[sflag:s4] =	ssyncadd.s32 $0xFFFFC000  }
0x1d2: {  	_ =	swait.ge [sflag:s6], $0x4000  }
0x1d3: {  	[sflag:s6] =	ssyncset.done $0x0  }
0x1d4: {  	p1 =	sne.s32 s1, $0x1;
	[sflag:s6] =	ssyncadd.s32 $0xFFFFC000  }
.Ltmp2:
0x1d5: {  	_ =	swait.ge [sflag:s8], $0x4000;
	(pc) =	sbr.rel @p1 .LBB2_4-.Ltmp2, $4  }
0x1d6: {  	[sflag:s8] =	ssyncset.done $0x0  }
0x1d7: {  	[sflag:s8] =	ssyncadd.s32 $0xFFFFC000  }
0x1d8: {  	_ =	swait.ge [sflag:s11], $0x4000  }
0x1d9: {  	s1 =	sadd.s32 $0xFFFFFFFF, s1;
	s0 =	rddreg [dreg:$0x2];
	[sflag:s11] =	ssyncset.done $0x0  }
0x1da: {  	s18 =	simm.s32 $0x600  }
0x1db: {  	s30 =	simm.s32 $0x680;
	s29 =	simm.s32 $0x700;
	s28 =	simm.s32 $0x780  }
0x1dc: {  	s26 =	simm.s32 $0x800;
	s25 =	simm.s32 $0x880;
	s24 =	simm.s32 $0x900  }
0x1dd: {  	s23 =	simm.s32 $0x980;
	s22 =	simm.s32 $0xA00;
	s21 =	simm.s32 $0xA80  }
0x1de: {  	s20 =	simm.s32 $0xB00;
	s19 =	simm.s32 $0xB80;
	s17 =	stileid.u32  }
.LBB2_6:
0x1df: {  	[sflag:s11] =	ssyncadd.s32 @p0 $0xFFFFC000  }
0x1e0: {  	[tilespmem:s2], [sflag:$0x9] =	stream.linear.gather [hbm4b:s0+s2], $0xC80, $0x38;
	[tilespmem:$0x10C80] =	vst v63  }
0x1e1: {  	_ =	swait.ge [sflag:s31], $0xC80  }
0x1e2: {  	[sflag:s31] =	ssyncset.done $0x0  }
0x1e3: {  	[sflag:s31] =	ssyncadd.s32 $0xFFFFF380  }
0x1e4: {  	[tilespmem:s3], [sflag:$0x1] =	stream.indirect.gather [hbm4b:s9+s12], $0x80, s2, s12, $0xb8;
	[tilespmem:$0x10C80] =	vst v63  }
0x1e5: {  	_ = 	snop  }
0x1e6: {  	[tilespmem:s13], [sflag:$0x2] =	stream.indirect.gather [hbm4b:s9+s12], $0x80, s12, s12, $0xb8;
	[tilespmem:$0x10C80] =	vst v63  }
0x1e7: {  	s31 =	rddreg [dreg:$0x1c]  }
0x1e8: {  	[tilespmem:s10], [sflag:$0x3] =	stream.indirect.gather [hbm4b:s9+s12], $0x80, s31, s12, $0xb8;
	[tilespmem:$0x10C80] =	vst v63  }
0x1e9: {  	s1 =	rddreg [dreg:$0x1d]  }
0x1ea: {  	[tilespmem:s7], [sflag:$0x4] =	stream.indirect.gather [hbm4b:s9+s12], $0x80, s1, s12, $0xb8;
	[tilespmem:$0x10C80] =	vst v63  }
0x1eb: {  	_ =	swait.ge [sflag:s5], $0x4000  }
0x1ec: {  	[sflag:s5] =	ssyncset.done $0x0  }
0x1ed: {  	s1 =	rddreg [dreg:$0x3];
	[sflag:s5] =	ssyncadd.s32 $0xFFFFC000  }
0x1ee: {  	[hbm4b:s1+s2] =	stream.linear.scatter [tilespmem:s3], [sflag:$0x5], $0x4000, $0x38;
	[tilespmem:$0x10C80] =	vst v63  }
0x1ef: {  	_ =	swait.ge [sflag:s4], $0x4000  }
0x1f0: {  	[sflag:s4] =	ssyncset.done $0x0  }
0x1f1: {  	s31 =	rddreg [dreg:$0x1e];
	[sflag:s4] =	ssyncadd.s32 $0xFFFFC000  }
0x1f2: {  	[tilespmem:s3], [sflag:$0x1] =	stream.indirect.gather [hbm4b:s9+s12], $0x80, s31, s12, $0xb8;
	[tilespmem:$0x10C80] =	vst v63  }
0x1f3: {  	_ =	swait.ge [sflag:s14], $0x4000  }
0x1f4: {  	[sflag:s14] =	ssyncset.done $0x0  }
0x1f5: {  	s1 =	rddreg [dreg:$0x4];
	[sflag:s14] =	ssyncadd.s32 $0xFFFFC000  }
0x1f6: {  	[hbm4b:s1+s2] =	stream.linear.scatter [tilespmem:s13], [sflag:$0x6], $0x4000, $0x38;
	[tilespmem:$0x10C80] =	vst v63  }
0x1f7: {  	_ =	swait.ge [sflag:s6], $0x4000  }
0x1f8: {  	[sflag:s6] =	ssyncset.done $0x0  }
0x1f9: {  	s31 =	rddreg [dreg:$0x1f];
	[sflag:s6] =	ssyncadd.s32 $0xFFFFC000  }
0x1fa: {  	[tilespmem:s13], [sflag:$0x2] =	stream.indirect.gather [hbm4b:s9+s12], $0x80, s31, s12, $0xb8;
	[tilespmem:$0x10C80] =	vst v63  }
0x1fb: {  	_ =	swait.ge [sflag:s15], $0x4000  }
0x1fc: {  	[sflag:s15] =	ssyncset.done $0x0  }
0x1fd: {  	s1 =	rddreg [dreg:$0x5];
	[sflag:s15] =	ssyncadd.s32 $0xFFFFC000  }
0x1fe: {  	[hbm4b:s1+s2] =	stream.linear.scatter [tilespmem:s10], [sflag:$0x7], $0x4000, $0x38;
	[tilespmem:$0x10C80] =	vst v63  }
0x1ff: {  	_ =	swait.ge [sflag:s8], $0x4000  }
0x200: {  	s31 =	sld [smem:$0x7F8]  }
0x201: {  	[sflag:s8] =	ssyncset.done $0x0  }
0x202: {  	[sflag:s8] =	ssyncadd.s32 $0xFFFFC000  }
0x203: {  	[tilespmem:s10], [sflag:$0x3] =	stream.indirect.gather [hbm4b:s9+s12], $0x80, s31, s12, $0xb8;
	[tilespmem:$0x10C80] =	vst v63  }
0x204: {  	_ =	swait.ge [sflag:s16], $0x4000  }
0x205: {  	[sflag:s16] =	ssyncset.done $0x0  }
0x206: {  	s1 =	rddreg [dreg:$0x6];
	[sflag:s16] =	ssyncadd.s32 $0xFFFFC000  }
0x207: {  	[hbm4b:s1+s2] =	stream.linear.scatter [tilespmem:s7], [sflag:$0x8], $0x4000, $0x38;
	[tilespmem:$0x10C80] =	vst v63  }
0x208: {  	_ =	swait.ge [sflag:s11], $0x4000  }
0x209: {  	s31 =	sld [smem:$0x7F9]  }
0x20a: {  	[sflag:s11] =	ssyncset.done $0x0  }
0x20b: {  	[sflag:s11] =	ssyncadd.s32 $0xFFFFC000  }
0x20c: {  	[tilespmem:s7], [sflag:$0x4] =	stream.indirect.gather [hbm4b:s9+s12], $0x80, s31, s12, $0xb8;
	[tilespmem:$0x10C80] =	vst v63  }
0x20d: {  	_ =	swait.ge [sflag:s5], $0x4000  }
0x20e: {  	[sflag:s5] =	ssyncset.done $0x0  }
0x20f: {  	s1 =	rddreg [dreg:$0x7];
	[sflag:s5] =	ssyncadd.s32 $0xFFFFC000  }
0x210: {  	[hbm4b:s1+s2] =	stream.linear.scatter [tilespmem:s3], [sflag:$0x5], $0x4000, $0x38;
	[tilespmem:$0x10C80] =	vst v63  }
0x211: {  	_ =	swait.ge [sflag:s4], $0x4000  }
0x212: {  	s31 =	sld [smem:$0x7FA]  }
0x213: {  	[sflag:s4] =	ssyncset.done $0x0  }
0x214: {  	[sflag:s4] =	ssyncadd.s32 $0xFFFFC000  }
0x215: {  	[tilespmem:s3], [sflag:$0x1] =	stream.indirect.gather [hbm4b:s9+s12], $0x80, s31, s12, $0xb8;
	[tilespmem:$0x10C80] =	vst v63  }
0x216: {  	_ =	swait.ge [sflag:s14], $0x4000  }
0x217: {  	[sflag:s14] =	ssyncset.done $0x0  }
0x218: {  	s1 =	rddreg [dreg:$0x8];
	[sflag:s14] =	ssyncadd.s32 $0xFFFFC000  }
0x219: {  	[hbm4b:s1+s2] =	stream.linear.scatter [tilespmem:s13], [sflag:$0x6], $0x4000, $0x38;
	[tilespmem:$0x10C80] =	vst v63  }
0x21a: {  	_ =	swait.ge [sflag:s6], $0x4000  }
0x21b: {  	s31 =	sld [smem:$0x7FB]  }
0x21c: {  	[sflag:s6] =	ssyncset.done $0x0  }
0x21d: {  	[sflag:s6] =	ssyncadd.s32 $0xFFFFC000  }
0x21e: {  	[tilespmem:s13], [sflag:$0x2] =	stream.indirect.gather [hbm4b:s9+s12], $0x80, s31, s12, $0xb8;
	[tilespmem:$0x10C80] =	vst v63  }
0x21f: {  	_ =	swait.ge [sflag:s15], $0x4000  }
0x220: {  	[sflag:s15] =	ssyncset.done $0x0  }
0x221: {  	s1 =	rddreg [dreg:$0x9];
	[sflag:s15] =	ssyncadd.s32 $0xFFFFC000  }
0x222: {  	[hbm4b:s1+s2] =	stream.linear.scatter [tilespmem:s10], [sflag:$0x7], $0x4000, $0x38;
	[tilespmem:$0x10C80] =	vst v63  }
0x223: {  	_ =	swait.ge [sflag:s8], $0x4000  }
0x224: {  	s31 =	sld [smem:$0x7FC]  }
0x225: {  	[sflag:s8] =	ssyncset.done $0x0  }
0x226: {  	[sflag:s8] =	ssyncadd.s32 $0xFFFFC000  }
0x227: {  	[tilespmem:s10], [sflag:$0x3] =	stream.indirect.gather [hbm4b:s9+s12], $0x80, s31, s12, $0xb8;
	[tilespmem:$0x10C80] =	vst v63  }
0x228: {  	_ =	swait.ge [sflag:s16], $0x4000  }
0x229: {  	[sflag:s16] =	ssyncset.done $0x0  }
0x22a: {  	s1 =	rddreg [dreg:$0xa];
	[sflag:s16] =	ssyncadd.s32 $0xFFFFC000  }
0x22b: {  	[hbm4b:s1+s2] =	stream.linear.scatter [tilespmem:s7], [sflag:$0x8], $0x4000, $0x38;
	[tilespmem:$0x10C80] =	vst v63  }
0x22c: {  	_ =	swait.ge [sflag:s11], $0x4000  }
0x22d: {  	s31 =	sld [smem:$0x7FD]  }
0x22e: {  	[sflag:s11] =	ssyncset.done $0x0  }
0x22f: {  	[sflag:s11] =	ssyncadd.s32 $0xFFFFC000  }
0x230: {  	[tilespmem:s7], [sflag:$0x4] =	stream.indirect.gather [hbm4b:s9+s12], $0x80, s31, s12, $0xb8;
	[tilespmem:$0x10C80] =	vst v63  }
0x231: {  	_ =	swait.ge [sflag:s5], $0x4000  }
0x232: {  	[sflag:s5] =	ssyncset.done $0x0  }
0x233: {  	s1 =	rddreg [dreg:$0xb];
	[sflag:s5] =	ssyncadd.s32 $0xFFFFC000  }
0x234: {  	[hbm4b:s1+s2] =	stream.linear.scatter [tilespmem:s3], [sflag:$0x5], $0x4000, $0x38;
	[tilespmem:$0x10C80] =	vst v63  }
0x235: {  	_ =	swait.ge [sflag:s4], $0x4000  }
0x236: {  	[sflag:s4] =	ssyncset.done $0x0  }
0x237: {  	[sflag:s4] =	ssyncadd.s32 $0xFFFFC000  }
0x238: {  	[tilespmem:s3], [sflag:$0x1] =	stream.indirect.gather [hbm4b:s9+s12], $0x80, s18, s12, $0xb8;
	[tilespmem:$0x10C80] =	vst v63  }
0x239: {  	_ =	swait.ge [sflag:s14], $0x4000  }
0x23a: {  	[sflag:s14] =	ssyncset.done $0x0  }
0x23b: {  	s31 =	rddreg [dreg:$0xc];
	[sflag:s14] =	ssyncadd.s32 $0xFFFFC000  }
0x23c: {  	[hbm4b:s31+s2] =	stream.linear.scatter [tilespmem:s13], [sflag:$0x6], $0x4000, $0x38;
	[tilespmem:$0x10C80] =	vst v63  }
0x23d: {  	_ =	swait.ge [sflag:s6], $0x4000  }
0x23e: {  	[sflag:s6] =	ssyncset.done $0x0  }
0x23f: {  	[sflag:s6] =	ssyncadd.s32 $0xFFFFC000  }
0x240: {  	[tilespmem:s13], [sflag:$0x2] =	stream.indirect.gather [hbm4b:s9+s12], $0x80, s30, s12, $0xb8;
	[tilespmem:$0x10C80] =	vst v63  }
0x241: {  	_ =	swait.ge [sflag:s15], $0x4000  }
0x242: {  	[sflag:s15] =	ssyncset.done $0x0  }
0x243: {  	s1 =	rddreg [dreg:$0xd];
	[sflag:s15] =	ssyncadd.s32 $0xFFFFC000  }
0x244: {  	[hbm4b:s1+s2] =	stream.linear.scatter [tilespmem:s10], [sflag:$0x7], $0x4000, $0x38;
	[tilespmem:$0x10C80] =	vst v63  }
0x245: {  	_ =	swait.ge [sflag:s8], $0x4000  }
0x246: {  	[sflag:s8] =	ssyncset.done $0x0  }
0x247: {  	[sflag:s8] =	ssyncadd.s32 $0xFFFFC000  }
0x248: {  	[tilespmem:s10], [sflag:$0x3] =	stream.indirect.gather [hbm4b:s9+s12], $0x80, s29, s12, $0xb8;
	[tilespmem:$0x10C80] =	vst v63  }
0x249: {  	_ =	swait.ge [sflag:s16], $0x4000  }
0x24a: {  	[sflag:s16] =	ssyncset.done $0x0  }
0x24b: {  	s18 =	rddreg [dreg:$0xe];
	[sflag:s16] =	ssyncadd.s32 $0xFFFFC000  }
0x24c: {  	[hbm4b:s18+s2] =	stream.linear.scatter [tilespmem:s7], [sflag:$0x8], $0x4000, $0x38;
	[tilespmem:$0x10C80] =	vst v63  }
0x24d: {  	_ =	swait.ge [sflag:s11], $0x4000  }
0x24e: {  	[sflag:s11] =	ssyncset.done $0x0  }
0x24f: {  	[sflag:s11] =	ssyncadd.s32 $0xFFFFC000  }
0x250: {  	[tilespmem:s7], [sflag:$0x4] =	stream.indirect.gather [hbm4b:s9+s12], $0x80, s28, s12, $0xb8;
	[tilespmem:$0x10C80] =	vst v63  }
0x251: {  	_ =	swait.ge [sflag:s5], $0x4000  }
0x252: {  	[sflag:s5] =	ssyncset.done $0x0  }
0x253: {  	s29 =	rddreg [dreg:$0xf];
	[sflag:s5] =	ssyncadd.s32 $0xFFFFC000  }
0x254: {  	[hbm4b:s29+s2] =	stream.linear.scatter [tilespmem:s3], [sflag:$0x5], $0x4000, $0x38;
	[tilespmem:$0x10C80] =	vst v63  }
0x255: {  	_ =	swait.ge [sflag:s4], $0x4000  }
0x256: {  	[sflag:s4] =	ssyncset.done $0x0  }
0x257: {  	[sflag:s4] =	ssyncadd.s32 $0xFFFFC000  }
0x258: {  	[tilespmem:s3], [sflag:$0x1] =	stream.indirect.gather [hbm4b:s9+s12], $0x80, s26, s12, $0xb8;
	[tilespmem:$0x10C80] =	vst v63  }
0x259: {  	_ =	swait.ge [sflag:s14], $0x4000  }
0x25a: {  	[sflag:s14] =	ssyncset.done $0x0  }
0x25b: {  	s30 =	rddreg [dreg:$0x10];
	[sflag:s14] =	ssyncadd.s32 $0xFFFFC000  }
0x25c: {  	[hbm4b:s30+s2] =	stream.linear.scatter [tilespmem:s13], [sflag:$0x6], $0x4000, $0x38;
	[tilespmem:$0x10C80] =	vst v63  }
0x25d: {  	_ =	swait.ge [sflag:s6], $0x4000  }
0x25e: {  	[sflag:s6] =	ssyncset.done $0x0  }
0x25f: {  	[sflag:s6] =	ssyncadd.s32 $0xFFFFC000  }
0x260: {  	[tilespmem:s13], [sflag:$0x2] =	stream.indirect.gather [hbm4b:s9+s12], $0x80, s25, s12, $0xb8;
	[tilespmem:$0x10C80] =	vst v63  }
0x261: {  	_ =	swait.ge [sflag:s15], $0x4000  }
0x262: {  	[sflag:s15] =	ssyncset.done $0x0  }
0x263: {  	s31 =	rddreg [dreg:$0x11];
	[sflag:s15] =	ssyncadd.s32 $0xFFFFC000  }
0x264: {  	[hbm4b:s31+s2] =	stream.linear.scatter [tilespmem:s10], [sflag:$0x7], $0x4000, $0x38;
	[tilespmem:$0x10C80] =	vst v63  }
0x265: {  	_ =	swait.ge [sflag:s8], $0x4000  }
0x266: {  	[sflag:s8] =	ssyncset.done $0x0  }
0x267: {  	[sflag:s8] =	ssyncadd.s32 $0xFFFFC000  }
0x268: {  	[tilespmem:s10], [sflag:$0x3] =	stream.indirect.gather [hbm4b:s9+s12], $0x80, s24, s12, $0xb8;
	[tilespmem:$0x10C80] =	vst v63  }
0x269: {  	_ =	swait.ge [sflag:s16], $0x4000  }
0x26a: {  	[sflag:s16] =	ssyncset.done $0x0  }
0x26b: {  	s1 =	rddreg [dreg:$0x12];
	[sflag:s16] =	ssyncadd.s32 $0xFFFFC000  }
0x26c: {  	[hbm4b:s1+s2] =	stream.linear.scatter [tilespmem:s7], [sflag:$0x8], $0x4000, $0x38;
	[tilespmem:$0x10C80] =	vst v63  }
0x26d: {  	_ =	swait.ge [sflag:s11], $0x4000  }
0x26e: {  	[sflag:s11] =	ssyncset.done $0x0  }
0x26f: {  	[sflag:s11] =	ssyncadd.s32 $0xFFFFC000  }
0x270: {  	[tilespmem:s7], [sflag:$0x4] =	stream.indirect.gather [hbm4b:s9+s12], $0x80, s23, s12, $0xb8;
	[tilespmem:$0x10C80] =	vst v63  }
0x271: {  	_ =	swait.ge [sflag:s5], $0x4000  }
0x272: {  	[sflag:s5] =	ssyncset.done $0x0  }
0x273: {  	s18 =	rddreg [dreg:$0x13];
	[sflag:s5] =	ssyncadd.s32 $0xFFFFC000  }
0x274: {  	[hbm4b:s18+s2] =	stream.linear.scatter [tilespmem:s3], [sflag:$0x5], $0x4000, $0x38;
	[tilespmem:$0x10C80] =	vst v63  }
0x275: {  	_ =	swait.ge [sflag:s4], $0x4000  }
0x276: {  	[sflag:s4] =	ssyncset.done $0x0  }
0x277: {  	[sflag:s4] =	ssyncadd.s32 $0xFFFFC000  }
0x278: {  	[tilespmem:s3], [sflag:$0x1] =	stream.indirect.gather [hbm4b:s9+s12], $0x80, s22, s12, $0xb8;
	[tilespmem:$0x10C80] =	vst v63  }
0x279: {  	_ =	swait.ge [sflag:s14], $0x4000  }
0x27a: {  	[sflag:s14] =	ssyncset.done $0x0  }
0x27b: {  	s22 =	rddreg [dreg:$0x14];
	[sflag:s14] =	ssyncadd.s32 $0xFFFFC000  }
0x27c: {  	[hbm4b:s22+s2] =	stream.linear.scatter [tilespmem:s13], [sflag:$0x6], $0x4000, $0x38;
	[tilespmem:$0x10C80] =	vst v63  }
0x27d: {  	_ =	swait.ge [sflag:s6], $0x4000  }
0x27e: {  	[sflag:s6] =	ssyncset.done $0x0  }
0x27f: {  	[sflag:s6] =	ssyncadd.s32 $0xFFFFC000  }
0x280: {  	[tilespmem:s13], [sflag:$0x2] =	stream.indirect.gather [hbm4b:s9+s12], $0x80, s21, s12, $0xb8;
	[tilespmem:$0x10C80] =	vst v63  }
0x281: {  	_ =	swait.ge [sflag:s15], $0x4000  }
0x282: {  	[sflag:s15] =	ssyncset.done $0x0  }
0x283: {  	s23 =	rddreg [dreg:$0x15];
	[sflag:s15] =	ssyncadd.s32 $0xFFFFC000  }
0x284: {  	[hbm4b:s23+s2] =	stream.linear.scatter [tilespmem:s10], [sflag:$0x7], $0x4000, $0x38;
	[tilespmem:$0x10C80] =	vst v63  }
0x285: {  	_ =	swait.ge [sflag:s8], $0x4000  }
0x286: {  	[sflag:s8] =	ssyncset.done $0x0  }
0x287: {  	[sflag:s8] =	ssyncadd.s32 $0xFFFFC000  }
0x288: {  	[tilespmem:s10], [sflag:$0x3] =	stream.indirect.gather [hbm4b:s9+s12], $0x80, s20, s12, $0xb8;
	[tilespmem:$0x10C80] =	vst v63  }
0x289: {  	_ =	swait.ge [sflag:s16], $0x4000  }
0x28a: {  	[sflag:s16] =	ssyncset.done $0x0  }
0x28b: {  	s24 =	rddreg [dreg:$0x16];
	[sflag:s16] =	ssyncadd.s32 $0xFFFFC000  }
0x28c: {  	[hbm4b:s24+s2] =	stream.linear.scatter [tilespmem:s7], [sflag:$0x8], $0x4000, $0x38;
	[tilespmem:$0x10C80] =	vst v63  }
0x28d: {  	_ =	swait.ge [sflag:s11], $0x4000  }
0x28e: {  	[sflag:s11] =	ssyncset.done $0x0  }
0x28f: {  	[sflag:s11] =	ssyncadd.s32 $0xFFFFC000  }
0x290: {  	[tilespmem:s7], [sflag:$0x4] =	stream.indirect.gather [hbm4b:s9+s12], $0x80, s19, s12, $0xb8;
	[tilespmem:$0x10C80] =	vst v63  }
0x291: {  	_ =	swait.ge [sflag:s5], $0x4000  }
0x292: {  	[sflag:s5] =	ssyncset.done $0x0  }
0x293: {  	s25 =	rddreg [dreg:$0x17];
	[sflag:s5] =	ssyncadd.s32 $0xFFFFC000  }
0x294: {  	[hbm4b:s25+s2] =	stream.linear.scatter [tilespmem:s3], [sflag:$0x5], $0x4000, $0x38;
	[tilespmem:$0x10C80] =	vst v63  }
0x295: {  	_ =	swait.ge [sflag:s4], $0x4000  }
0x296: {  	[sflag:s4] =	ssyncset.done $0x0  }
0x297: {  	s26 =	simm.s32 $0xC00;
	[sflag:s4] =	ssyncadd.s32 $0xFFFFC000  }
0x298: {  	[tilespmem:s3], [sflag:$0x1] =	stream.indirect.gather [hbm4b:s9+s12], $0x80, s26, s12, $0xb8;
	[tilespmem:$0x10C80] =	vst v63  }
0x299: {  	_ =	swait.ge [sflag:s14], $0x4000  }
0x29a: {  	[sflag:s14] =	ssyncset.done $0x0  }
0x29b: {  	s28 =	rddreg [dreg:$0x18];
	[sflag:s14] =	ssyncadd.s32 $0xFFFFC000  }
0x29c: {  	[hbm4b:s28+s2] =	stream.linear.scatter [tilespmem:s13], [sflag:$0x6], $0x4000, $0x38;
	[tilespmem:$0x10C80] =	vst v63  }
0x29d: {  	_ =	swait.ge [sflag:s15], $0x4000  }
0x29e: {  	[sflag:s15] =	ssyncset.done $0x0  }
0x29f: {  	s29 =	rddreg [dreg:$0x19];
	[sflag:s15] =	ssyncadd.s32 $0xFFFFC000  }
0x2a0: {  	[hbm4b:s29+s2] =	stream.linear.scatter [tilespmem:s10], [sflag:$0x7], $0x4000, $0x38;
	[tilespmem:$0x10C80] =	vst v63  }
0x2a1: {  	_ =	swait.ge [sflag:s16], $0x4000  }
0x2a2: {  	[sflag:s16] =	ssyncset.done $0x0  }
0x2a3: {  	s30 =	rddreg [dreg:$0x1a];
	[sflag:s16] =	ssyncadd.s32 $0xFFFFC000  }
0x2a4: {  	[hbm4b:s30+s2] =	stream.linear.scatter [tilespmem:s7], [sflag:$0x8], $0x4000, $0x38;
	[tilespmem:$0x10C80] =	vst v63  }
0x2a5: {  	_ =	swait.ge [sflag:s5], $0x4000  }
0x2a6: {  	[sflag:s5] =	ssyncset.done $0x0  }
0x2a7: {  	s31 =	rddreg [dreg:$0x1b];
	[sflag:s5] =	ssyncadd.s32 $0xFFFFC000  }
0x2a8: {  	[hbm4b:s31+s2] =	stream.linear.scatter [tilespmem:s3], [sflag:$0x5], $0x4000, $0x38;
	[tilespmem:$0x10C80] =	vst v63  }
0x2a9: {  	_ =	swait.ge [sflag:s4], $0x4000  }
0x2aa: {  	[sflag:s4] =	ssyncset.done $0x0  }
0x2ab: {  	[sflag:s4] =	ssyncadd.s32 $0xFFFFC000  }
0x2ac: {  	_ =	swait.ge [sflag:s6], $0x4000  }
0x2ad: {  	[sflag:s6] =	ssyncset.done $0x0  }
0x2ae: {  	[sflag:s6] =	ssyncadd.s32 $0xFFFFC000  }
0x2af: {  	_ =	swait.ge [sflag:s8], $0x4000  }
0x2b0: {  	[sflag:s8] =	ssyncset.done $0x0  }
0x2b1: {  	[sflag:s8] =	ssyncadd.s32 $0xFFFFC000  }
0x2b2: {  	_ =	swait.ge [sflag:s11], $0x4000  }
0x2b3: {  	[sflag:s11] =	ssyncset.done $0x0  }
0x2b4: {  	[sflag:s11] =	ssyncadd.s32 $0xFFFFC000  }
0x2b5: {  	_ =	sfence.sel $0x180000  }
0x2b6: {  	[bflag:$0x0] =	sbarrier.arrive $0xFFFF  }
0x2b7: {  	_ =	strace $0x90000047  }
0x2b8: {  	[bflag:$0x2] =	sbarrier.arrive $0xFFFF  }
0x2b9: {  	p0 =	sne.s32 s17, $0x0;
	s0 =	rddreg [dreg:$0x1]  }
0x2ba: {  	s0 =	sadd.s32 @!p0 $0x100000, s0  }
0x2bb: {  	[sflag:s0] =	ssyncadd.tile.s32 @!p0 $0x1;
	_ =	shalt  }
.LBB2_1:
.Ltmp3:
0x2bc: {  	(pc) =	sbr.rel .LBB2_6-.Ltmp3, $4  }
0x2bd: {  	s18 =	simm.s32 $0x600;
	s30 =	simm.s32 $0x680;
	s29 =	simm.s32 $0x700  }
0x2be: {  	s28 =	simm.s32 $0x780;
	s26 =	simm.s32 $0x800;
	s25 =	simm.s32 $0x880  }
0x2bf: {  	s24 =	simm.s32 $0x900;
	s23 =	simm.s32 $0x980;
	s22 =	simm.s32 $0xA00  }
0x2c0: {  	s21 =	simm.s32 $0xA80;
	s20 =	simm.s32 $0xB00;
	s19 =	simm.s32 $0xB80  }
.LBB2_3:
.Ltmp4:
0x2c1: {  	s18 =	simm.s32 $0x600;
	(pc) =	sbr.rel .LBB2_6-.Ltmp4, $4  }
0x2c2: {  	s30 =	simm.s32 $0x680;
	s29 =	simm.s32 $0x700;
	s28 =	simm.s32 $0x780  }
0x2c3: {  	s26 =	simm.s32 $0x800;
	s25 =	simm.s32 $0x880;
	s24 =	simm.s32 $0x900  }
0x2c4: {  	s23 =	simm.s32 $0x980;
	s22 =	simm.s32 $0xA00;
	s21 =	simm.s32 $0xA80  }
0x2c5: {  	s20 =	simm.s32 $0xB00;
	s19 =	simm.s32 $0xB80;
	s17 =	stileid.u32  }
.Lfunc_end2:
_tile_overlayer_lowered:
.L_overlay_start_2:
0x2c6: {  	(tag) =	ssettag $0x2  }
0x2c7: {  	s0 =	rddreg [dreg:$0x0];
	s2 =	stileid.u32  }
0x2c8: {  	s1 =	rddreg [dreg:$0x1];
	p0 =	sne.s32 s2, $0x0  }
0x2c9: {  	s3 =	rddreg [dreg:$0x2];
	[bflag:$0x3] =	sbarrier.arrive $0xFFFF;
	s2 =	simm.s32 @!p0 $0x1C09  }
0x2ca: {  	[timem:s3], [sflag:s2] =	dma.local @!p0 [hbm:s0], s1  }
0x2cb: {  	s0 =	simm.s32 @!p0 $0x9  }
0x2cc: {  	_ =	swait.ge @!p0 [sflag:s0], s1  }
0x2cd: {  	s1 =	ssub.s32 @!p0 $0x0, s1;
	[sflag:s0] =	ssyncset.done @!p0 $0x0  }
0x2ce: {  	[sflag:s0] =	ssyncadd.s32 @!p0 s1  }
0x2cf: {  	[bflag:$0x3] =	sbarrier.arrive $0xFFFF  }
0x2d0: {  	_ =	shalt  }

</sc_bundles>
